<compile_context>
chip_gen: v7x
topology: tpu7x:2x2x1
jax: 0.10.2.dev20260603
libtpu: 0.0.44.dev20260713+nightly
codegen_flags: <defaults>
</compile_context>

<pallas_src>
import functools

import jax
import jax.numpy as jnp
from jax import lax
from jax.experimental import pallas as pl
from jax.experimental.pallas import tpu as pltpu
from jax.experimental.pallas import tpu_sc as plsc

NC = 2
NS = 16
NW = NC * NS
D = 128
SLAB = 8
BR = 1024
DW = 16


def _mesh():
  return plsc.VectorSubcoreMesh(
      core_axis_name="c", subcore_axis_name="s", num_cores=NC,
      num_subcores=NS)


def _make_deg_kernel(npad, ch):
  rpt = npad // NS

  @functools.partial(
      pl.kernel,
      out_type=jax.ShapeDtypeStruct((NC, npad, DW), jnp.float32),
      mesh=_mesh(),
      scratch_types=[
          pltpu.VMEM((ch, D), jnp.int32),
          pltpu.VMEM((D, DW), jnp.float32),
          pltpu.VMEM_SHARED((npad, DW), jnp.float32),
      ],
  )
  def deg_kernel(dst_hbm, out_hbm, dst_v, buf, shist):
    c = lax.axis_index("c")
    s = lax.axis_index("s")
    wid = s * NC + c

    def fill(j, val):
      buf[j, pl.ds(0, 16)] = jnp.full((16,), val, jnp.float32)
      return val

    lax.fori_loop(0, D, fill, 0.0)
    for k in range(rpt // D):
      pltpu.sync_copy(buf, shist.at[pl.ds(s * rpt + k * D, D)])
    lax.fori_loop(0, D, fill, 1.0)
    plsc.subcore_barrier()

    pltpu.sync_copy(dst_hbm.at[wid], dst_v)

    def body(j, carry):
      pltpu.sync_copy(buf, shist.at[dst_v.at[j]], add=True)
      return carry

    lax.fori_loop(0, ch, body, 0)
    plsc.subcore_barrier()

    def drain(j, val):
      buf[j % D, pl.ds(0, 16)] = jnp.full((16,), val, jnp.float32)
      return val

    lax.fori_loop(0, 16 * D, drain, 1.0)
    plsc.subcore_barrier()

    pltpu.sync_copy(shist.at[pl.ds(s * rpt, rpt)],
                    out_hbm.at[c, pl.ds(s * rpt, rpt)])

  return deg_kernel


def _make_agg_kernel(npad, nslab):
  rpt = npad // NS

  @functools.partial(
      pl.kernel,
      out_type=jax.ShapeDtypeStruct((NC, npad, D), jnp.float32),
      mesh=_mesh(),
      scratch_types=[
          pltpu.VMEM((2, 2, SLAB, D), jnp.int32),
          pltpu.VMEM((2, D, D), jnp.float32),
          pltpu.VMEM_SHARED((npad, D), jnp.float32),
          pltpu.SemaphoreType.DMA,
          pltpu.SemaphoreType.DMA,
          pltpu.SemaphoreType.DMA,
          pltpu.SemaphoreType.DMA,
      ],
  )
  def agg_kernel(g_hbm, e_hbm, out_hbm, idx_v, rowbuf, acc,
                 semi0, semi1, semg0, semg1):
    c = lax.axis_index("c")
    s = lax.axis_index("s")
    wid = s * NC + c
    semi = (semi0, semi1)
    semg = (semg0, semg1)

    def zrow(j, carry):
      for k in range(D // 16):
        rowbuf[0, j, pl.ds(k * 16, 16)] = jnp.zeros((16,), jnp.float32)
      return carry

    lax.fori_loop(0, D, zrow, 0)
    for k in range(rpt // D):
      pltpu.sync_copy(rowbuf.at[0], acc.at[pl.ds(s * rpt + k * D, D)])
    plsc.subcore_barrier()

    pltpu.async_copy(e_hbm.at[wid, 0], idx_v.at[0], semi[0])

    def slab(t, sb):
      pltpu.make_async_copy(e_hbm.at[wid, t], idx_v.at[sb], semi[sb]).wait()

      @pl.when(t + 1 < nslab)
      def _():
        pltpu.async_copy(e_hbm.at[wid, t + 1], idx_v.at[1 - sb], semi[1 - sb])

      pltpu.async_copy(g_hbm.at[idx_v.at[sb, 0, 0]], rowbuf.at[0], semg[0])

      def chunks(kk, carry):
        for b in range(2):
          k = kk * 2 + b
          pltpu.make_async_copy(
              g_hbm.at[idx_v.at[sb, 0, k]], rowbuf.at[b], semg[b]).wait()

          @pl.when(k + 1 < SLAB)
          def _():
            pltpu.async_copy(
                g_hbm.at[idx_v.at[sb, 0, k + 1]], rowbuf.at[1 - b],
                semg[1 - b])

          pltpu.sync_copy(rowbuf.at[b], acc.at[idx_v.at[sb, 1, k]], add=True)
        return carry

      lax.fori_loop(0, SLAB // 2, chunks, 0)

    def outer(tt, carry):
      for sb in range(2):
        slab(tt * 2 + sb, sb)
      return carry

    lax.fori_loop(0, nslab // 2, outer, 0)
    plsc.subcore_barrier()

    def drain(j, carry):
      for k in range(D // 16):
        rowbuf[0, j % D, pl.ds(k * 16, 16)] = jnp.zeros((16,), jnp.float32)
      return carry

    lax.fori_loop(0, 8 * D, drain, 0)
    plsc.subcore_barrier()

    pltpu.sync_copy(acc.at[pl.ds(s * rpt, rpt)],
                    out_hbm.at[c, pl.ds(s * rpt, rpt)])

  return agg_kernel


def _tc_pre(xp, W1, degp):
  npad = xp.shape[0]

  def body(x_ref, w_ref, dp_ref, g_ref, dinv_ref):
    deg = dp_ref[0, :, 0:1] + dp_ref[1, :, 0:1] + 1.0
    dinv = 1.0 / jnp.sqrt(deg)
    dinv_ref[...] = dinv
    g_ref[...] = jnp.dot(
        x_ref[...], w_ref[...], preferred_element_type=jnp.float32) * dinv

  return pl.pallas_call(
      body,
      grid=(npad // BR,),
      in_specs=[
          pl.BlockSpec((BR, D), lambda i: (i, 0)),
          pl.BlockSpec((D, D), lambda i: (0, 0)),
          pl.BlockSpec((NC, BR, DW), lambda i: (0, i, 0)),
      ],
      out_specs=[
          pl.BlockSpec((BR, D), lambda i: (i, 0)),
          pl.BlockSpec((BR, 1), lambda i: (i, 0)),
      ],
      out_shape=[
          jax.ShapeDtypeStruct((npad, D), jnp.float32),
          jax.ShapeDtypeStruct((npad, 1), jnp.float32),
      ],
  )(xp, W1, degp)


def _tc_mid(p, g, dinv, b, W):
  npad = g.shape[0]

  def body(p_ref, g_ref, dinv_ref, b_ref, w_ref, out_ref):
    t = (p_ref[0] + p_ref[1] + g_ref[...]) * dinv_ref[...] + b_ref[...]
    t = jnp.maximum(t, 0.0)
    out_ref[...] = jnp.dot(
        t, w_ref[...], preferred_element_type=jnp.float32) * dinv_ref[...]

  return pl.pallas_call(
      body,
      grid=(npad // BR,),
      in_specs=[
          pl.BlockSpec((NC, BR, D), lambda i: (0, i, 0)),
          pl.BlockSpec((BR, D), lambda i: (i, 0)),
          pl.BlockSpec((BR, 1), lambda i: (i, 0)),
          pl.BlockSpec((1, D), lambda i: (0, 0)),
          pl.BlockSpec((D, D), lambda i: (0, 0)),
      ],
      out_specs=pl.BlockSpec((BR, D), lambda i: (i, 0)),
      out_shape=jax.ShapeDtypeStruct((npad, D), jnp.float32),
  )(p, g, dinv, b, W)


def _tc_post(p, g, dinv, b):
  npad = g.shape[0]

  def body(p_ref, g_ref, dinv_ref, b_ref, out_ref):
    out_ref[...] = (
        (p_ref[0] + p_ref[1] + g_ref[...]) * dinv_ref[...] + b_ref[...])

  return pl.pallas_call(
      body,
      grid=(npad // BR,),
      in_specs=[
          pl.BlockSpec((NC, BR, D), lambda i: (0, i, 0)),
          pl.BlockSpec((BR, D), lambda i: (i, 0)),
          pl.BlockSpec((BR, 1), lambda i: (i, 0)),
          pl.BlockSpec((1, D), lambda i: (0, 0)),
      ],
      out_specs=pl.BlockSpec((BR, D), lambda i: (i, 0)),
      out_shape=jax.ShapeDtypeStruct((npad, D), jnp.float32),
  )(p, g, dinv, b)


def kernel(x, edge_index, W1, b1, W2, b2, W3, b3):
  N, d_in = x.shape
  E = edge_index.shape[1]

  npad = -(-(N + 1) // (NS * D)) * (NS * D)
  ch = -(-E // (NW * D * 2 * SLAB)) * (2 * SLAB)
  nslab = ch // SLAB
  epad = NW * ch * D

  src = edge_index[0].astype(jnp.int32)
  dst = edge_index[1].astype(jnp.int32)
  pad_ar = jnp.arange(epad - E, dtype=jnp.int32) % (npad - N)
  src5 = jnp.concatenate([src, pad_ar]).reshape(NW, nslab, 1, SLAB, D)
  dst5 = jnp.concatenate([dst, N + pad_ar]).reshape(NW, nslab, 1, SLAB, D)
  edges5 = jnp.concatenate([src5, dst5], axis=2)
  dst3 = dst5.reshape(NW, ch, D)
  xp = jnp.concatenate([x, jnp.zeros((npad - N, d_in), x.dtype)])

  degp = _make_deg_kernel(npad, ch)(dst3)

  agg = _make_agg_kernel(npad, nslab)

  g, dinv = _tc_pre(xp, W1, degp)
  p = agg(g, edges5)
  g = _tc_mid(p, g, dinv, b1.reshape(1, D), W2)
  p = agg(g, edges5)
  g = _tc_mid(p, g, dinv, b2.reshape(1, D), W3)
  p = agg(g, edges5)
  out = _tc_post(p, g, dinv, b3.reshape(1, D))
  return out[:N]

# --- scband reference (transcript-rebuilt; emitter-appended) ---
"""Pipeline reference for scband-gcnmodel-86844238725155 (READ-ONLY COPY).

The authoritative reference and input builder live on the scoring server;
editing this copy changes nothing except your own understanding.
"""

import jax, jax.numpy as jnp
import numpy as np

N_NODES = 10000
N_EDGES = 320000
D_IN = 128
D_HID = 128
D_OUT = 128


def gcn_conv(x, src, dst, W, b):
    # PyG-style GCNConv: add self-loops, symmetric normalization, linear transform,
    # scatter-add aggregation over destination nodes, then bias.
    N = x.shape[0]
    loop = jnp.arange(N, dtype=src.dtype)
    src2 = jnp.concatenate([src, loop])
    dst2 = jnp.concatenate([dst, loop])
    deg = jnp.zeros((N,), dtype=x.dtype).at[dst2].add(1.0)
    dinv = jnp.where(deg > 0, 1.0 / jnp.sqrt(deg), 0.0)
    norm = dinv[src2] * dinv[dst2]
    h = x @ W
    msg = h[src2] * norm[:, None]
    out = jnp.zeros((N, W.shape[1]), dtype=h.dtype).at[dst2].add(msg)
    return out + b


def setup_inputs(seed: int = 0) -> dict:
    key = jax.random.key(seed)
    ks = jax.random.split(key, 8)
    x = jax.random.normal(ks[0], (N_NODES, D_IN), dtype=jnp.float32)
    edge_index = jax.random.randint(ks[1], (2, N_EDGES), 0, N_NODES, dtype=jnp.int64 if jax.config.jax_enable_x64 else jnp.int32)
    s1 = 1.0 / np.sqrt(D_IN)
    s2 = 1.0 / np.sqrt(D_HID)
    W1 = jax.random.uniform(ks[2], (D_IN, D_HID), minval=-s1, maxval=s1, dtype=jnp.float32)
    b1 = jnp.zeros((D_HID,), dtype=jnp.float32)
    W2 = jax.random.uniform(ks[3], (D_HID, D_HID), minval=-s2, maxval=s2, dtype=jnp.float32)
    b2 = jnp.zeros((D_HID,), dtype=jnp.float32)
    W3 = jax.random.uniform(ks[4], (D_HID, D_OUT), minval=-s2, maxval=s2, dtype=jnp.float32)
    b3 = jnp.zeros((D_OUT,), dtype=jnp.float32)
    return {"x": x, "edge_index": edge_index, "W1": W1, "b1": b1, "W2": W2, "b2": b2, "W3": W3, "b3": b3}


def reference(x, edge_index, W1, b1, W2, b2, W3, b3):
    src = edge_index[0]
    dst = edge_index[1]
    h = gcn_conv(x, src, dst, W1, b1)
    h = jax.nn.relu(h)
    h = gcn_conv(h, src, dst, W2, b2)
    h = jax.nn.relu(h)
    out = gcn_conv(h, src, dst, W3, b3)
    return out

if __name__ == "__main__":
    import jax
    _d = setup_inputs()
    print(jax.jit(kernel)(*tuple(_d.values())))

</pallas_src>

<mosaic_0001>
#map = affine_map<(d0, d1) -> (0, 0)>
#map1 = affine_map<(d0, d1) -> (0, 0, 0, 0, 0)>
#map2 = affine_map<(d0, d1) -> (0, 0, 0)>
module attributes {stable_mosaic.version = 14 : i64} {
  func.func @agg_kernel(%arg0: i32, %arg1: i32, %arg2: memref<10240x128xf32, #tpu.memory_space<hbm>>, %arg3: memref<32x10x2x8x128xi32, #tpu.memory_space<hbm>>, %arg4: memref<2x10240x128xf32, #tpu.memory_space<hbm>>, %arg5: memref<2x2x8x128xi32, #tpu.memory_space<vmem>>, %arg6: memref<2x128x128xf32, #tpu.memory_space<vmem>>, %arg7: memref<10240x128xf32, #tpu.memory_space<vmem_shared>>, %arg8: memref<!tpu.dma_semaphore, #tpu.memory_space<semaphore_mem>>, %arg9: memref<!tpu.dma_semaphore, #tpu.memory_space<semaphore_mem>>, %arg10: memref<!tpu.dma_semaphore, #tpu.memory_space<semaphore_mem>>, %arg11: memref<!tpu.dma_semaphore, #tpu.memory_space<semaphore_mem>>) attributes {dimension_semantics = [#tpu.dimension_semantics<core_parallel>, #tpu.dimension_semantics<subcore_parallel>], iteration_bounds = array<i64: 2, 16>, scalar_prefetch = 0 : i64, scratch_operands = 7 : i64, tpu.core_type = #tpu.core_type<sc_vector_subcore>, window_params = [{transform_indices = #map}, {transform_indices = #map1}, {transform_indices = #map2}]} {
    %mul3A = arith.constant 2 : i32
    %mul3A_0 = arith.muli %arg1, %mul3A : i32
    %add3A = arith.addi %mul3A_0, %arg0 : i32
    %scan3A = arith.constant 0 : i32
    %scan3A_1 = arith.constant 0 : i32
    %scan3A_2 = arith.constant 128 : i32
    %scan3A_3 = arith.addi %scan3A_1, %scan3A_2 : i32
    %scan3A_4 = arith.constant 1 : i32
    scf.for %scan3A_69 = %scan3A_1 to %scan3A_3 step %scan3A_4  : i32 {
      %broadcast_in_dim3A = arith.constant 0.000000e+00 : f32
      %broadcast_in_dim3A_70 = vector.broadcast %broadcast_in_dim3A : f32 to vector<16xf32>
      %swap3A = arith.constant 0 : i32
      %swap3A_71 = arith.index_cast %swap3A : i32 to index
      %swap3A_72 = arith.index_cast %scan3A_69 : i32 to index
      %swap3A_73 = arith.constant 0 : index
      %swap3A_74 = tpu.vector_load %arg6[%swap3A_71, %swap3A_72, %swap3A_73] {strides = array<i32>} : memref<2x128x128xf32, #tpu.memory_space<vmem>>, vector<1x1x16xf32>,
      %swap3A_75 = vector.shape_cast %swap3A_74 : vector<1x1x16xf32> to vector<16xf32>
      %swap3A_76 = vector.shape_cast %broadcast_in_dim3A_70 : vector<16xf32> to vector<1x1x16xf32>
      tpu.vector_store %arg6[%swap3A_71, %swap3A_72, %swap3A_73], %swap3A_76 {strides = array<i32>} : memref<2x128x128xf32, #tpu.memory_space<vmem>>, vector<1x1x16xf32>,
      %broadcast_in_dim3A_77 = arith.constant 0.000000e+00 : f32
      %broadcast_in_dim3A_78 = vector.broadcast %broadcast_in_dim3A_77 : f32 to vector<16xf32>
      %swap3A_79 = arith.constant 0 : i32
      %swap3A_80 = arith.index_cast %swap3A_79 : i32 to index
      %swap3A_81 = arith.index_cast %scan3A_69 : i32 to index
      %swap3A_82 = arith.constant 16 : index
      %swap3A_83 = tpu.vector_load %arg6[%swap3A_80, %swap3A_81, %swap3A_82] {strides = array<i32>} : memref<2x128x128xf32, #tpu.memory_space<vmem>>, vector<1x1x16xf32>,
      %swap3A_84 = vector.shape_cast %swap3A_83 : vector<1x1x16xf32> to vector<16xf32>
      %swap3A_85 = vector.shape_cast %broadcast_in_dim3A_78 : vector<16xf32> to vector<1x1x16xf32>
      tpu.vector_store %arg6[%swap3A_80, %swap3A_81, %swap3A_82], %swap3A_85 {strides = array<i32>} : memref<2x128x128xf32, #tpu.memory_space<vmem>>, vector<1x1x16xf32>,
      %broadcast_in_dim3A_86 = arith.constant 0.000000e+00 : f32
      %broadcast_in_dim3A_87 = vector.broadcast %broadcast_in_dim3A_86 : f32 to vector<16xf32>
      %swap3A_88 = arith.constant 0 : i32
      %swap3A_89 = arith.index_cast %swap3A_88 : i32 to index
      %swap3A_90 = arith.index_cast %scan3A_69 : i32 to index
      %swap3A_91 = arith.constant 32 : index
      %swap3A_92 = tpu.vector_load %arg6[%swap3A_89, %swap3A_90, %swap3A_91] {strides = array<i32>} : memref<2x128x128xf32, #tpu.memory_space<vmem>>, vector<1x1x16xf32>,
      %swap3A_93 = vector.shape_cast %swap3A_92 : vector<1x1x16xf32> to vector<16xf32>
      %swap3A_94 = vector.shape_cast %broadcast_in_dim3A_87 : vector<16xf32> to vector<1x1x16xf32>
      tpu.vector_store %arg6[%swap3A_89, %swap3A_90, %swap3A_91], %swap3A_94 {strides = array<i32>} : memref<2x128x128xf32, #tpu.memory_space<vmem>>, vector<1x1x16xf32>,
      %broadcast_in_dim3A_95 = arith.constant 0.000000e+00 : f32
      %broadcast_in_dim3A_96 = vector.broadcast %broadcast_in_dim3A_95 : f32 to vector<16xf32>
      %swap3A_97 = arith.constant 0 : i32
      %swap3A_98 = arith.index_cast %swap3A_97 : i32 to index
      %swap3A_99 = arith.index_cast %scan3A_69 : i32 to index
      %swap3A_100 = arith.constant 48 : index
      %swap3A_101 = tpu.vector_load %arg6[%swap3A_98, %swap3A_99, %swap3A_100] {strides = array<i32>} : memref<2x128x128xf32, #tpu.memory_space<vmem>>, vector<1x1x16xf32>,
      %swap3A_102 = vector.shape_cast %swap3A_101 : vector<1x1x16xf32> to vector<16xf32>
      %swap3A_103 = vector.shape_cast %broadcast_in_dim3A_96 : vector<16xf32> to vector<1x1x16xf32>
      tpu.vector_store %arg6[%swap3A_98, %swap3A_99, %swap3A_100], %swap3A_103 {strides = array<i32>} : memref<2x128x128xf32, #tpu.memory_space<vmem>>, vector<1x1x16xf32>,
      %broadcast_in_dim3A_104 = arith.constant 0.000000e+00 : f32
      %broadcast_in_dim3A_105 = vector.broadcast %broadcast_in_dim3A_104 : f32 to vector<16xf32>
      %swap3A_106 = arith.constant 0 : i32
      %swap3A_107 = arith.index_cast %swap3A_106 : i32 to index
      %swap3A_108 = arith.index_cast %scan3A_69 : i32 to index
      %swap3A_109 = arith.constant 64 : index
      %swap3A_110 = tpu.vector_load %arg6[%swap3A_107, %swap3A_108, %swap3A_109] {strides = array<i32>} : memref<2x128x128xf32, #tpu.memory_space<vmem>>, vector<1x1x16xf32>,
      %swap3A_111 = vector.shape_cast %swap3A_110 : vector<1x1x16xf32> to vector<16xf32>
      %swap3A_112 = vector.shape_cast %broadcast_in_dim3A_105 : vector<16xf32> to vector<1x1x16xf32>
      tpu.vector_store %arg6[%swap3A_107, %swap3A_108, %swap3A_109], %swap3A_112 {strides = array<i32>} : memref<2x128x128xf32, #tpu.memory_space<vmem>>, vector<1x1x16xf32>,
      %broadcast_in_dim3A_113 = arith.constant 0.000000e+00 : f32
      %broadcast_in_dim3A_114 = vector.broadcast %broadcast_in_dim3A_113 : f32 to vector<16xf32>
      %swap3A_115 = arith.constant 0 : i32
      %swap3A_116 = arith.index_cast %swap3A_115 : i32 to index
      %swap3A_117 = arith.index_cast %scan3A_69 : i32 to index
      %swap3A_118 = arith.constant 80 : index
      %swap3A_119 = tpu.vector_load %arg6[%swap3A_116, %swap3A_117, %swap3A_118] {strides = array<i32>} : memref<2x128x128xf32, #tpu.memory_space<vmem>>, vector<1x1x16xf32>,
      %swap3A_120 = vector.shape_cast %swap3A_119 : vector<1x1x16xf32> to vector<16xf32>
      %swap3A_121 = vector.shape_cast %broadcast_in_dim3A_114 : vector<16xf32> to vector<1x1x16xf32>
      tpu.vector_store %arg6[%swap3A_116, %swap3A_117, %swap3A_118], %swap3A_121 {strides = array<i32>} : memref<2x128x128xf32, #tpu.memory_space<vmem>>, vector<1x1x16xf32>,
      %broadcast_in_dim3A_122 = arith.constant 0.000000e+00 : f32
      %broadcast_in_dim3A_123 = vector.broadcast %broadcast_in_dim3A_122 : f32 to vector<16xf32>
      %swap3A_124 = arith.constant 0 : i32
      %swap3A_125 = arith.index_cast %swap3A_124 : i32 to index
      %swap3A_126 = arith.index_cast %scan3A_69 : i32 to index
      %swap3A_127 = arith.constant 96 : index
      %swap3A_128 = tpu.vector_load %arg6[%swap3A_125, %swap3A_126, %swap3A_127] {strides = array<i32>} : memref<2x128x128xf32, #tpu.memory_space<vmem>>, vector<1x1x16xf32>,
      %swap3A_129 = vector.shape_cast %swap3A_128 : vector<1x1x16xf32> to vector<16xf32>
      %swap3A_130 = vector.shape_cast %broadcast_in_dim3A_123 : vector<16xf32> to vector<1x1x16xf32>
      tpu.vector_store %arg6[%swap3A_125, %swap3A_126, %swap3A_127], %swap3A_130 {strides = array<i32>} : memref<2x128x128xf32, #tpu.memory_space<vmem>>, vector<1x1x16xf32>,
      %broadcast_in_dim3A_131 = arith.constant 0.000000e+00 : f32
      %broadcast_in_dim3A_132 = vector.broadcast %broadcast_in_dim3A_131 : f32 to vector<16xf32>
      %swap3A_133 = arith.constant 0 : i32
      %swap3A_134 = arith.index_cast %swap3A_133 : i32 to index
      %swap3A_135 = arith.index_cast %scan3A_69 : i32 to index
      %swap3A_136 = arith.constant 112 : index
      %swap3A_137 = tpu.vector_load %arg6[%swap3A_134, %swap3A_135, %swap3A_136] {strides = array<i32>} : memref<2x128x128xf32, #tpu.memory_space<vmem>>, vector<1x1x16xf32>,
      %swap3A_138 = vector.shape_cast %swap3A_137 : vector<1x1x16xf32> to vector<16xf32>
      %swap3A_139 = vector.shape_cast %broadcast_in_dim3A_132 : vector<16xf32> to vector<1x1x16xf32>
      tpu.vector_store %arg6[%swap3A_134, %swap3A_135, %swap3A_136], %swap3A_139 {strides = array<i32>} : memref<2x128x128xf32, #tpu.memory_space<vmem>>, vector<1x1x16xf32>,
    }
    %scan3A_5 = arith.constant 128 : i32
    %mul3A_6 = arith.constant 640 : i32
    %mul3A_7 = arith.muli %arg1, %mul3A_6 : i32
    %add3A_8 = arith.constant 0 : i32
    %add3A_9 = arith.addi %mul3A_7, %add3A_8 : i32
    %run_scoped3A = arith.constant 0 : i32
    "tpu.region"() ({
      %run_scoped3A_69 = tpu.sem_alloc : memref<!tpu.dma_semaphore, #tpu.memory_space<semaphore_mem>>
      %dma_start3A_70 = arith.constant 0 : i32
      %dma_start3A_71 = arith.constant 0 : i32
      %dma_start3A_72 = tpu.memref_slice %arg6[%run_scoped3A, %dma_start3A_70, %dma_start3A_71] : memref<2x128x128xf32, #tpu.memory_space<vmem>> -> memref<1x128x128xf32, #tpu.memory_space<vmem>>
      %dma_start3A_73 = tpu.memref_squeeze %dma_start3A_72 : memref<1x128x128xf32, #tpu.memory_space<vmem>> -> memref<128x128xf32, #tpu.memory_space<vmem>>
      %dma_start3A_74 = arith.constant 0 : i32
      %dma_start3A_75 = tpu.memref_slice %arg7[%add3A_9, %dma_start3A_74] : memref<10240x128xf32, #tpu.memory_space<vmem_shared>> -> memref<128x128xf32, #tpu.memory_space<vmem_shared>>
      %dma_start3A_76 = arith.constant 0 : i32
      %dma_start3A_77 = tpu.memref_slice %arg7[%add3A_9, %dma_start3A_76] : memref<10240x128xf32, #tpu.memory_space<vmem_shared>> -> memref<128x128xf32, #tpu.memory_space<vmem_shared>>
      %dma_start3A_78 = arith.constant 0 : i32
      %dma_start3A_79 = arith.constant 0 : i32
      %dma_start3A_80 = tpu.memref_slice %arg6[%run_scoped3A, %dma_start3A_78, %dma_start3A_79] : memref<2x128x128xf32, #tpu.memory_space<vmem>> -> memref<1x128x128xf32, #tpu.memory_space<vmem>>
      %dma_start3A_81 = tpu.memref_squeeze %dma_start3A_80 : memref<1x128x128xf32, #tpu.memory_space<vmem>> -> memref<128x128xf32, #tpu.memory_space<vmem>>
      tpu.enqueue_dma source(%dma_start3A_81 : memref<128x128xf32, #tpu.memory_space<vmem>>) target(%dma_start3A_77 : memref<128x128xf32, #tpu.memory_space<vmem_shared>>) target_semaphore(%run_scoped3A_69 : memref<!tpu.dma_semaphore, #tpu.memory_space<semaphore_mem>>)
      %dma_wait3A = arith.constant 0 : i32
      %dma_wait3A_82 = arith.constant 0 : i32
      %dma_wait3A_83 = tpu.memref_slice %arg6[%run_scoped3A, %dma_wait3A, %dma_wait3A_82] : memref<2x128x128xf32, #tpu.memory_space<vmem>> -> memref<1x128x128xf32, #tpu.memory_space<vmem>>
      %dma_wait3A_84 = tpu.memref_squeeze %dma_wait3A_83 : memref<1x128x128xf32, #tpu.memory_space<vmem>> -> memref<128x128xf32, #tpu.memory_space<vmem>>
      %dma_wait3A_85 = arith.constant 0 : i32
      %dma_wait3A_86 = tpu.memref_slice %arg7[%add3A_9, %dma_wait3A_85] : memref<10240x128xf32, #tpu.memory_space<vmem_shared>> -> memref<128x128xf32, #tpu.memory_space<vmem_shared>>
      %dma_wait3A_87 = arith.constant 0 : i32
      %dma_wait3A_88 = tpu.memref_slice %arg7[%add3A_9, %dma_wait3A_87] : memref<10240x128xf32, #tpu.memory_space<vmem_shared>> -> memref<128x128xf32, #tpu.memory_space<vmem_shared>>
      %dma_wait3A_89 = arith.constant 0 : i32
      %dma_wait3A_90 = arith.constant 0 : i32
      %dma_wait3A_91 = tpu.memref_slice %arg6[%run_scoped3A, %dma_wait3A_89, %dma_wait3A_90] : memref<2x128x128xf32, #tpu.memory_space<vmem>> -> memref<1x128x128xf32, #tpu.memory_space<vmem>>
      %dma_wait3A_92 = tpu.memref_squeeze %dma_wait3A_91 : memref<1x128x128xf32, #tpu.memory_space<vmem>> -> memref<128x128xf32, #tpu.memory_space<vmem>>
      tpu.wait_dma2 semaphore(%run_scoped3A_69 : memref<!tpu.dma_semaphore, #tpu.memory_space<semaphore_mem>>) src(%dma_wait3A_92 : memref<128x128xf32, #tpu.memory_space<vmem>>) dst(%dma_wait3A_88 : memref<128x128xf32, #tpu.memory_space<vmem_shared>>)
      tpu.yield
    }) : () -> ()
    %mul3A_10 = arith.constant 640 : i32
    %mul3A_11 = arith.muli %arg1, %mul3A_10 : i32
    %add3A_12 = arith.constant 128 : i32
    %add3A_13 = arith.addi %mul3A_11, %add3A_12 : i32
    %run_scoped3A_14 = arith.constant 0 : i32
    "tpu.region"() ({
      %run_scoped3A_69 = tpu.sem_alloc : memref<!tpu.dma_semaphore, #tpu.memory_space<semaphore_mem>>
      %dma_start3A_70 = arith.constant 0 : i32
      %dma_start3A_71 = arith.constant 0 : i32
      %dma_start3A_72 = tpu.memref_slice %arg6[%run_scoped3A_14, %dma_start3A_70, %dma_start3A_71] : memref<2x128x128xf32, #tpu.memory_space<vmem>> -> memref<1x128x128xf32, #tpu.memory_space<vmem>>
      %dma_start3A_73 = tpu.memref_squeeze %dma_start3A_72 : memref<1x128x128xf32, #tpu.memory_space<vmem>> -> memref<128x128xf32, #tpu.memory_space<vmem>>
      %dma_start3A_74 = arith.constant 0 : i32
      %dma_start3A_75 = tpu.memref_slice %arg7[%add3A_13, %dma_start3A_74] : memref<10240x128xf32, #tpu.memory_space<vmem_shared>> -> memref<128x128xf32, #tpu.memory_space<vmem_shared>>
      %dma_start3A_76 = arith.constant 0 : i32
      %dma_start3A_77 = tpu.memref_slice %arg7[%add3A_13, %dma_start3A_76] : memref<10240x128xf32, #tpu.memory_space<vmem_shared>> -> memref<128x128xf32, #tpu.memory_space<vmem_shared>>
      %dma_start3A_78 = arith.constant 0 : i32
      %dma_start3A_79 = arith.constant 0 : i32
      %dma_start3A_80 = tpu.memref_slice %arg6[%run_scoped3A_14, %dma_start3A_78, %dma_start3A_79] : memref<2x128x128xf32, #tpu.memory_space<vmem>> -> memref<1x128x128xf32, #tpu.memory_space<vmem>>
      %dma_start3A_81 = tpu.memref_squeeze %dma_start3A_80 : memref<1x128x128xf32, #tpu.memory_space<vmem>> -> memref<128x128xf32, #tpu.memory_space<vmem>>
      tpu.enqueue_dma source(%dma_start3A_81 : memref<128x128xf32, #tpu.memory_space<vmem>>) target(%dma_start3A_77 : memref<128x128xf32, #tpu.memory_space<vmem_shared>>) target_semaphore(%run_scoped3A_69 : memref<!tpu.dma_semaphore, #tpu.memory_space<semaphore_mem>>)
      %dma_wait3A = arith.constant 0 : i32
      %dma_wait3A_82 = arith.constant 0 : i32
      %dma_wait3A_83 = tpu.memref_slice %arg6[%run_scoped3A_14, %dma_wait3A, %dma_wait3A_82] : memref<2x128x128xf32, #tpu.memory_space<vmem>> -> memref<1x128x128xf32, #tpu.memory_space<vmem>>
      %dma_wait3A_84 = tpu.memref_squeeze %dma_wait3A_83 : memref<1x128x128xf32, #tpu.memory_space<vmem>> -> memref<128x128xf32, #tpu.memory_space<vmem>>
      %dma_wait3A_85 = arith.constant 0 : i32
      %dma_wait3A_86 = tpu.memref_slice %arg7[%add3A_13, %dma_wait3A_85] : memref<10240x128xf32, #tpu.memory_space<vmem_shared>> -> memref<128x128xf32, #tpu.memory_space<vmem_shared>>
      %dma_wait3A_87 = arith.constant 0 : i32
      %dma_wait3A_88 = tpu.memref_slice %arg7[%add3A_13, %dma_wait3A_87] : memref<10240x128xf32, #tpu.memory_space<vmem_shared>> -> memref<128x128xf32, #tpu.memory_space<vmem_shared>>
      %dma_wait3A_89 = arith.constant 0 : i32
      %dma_wait3A_90 = arith.constant 0 : i32
      %dma_wait3A_91 = tpu.memref_slice %arg6[%run_scoped3A_14, %dma_wait3A_89, %dma_wait3A_90] : memref<2x128x128xf32, #tpu.memory_space<vmem>> -> memref<1x128x128xf32, #tpu.memory_space<vmem>>
      %dma_wait3A_92 = tpu.memref_squeeze %dma_wait3A_91 : memref<1x128x128xf32, #tpu.memory_space<vmem>> -> memref<128x128xf32, #tpu.memory_space<vmem>>
      tpu.wait_dma2 semaphore(%run_scoped3A_69 : memref<!tpu.dma_semaphore, #tpu.memory_space<semaphore_mem>>) src(%dma_wait3A_92 : memref<128x128xf32, #tpu.memory_space<vmem>>) dst(%dma_wait3A_88 : memref<128x128xf32, #tpu.memory_space<vmem_shared>>)
      tpu.yield
    }) : () -> ()
    %mul3A_15 = arith.constant 640 : i32
    %mul3A_16 = arith.muli %arg1, %mul3A_15 : i32
    %add3A_17 = arith.constant 256 : i32
    %add3A_18 = arith.addi %mul3A_16, %add3A_17 : i32
    %run_scoped3A_19 = arith.constant 0 : i32
    "tpu.region"() ({
      %run_scoped3A_69 = tpu.sem_alloc : memref<!tpu.dma_semaphore, #tpu.memory_space<semaphore_mem>>
      %dma_start3A_70 = arith.constant 0 : i32
      %dma_start3A_71 = arith.constant 0 : i32
      %dma_start3A_72 = tpu.memref_slice %arg6[%run_scoped3A_19, %dma_start3A_70, %dma_start3A_71] : memref<2x128x128xf32, #tpu.memory_space<vmem>> -> memref<1x128x128xf32, #tpu.memory_space<vmem>>
      %dma_start3A_73 = tpu.memref_squeeze %dma_start3A_72 : memref<1x128x128xf32, #tpu.memory_space<vmem>> -> memref<128x128xf32, #tpu.memory_space<vmem>>
      %dma_start3A_74 = arith.constant 0 : i32
      %dma_start3A_75 = tpu.memref_slice %arg7[%add3A_18, %dma_start3A_74] : memref<10240x128xf32, #tpu.memory_space<vmem_shared>> -> memref<128x128xf32, #tpu.memory_space<vmem_shared>>
      %dma_start3A_76 = arith.constant 0 : i32
      %dma_start3A_77 = tpu.memref_slice %arg7[%add3A_18, %dma_start3A_76] : memref<10240x128xf32, #tpu.memory_space<vmem_shared>> -> memref<128x128xf32, #tpu.memory_space<vmem_shared>>
      %dma_start3A_78 = arith.constant 0 : i32
      %dma_start3A_79 = arith.constant 0 : i32
      %dma_start3A_80 = tpu.memref_slice %arg6[%run_scoped3A_19, %dma_start3A_78, %dma_start3A_79] : memref<2x128x128xf32, #tpu.memory_space<vmem>> -> memref<1x128x128xf32, #tpu.memory_space<vmem>>
      %dma_start3A_81 = tpu.memref_squeeze %dma_start3A_80 : memref<1x128x128xf32, #tpu.memory_space<vmem>> -> memref<128x128xf32, #tpu.memory_space<vmem>>
      tpu.enqueue_dma source(%dma_start3A_81 : memref<128x128xf32, #tpu.memory_space<vmem>>) target(%dma_start3A_77 : memref<128x128xf32, #tpu.memory_space<vmem_shared>>) target_semaphore(%run_scoped3A_69 : memref<!tpu.dma_semaphore, #tpu.memory_space<semaphore_mem>>)
      %dma_wait3A = arith.constant 0 : i32
      %dma_wait3A_82 = arith.constant 0 : i32
      %dma_wait3A_83 = tpu.memref_slice %arg6[%run_scoped3A_19, %dma_wait3A, %dma_wait3A_82] : memref<2x128x128xf32, #tpu.memory_space<vmem>> -> memref<1x128x128xf32, #tpu.memory_space<vmem>>
      %dma_wait3A_84 = tpu.memref_squeeze %dma_wait3A_83 : memref<1x128x128xf32, #tpu.memory_space<vmem>> -> memref<128x128xf32, #tpu.memory_space<vmem>>
      %dma_wait3A_85 = arith.constant 0 : i32
      %dma_wait3A_86 = tpu.memref_slice %arg7[%add3A_18, %dma_wait3A_85] : memref<10240x128xf32, #tpu.memory_space<vmem_shared>> -> memref<128x128xf32, #tpu.memory_space<vmem_shared>>
      %dma_wait3A_87 = arith.constant 0 : i32
      %dma_wait3A_88 = tpu.memref_slice %arg7[%add3A_18, %dma_wait3A_87] : memref<10240x128xf32, #tpu.memory_space<vmem_shared>> -> memref<128x128xf32, #tpu.memory_space<vmem_shared>>
      %dma_wait3A_89 = arith.constant 0 : i32
      %dma_wait3A_90 = arith.constant 0 : i32
      %dma_wait3A_91 = tpu.memref_slice %arg6[%run_scoped3A_19, %dma_wait3A_89, %dma_wait3A_90] : memref<2x128x128xf32, #tpu.memory_space<vmem>> -> memref<1x128x128xf32, #tpu.memory_space<vmem>>
      %dma_wait3A_92 = tpu.memref_squeeze %dma_wait3A_91 : memref<1x128x128xf32, #tpu.memory_space<vmem>> -> memref<128x128xf32, #tpu.memory_space<vmem>>
      tpu.wait_dma2 semaphore(%run_scoped3A_69 : memref<!tpu.dma_semaphore, #tpu.memory_space<semaphore_mem>>) src(%dma_wait3A_92 : memref<128x128xf32, #tpu.memory_space<vmem>>) dst(%dma_wait3A_88 : memref<128x128xf32, #tpu.memory_space<vmem_shared>>)
      tpu.yield
    }) : () -> ()
    %mul3A_20 = arith.constant 640 : i32
    %mul3A_21 = arith.muli %arg1, %mul3A_20 : i32
    %add3A_22 = arith.constant 384 : i32
    %add3A_23 = arith.addi %mul3A_21, %add3A_22 : i32
    %run_scoped3A_24 = arith.constant 0 : i32
    "tpu.region"() ({
      %run_scoped3A_69 = tpu.sem_alloc : memref<!tpu.dma_semaphore, #tpu.memory_space<semaphore_mem>>
      %dma_start3A_70 = arith.constant 0 : i32
      %dma_start3A_71 = arith.constant 0 : i32
      %dma_start3A_72 = tpu.memref_slice %arg6[%run_scoped3A_24, %dma_start3A_70, %dma_start3A_71] : memref<2x128x128xf32, #tpu.memory_space<vmem>> -> memref<1x128x128xf32, #tpu.memory_space<vmem>>
      %dma_start3A_73 = tpu.memref_squeeze %dma_start3A_72 : memref<1x128x128xf32, #tpu.memory_space<vmem>> -> memref<128x128xf32, #tpu.memory_space<vmem>>
      %dma_start3A_74 = arith.constant 0 : i32
      %dma_start3A_75 = tpu.memref_slice %arg7[%add3A_23, %dma_start3A_74] : memref<10240x128xf32, #tpu.memory_space<vmem_shared>> -> memref<128x128xf32, #tpu.memory_space<vmem_shared>>
      %dma_start3A_76 = arith.constant 0 : i32
      %dma_start3A_77 = tpu.memref_slice %arg7[%add3A_23, %dma_start3A_76] : memref<10240x128xf32, #tpu.memory_space<vmem_shared>> -> memref<128x128xf32, #tpu.memory_space<vmem_shared>>
      %dma_start3A_78 = arith.constant 0 : i32
      %dma_start3A_79 = arith.constant 0 : i32
      %dma_start3A_80 = tpu.memref_slice %arg6[%run_scoped3A_24, %dma_start3A_78, %dma_start3A_79] : memref<2x128x128xf32, #tpu.memory_space<vmem>> -> memref<1x128x128xf32, #tpu.memory_space<vmem>>
      %dma_start3A_81 = tpu.memref_squeeze %dma_start3A_80 : memref<1x128x128xf32, #tpu.memory_space<vmem>> -> memref<128x128xf32, #tpu.memory_space<vmem>>
      tpu.enqueue_dma source(%dma_start3A_81 : memref<128x128xf32, #tpu.memory_space<vmem>>) target(%dma_start3A_77 : memref<128x128xf32, #tpu.memory_space<vmem_shared>>) target_semaphore(%run_scoped3A_69 : memref<!tpu.dma_semaphore, #tpu.memory_space<semaphore_mem>>)
      %dma_wait3A = arith.constant 0 : i32
      %dma_wait3A_82 = arith.constant 0 : i32
      %dma_wait3A_83 = tpu.memref_slice %arg6[%run_scoped3A_24, %dma_wait3A, %dma_wait3A_82] : memref<2x128x128xf32, #tpu.memory_space<vmem>> -> memref<1x128x128xf32, #tpu.memory_space<vmem>>
      %dma_wait3A_84 = tpu.memref_squeeze %dma_wait3A_83 : memref<1x128x128xf32, #tpu.memory_space<vmem>> -> memref<128x128xf32, #tpu.memory_space<vmem>>
      %dma_wait3A_85 = arith.constant 0 : i32
      %dma_wait3A_86 = tpu.memref_slice %arg7[%add3A_23, %dma_wait3A_85] : memref<10240x128xf32, #tpu.memory_space<vmem_shared>> -> memref<128x128xf32, #tpu.memory_space<vmem_shared>>
      %dma_wait3A_87 = arith.constant 0 : i32
      %dma_wait3A_88 = tpu.memref_slice %arg7[%add3A_23, %dma_wait3A_87] : memref<10240x128xf32, #tpu.memory_space<vmem_shared>> -> memref<128x128xf32, #tpu.memory_space<vmem_shared>>
      %dma_wait3A_89 = arith.constant 0 : i32
      %dma_wait3A_90 = arith.constant 0 : i32
      %dma_wait3A_91 = tpu.memref_slice %arg6[%run_scoped3A_24, %dma_wait3A_89, %dma_wait3A_90] : memref<2x128x128xf32, #tpu.memory_space<vmem>> -> memref<1x128x128xf32, #tpu.memory_space<vmem>>
      %dma_wait3A_92 = tpu.memref_squeeze %dma_wait3A_91 : memref<1x128x128xf32, #tpu.memory_space<vmem>> -> memref<128x128xf32, #tpu.memory_space<vmem>>
      tpu.wait_dma2 semaphore(%run_scoped3A_69 : memref<!tpu.dma_semaphore, #tpu.memory_space<semaphore_mem>>) src(%dma_wait3A_92 : memref<128x128xf32, #tpu.memory_space<vmem>>) dst(%dma_wait3A_88 : memref<128x128xf32, #tpu.memory_space<vmem_shared>>)
      tpu.yield
    }) : () -> ()
    %mul3A_25 = arith.constant 640 : i32
    %mul3A_26 = arith.muli %arg1, %mul3A_25 : i32
    %add3A_27 = arith.constant 512 : i32
    %add3A_28 = arith.addi %mul3A_26, %add3A_27 : i32
    %run_scoped3A_29 = arith.constant 0 : i32
    "tpu.region"() ({
      %run_scoped3A_69 = tpu.sem_alloc : memref<!tpu.dma_semaphore, #tpu.memory_space<semaphore_mem>>
      %dma_start3A_70 = arith.constant 0 : i32
      %dma_start3A_71 = arith.constant 0 : i32
      %dma_start3A_72 = tpu.memref_slice %arg6[%run_scoped3A_29, %dma_start3A_70, %dma_start3A_71] : memref<2x128x128xf32, #tpu.memory_space<vmem>> -> memref<1x128x128xf32, #tpu.memory_space<vmem>>
      %dma_start3A_73 = tpu.memref_squeeze %dma_start3A_72 : memref<1x128x128xf32, #tpu.memory_space<vmem>> -> memref<128x128xf32, #tpu.memory_space<vmem>>
      %dma_start3A_74 = arith.constant 0 : i32
      %dma_start3A_75 = tpu.memref_slice %arg7[%add3A_28, %dma_start3A_74] : memref<10240x128xf32, #tpu.memory_space<vmem_shared>> -> memref<128x128xf32, #tpu.memory_space<vmem_shared>>
      %dma_start3A_76 = arith.constant 0 : i32
      %dma_start3A_77 = tpu.memref_slice %arg7[%add3A_28, %dma_start3A_76] : memref<10240x128xf32, #tpu.memory_space<vmem_shared>> -> memref<128x128xf32, #tpu.memory_space<vmem_shared>>
      %dma_start3A_78 = arith.constant 0 : i32
      %dma_start3A_79 = arith.constant 0 : i32
      %dma_start3A_80 = tpu.memref_slice %arg6[%run_scoped3A_29, %dma_start3A_78, %dma_start3A_79] : memref<2x128x128xf32, #tpu.memory_space<vmem>> -> memref<1x128x128xf32, #tpu.memory_space<vmem>>
      %dma_start3A_81 = tpu.memref_squeeze %dma_start3A_80 : memref<1x128x128xf32, #tpu.memory_space<vmem>> -> memref<128x128xf32, #tpu.memory_space<vmem>>
      tpu.enqueue_dma source(%dma_start3A_81 : memref<128x128xf32, #tpu.memory_space<vmem>>) target(%dma_start3A_77 : memref<128x128xf32, #tpu.memory_space<vmem_shared>>) target_semaphore(%run_scoped3A_69 : memref<!tpu.dma_semaphore, #tpu.memory_space<semaphore_mem>>)
      %dma_wait3A = arith.constant 0 : i32
      %dma_wait3A_82 = arith.constant 0 : i32
      %dma_wait3A_83 = tpu.memref_slice %arg6[%run_scoped3A_29, %dma_wait3A, %dma_wait3A_82] : memref<2x128x128xf32, #tpu.memory_space<vmem>> -> memref<1x128x128xf32, #tpu.memory_space<vmem>>
      %dma_wait3A_84 = tpu.memref_squeeze %dma_wait3A_83 : memref<1x128x128xf32, #tpu.memory_space<vmem>> -> memref<128x128xf32, #tpu.memory_space<vmem>>
      %dma_wait3A_85 = arith.constant 0 : i32
      %dma_wait3A_86 = tpu.memref_slice %arg7[%add3A_28, %dma_wait3A_85] : memref<10240x128xf32, #tpu.memory_space<vmem_shared>> -> memref<128x128xf32, #tpu.memory_space<vmem_shared>>
      %dma_wait3A_87 = arith.constant 0 : i32
      %dma_wait3A_88 = tpu.memref_slice %arg7[%add3A_28, %dma_wait3A_87] : memref<10240x128xf32, #tpu.memory_space<vmem_shared>> -> memref<128x128xf32, #tpu.memory_space<vmem_shared>>
      %dma_wait3A_89 = arith.constant 0 : i32
      %dma_wait3A_90 = arith.constant 0 : i32
      %dma_wait3A_91 = tpu.memref_slice %arg6[%run_scoped3A_29, %dma_wait3A_89, %dma_wait3A_90] : memref<2x128x128xf32, #tpu.memory_space<vmem>> -> memref<1x128x128xf32, #tpu.memory_space<vmem>>
      %dma_wait3A_92 = tpu.memref_squeeze %dma_wait3A_91 : memref<1x128x128xf32, #tpu.memory_space<vmem>> -> memref<128x128xf32, #tpu.memory_space<vmem>>
      tpu.wait_dma2 semaphore(%run_scoped3A_69 : memref<!tpu.dma_semaphore, #tpu.memory_space<semaphore_mem>>) src(%dma_wait3A_92 : memref<128x128xf32, #tpu.memory_space<vmem>>) dst(%dma_wait3A_88 : memref<128x128xf32, #tpu.memory_space<vmem_shared>>)
      tpu.yield
    }) : () -> ()
    %barrier3A = arith.constant 0 : index
    tpu.barrier barrier_id(%barrier3A)
    %dma_start3A = arith.constant 0 : i32
    %dma_start3A_30 = arith.constant 0 : i32
    %dma_start3A_31 = arith.constant 0 : i32
    %dma_start3A_32 = arith.constant 0 : i32
    %dma_start3A_33 = arith.constant 0 : i32
    %dma_start3A_34 = tpu.memref_slice %arg5[%dma_start3A_30, %dma_start3A_31, %dma_start3A_32, %dma_start3A_33] : memref<2x2x8x128xi32, #tpu.memory_space<vmem>> -> memref<1x2x8x128xi32, #tpu.memory_space<vmem>>
    %dma_start3A_35 = tpu.memref_squeeze %dma_start3A_34 : memref<1x2x8x128xi32, #tpu.memory_space<vmem>> -> memref<2x8x128xi32, #tpu.memory_space<vmem>>
    %dma_start3A_36 = arith.constant 0 : i32
    %dma_start3A_37 = arith.constant 0 : i32
    %dma_start3A_38 = arith.constant 0 : i32
    %dma_start3A_39 = tpu.memref_slice %arg3[%add3A, %dma_start3A, %dma_start3A_36, %dma_start3A_37, %dma_start3A_38] : memref<32x10x2x8x128xi32, #tpu.memory_space<hbm>> -> memref<1x1x2x8x128xi32, #tpu.memory_space<hbm>>
    %dma_start3A_40 = tpu.memref_squeeze %dma_start3A_39 : memref<1x1x2x8x128xi32, #tpu.memory_space<hbm>> -> memref<2x8x128xi32, #tpu.memory_space<hbm>>
    %dma_start3A_41 = arith.constant 0 : i32
    %dma_start3A_42 = arith.constant 0 : i32
    %dma_start3A_43 = arith.constant 0 : i32
    %dma_start3A_44 = tpu.memref_slice %arg5[%dma_start3A_30, %dma_start3A_41, %dma_start3A_42, %dma_start3A_43] : memref<2x2x8x128xi32, #tpu.memory_space<vmem>> -> memref<1x2x8x128xi32, #tpu.memory_space<vmem>>
    %dma_start3A_45 = tpu.memref_squeeze %dma_start3A_44 : memref<1x2x8x128xi32, #tpu.memory_space<vmem>> -> memref<2x8x128xi32, #tpu.memory_space<vmem>>
    %dma_start3A_46 = arith.constant 0 : i32
    %dma_start3A_47 = arith.constant 0 : i32
    %dma_start3A_48 = arith.constant 0 : i32
    %dma_start3A_49 = tpu.memref_slice %arg3[%add3A, %dma_start3A, %dma_start3A_46, %dma_start3A_47, %dma_start3A_48] : memref<32x10x2x8x128xi32, #tpu.memory_space<hbm>> -> memref<1x1x2x8x128xi32, #tpu.memory_space<hbm>>
    %dma_start3A_50 = tpu.memref_squeeze %dma_start3A_49 : memref<1x1x2x8x128xi32, #tpu.memory_space<hbm>> -> memref<2x8x128xi32, #tpu.memory_space<hbm>>
    tpu.enqueue_dma source(%dma_start3A_50 : memref<2x8x128xi32, #tpu.memory_space<hbm>>) target(%dma_start3A_45 : memref<2x8x128xi32, #tpu.memory_space<vmem>>) target_semaphore(%arg8 : memref<!tpu.dma_semaphore, #tpu.memory_space<semaphore_mem>>)
    %scan3A_51 = arith.constant 0 : i32
    %scan3A_52 = arith.constant 0 : i32
    %scan3A_53 = arith.constant 5 : i32
    %scan3A_54 = arith.addi %scan3A_52, %scan3A_53 : i32
    %scan3A_55 = arith.constant 1 : i32
    scf.for %scan3A_69 = %scan3A_52 to %scan3A_54 step %scan3A_55  : i32 {
      %mul3A_70 = arith.constant 2 : i32
      %mul3A_71 = arith.muli %scan3A_69, %mul3A_70 : i32
      %add3A_72 = arith.constant 0 : i32
      %add3A_73 = arith.addi %mul3A_71, %add3A_72 : i32
      %dma_wait3A = arith.constant 0 : i32
      %dma_wait3A_74 = arith.constant 0 : i32
      %dma_wait3A_75 = arith.constant 0 : i32
      %dma_wait3A_76 = arith.constant 0 : i32
      %dma_wait3A_77 = tpu.memref_slice %arg5[%dma_wait3A, %dma_wait3A_74, %dma_wait3A_75, %dma_wait3A_76] : memref<2x2x8x128xi32, #tpu.memory_space<vmem>> -> memref<1x2x8x128xi32, #tpu.memory_space<vmem>>
      %dma_wait3A_78 = tpu.memref_squeeze %dma_wait3A_77 : memref<1x2x8x128xi32, #tpu.memory_space<vmem>> -> memref<2x8x128xi32, #tpu.memory_space<vmem>>
      %dma_wait3A_79 = arith.constant 0 : i32
      %dma_wait3A_80 = arith.constant 0 : i32
      %dma_wait3A_81 = arith.constant 0 : i32
      %dma_wait3A_82 = tpu.memref_slice %arg3[%add3A, %add3A_73, %dma_wait3A_79, %dma_wait3A_80, %dma_wait3A_81] : memref<32x10x2x8x128xi32, #tpu.memory_space<hbm>> -> memref<1x1x2x8x128xi32, #tpu.memory_space<hbm>>
      %dma_wait3A_83 = tpu.memref_squeeze %dma_wait3A_82 : memref<1x1x2x8x128xi32, #tpu.memory_space<hbm>> -> memref<2x8x128xi32, #tpu.memory_space<hbm>>
      %dma_wait3A_84 = arith.constant 0 : i32
      %dma_wait3A_85 = arith.constant 0 : i32
      %dma_wait3A_86 = arith.constant 0 : i32
      %dma_wait3A_87 = tpu.memref_slice %arg5[%dma_wait3A, %dma_wait3A_84, %dma_wait3A_85, %dma_wait3A_86] : memref<2x2x8x128xi32, #tpu.memory_space<vmem>> -> memref<1x2x8x128xi32, #tpu.memory_space<vmem>>
      %dma_wait3A_88 = tpu.memref_squeeze %dma_wait3A_87 : memref<1x2x8x128xi32, #tpu.memory_space<vmem>> -> memref<2x8x128xi32, #tpu.memory_space<vmem>>
      %dma_wait3A_89 = arith.constant 0 : i32
      %dma_wait3A_90 = arith.constant 0 : i32
      %dma_wait3A_91 = arith.constant 0 : i32
      %dma_wait3A_92 = tpu.memref_slice %arg3[%add3A, %add3A_73, %dma_wait3A_89, %dma_wait3A_90, %dma_wait3A_91] : memref<32x10x2x8x128xi32, #tpu.memory_space<hbm>> -> memref<1x1x2x8x128xi32, #tpu.memory_space<hbm>>
      %dma_wait3A_93 = tpu.memref_squeeze %dma_wait3A_92 : memref<1x1x2x8x128xi32, #tpu.memory_space<hbm>> -> memref<2x8x128xi32, #tpu.memory_space<hbm>>
      tpu.wait_dma2 semaphore(%arg8 : memref<!tpu.dma_semaphore, #tpu.memory_space<semaphore_mem>>) src(%dma_wait3A_93 : memref<2x8x128xi32, #tpu.memory_space<hbm>>) dst(%dma_wait3A_88 : memref<2x8x128xi32, #tpu.memory_space<vmem>>)
      %add3A_94 = arith.constant 1 : i32
      %add3A_95 = arith.addi %add3A_73, %add3A_94 : i32
      %lt3A = arith.constant 10 : i32
      %lt3A_96 = arith.cmpi slt, %add3A_95, %lt3A : i32
      %convert_element_type3A = arith.extui %lt3A_96 : i1 to i32
      %cond3A = arith.constant 0 : i32
      %cond3A_97 = arith.cmpi ne, %convert_element_type3A, %cond3A : i32
      scf.if %cond3A_97 {
        %add3A_170 = arith.constant 1 : i32
        %add3A_171 = arith.addi %add3A_73, %add3A_170 : i32
        %dma_start3A_172 = arith.constant 1 : i32
        %dma_start3A_173 = arith.constant 0 : i32
        %dma_start3A_174 = arith.constant 0 : i32
        %dma_start3A_175 = arith.constant 0 : i32
        %dma_start3A_176 = tpu.memref_slice %arg5[%dma_start3A_172, %dma_start3A_173, %dma_start3A_174, %dma_start3A_175] : memref<2x2x8x128xi32, #tpu.memory_space<vmem>> -> memref<1x2x8x128xi32, #tpu.memory_space<vmem>>
        %dma_start3A_177 = tpu.memref_squeeze %dma_start3A_176 : memref<1x2x8x128xi32, #tpu.memory_space<vmem>> -> memref<2x8x128xi32, #tpu.memory_space<vmem>>
        %dma_start3A_178 = arith.constant 0 : i32
        %dma_start3A_179 = arith.constant 0 : i32
        %dma_start3A_180 = arith.constant 0 : i32
        %dma_start3A_181 = tpu.memref_slice %arg3[%add3A, %add3A_171, %dma_start3A_178, %dma_start3A_179, %dma_start3A_180] : memref<32x10x2x8x128xi32, #tpu.memory_space<hbm>> -> memref<1x1x2x8x128xi32, #tpu.memory_space<hbm>>
        %dma_start3A_182 = tpu.memref_squeeze %dma_start3A_181 : memref<1x1x2x8x128xi32, #tpu.memory_space<hbm>> -> memref<2x8x128xi32, #tpu.memory_space<hbm>>
        %dma_start3A_183 = arith.constant 0 : i32
        %dma_start3A_184 = arith.constant 0 : i32
        %dma_start3A_185 = arith.constant 0 : i32
        %dma_start3A_186 = tpu.memref_slice %arg5[%dma_start3A_172, %dma_start3A_183, %dma_start3A_184, %dma_start3A_185] : memref<2x2x8x128xi32, #tpu.memory_space<vmem>> -> memref<1x2x8x128xi32, #tpu.memory_space<vmem>>
        %dma_start3A_187 = tpu.memref_squeeze %dma_start3A_186 : memref<1x2x8x128xi32, #tpu.memory_space<vmem>> -> memref<2x8x128xi32, #tpu.memory_space<vmem>>
        %dma_start3A_188 = arith.constant 0 : i32
        %dma_start3A_189 = arith.constant 0 : i32
        %dma_start3A_190 = arith.constant 0 : i32
        %dma_start3A_191 = tpu.memref_slice %arg3[%add3A, %add3A_171, %dma_start3A_188, %dma_start3A_189, %dma_start3A_190] : memref<32x10x2x8x128xi32, #tpu.memory_space<hbm>> -> memref<1x1x2x8x128xi32, #tpu.memory_space<hbm>>
        %dma_start3A_192 = tpu.memref_squeeze %dma_start3A_191 : memref<1x1x2x8x128xi32, #tpu.memory_space<hbm>> -> memref<2x8x128xi32, #tpu.memory_space<hbm>>
        tpu.enqueue_dma source(%dma_start3A_192 : memref<2x8x128xi32, #tpu.memory_space<hbm>>) target(%dma_start3A_187 : memref<2x8x128xi32, #tpu.memory_space<vmem>>) target_semaphore(%arg9 : memref<!tpu.dma_semaphore, #tpu.memory_space<semaphore_mem>>)
      } else {
      }
      %dma_start3A_98 = arith.constant 0 : i32
      %dma_start3A_99 = arith.constant 0 : i32
      %dma_start3A_100 = arith.constant 0 : i32
      %dma_start3A_101 = arith.constant 0 : i32
      %dma_start3A_102 = arith.constant 0 : i32
      %dma_start3A_103 = arith.constant 0 : i32
      %dma_start3A_104 = tpu.memref_slice %arg6[%dma_start3A_101, %dma_start3A_102, %dma_start3A_103] : memref<2x128x128xf32, #tpu.memory_space<vmem>> -> memref<1x128x128xf32, #tpu.memory_space<vmem>>
      %dma_start3A_105 = tpu.memref_squeeze %dma_start3A_104 : memref<1x128x128xf32, #tpu.memory_space<vmem>> -> memref<128x128xf32, #tpu.memory_space<vmem>>
      %dma_start3A_106 = arith.constant 0 : i32
      %dma_start3A_107 = tpu.memref_slice %arg5[%dma_start3A_98, %dma_start3A_99, %dma_start3A_100, %dma_start3A_106] : memref<2x2x8x128xi32, #tpu.memory_space<vmem>> -> memref<1x1x1x128xi32, #tpu.memory_space<vmem>>
      %dma_start3A_108 = tpu.memref_squeeze %dma_start3A_107 : memref<1x1x1x128xi32, #tpu.memory_space<vmem>> -> memref<128xi32, #tpu.memory_space<vmem>>
      %dma_start3A_109 = arith.constant 0 : i32
      %dma_start3A_110 = arith.constant 0 : i32
      %dma_start3A_111 = tpu.memref_slice %arg2[%dma_start3A_109, %dma_start3A_110] : memref<10240x128xf32, #tpu.memory_space<hbm>> -> memref<10240x128xf32, #tpu.memory_space<hbm>>
      tpu.enqueue_indirect_dma source(%dma_start3A_111 : memref<10240x128xf32, #tpu.memory_space<hbm>>) target(%dma_start3A_105 : memref<128x128xf32, #tpu.memory_space<vmem>>) offsets(%dma_start3A_108 : memref<128xi32, #tpu.memory_space<vmem>>) semaphore(%arg10 : memref<!tpu.dma_semaphore, #tpu.memory_space<semaphore_mem>>)
      %scan3A_112 = arith.constant 0 : i32
      %scan3A_113 = arith.constant 0 : i32
      %scan3A_114 = arith.constant 4 : i32
      %scan3A_115 = arith.addi %scan3A_113, %scan3A_114 : i32
      %scan3A_116 = arith.constant 1 : i32
      scf.for %scan3A_170 = %scan3A_113 to %scan3A_115 step %scan3A_116  : i32 {
        %mul3A_171 = arith.constant 2 : i32
        %mul3A_172 = arith.muli %scan3A_170, %mul3A_171 : i32
        %add3A_173 = arith.constant 0 : i32
        %add3A_174 = arith.addi %mul3A_172, %add3A_173 : i32
        %dma_wait3A_175 = arith.constant 0 : i32
        %dma_wait3A_176 = arith.constant 0 : i32
        %dma_wait3A_177 = arith.constant 0 : i32
        %dma_wait3A_178 = arith.constant 0 : i32
        %dma_wait3A_179 = arith.constant 0 : i32
        %dma_wait3A_180 = tpu.memref_slice %arg6[%dma_wait3A_177, %dma_wait3A_178, %dma_wait3A_179] : memref<2x128x128xf32, #tpu.memory_space<vmem>> -> memref<1x128x128xf32, #tpu.memory_space<vmem>>
        %dma_wait3A_181 = tpu.memref_squeeze %dma_wait3A_180 : memref<1x128x128xf32, #tpu.memory_space<vmem>> -> memref<128x128xf32, #tpu.memory_space<vmem>>
        %dma_wait3A_182 = arith.constant 0 : i32
        %dma_wait3A_183 = tpu.memref_slice %arg5[%dma_wait3A_175, %dma_wait3A_176, %add3A_174, %dma_wait3A_182] : memref<2x2x8x128xi32, #tpu.memory_space<vmem>> -> memref<1x1x1x128xi32, #tpu.memory_space<vmem>>
        %dma_wait3A_184 = tpu.memref_squeeze %dma_wait3A_183 : memref<1x1x1x128xi32, #tpu.memory_space<vmem>> -> memref<128xi32, #tpu.memory_space<vmem>>
        %dma_wait3A_185 = arith.constant 0 : i32
        %dma_wait3A_186 = arith.constant 0 : i32
        %dma_wait3A_187 = tpu.memref_slice %arg2[%dma_wait3A_185, %dma_wait3A_186] : memref<10240x128xf32, #tpu.memory_space<hbm>> -> memref<10240x128xf32, #tpu.memory_space<hbm>>
        tpu.wait_indirect_dma semaphore(%arg10 : memref<!tpu.dma_semaphore, #tpu.memory_space<semaphore_mem>>) src(%dma_wait3A_187 : memref<10240x128xf32, #tpu.memory_space<hbm>>) dst(%dma_wait3A_181 : memref<128x128xf32, #tpu.memory_space<vmem>>)
        %add3A_188 = arith.constant 1 : i32
        %add3A_189 = arith.addi %add3A_174, %add3A_188 : i32
        %lt3A_190 = arith.constant 8 : i32
        %lt3A_191 = arith.cmpi slt, %add3A_189, %lt3A_190 : i32
        %convert_element_type3A_192 = arith.extui %lt3A_191 : i1 to i32
        %cond3A_193 = arith.constant 0 : i32
        %cond3A_194 = arith.cmpi ne, %convert_element_type3A_192, %cond3A_193 : i32
        scf.if %cond3A_194 {
          %add3A_225 = arith.constant 1 : i32
          %add3A_226 = arith.addi %add3A_174, %add3A_225 : i32
          %dma_start3A_227 = arith.constant 0 : i32
          %dma_start3A_228 = arith.constant 0 : i32
          %dma_start3A_229 = arith.constant 1 : i32
          %dma_start3A_230 = arith.constant 0 : i32
          %dma_start3A_231 = arith.constant 0 : i32
          %dma_start3A_232 = tpu.memref_slice %arg6[%dma_start3A_229, %dma_start3A_230, %dma_start3A_231] : memref<2x128x128xf32, #tpu.memory_space<vmem>> -> memref<1x128x128xf32, #tpu.memory_space<vmem>>
          %dma_start3A_233 = tpu.memref_squeeze %dma_start3A_232 : memref<1x128x128xf32, #tpu.memory_space<vmem>> -> memref<128x128xf32, #tpu.memory_space<vmem>>
          %dma_start3A_234 = arith.constant 0 : i32
          %dma_start3A_235 = tpu.memref_slice %arg5[%dma_start3A_227, %dma_start3A_228, %add3A_226, %dma_start3A_234] : memref<2x2x8x128xi32, #tpu.memory_space<vmem>> -> memref<1x1x1x128xi32, #tpu.memory_space<vmem>>
          %dma_start3A_236 = tpu.memref_squeeze %dma_start3A_235 : memref<1x1x1x128xi32, #tpu.memory_space<vmem>> -> memref<128xi32, #tpu.memory_space<vmem>>
          %dma_start3A_237 = arith.constant 0 : i32
          %dma_start3A_238 = arith.constant 0 : i32
          %dma_start3A_239 = tpu.memref_slice %arg2[%dma_start3A_237, %dma_start3A_238] : memref<10240x128xf32, #tpu.memory_space<hbm>> -> memref<10240x128xf32, #tpu.memory_space<hbm>>
          tpu.enqueue_indirect_dma source(%dma_start3A_239 : memref<10240x128xf32, #tpu.memory_space<hbm>>) target(%dma_start3A_233 : memref<128x128xf32, #tpu.memory_space<vmem>>) offsets(%dma_start3A_236 : memref<128xi32, #tpu.memory_space<vmem>>) semaphore(%arg11 : memref<!tpu.dma_semaphore, #tpu.memory_space<semaphore_mem>>)
        } else {
        }
        %run_scoped3A_195 = arith.constant 0 : i32
        %run_scoped3A_196 = arith.constant 0 : i32
        %run_scoped3A_197 = arith.constant 1 : i32
        "tpu.region"() ({
          %run_scoped3A_225 = tpu.sem_alloc : memref<!tpu.dma_semaphore, #tpu.memory_space<semaphore_mem>>
          %dma_start3A_226 = arith.constant 0 : i32
          %dma_start3A_227 = arith.constant 0 : i32
          %dma_start3A_228 = tpu.memref_slice %arg6[%run_scoped3A_195, %dma_start3A_226, %dma_start3A_227] : memref<2x128x128xf32, #tpu.memory_space<vmem>> -> memref<1x128x128xf32, #tpu.memory_space<vmem>>
          %dma_start3A_229 = tpu.memref_squeeze %dma_start3A_228 : memref<1x128x128xf32, #tpu.memory_space<vmem>> -> memref<128x128xf32, #tpu.memory_space<vmem>>
          %dma_start3A_230 = arith.constant 0 : i32
          %dma_start3A_231 = tpu.memref_slice %arg5[%run_scoped3A_196, %run_scoped3A_197, %add3A_174, %dma_start3A_230] : memref<2x2x8x128xi32, #tpu.memory_space<vmem>> -> memref<1x1x1x128xi32, #tpu.memory_space<vmem>>
          %dma_start3A_232 = tpu.memref_squeeze %dma_start3A_231 : memref<1x1x1x128xi32, #tpu.memory_space<vmem>> -> memref<128xi32, #tpu.memory_space<vmem>>
          %dma_start3A_233 = arith.constant 0 : i32
          %dma_start3A_234 = arith.constant 0 : i32
          %dma_start3A_235 = tpu.memref_slice %arg7[%dma_start3A_233, %dma_start3A_234] : memref<10240x128xf32, #tpu.memory_space<vmem_shared>> -> memref<10240x128xf32, #tpu.memory_space<vmem_shared>>
          tpu.enqueue_indirect_dma source(%dma_start3A_229 : memref<128x128xf32, #tpu.memory_space<vmem>>) target(%dma_start3A_235 : memref<10240x128xf32, #tpu.memory_space<vmem_shared>>) offsets(%dma_start3A_232 : memref<128xi32, #tpu.memory_space<vmem>>) semaphore(%run_scoped3A_225 : memref<!tpu.dma_semaphore, #tpu.memory_space<semaphore_mem>>) {add = true}
          %dma_wait3A_236 = arith.constant 0 : i32
          %dma_wait3A_237 = arith.constant 0 : i32
          %dma_wait3A_238 = tpu.memref_slice %arg6[%run_scoped3A_195, %dma_wait3A_236, %dma_wait3A_237] : memref<2x128x128xf32, #tpu.memory_space<vmem>> -> memref<1x128x128xf32, #tpu.memory_space<vmem>>
          %dma_wait3A_239 = tpu.memref_squeeze %dma_wait3A_238 : memref<1x128x128xf32, #tpu.memory_space<vmem>> -> memref<128x128xf32, #tpu.memory_space<vmem>>
          %dma_wait3A_240 = arith.constant 0 : i32
          %dma_wait3A_241 = tpu.memref_slice %arg5[%run_scoped3A_196, %run_scoped3A_197, %add3A_174, %dma_wait3A_240] : memref<2x2x8x128xi32, #tpu.memory_space<vmem>> -> memref<1x1x1x128xi32, #tpu.memory_space<vmem>>
          %dma_wait3A_242 = tpu.memref_squeeze %dma_wait3A_241 : memref<1x1x1x128xi32, #tpu.memory_space<vmem>> -> memref<128xi32, #tpu.memory_space<vmem>>
          %dma_wait3A_243 = arith.constant 0 : i32
          %dma_wait3A_244 = arith.constant 0 : i32
          %dma_wait3A_245 = tpu.memref_slice %arg7[%dma_wait3A_243, %dma_wait3A_244] : memref<10240x128xf32, #tpu.memory_space<vmem_shared>> -> memref<10240x128xf32, #tpu.memory_space<vmem_shared>>
          tpu.wait_indirect_dma semaphore(%run_scoped3A_225 : memref<!tpu.dma_semaphore, #tpu.memory_space<semaphore_mem>>) src(%dma_wait3A_239 : memref<128x128xf32, #tpu.memory_space<vmem>>) dst(%dma_wait3A_245 : memref<10240x128xf32, #tpu.memory_space<vmem_shared>>)
          tpu.yield
        }) : () -> ()
        %mul3A_198 = arith.constant 2 : i32
        %mul3A_199 = arith.muli %scan3A_170, %mul3A_198 : i32
        %add3A_200 = arith.constant 1 : i32
        %add3A_201 = arith.addi %mul3A_199, %add3A_200 : i32
        %dma_wait3A_202 = arith.constant 0 : i32
        %dma_wait3A_203 = arith.constant 0 : i32
        %dma_wait3A_204 = arith.constant 1 : i32
        %dma_wait3A_205 = arith.constant 0 : i32
        %dma_wait3A_206 = arith.constant 0 : i32
        %dma_wait3A_207 = tpu.memref_slice %arg6[%dma_wait3A_204, %dma_wait3A_205, %dma_wait3A_206] : memref<2x128x128xf32, #tpu.memory_space<vmem>> -> memref<1x128x128xf32, #tpu.memory_space<vmem>>
        %dma_wait3A_208 = tpu.memref_squeeze %dma_wait3A_207 : memref<1x128x128xf32, #tpu.memory_space<vmem>> -> memref<128x128xf32, #tpu.memory_space<vmem>>
        %dma_wait3A_209 = arith.constant 0 : i32
        %dma_wait3A_210 = tpu.memref_slice %arg5[%dma_wait3A_202, %dma_wait3A_203, %add3A_201, %dma_wait3A_209] : memref<2x2x8x128xi32, #tpu.memory_space<vmem>> -> memref<1x1x1x128xi32, #tpu.memory_space<vmem>>
        %dma_wait3A_211 = tpu.memref_squeeze %dma_wait3A_210 : memref<1x1x1x128xi32, #tpu.memory_space<vmem>> -> memref<128xi32, #tpu.memory_space<vmem>>
        %dma_wait3A_212 = arith.constant 0 : i32
        %dma_wait3A_213 = arith.constant 0 : i32
        %dma_wait3A_214 = tpu.memref_slice %arg2[%dma_wait3A_212, %dma_wait3A_213] : memref<10240x128xf32, #tpu.memory_space<hbm>> -> memref<10240x128xf32, #tpu.memory_space<hbm>>
        tpu.wait_indirect_dma semaphore(%arg11 : memref<!tpu.dma_semaphore, #tpu.memory_space<semaphore_mem>>) src(%dma_wait3A_214 : memref<10240x128xf32, #tpu.memory_space<hbm>>) dst(%dma_wait3A_208 : memref<128x128xf32, #tpu.memory_space<vmem>>)
        %add3A_215 = arith.constant 1 : i32
        %add3A_216 = arith.addi %add3A_201, %add3A_215 : i32
        %lt3A_217 = arith.constant 8 : i32
        %lt3A_218 = arith.cmpi slt, %add3A_216, %lt3A_217 : i32
        %convert_element_type3A_219 = arith.extui %lt3A_218 : i1 to i32
        %cond3A_220 = arith.constant 0 : i32
        %cond3A_221 = arith.cmpi ne, %convert_element_type3A_219, %cond3A_220 : i32
        scf.if %cond3A_221 {
          %add3A_225 = arith.constant 1 : i32
          %add3A_226 = arith.addi %add3A_201, %add3A_225 : i32
          %dma_start3A_227 = arith.constant 0 : i32
          %dma_start3A_228 = arith.constant 0 : i32
          %dma_start3A_229 = arith.constant 0 : i32
          %dma_start3A_230 = arith.constant 0 : i32
          %dma_start3A_231 = arith.constant 0 : i32
          %dma_start3A_232 = tpu.memref_slice %arg6[%dma_start3A_229, %dma_start3A_230, %dma_start3A_231] : memref<2x128x128xf32, #tpu.memory_space<vmem>> -> memref<1x128x128xf32, #tpu.memory_space<vmem>>
          %dma_start3A_233 = tpu.memref_squeeze %dma_start3A_232 : memref<1x128x128xf32, #tpu.memory_space<vmem>> -> memref<128x128xf32, #tpu.memory_space<vmem>>
          %dma_start3A_234 = arith.constant 0 : i32
          %dma_start3A_235 = tpu.memref_slice %arg5[%dma_start3A_227, %dma_start3A_228, %add3A_226, %dma_start3A_234] : memref<2x2x8x128xi32, #tpu.memory_space<vmem>> -> memref<1x1x1x128xi32, #tpu.memory_space<vmem>>
          %dma_start3A_236 = tpu.memref_squeeze %dma_start3A_235 : memref<1x1x1x128xi32, #tpu.memory_space<vmem>> -> memref<128xi32, #tpu.memory_space<vmem>>
          %dma_start3A_237 = arith.constant 0 : i32
          %dma_start3A_238 = arith.constant 0 : i32
          %dma_start3A_239 = tpu.memref_slice %arg2[%dma_start3A_237, %dma_start3A_238] : memref<10240x128xf32, #tpu.memory_space<hbm>> -> memref<10240x128xf32, #tpu.memory_space<hbm>>
          tpu.enqueue_indirect_dma source(%dma_start3A_239 : memref<10240x128xf32, #tpu.memory_space<hbm>>) target(%dma_start3A_233 : memref<128x128xf32, #tpu.memory_space<vmem>>) offsets(%dma_start3A_236 : memref<128xi32, #tpu.memory_space<vmem>>) semaphore(%arg10 : memref<!tpu.dma_semaphore, #tpu.memory_space<semaphore_mem>>)
        } else {
        }
        %run_scoped3A_222 = arith.constant 1 : i32
        %run_scoped3A_223 = arith.constant 0 : i32
        %run_scoped3A_224 = arith.constant 1 : i32
        "tpu.region"() ({
          %run_scoped3A_225 = tpu.sem_alloc : memref<!tpu.dma_semaphore, #tpu.memory_space<semaphore_mem>>
          %dma_start3A_226 = arith.constant 0 : i32
          %dma_start3A_227 = arith.constant 0 : i32
          %dma_start3A_228 = tpu.memref_slice %arg6[%run_scoped3A_222, %dma_start3A_226, %dma_start3A_227] : memref<2x128x128xf32, #tpu.memory_space<vmem>> -> memref<1x128x128xf32, #tpu.memory_space<vmem>>
          %dma_start3A_229 = tpu.memref_squeeze %dma_start3A_228 : memref<1x128x128xf32, #tpu.memory_space<vmem>> -> memref<128x128xf32, #tpu.memory_space<vmem>>
          %dma_start3A_230 = arith.constant 0 : i32
          %dma_start3A_231 = tpu.memref_slice %arg5[%run_scoped3A_223, %run_scoped3A_224, %add3A_201, %dma_start3A_230] : memref<2x2x8x128xi32, #tpu.memory_space<vmem>> -> memref<1x1x1x128xi32, #tpu.memory_space<vmem>>
          %dma_start3A_232 = tpu.memref_squeeze %dma_start3A_231 : memref<1x1x1x128xi32, #tpu.memory_space<vmem>> -> memref<128xi32, #tpu.memory_space<vmem>>
          %dma_start3A_233 = arith.constant 0 : i32
          %dma_start3A_234 = arith.constant 0 : i32
          %dma_start3A_235 = tpu.memref_slice %arg7[%dma_start3A_233, %dma_start3A_234] : memref<10240x128xf32, #tpu.memory_space<vmem_shared>> -> memref<10240x128xf32, #tpu.memory_space<vmem_shared>>
          tpu.enqueue_indirect_dma source(%dma_start3A_229 : memref<128x128xf32, #tpu.memory_space<vmem>>) target(%dma_start3A_235 : memref<10240x128xf32, #tpu.memory_space<vmem_shared>>) offsets(%dma_start3A_232 : memref<128xi32, #tpu.memory_space<vmem>>) semaphore(%run_scoped3A_225 : memref<!tpu.dma_semaphore, #tpu.memory_space<semaphore_mem>>) {add = true}
          %dma_wait3A_236 = arith.constant 0 : i32
          %dma_wait3A_237 = arith.constant 0 : i32
          %dma_wait3A_238 = tpu.memref_slice %arg6[%run_scoped3A_222, %dma_wait3A_236, %dma_wait3A_237] : memref<2x128x128xf32, #tpu.memory_space<vmem>> -> memref<1x128x128xf32, #tpu.memory_space<vmem>>
          %dma_wait3A_239 = tpu.memref_squeeze %dma_wait3A_238 : memref<1x128x128xf32, #tpu.memory_space<vmem>> -> memref<128x128xf32, #tpu.memory_space<vmem>>
          %dma_wait3A_240 = arith.constant 0 : i32
          %dma_wait3A_241 = tpu.memref_slice %arg5[%run_scoped3A_223, %run_scoped3A_224, %add3A_201, %dma_wait3A_240] : memref<2x2x8x128xi32, #tpu.memory_space<vmem>> -> memref<1x1x1x128xi32, #tpu.memory_space<vmem>>
          %dma_wait3A_242 = tpu.memref_squeeze %dma_wait3A_241 : memref<1x1x1x128xi32, #tpu.memory_space<vmem>> -> memref<128xi32, #tpu.memory_space<vmem>>
          %dma_wait3A_243 = arith.constant 0 : i32
          %dma_wait3A_244 = arith.constant 0 : i32
          %dma_wait3A_245 = tpu.memref_slice %arg7[%dma_wait3A_243, %dma_wait3A_244] : memref<10240x128xf32, #tpu.memory_space<vmem_shared>> -> memref<10240x128xf32, #tpu.memory_space<vmem_shared>>
          tpu.wait_indirect_dma semaphore(%run_scoped3A_225 : memref<!tpu.dma_semaphore, #tpu.memory_space<semaphore_mem>>) src(%dma_wait3A_239 : memref<128x128xf32, #tpu.memory_space<vmem>>) dst(%dma_wait3A_245 : memref<10240x128xf32, #tpu.memory_space<vmem_shared>>)
          tpu.yield
        }) : () -> ()
      }
      %scan3A_117 = arith.constant 4 : i32
      %mul3A_118 = arith.constant 2 : i32
      %mul3A_119 = arith.muli %scan3A_69, %mul3A_118 : i32
      %add3A_120 = arith.constant 1 : i32
      %add3A_121 = arith.addi %mul3A_119, %add3A_120 : i32
      %dma_wait3A_122 = arith.constant 1 : i32
      %dma_wait3A_123 = arith.constant 0 : i32
      %dma_wait3A_124 = arith.constant 0 : i32
      %dma_wait3A_125 = arith.constant 0 : i32
      %dma_wait3A_126 = tpu.memref_slice %arg5[%dma_wait3A_122, %dma_wait3A_123, %dma_wait3A_124, %dma_wait3A_125] : memref<2x2x8x128xi32, #tpu.memory_space<vmem>> -> memref<1x2x8x128xi32, #tpu.memory_space<vmem>>
      %dma_wait3A_127 = tpu.memref_squeeze %dma_wait3A_126 : memref<1x2x8x128xi32, #tpu.memory_space<vmem>> -> memref<2x8x128xi32, #tpu.memory_space<vmem>>
      %dma_wait3A_128 = arith.constant 0 : i32
      %dma_wait3A_129 = arith.constant 0 : i32
      %dma_wait3A_130 = arith.constant 0 : i32
      %dma_wait3A_131 = tpu.memref_slice %arg3[%add3A, %add3A_121, %dma_wait3A_128, %dma_wait3A_129, %dma_wait3A_130] : memref<32x10x2x8x128xi32, #tpu.memory_space<hbm>> -> memref<1x1x2x8x128xi32, #tpu.memory_space<hbm>>
      %dma_wait3A_132 = tpu.memref_squeeze %dma_wait3A_131 : memref<1x1x2x8x128xi32, #tpu.memory_space<hbm>> -> memref<2x8x128xi32, #tpu.memory_space<hbm>>
      %dma_wait3A_133 = arith.constant 0 : i32
      %dma_wait3A_134 = arith.constant 0 : i32
      %dma_wait3A_135 = arith.constant 0 : i32
      %dma_wait3A_136 = tpu.memref_slice %arg5[%dma_wait3A_122, %dma_wait3A_133, %dma_wait3A_134, %dma_wait3A_135] : memref<2x2x8x128xi32, #tpu.memory_space<vmem>> -> memref<1x2x8x128xi32, #tpu.memory_space<vmem>>
      %dma_wait3A_137 = tpu.memref_squeeze %dma_wait3A_136 : memref<1x2x8x128xi32, #tpu.memory_space<vmem>> -> memref<2x8x128xi32, #tpu.memory_space<vmem>>
      %dma_wait3A_138 = arith.constant 0 : i32
      %dma_wait3A_139 = arith.constant 0 : i32
      %dma_wait3A_140 = arith.constant 0 : i32
      %dma_wait3A_141 = tpu.memref_slice %arg3[%add3A, %add3A_121, %dma_wait3A_138, %dma_wait3A_139, %dma_wait3A_140] : memref<32x10x2x8x128xi32, #tpu.memory_space<hbm>> -> memref<1x1x2x8x128xi32, #tpu.memory_space<hbm>>
      %dma_wait3A_142 = tpu.memref_squeeze %dma_wait3A_141 : memref<1x1x2x8x128xi32, #tpu.memory_space<hbm>> -> memref<2x8x128xi32, #tpu.memory_space<hbm>>
      tpu.wait_dma2 semaphore(%arg9 : memref<!tpu.dma_semaphore, #tpu.memory_space<semaphore_mem>>) src(%dma_wait3A_142 : memref<2x8x128xi32, #tpu.memory_space<hbm>>) dst(%dma_wait3A_137 : memref<2x8x128xi32, #tpu.memory_space<vmem>>)
      %add3A_143 = arith.constant 1 : i32
      %add3A_144 = arith.addi %add3A_121, %add3A_143 : i32
      %lt3A_145 = arith.constant 10 : i32
      %lt3A_146 = arith.cmpi slt, %add3A_144, %lt3A_145 : i32
      %convert_element_type3A_147 = arith.extui %lt3A_146 : i1 to i32
      %cond3A_148 = arith.constant 0 : i32
      %cond3A_149 = arith.cmpi ne, %convert_element_type3A_147, %cond3A_148 : i32
      scf.if %cond3A_149 {
        %add3A_170 = arith.constant 1 : i32
        %add3A_171 = arith.addi %add3A_121, %add3A_170 : i32
        %dma_start3A_172 = arith.constant 0 : i32
        %dma_start3A_173 = arith.constant 0 : i32
        %dma_start3A_174 = arith.constant 0 : i32
        %dma_start3A_175 = arith.constant 0 : i32
        %dma_start3A_176 = tpu.memref_slice %arg5[%dma_start3A_172, %dma_start3A_173, %dma_start3A_174, %dma_start3A_175] : memref<2x2x8x128xi32, #tpu.memory_space<vmem>> -> memref<1x2x8x128xi32, #tpu.memory_space<vmem>>
        %dma_start3A_177 = tpu.memref_squeeze %dma_start3A_176 : memref<1x2x8x128xi32, #tpu.memory_space<vmem>> -> memref<2x8x128xi32, #tpu.memory_space<vmem>>
        %dma_start3A_178 = arith.constant 0 : i32
        %dma_start3A_179 = arith.constant 0 : i32
        %dma_start3A_180 = arith.constant 0 : i32
        %dma_start3A_181 = tpu.memref_slice %arg3[%add3A, %add3A_171, %dma_start3A_178, %dma_start3A_179, %dma_start3A_180] : memref<32x10x2x8x128xi32, #tpu.memory_space<hbm>> -> memref<1x1x2x8x128xi32, #tpu.memory_space<hbm>>
        %dma_start3A_182 = tpu.memref_squeeze %dma_start3A_181 : memref<1x1x2x8x128xi32, #tpu.memory_space<hbm>> -> memref<2x8x128xi32, #tpu.memory_space<hbm>>
        %dma_start3A_183 = arith.constant 0 : i32
        %dma_start3A_184 = arith.constant 0 : i32
        %dma_start3A_185 = arith.constant 0 : i32
        %dma_start3A_186 = tpu.memref_slice %arg5[%dma_start3A_172, %dma_start3A_183, %dma_start3A_184, %dma_start3A_185] : memref<2x2x8x128xi32, #tpu.memory_space<vmem>> -> memref<1x2x8x128xi32, #tpu.memory_space<vmem>>
        %dma_start3A_187 = tpu.memref_squeeze %dma_start3A_186 : memref<1x2x8x128xi32, #tpu.memory_space<vmem>> -> memref<2x8x128xi32, #tpu.memory_space<vmem>>
        %dma_start3A_188 = arith.constant 0 : i32
        %dma_start3A_189 = arith.constant 0 : i32
        %dma_start3A_190 = arith.constant 0 : i32
        %dma_start3A_191 = tpu.memref_slice %arg3[%add3A, %add3A_171, %dma_start3A_188, %dma_start3A_189, %dma_start3A_190] : memref<32x10x2x8x128xi32, #tpu.memory_space<hbm>> -> memref<1x1x2x8x128xi32, #tpu.memory_space<hbm>>
        %dma_start3A_192 = tpu.memref_squeeze %dma_start3A_191 : memref<1x1x2x8x128xi32, #tpu.memory_space<hbm>> -> memref<2x8x128xi32, #tpu.memory_space<hbm>>
        tpu.enqueue_dma source(%dma_start3A_192 : memref<2x8x128xi32, #tpu.memory_space<hbm>>) target(%dma_start3A_187 : memref<2x8x128xi32, #tpu.memory_space<vmem>>) target_semaphore(%arg8 : memref<!tpu.dma_semaphore, #tpu.memory_space<semaphore_mem>>)
      } else {
      }
      %dma_start3A_150 = arith.constant 1 : i32
      %dma_start3A_151 = arith.constant 0 : i32
      %dma_start3A_152 = arith.constant 0 : i32
      %dma_start3A_153 = arith.constant 0 : i32
      %dma_start3A_154 = arith.constant 0 : i32
      %dma_start3A_155 = arith.constant 0 : i32
      %dma_start3A_156 = tpu.memref_slice %arg6[%dma_start3A_153, %dma_start3A_154, %dma_start3A_155] : memref<2x128x128xf32, #tpu.memory_space<vmem>> -> memref<1x128x128xf32, #tpu.memory_space<vmem>>
      %dma_start3A_157 = tpu.memref_squeeze %dma_start3A_156 : memref<1x128x128xf32, #tpu.memory_space<vmem>> -> memref<128x128xf32, #tpu.memory_space<vmem>>
      %dma_start3A_158 = arith.constant 0 : i32
      %dma_start3A_159 = tpu.memref_slice %arg5[%dma_start3A_150, %dma_start3A_151, %dma_start3A_152, %dma_start3A_158] : memref<2x2x8x128xi32, #tpu.memory_space<vmem>> -> memref<1x1x1x128xi32, #tpu.memory_space<vmem>>
      %dma_start3A_160 = tpu.memref_squeeze %dma_start3A_159 : memref<1x1x1x128xi32, #tpu.memory_space<vmem>> -> memref<128xi32, #tpu.memory_space<vmem>>
      %dma_start3A_161 = arith.constant 0 : i32
      %dma_start3A_162 = arith.constant 0 : i32
      %dma_start3A_163 = tpu.memref_slice %arg2[%dma_start3A_161, %dma_start3A_162] : memref<10240x128xf32, #tpu.memory_space<hbm>> -> memref<10240x128xf32, #tpu.memory_space<hbm>>
      tpu.enqueue_indirect_dma source(%dma_start3A_163 : memref<10240x128xf32, #tpu.memory_space<hbm>>) target(%dma_start3A_157 : memref<128x128xf32, #tpu.memory_space<vmem>>) offsets(%dma_start3A_160 : memref<128xi32, #tpu.memory_space<vmem>>) semaphore(%arg10 : memref<!tpu.dma_semaphore, #tpu.memory_space<semaphore_mem>>)
      %scan3A_164 = arith.constant 0 : i32
      %scan3A_165 = arith.constant 0 : i32
      %scan3A_166 = arith.constant 4 : i32
      %scan3A_167 = arith.addi %scan3A_165, %scan3A_166 : i32
      %scan3A_168 = arith.constant 1 : i32
      scf.for %scan3A_170 = %scan3A_165 to %scan3A_167 step %scan3A_168  : i32 {
        %mul3A_171 = arith.constant 2 : i32
        %mul3A_172 = arith.muli %scan3A_170, %mul3A_171 : i32
        %add3A_173 = arith.constant 0 : i32
        %add3A_174 = arith.addi %mul3A_172, %add3A_173 : i32
        %dma_wait3A_175 = arith.constant 1 : i32
        %dma_wait3A_176 = arith.constant 0 : i32
        %dma_wait3A_177 = arith.constant 0 : i32
        %dma_wait3A_178 = arith.constant 0 : i32
        %dma_wait3A_179 = arith.constant 0 : i32
        %dma_wait3A_180 = tpu.memref_slice %arg6[%dma_wait3A_177, %dma_wait3A_178, %dma_wait3A_179] : memref<2x128x128xf32, #tpu.memory_space<vmem>> -> memref<1x128x128xf32, #tpu.memory_space<vmem>>
        %dma_wait3A_181 = tpu.memref_squeeze %dma_wait3A_180 : memref<1x128x128xf32, #tpu.memory_space<vmem>> -> memref<128x128xf32, #tpu.memory_space<vmem>>
        %dma_wait3A_182 = arith.constant 0 : i32
        %dma_wait3A_183 = tpu.memref_slice %arg5[%dma_wait3A_175, %dma_wait3A_176, %add3A_174, %dma_wait3A_182] : memref<2x2x8x128xi32, #tpu.memory_space<vmem>> -> memref<1x1x1x128xi32, #tpu.memory_space<vmem>>
        %dma_wait3A_184 = tpu.memref_squeeze %dma_wait3A_183 : memref<1x1x1x128xi32, #tpu.memory_space<vmem>> -> memref<128xi32, #tpu.memory_space<vmem>>
        %dma_wait3A_185 = arith.constant 0 : i32
        %dma_wait3A_186 = arith.constant 0 : i32
        %dma_wait3A_187 = tpu.memref_slice %arg2[%dma_wait3A_185, %dma_wait3A_186] : memref<10240x128xf32, #tpu.memory_space<hbm>> -> memref<10240x128xf32, #tpu.memory_space<hbm>>
        tpu.wait_indirect_dma semaphore(%arg10 : memref<!tpu.dma_semaphore, #tpu.memory_space<semaphore_mem>>) src(%dma_wait3A_187 : memref<10240x128xf32, #tpu.memory_space<hbm>>) dst(%dma_wait3A_181 : memref<128x128xf32, #tpu.memory_space<vmem>>)
        %add3A_188 = arith.constant 1 : i32
        %add3A_189 = arith.addi %add3A_174, %add3A_188 : i32
        %lt3A_190 = arith.constant 8 : i32
        %lt3A_191 = arith.cmpi slt, %add3A_189, %lt3A_190 : i32
        %convert_element_type3A_192 = arith.extui %lt3A_191 : i1 to i32
        %cond3A_193 = arith.constant 0 : i32
        %cond3A_194 = arith.cmpi ne, %convert_element_type3A_192, %cond3A_193 : i32
        scf.if %cond3A_194 {
          %add3A_225 = arith.constant 1 : i32
          %add3A_226 = arith.addi %add3A_174, %add3A_225 : i32
          %dma_start3A_227 = arith.constant 1 : i32
          %dma_start3A_228 = arith.constant 0 : i32
          %dma_start3A_229 = arith.constant 1 : i32
          %dma_start3A_230 = arith.constant 0 : i32
          %dma_start3A_231 = arith.constant 0 : i32
          %dma_start3A_232 = tpu.memref_slice %arg6[%dma_start3A_229, %dma_start3A_230, %dma_start3A_231] : memref<2x128x128xf32, #tpu.memory_space<vmem>> -> memref<1x128x128xf32, #tpu.memory_space<vmem>>
          %dma_start3A_233 = tpu.memref_squeeze %dma_start3A_232 : memref<1x128x128xf32, #tpu.memory_space<vmem>> -> memref<128x128xf32, #tpu.memory_space<vmem>>
          %dma_start3A_234 = arith.constant 0 : i32
          %dma_start3A_235 = tpu.memref_slice %arg5[%dma_start3A_227, %dma_start3A_228, %add3A_226, %dma_start3A_234] : memref<2x2x8x128xi32, #tpu.memory_space<vmem>> -> memref<1x1x1x128xi32, #tpu.memory_space<vmem>>
          %dma_start3A_236 = tpu.memref_squeeze %dma_start3A_235 : memref<1x1x1x128xi32, #tpu.memory_space<vmem>> -> memref<128xi32, #tpu.memory_space<vmem>>
          %dma_start3A_237 = arith.constant 0 : i32
          %dma_start3A_238 = arith.constant 0 : i32
          %dma_start3A_239 = tpu.memref_slice %arg2[%dma_start3A_237, %dma_start3A_238] : memref<10240x128xf32, #tpu.memory_space<hbm>> -> memref<10240x128xf32, #tpu.memory_space<hbm>>
          tpu.enqueue_indirect_dma source(%dma_start3A_239 : memref<10240x128xf32, #tpu.memory_space<hbm>>) target(%dma_start3A_233 : memref<128x128xf32, #tpu.memory_space<vmem>>) offsets(%dma_start3A_236 : memref<128xi32, #tpu.memory_space<vmem>>) semaphore(%arg11 : memref<!tpu.dma_semaphore, #tpu.memory_space<semaphore_mem>>)
        } else {
        }
        %run_scoped3A_195 = arith.constant 0 : i32
        %run_scoped3A_196 = arith.constant 1 : i32
        %run_scoped3A_197 = arith.constant 1 : i32
        "tpu.region"() ({
          %run_scoped3A_225 = tpu.sem_alloc : memref<!tpu.dma_semaphore, #tpu.memory_space<semaphore_mem>>
          %dma_start3A_226 = arith.constant 0 : i32
          %dma_start3A_227 = arith.constant 0 : i32
          %dma_start3A_228 = tpu.memref_slice %arg6[%run_scoped3A_195, %dma_start3A_226, %dma_start3A_227] : memref<2x128x128xf32, #tpu.memory_space<vmem>> -> memref<1x128x128xf32, #tpu.memory_space<vmem>>
          %dma_start3A_229 = tpu.memref_squeeze %dma_start3A_228 : memref<1x128x128xf32, #tpu.memory_space<vmem>> -> memref<128x128xf32, #tpu.memory_space<vmem>>
          %dma_start3A_230 = arith.constant 0 : i32
          %dma_start3A_231 = tpu.memref_slice %arg5[%run_scoped3A_196, %run_scoped3A_197, %add3A_174, %dma_start3A_230] : memref<2x2x8x128xi32, #tpu.memory_space<vmem>> -> memref<1x1x1x128xi32, #tpu.memory_space<vmem>>
          %dma_start3A_232 = tpu.memref_squeeze %dma_start3A_231 : memref<1x1x1x128xi32, #tpu.memory_space<vmem>> -> memref<128xi32, #tpu.memory_space<vmem>>
          %dma_start3A_233 = arith.constant 0 : i32
          %dma_start3A_234 = arith.constant 0 : i32
          %dma_start3A_235 = tpu.memref_slice %arg7[%dma_start3A_233, %dma_start3A_234] : memref<10240x128xf32, #tpu.memory_space<vmem_shared>> -> memref<10240x128xf32, #tpu.memory_space<vmem_shared>>
          tpu.enqueue_indirect_dma source(%dma_start3A_229 : memref<128x128xf32, #tpu.memory_space<vmem>>) target(%dma_start3A_235 : memref<10240x128xf32, #tpu.memory_space<vmem_shared>>) offsets(%dma_start3A_232 : memref<128xi32, #tpu.memory_space<vmem>>) semaphore(%run_scoped3A_225 : memref<!tpu.dma_semaphore, #tpu.memory_space<semaphore_mem>>) {add = true}
          %dma_wait3A_236 = arith.constant 0 : i32
          %dma_wait3A_237 = arith.constant 0 : i32
          %dma_wait3A_238 = tpu.memref_slice %arg6[%run_scoped3A_195, %dma_wait3A_236, %dma_wait3A_237] : memref<2x128x128xf32, #tpu.memory_space<vmem>> -> memref<1x128x128xf32, #tpu.memory_space<vmem>>
          %dma_wait3A_239 = tpu.memref_squeeze %dma_wait3A_238 : memref<1x128x128xf32, #tpu.memory_space<vmem>> -> memref<128x128xf32, #tpu.memory_space<vmem>>
          %dma_wait3A_240 = arith.constant 0 : i32
          %dma_wait3A_241 = tpu.memref_slice %arg5[%run_scoped3A_196, %run_scoped3A_197, %add3A_174, %dma_wait3A_240] : memref<2x2x8x128xi32, #tpu.memory_space<vmem>> -> memref<1x1x1x128xi32, #tpu.memory_space<vmem>>
          %dma_wait3A_242 = tpu.memref_squeeze %dma_wait3A_241 : memref<1x1x1x128xi32, #tpu.memory_space<vmem>> -> memref<128xi32, #tpu.memory_space<vmem>>
          %dma_wait3A_243 = arith.constant 0 : i32
          %dma_wait3A_244 = arith.constant 0 : i32
          %dma_wait3A_245 = tpu.memref_slice %arg7[%dma_wait3A_243, %dma_wait3A_244] : memref<10240x128xf32, #tpu.memory_space<vmem_shared>> -> memref<10240x128xf32, #tpu.memory_space<vmem_shared>>
          tpu.wait_indirect_dma semaphore(%run_scoped3A_225 : memref<!tpu.dma_semaphore, #tpu.memory_space<semaphore_mem>>) src(%dma_wait3A_239 : memref<128x128xf32, #tpu.memory_space<vmem>>) dst(%dma_wait3A_245 : memref<10240x128xf32, #tpu.memory_space<vmem_shared>>)
          tpu.yield
        }) : () -> ()
        %mul3A_198 = arith.constant 2 : i32
        %mul3A_199 = arith.muli %scan3A_170, %mul3A_198 : i32
        %add3A_200 = arith.constant 1 : i32
        %add3A_201 = arith.addi %mul3A_199, %add3A_200 : i32
        %dma_wait3A_202 = arith.constant 1 : i32
        %dma_wait3A_203 = arith.constant 0 : i32
        %dma_wait3A_204 = arith.constant 1 : i32
        %dma_wait3A_205 = arith.constant 0 : i32
        %dma_wait3A_206 = arith.constant 0 : i32
        %dma_wait3A_207 = tpu.memref_slice %arg6[%dma_wait3A_204, %dma_wait3A_205, %dma_wait3A_206] : memref<2x128x128xf32, #tpu.memory_space<vmem>> -> memref<1x128x128xf32, #tpu.memory_space<vmem>>
        %dma_wait3A_208 = tpu.memref_squeeze %dma_wait3A_207 : memref<1x128x128xf32, #tpu.memory_space<vmem>> -> memref<128x128xf32, #tpu.memory_space<vmem>>
        %dma_wait3A_209 = arith.constant 0 : i32
        %dma_wait3A_210 = tpu.memref_slice %arg5[%dma_wait3A_202, %dma_wait3A_203, %add3A_201, %dma_wait3A_209] : memref<2x2x8x128xi32, #tpu.memory_space<vmem>> -> memref<1x1x1x128xi32, #tpu.memory_space<vmem>>
        %dma_wait3A_211 = tpu.memref_squeeze %dma_wait3A_210 : memref<1x1x1x128xi32, #tpu.memory_space<vmem>> -> memref<128xi32, #tpu.memory_space<vmem>>
        %dma_wait3A_212 = arith.constant 0 : i32
        %dma_wait3A_213 = arith.constant 0 : i32
        %dma_wait3A_214 = tpu.memref_slice %arg2[%dma_wait3A_212, %dma_wait3A_213] : memref<10240x128xf32, #tpu.memory_space<hbm>> -> memref<10240x128xf32, #tpu.memory_space<hbm>>
        tpu.wait_indirect_dma semaphore(%arg11 : memref<!tpu.dma_semaphore, #tpu.memory_space<semaphore_mem>>) src(%dma_wait3A_214 : memref<10240x128xf32, #tpu.memory_space<hbm>>) dst(%dma_wait3A_208 : memref<128x128xf32, #tpu.memory_space<vmem>>)
        %add3A_215 = arith.constant 1 : i32
        %add3A_216 = arith.addi %add3A_201, %add3A_215 : i32
        %lt3A_217 = arith.constant 8 : i32
        %lt3A_218 = arith.cmpi slt, %add3A_216, %lt3A_217 : i32
        %convert_element_type3A_219 = arith.extui %lt3A_218 : i1 to i32
        %cond3A_220 = arith.constant 0 : i32
        %cond3A_221 = arith.cmpi ne, %convert_element_type3A_219, %cond3A_220 : i32
        scf.if %cond3A_221 {
          %add3A_225 = arith.constant 1 : i32
          %add3A_226 = arith.addi %add3A_201, %add3A_225 : i32
          %dma_start3A_227 = arith.constant 1 : i32
          %dma_start3A_228 = arith.constant 0 : i32
          %dma_start3A_229 = arith.constant 0 : i32
          %dma_start3A_230 = arith.constant 0 : i32
          %dma_start3A_231 = arith.constant 0 : i32
          %dma_start3A_232 = tpu.memref_slice %arg6[%dma_start3A_229, %dma_start3A_230, %dma_start3A_231] : memref<2x128x128xf32, #tpu.memory_space<vmem>> -> memref<1x128x128xf32, #tpu.memory_space<vmem>>
          %dma_start3A_233 = tpu.memref_squeeze %dma_start3A_232 : memref<1x128x128xf32, #tpu.memory_space<vmem>> -> memref<128x128xf32, #tpu.memory_space<vmem>>
          %dma_start3A_234 = arith.constant 0 : i32
          %dma_start3A_235 = tpu.memref_slice %arg5[%dma_start3A_227, %dma_start3A_228, %add3A_226, %dma_start3A_234] : memref<2x2x8x128xi32, #tpu.memory_space<vmem>> -> memref<1x1x1x128xi32, #tpu.memory_space<vmem>>
          %dma_start3A_236 = tpu.memref_squeeze %dma_start3A_235 : memref<1x1x1x128xi32, #tpu.memory_space<vmem>> -> memref<128xi32, #tpu.memory_space<vmem>>
          %dma_start3A_237 = arith.constant 0 : i32
          %dma_start3A_238 = arith.constant 0 : i32
          %dma_start3A_239 = tpu.memref_slice %arg2[%dma_start3A_237, %dma_start3A_238] : memref<10240x128xf32, #tpu.memory_space<hbm>> -> memref<10240x128xf32, #tpu.memory_space<hbm>>
          tpu.enqueue_indirect_dma source(%dma_start3A_239 : memref<10240x128xf32, #tpu.memory_space<hbm>>) target(%dma_start3A_233 : memref<128x128xf32, #tpu.memory_space<vmem>>) offsets(%dma_start3A_236 : memref<128xi32, #tpu.memory_space<vmem>>) semaphore(%arg10 : memref<!tpu.dma_semaphore, #tpu.memory_space<semaphore_mem>>)
        } else {
        }
        %run_scoped3A_222 = arith.constant 1 : i32
        %run_scoped3A_223 = arith.constant 1 : i32
        %run_scoped3A_224 = arith.constant 1 : i32
        "tpu.region"() ({
          %run_scoped3A_225 = tpu.sem_alloc : memref<!tpu.dma_semaphore, #tpu.memory_space<semaphore_mem>>
          %dma_start3A_226 = arith.constant 0 : i32
          %dma_start3A_227 = arith.constant 0 : i32
          %dma_start3A_228 = tpu.memref_slice %arg6[%run_scoped3A_222, %dma_start3A_226, %dma_start3A_227] : memref<2x128x128xf32, #tpu.memory_space<vmem>> -> memref<1x128x128xf32, #tpu.memory_space<vmem>>
          %dma_start3A_229 = tpu.memref_squeeze %dma_start3A_228 : memref<1x128x128xf32, #tpu.memory_space<vmem>> -> memref<128x128xf32, #tpu.memory_space<vmem>>
          %dma_start3A_230 = arith.constant 0 : i32
          %dma_start3A_231 = tpu.memref_slice %arg5[%run_scoped3A_223, %run_scoped3A_224, %add3A_201, %dma_start3A_230] : memref<2x2x8x128xi32, #tpu.memory_space<vmem>> -> memref<1x1x1x128xi32, #tpu.memory_space<vmem>>
          %dma_start3A_232 = tpu.memref_squeeze %dma_start3A_231 : memref<1x1x1x128xi32, #tpu.memory_space<vmem>> -> memref<128xi32, #tpu.memory_space<vmem>>
          %dma_start3A_233 = arith.constant 0 : i32
          %dma_start3A_234 = arith.constant 0 : i32
          %dma_start3A_235 = tpu.memref_slice %arg7[%dma_start3A_233, %dma_start3A_234] : memref<10240x128xf32, #tpu.memory_space<vmem_shared>> -> memref<10240x128xf32, #tpu.memory_space<vmem_shared>>
          tpu.enqueue_indirect_dma source(%dma_start3A_229 : memref<128x128xf32, #tpu.memory_space<vmem>>) target(%dma_start3A_235 : memref<10240x128xf32, #tpu.memory_space<vmem_shared>>) offsets(%dma_start3A_232 : memref<128xi32, #tpu.memory_space<vmem>>) semaphore(%run_scoped3A_225 : memref<!tpu.dma_semaphore, #tpu.memory_space<semaphore_mem>>) {add = true}
          %dma_wait3A_236 = arith.constant 0 : i32
          %dma_wait3A_237 = arith.constant 0 : i32
          %dma_wait3A_238 = tpu.memref_slice %arg6[%run_scoped3A_222, %dma_wait3A_236, %dma_wait3A_237] : memref<2x128x128xf32, #tpu.memory_space<vmem>> -> memref<1x128x128xf32, #tpu.memory_space<vmem>>
          %dma_wait3A_239 = tpu.memref_squeeze %dma_wait3A_238 : memref<1x128x128xf32, #tpu.memory_space<vmem>> -> memref<128x128xf32, #tpu.memory_space<vmem>>
          %dma_wait3A_240 = arith.constant 0 : i32
          %dma_wait3A_241 = tpu.memref_slice %arg5[%run_scoped3A_223, %run_scoped3A_224, %add3A_201, %dma_wait3A_240] : memref<2x2x8x128xi32, #tpu.memory_space<vmem>> -> memref<1x1x1x128xi32, #tpu.memory_space<vmem>>
          %dma_wait3A_242 = tpu.memref_squeeze %dma_wait3A_241 : memref<1x1x1x128xi32, #tpu.memory_space<vmem>> -> memref<128xi32, #tpu.memory_space<vmem>>
          %dma_wait3A_243 = arith.constant 0 : i32
          %dma_wait3A_244 = arith.constant 0 : i32
          %dma_wait3A_245 = tpu.memref_slice %arg7[%dma_wait3A_243, %dma_wait3A_244] : memref<10240x128xf32, #tpu.memory_space<vmem_shared>> -> memref<10240x128xf32, #tpu.memory_space<vmem_shared>>
          tpu.wait_indirect_dma semaphore(%run_scoped3A_225 : memref<!tpu.dma_semaphore, #tpu.memory_space<semaphore_mem>>) src(%dma_wait3A_239 : memref<128x128xf32, #tpu.memory_space<vmem>>) dst(%dma_wait3A_245 : memref<10240x128xf32, #tpu.memory_space<vmem_shared>>)
          tpu.yield
        }) : () -> ()
      }
      %scan3A_169 = arith.constant 4 : i32
    }
    %scan3A_56 = arith.constant 5 : i32
    %barrier3A_57 = arith.constant 0 : index
    tpu.barrier barrier_id(%barrier3A_57)
    %scan3A_58 = arith.constant 0 : i32
    %scan3A_59 = arith.constant 0 : i32
    %scan3A_60 = arith.constant 1024 : i32
    %scan3A_61 = arith.addi %scan3A_59, %scan3A_60 : i32
    %scan3A_62 = arith.constant 1 : i32
    scf.for %scan3A_69 = %scan3A_59 to %scan3A_61 step %scan3A_62  : i32 {
      %broadcast_in_dim3A = arith.constant 0.000000e+00 : f32
      %broadcast_in_dim3A_70 = vector.broadcast %broadcast_in_dim3A : f32 to vector<16xf32>
      %jit3A = arith.constant 128 : i32
      %eq3A = arith.constant 0 : i32
      %eq3A_71 = arith.cmpi eq, %jit3A, %eq3A : i32
      %jit3A_72 = arith.constant 1 : i32
      %select_n3A = arith.select %eq3A_71, %jit3A_72, %jit3A : i32
      %rem3A = arith.remsi %scan3A_69, %select_n3A : i32
      %ne3A = arith.constant 0 : i32
      %ne3A_73 = arith.cmpi ne, %rem3A, %ne3A : i32
      %lt3A = arith.constant 0 : i32
      %lt3A_74 = arith.cmpi slt, %rem3A, %lt3A : i32
      %lt3A_75 = arith.constant 0 : i32
      %lt3A_76 = arith.cmpi slt, %select_n3A, %lt3A_75 : i32
      %ne3A_77 = arith.xori %lt3A_74, %lt3A_76 : i1
      %and3A = arith.andi %ne3A_77, %ne3A_73 : i1
      %add3A_78 = arith.addi %rem3A, %select_n3A : i32
      %select_n3A_79 = arith.select %and3A, %add3A_78, %rem3A : i32
      %swap3A = arith.constant 0 : i32
      %swap3A_80 = arith.index_cast %swap3A : i32 to index
      %swap3A_81 = arith.index_cast %select_n3A_79 : i32 to index
      %swap3A_82 = arith.constant 0 : index
      %swap3A_83 = tpu.vector_load %arg6[%swap3A_80, %swap3A_81, %swap3A_82] {strides = array<i32>} : memref<2x128x128xf32, #tpu.memory_space<vmem>>, vector<1x1x16xf32>,
      %swap3A_84 = vector.shape_cast %swap3A_83 : vector<1x1x16xf32> to vector<16xf32>
      %swap3A_85 = vector.shape_cast %broadcast_in_dim3A_70 : vector<16xf32> to vector<1x1x16xf32>
      tpu.vector_store %arg6[%swap3A_80, %swap3A_81, %swap3A_82], %swap3A_85 {strides = array<i32>} : memref<2x128x128xf32, #tpu.memory_space<vmem>>, vector<1x1x16xf32>,
      %broadcast_in_dim3A_86 = arith.constant 0.000000e+00 : f32
      %broadcast_in_dim3A_87 = vector.broadcast %broadcast_in_dim3A_86 : f32 to vector<16xf32>
      %jit3A_88 = arith.constant 128 : i32
      %eq3A_89 = arith.constant 0 : i32
      %eq3A_90 = arith.cmpi eq, %jit3A_88, %eq3A_89 : i32
      %jit3A_91 = arith.constant 1 : i32
      %select_n3A_92 = arith.select %eq3A_90, %jit3A_91, %jit3A_88 : i32
      %rem3A_93 = arith.remsi %scan3A_69, %select_n3A_92 : i32
      %ne3A_94 = arith.constant 0 : i32
      %ne3A_95 = arith.cmpi ne, %rem3A_93, %ne3A_94 : i32
      %lt3A_96 = arith.constant 0 : i32
      %lt3A_97 = arith.cmpi slt, %rem3A_93, %lt3A_96 : i32
      %lt3A_98 = arith.constant 0 : i32
      %lt3A_99 = arith.cmpi slt, %select_n3A_92, %lt3A_98 : i32
      %ne3A_100 = arith.xori %lt3A_97, %lt3A_99 : i1
      %and3A_101 = arith.andi %ne3A_100, %ne3A_95 : i1
      %add3A_102 = arith.addi %rem3A_93, %select_n3A_92 : i32
      %select_n3A_103 = arith.select %and3A_101, %add3A_102, %rem3A_93 : i32
      %swap3A_104 = arith.constant 0 : i32
      %swap3A_105 = arith.index_cast %swap3A_104 : i32 to index
      %swap3A_106 = arith.index_cast %select_n3A_103 : i32 to index
      %swap3A_107 = arith.constant 16 : index
      %swap3A_108 = tpu.vector_load %arg6[%swap3A_105, %swap3A_106, %swap3A_107] {strides = array<i32>} : memref<2x128x128xf32, #tpu.memory_space<vmem>>, vector<1x1x16xf32>,
      %swap3A_109 = vector.shape_cast %swap3A_108 : vector<1x1x16xf32> to vector<16xf32>
      %swap3A_110 = vector.shape_cast %broadcast_in_dim3A_87 : vector<16xf32> to vector<1x1x16xf32>
      tpu.vector_store %arg6[%swap3A_105, %swap3A_106, %swap3A_107], %swap3A_110 {strides = array<i32>} : memref<2x128x128xf32, #tpu.memory_space<vmem>>, vector<1x1x16xf32>,
      %broadcast_in_dim3A_111 = arith.constant 0.000000e+00 : f32
      %broadcast_in_dim3A_112 = vector.broadcast %broadcast_in_dim3A_111 : f32 to vector<16xf32>
      %jit3A_113 = arith.constant 128 : i32
      %eq3A_114 = arith.constant 0 : i32
      %eq3A_115 = arith.cmpi eq, %jit3A_113, %eq3A_114 : i32
      %jit3A_116 = arith.constant 1 : i32
      %select_n3A_117 = arith.select %eq3A_115, %jit3A_116, %jit3A_113 : i32
      %rem3A_118 = arith.remsi %scan3A_69, %select_n3A_117 : i32
      %ne3A_119 = arith.constant 0 : i32
      %ne3A_120 = arith.cmpi ne, %rem3A_118, %ne3A_119 : i32
      %lt3A_121 = arith.constant 0 : i32
      %lt3A_122 = arith.cmpi slt, %rem3A_118, %lt3A_121 : i32
      %lt3A_123 = arith.constant 0 : i32
      %lt3A_124 = arith.cmpi slt, %select_n3A_117, %lt3A_123 : i32
      %ne3A_125 = arith.xori %lt3A_122, %lt3A_124 : i1
      %and3A_126 = arith.andi %ne3A_125, %ne3A_120 : i1
      %add3A_127 = arith.addi %rem3A_118, %select_n3A_117 : i32
      %select_n3A_128 = arith.select %and3A_126, %add3A_127, %rem3A_118 : i32
      %swap3A_129 = arith.constant 0 : i32
      %swap3A_130 = arith.index_cast %swap3A_129 : i32 to index
      %swap3A_131 = arith.index_cast %select_n3A_128 : i32 to index
      %swap3A_132 = arith.constant 32 : index
      %swap3A_133 = tpu.vector_load %arg6[%swap3A_130, %swap3A_131, %swap3A_132] {strides = array<i32>} : memref<2x128x128xf32, #tpu.memory_space<vmem>>, vector<1x1x16xf32>,
      %swap3A_134 = vector.shape_cast %swap3A_133 : vector<1x1x16xf32> to vector<16xf32>
      %swap3A_135 = vector.shape_cast %broadcast_in_dim3A_112 : vector<16xf32> to vector<1x1x16xf32>
      tpu.vector_store %arg6[%swap3A_130, %swap3A_131, %swap3A_132], %swap3A_135 {strides = array<i32>} : memref<2x128x128xf32, #tpu.memory_space<vmem>>, vector<1x1x16xf32>,
      %broadcast_in_dim3A_136 = arith.constant 0.000000e+00 : f32
      %broadcast_in_dim3A_137 = vector.broadcast %broadcast_in_dim3A_136 : f32 to vector<16xf32>
      %jit3A_138 = arith.constant 128 : i32
      %eq3A_139 = arith.constant 0 : i32
      %eq3A_140 = arith.cmpi eq, %jit3A_138, %eq3A_139 : i32
      %jit3A_141 = arith.constant 1 : i32
      %select_n3A_142 = arith.select %eq3A_140, %jit3A_141, %jit3A_138 : i32
      %rem3A_143 = arith.remsi %scan3A_69, %select_n3A_142 : i32
      %ne3A_144 = arith.constant 0 : i32
      %ne3A_145 = arith.cmpi ne, %rem3A_143, %ne3A_144 : i32
      %lt3A_146 = arith.constant 0 : i32
      %lt3A_147 = arith.cmpi slt, %rem3A_143, %lt3A_146 : i32
      %lt3A_148 = arith.constant 0 : i32
      %lt3A_149 = arith.cmpi slt, %select_n3A_142, %lt3A_148 : i32
      %ne3A_150 = arith.xori %lt3A_147, %lt3A_149 : i1
      %and3A_151 = arith.andi %ne3A_150, %ne3A_145 : i1
      %add3A_152 = arith.addi %rem3A_143, %select_n3A_142 : i32
      %select_n3A_153 = arith.select %and3A_151, %add3A_152, %rem3A_143 : i32
      %swap3A_154 = arith.constant 0 : i32
      %swap3A_155 = arith.index_cast %swap3A_154 : i32 to index
      %swap3A_156 = arith.index_cast %select_n3A_153 : i32 to index
      %swap3A_157 = arith.constant 48 : index
      %swap3A_158 = tpu.vector_load %arg6[%swap3A_155, %swap3A_156, %swap3A_157] {strides = array<i32>} : memref<2x128x128xf32, #tpu.memory_space<vmem>>, vector<1x1x16xf32>,
      %swap3A_159 = vector.shape_cast %swap3A_158 : vector<1x1x16xf32> to vector<16xf32>
      %swap3A_160 = vector.shape_cast %broadcast_in_dim3A_137 : vector<16xf32> to vector<1x1x16xf32>
      tpu.vector_store %arg6[%swap3A_155, %swap3A_156, %swap3A_157], %swap3A_160 {strides = array<i32>} : memref<2x128x128xf32, #tpu.memory_space<vmem>>, vector<1x1x16xf32>,
      %broadcast_in_dim3A_161 = arith.constant 0.000000e+00 : f32
      %broadcast_in_dim3A_162 = vector.broadcast %broadcast_in_dim3A_161 : f32 to vector<16xf32>
      %jit3A_163 = arith.constant 128 : i32
      %eq3A_164 = arith.constant 0 : i32
      %eq3A_165 = arith.cmpi eq, %jit3A_163, %eq3A_164 : i32
      %jit3A_166 = arith.constant 1 : i32
      %select_n3A_167 = arith.select %eq3A_165, %jit3A_166, %jit3A_163 : i32
      %rem3A_168 = arith.remsi %scan3A_69, %select_n3A_167 : i32
      %ne3A_169 = arith.constant 0 : i32
      %ne3A_170 = arith.cmpi ne, %rem3A_168, %ne3A_169 : i32
      %lt3A_171 = arith.constant 0 : i32
      %lt3A_172 = arith.cmpi slt, %rem3A_168, %lt3A_171 : i32
      %lt3A_173 = arith.constant 0 : i32
      %lt3A_174 = arith.cmpi slt, %select_n3A_167, %lt3A_173 : i32
      %ne3A_175 = arith.xori %lt3A_172, %lt3A_174 : i1
      %and3A_176 = arith.andi %ne3A_175, %ne3A_170 : i1
      %add3A_177 = arith.addi %rem3A_168, %select_n3A_167 : i32
      %select_n3A_178 = arith.select %and3A_176, %add3A_177, %rem3A_168 : i32
      %swap3A_179 = arith.constant 0 : i32
      %swap3A_180 = arith.index_cast %swap3A_179 : i32 to index
      %swap3A_181 = arith.index_cast %select_n3A_178 : i32 to index
      %swap3A_182 = arith.constant 64 : index
      %swap3A_183 = tpu.vector_load %arg6[%swap3A_180, %swap3A_181, %swap3A_182] {strides = array<i32>} : memref<2x128x128xf32, #tpu.memory_space<vmem>>, vector<1x1x16xf32>,
      %swap3A_184 = vector.shape_cast %swap3A_183 : vector<1x1x16xf32> to vector<16xf32>
      %swap3A_185 = vector.shape_cast %broadcast_in_dim3A_162 : vector<16xf32> to vector<1x1x16xf32>
      tpu.vector_store %arg6[%swap3A_180, %swap3A_181, %swap3A_182], %swap3A_185 {strides = array<i32>} : memref<2x128x128xf32, #tpu.memory_space<vmem>>, vector<1x1x16xf32>,
      %broadcast_in_dim3A_186 = arith.constant 0.000000e+00 : f32
      %broadcast_in_dim3A_187 = vector.broadcast %broadcast_in_dim3A_186 : f32 to vector<16xf32>
      %jit3A_188 = arith.constant 128 : i32
      %eq3A_189 = arith.constant 0 : i32
      %eq3A_190 = arith.cmpi eq, %jit3A_188, %eq3A_189 : i32
      %jit3A_191 = arith.constant 1 : i32
      %select_n3A_192 = arith.select %eq3A_190, %jit3A_191, %jit3A_188 : i32
      %rem3A_193 = arith.remsi %scan3A_69, %select_n3A_192 : i32
      %ne3A_194 = arith.constant 0 : i32
      %ne3A_195 = arith.cmpi ne, %rem3A_193, %ne3A_194 : i32
      %lt3A_196 = arith.constant 0 : i32
      %lt3A_197 = arith.cmpi slt, %rem3A_193, %lt3A_196 : i32
      %lt3A_198 = arith.constant 0 : i32
      %lt3A_199 = arith.cmpi slt, %select_n3A_192, %lt3A_198 : i32
      %ne3A_200 = arith.xori %lt3A_197, %lt3A_199 : i1
      %and3A_201 = arith.andi %ne3A_200, %ne3A_195 : i1
      %add3A_202 = arith.addi %rem3A_193, %select_n3A_192 : i32
      %select_n3A_203 = arith.select %and3A_201, %add3A_202, %rem3A_193 : i32
      %swap3A_204 = arith.constant 0 : i32
      %swap3A_205 = arith.index_cast %swap3A_204 : i32 to index
      %swap3A_206 = arith.index_cast %select_n3A_203 : i32 to index
      %swap3A_207 = arith.constant 80 : index
      %swap3A_208 = tpu.vector_load %arg6[%swap3A_205, %swap3A_206, %swap3A_207] {strides = array<i32>} : memref<2x128x128xf32, #tpu.memory_space<vmem>>, vector<1x1x16xf32>,
      %swap3A_209 = vector.shape_cast %swap3A_208 : vector<1x1x16xf32> to vector<16xf32>
      %swap3A_210 = vector.shape_cast %broadcast_in_dim3A_187 : vector<16xf32> to vector<1x1x16xf32>
      tpu.vector_store %arg6[%swap3A_205, %swap3A_206, %swap3A_207], %swap3A_210 {strides = array<i32>} : memref<2x128x128xf32, #tpu.memory_space<vmem>>, vector<1x1x16xf32>,
      %broadcast_in_dim3A_211 = arith.constant 0.000000e+00 : f32
      %broadcast_in_dim3A_212 = vector.broadcast %broadcast_in_dim3A_211 : f32 to vector<16xf32>
      %jit3A_213 = arith.constant 128 : i32
      %eq3A_214 = arith.constant 0 : i32
      %eq3A_215 = arith.cmpi eq, %jit3A_213, %eq3A_214 : i32
      %jit3A_216 = arith.constant 1 : i32
      %select_n3A_217 = arith.select %eq3A_215, %jit3A_216, %jit3A_213 : i32
      %rem3A_218 = arith.remsi %scan3A_69, %select_n3A_217 : i32
      %ne3A_219 = arith.constant 0 : i32
      %ne3A_220 = arith.cmpi ne, %rem3A_218, %ne3A_219 : i32
      %lt3A_221 = arith.constant 0 : i32
      %lt3A_222 = arith.cmpi slt, %rem3A_218, %lt3A_221 : i32
      %lt3A_223 = arith.constant 0 : i32
      %lt3A_224 = arith.cmpi slt, %select_n3A_217, %lt3A_223 : i32
      %ne3A_225 = arith.xori %lt3A_222, %lt3A_224 : i1
      %and3A_226 = arith.andi %ne3A_225, %ne3A_220 : i1
      %add3A_227 = arith.addi %rem3A_218, %select_n3A_217 : i32
      %select_n3A_228 = arith.select %and3A_226, %add3A_227, %rem3A_218 : i32
      %swap3A_229 = arith.constant 0 : i32
      %swap3A_230 = arith.index_cast %swap3A_229 : i32 to index
      %swap3A_231 = arith.index_cast %select_n3A_228 : i32 to index
      %swap3A_232 = arith.constant 96 : index
      %swap3A_233 = tpu.vector_load %arg6[%swap3A_230, %swap3A_231, %swap3A_232] {strides = array<i32>} : memref<2x128x128xf32, #tpu.memory_space<vmem>>, vector<1x1x16xf32>,
      %swap3A_234 = vector.shape_cast %swap3A_233 : vector<1x1x16xf32> to vector<16xf32>
      %swap3A_235 = vector.shape_cast %broadcast_in_dim3A_212 : vector<16xf32> to vector<1x1x16xf32>
      tpu.vector_store %arg6[%swap3A_230, %swap3A_231, %swap3A_232], %swap3A_235 {strides = array<i32>} : memref<2x128x128xf32, #tpu.memory_space<vmem>>, vector<1x1x16xf32>,
      %broadcast_in_dim3A_236 = arith.constant 0.000000e+00 : f32
      %broadcast_in_dim3A_237 = vector.broadcast %broadcast_in_dim3A_236 : f32 to vector<16xf32>
      %jit3A_238 = arith.constant 128 : i32
      %eq3A_239 = arith.constant 0 : i32
      %eq3A_240 = arith.cmpi eq, %jit3A_238, %eq3A_239 : i32
      %jit3A_241 = arith.constant 1 : i32
      %select_n3A_242 = arith.select %eq3A_240, %jit3A_241, %jit3A_238 : i32
      %rem3A_243 = arith.remsi %scan3A_69, %select_n3A_242 : i32
      %ne3A_244 = arith.constant 0 : i32
      %ne3A_245 = arith.cmpi ne, %rem3A_243, %ne3A_244 : i32
      %lt3A_246 = arith.constant 0 : i32
      %lt3A_247 = arith.cmpi slt, %rem3A_243, %lt3A_246 : i32
      %lt3A_248 = arith.constant 0 : i32
      %lt3A_249 = arith.cmpi slt, %select_n3A_242, %lt3A_248 : i32
      %ne3A_250 = arith.xori %lt3A_247, %lt3A_249 : i1
      %and3A_251 = arith.andi %ne3A_250, %ne3A_245 : i1
      %add3A_252 = arith.addi %rem3A_243, %select_n3A_242 : i32
      %select_n3A_253 = arith.select %and3A_251, %add3A_252, %rem3A_243 : i32
      %swap3A_254 = arith.constant 0 : i32
      %swap3A_255 = arith.index_cast %swap3A_254 : i32 to index
      %swap3A_256 = arith.index_cast %select_n3A_253 : i32 to index
      %swap3A_257 = arith.constant 112 : index
      %swap3A_258 = tpu.vector_load %arg6[%swap3A_255, %swap3A_256, %swap3A_257] {strides = array<i32>} : memref<2x128x128xf32, #tpu.memory_space<vmem>>, vector<1x1x16xf32>,
      %swap3A_259 = vector.shape_cast %swap3A_258 : vector<1x1x16xf32> to vector<16xf32>
      %swap3A_260 = vector.shape_cast %broadcast_in_dim3A_237 : vector<16xf32> to vector<1x1x16xf32>
      tpu.vector_store %arg6[%swap3A_255, %swap3A_256, %swap3A_257], %swap3A_260 {strides = array<i32>} : memref<2x128x128xf32, #tpu.memory_space<vmem>>, vector<1x1x16xf32>,
    }
    %scan3A_63 = arith.constant 1024 : i32
    %barrier3A_64 = arith.constant 0 : index
    tpu.barrier barrier_id(%barrier3A_64)
    %mul3A_65 = arith.constant 640 : i32
    %mul3A_66 = arith.muli %arg1, %mul3A_65 : i32
    %mul3A_67 = arith.constant 640 : i32
    %mul3A_68 = arith.muli %arg1, %mul3A_67 : i32
    "tpu.region"() ({
      %run_scoped3A_69 = tpu.sem_alloc : memref<!tpu.dma_semaphore, #tpu.memory_space<semaphore_mem>>
      %dma_start3A_70 = arith.constant 0 : i32
      %dma_start3A_71 = tpu.memref_slice %arg4[%arg0, %mul3A_68, %dma_start3A_70] : memref<2x10240x128xf32, #tpu.memory_space<hbm>> -> memref<1x640x128xf32, #tpu.memory_space<hbm>>
      %dma_start3A_72 = tpu.memref_squeeze %dma_start3A_71 : memref<1x640x128xf32, #tpu.memory_space<hbm>> -> memref<640x128xf32, #tpu.memory_space<hbm>>
      %dma_start3A_73 = arith.constant 0 : i32
      %dma_start3A_74 = tpu.memref_slice %arg7[%mul3A_66, %dma_start3A_73] : memref<10240x128xf32, #tpu.memory_space<vmem_shared>> -> memref<640x128xf32, #tpu.memory_space<vmem_shared>>
      tpu.enqueue_dma source(%dma_start3A_74 : memref<640x128xf32, #tpu.memory_space<vmem_shared>>) target(%dma_start3A_72 : memref<640x128xf32, #tpu.memory_space<hbm>>) target_semaphore(%run_scoped3A_69 : memref<!tpu.dma_semaphore, #tpu.memory_space<semaphore_mem>>)
      %dma_wait3A = arith.constant 0 : i32
      %dma_wait3A_75 = tpu.memref_slice %arg4[%arg0, %mul3A_68, %dma_wait3A] : memref<2x10240x128xf32, #tpu.memory_space<hbm>> -> memref<1x640x128xf32, #tpu.memory_space<hbm>>
      %dma_wait3A_76 = tpu.memref_squeeze %dma_wait3A_75 : memref<1x640x128xf32, #tpu.memory_space<hbm>> -> memref<640x128xf32, #tpu.memory_space<hbm>>
      %dma_wait3A_77 = arith.constant 0 : i32
      %dma_wait3A_78 = tpu.memref_slice %arg7[%mul3A_66, %dma_wait3A_77] : memref<10240x128xf32, #tpu.memory_space<vmem_shared>> -> memref<640x128xf32, #tpu.memory_space<vmem_shared>>
      tpu.wait_dma2 semaphore(%run_scoped3A_69 : memref<!tpu.dma_semaphore, #tpu.memory_space<semaphore_mem>>) src(%dma_wait3A_78 : memref<640x128xf32, #tpu.memory_space<vmem_shared>>) dst(%dma_wait3A_76 : memref<640x128xf32, #tpu.memory_space<hbm>>)
      tpu.yield
    }) : () -> ()
    return
  }
}

#map = affine_map<(d0, d1) -> (0, 0, 0)>
module attributes {stable_mosaic.version = 14 : i64} {
  func.func @deg_kernel(%arg0: i32, %arg1: i32, %arg2: memref<32x80x128xi32, #tpu.memory_space<hbm>>, %arg3: memref<2x10240x16xf32, #tpu.memory_space<hbm>>, %arg4: memref<80x128xi32, #tpu.memory_space<vmem>>, %arg5: memref<128x16xf32, #tpu.memory_space<vmem>>, %arg6: memref<10240x16xf32, #tpu.memory_space<vmem_shared>>) attributes {dimension_semantics = [#tpu.dimension_semantics<core_parallel>, #tpu.dimension_semantics<subcore_parallel>], iteration_bounds = array<i64: 2, 16>, scalar_prefetch = 0 : i64, scratch_operands = 3 : i64, tpu.core_type = #tpu.core_type<sc_vector_subcore>, window_params = [{transform_indices = #map}, {transform_indices = #map}]} {
    %mul3A = arith.constant 2 : i32
    %mul3A_0 = arith.muli %arg1, %mul3A : i32
    %add3A = arith.addi %mul3A_0, %arg0 : i32
    %scan3A = arith.constant 0.000000e+00 : f32
    %scan3A_1 = arith.constant 0 : i32
    %scan3A_2 = arith.constant 128 : i32
    %scan3A_3 = arith.addi %scan3A_1, %scan3A_2 : i32
    %scan3A_4 = arith.constant 1 : i32
    scf.for %scan3A_50 = %scan3A_1 to %scan3A_3 step %scan3A_4  : i32 {
      %broadcast_in_dim3A = vector.broadcast %scan3A : f32 to vector<16xf32>
      %swap3A = arith.index_cast %scan3A_50 : i32 to index
      %swap3A_51 = arith.constant 0 : index
      %swap3A_52 = tpu.vector_load %arg5[%swap3A, %swap3A_51] {strides = array<i32>} : memref<128x16xf32, #tpu.memory_space<vmem>>, vector<1x16xf32>,
      %swap3A_53 = vector.shape_cast %swap3A_52 : vector<1x16xf32> to vector<16xf32>
      %swap3A_54 = vector.shape_cast %broadcast_in_dim3A : vector<16xf32> to vector<1x16xf32>
      tpu.vector_store %arg5[%swap3A, %swap3A_51], %swap3A_54 {strides = array<i32>} : memref<128x16xf32, #tpu.memory_space<vmem>>, vector<1x16xf32>,
    }
    %scan3A_5 = arith.constant 128 : i32
    %mul3A_6 = arith.constant 640 : i32
    %mul3A_7 = arith.muli %arg1, %mul3A_6 : i32
    %add3A_8 = arith.constant 0 : i32
    %add3A_9 = arith.addi %mul3A_7, %add3A_8 : i32
    "tpu.region"() ({
      %run_scoped3A = tpu.sem_alloc : memref<!tpu.dma_semaphore, #tpu.memory_space<semaphore_mem>>
      %dma_start3A = arith.constant 0 : i32
      %dma_start3A_50 = tpu.memref_slice %arg6[%add3A_9, %dma_start3A] : memref<10240x16xf32, #tpu.memory_space<vmem_shared>> -> memref<128x16xf32, #tpu.memory_space<vmem_shared>>
      %dma_start3A_51 = arith.constant 0 : i32
      %dma_start3A_52 = tpu.memref_slice %arg6[%add3A_9, %dma_start3A_51] : memref<10240x16xf32, #tpu.memory_space<vmem_shared>> -> memref<128x16xf32, #tpu.memory_space<vmem_shared>>
      tpu.enqueue_dma source(%arg5 : memref<128x16xf32, #tpu.memory_space<vmem>>) target(%dma_start3A_52 : memref<128x16xf32, #tpu.memory_space<vmem_shared>>) target_semaphore(%run_scoped3A : memref<!tpu.dma_semaphore, #tpu.memory_space<semaphore_mem>>)
      %dma_wait3A = arith.constant 0 : i32
      %dma_wait3A_53 = tpu.memref_slice %arg6[%add3A_9, %dma_wait3A] : memref<10240x16xf32, #tpu.memory_space<vmem_shared>> -> memref<128x16xf32, #tpu.memory_space<vmem_shared>>
      %dma_wait3A_54 = arith.constant 0 : i32
      %dma_wait3A_55 = tpu.memref_slice %arg6[%add3A_9, %dma_wait3A_54] : memref<10240x16xf32, #tpu.memory_space<vmem_shared>> -> memref<128x16xf32, #tpu.memory_space<vmem_shared>>
      tpu.wait_dma2 semaphore(%run_scoped3A : memref<!tpu.dma_semaphore, #tpu.memory_space<semaphore_mem>>) src(%arg5 : memref<128x16xf32, #tpu.memory_space<vmem>>) dst(%dma_wait3A_55 : memref<128x16xf32, #tpu.memory_space<vmem_shared>>)
      tpu.yield
    }) : () -> ()
    %mul3A_10 = arith.constant 640 : i32
    %mul3A_11 = arith.muli %arg1, %mul3A_10 : i32
    %add3A_12 = arith.constant 128 : i32
    %add3A_13 = arith.addi %mul3A_11, %add3A_12 : i32
    "tpu.region"() ({
      %run_scoped3A = tpu.sem_alloc : memref<!tpu.dma_semaphore, #tpu.memory_space<semaphore_mem>>
      %dma_start3A = arith.constant 0 : i32
      %dma_start3A_50 = tpu.memref_slice %arg6[%add3A_13, %dma_start3A] : memref<10240x16xf32, #tpu.memory_space<vmem_shared>> -> memref<128x16xf32, #tpu.memory_space<vmem_shared>>
      %dma_start3A_51 = arith.constant 0 : i32
      %dma_start3A_52 = tpu.memref_slice %arg6[%add3A_13, %dma_start3A_51] : memref<10240x16xf32, #tpu.memory_space<vmem_shared>> -> memref<128x16xf32, #tpu.memory_space<vmem_shared>>
      tpu.enqueue_dma source(%arg5 : memref<128x16xf32, #tpu.memory_space<vmem>>) target(%dma_start3A_52 : memref<128x16xf32, #tpu.memory_space<vmem_shared>>) target_semaphore(%run_scoped3A : memref<!tpu.dma_semaphore, #tpu.memory_space<semaphore_mem>>)
      %dma_wait3A = arith.constant 0 : i32
      %dma_wait3A_53 = tpu.memref_slice %arg6[%add3A_13, %dma_wait3A] : memref<10240x16xf32, #tpu.memory_space<vmem_shared>> -> memref<128x16xf32, #tpu.memory_space<vmem_shared>>
      %dma_wait3A_54 = arith.constant 0 : i32
      %dma_wait3A_55 = tpu.memref_slice %arg6[%add3A_13, %dma_wait3A_54] : memref<10240x16xf32, #tpu.memory_space<vmem_shared>> -> memref<128x16xf32, #tpu.memory_space<vmem_shared>>
      tpu.wait_dma2 semaphore(%run_scoped3A : memref<!tpu.dma_semaphore, #tpu.memory_space<semaphore_mem>>) src(%arg5 : memref<128x16xf32, #tpu.memory_space<vmem>>) dst(%dma_wait3A_55 : memref<128x16xf32, #tpu.memory_space<vmem_shared>>)
      tpu.yield
    }) : () -> ()
    %mul3A_14 = arith.constant 640 : i32
    %mul3A_15 = arith.muli %arg1, %mul3A_14 : i32
    %add3A_16 = arith.constant 256 : i32
    %add3A_17 = arith.addi %mul3A_15, %add3A_16 : i32
    "tpu.region"() ({
      %run_scoped3A = tpu.sem_alloc : memref<!tpu.dma_semaphore, #tpu.memory_space<semaphore_mem>>
      %dma_start3A = arith.constant 0 : i32
      %dma_start3A_50 = tpu.memref_slice %arg6[%add3A_17, %dma_start3A] : memref<10240x16xf32, #tpu.memory_space<vmem_shared>> -> memref<128x16xf32, #tpu.memory_space<vmem_shared>>
      %dma_start3A_51 = arith.constant 0 : i32
      %dma_start3A_52 = tpu.memref_slice %arg6[%add3A_17, %dma_start3A_51] : memref<10240x16xf32, #tpu.memory_space<vmem_shared>> -> memref<128x16xf32, #tpu.memory_space<vmem_shared>>
      tpu.enqueue_dma source(%arg5 : memref<128x16xf32, #tpu.memory_space<vmem>>) target(%dma_start3A_52 : memref<128x16xf32, #tpu.memory_space<vmem_shared>>) target_semaphore(%run_scoped3A : memref<!tpu.dma_semaphore, #tpu.memory_space<semaphore_mem>>)
      %dma_wait3A = arith.constant 0 : i32
      %dma_wait3A_53 = tpu.memref_slice %arg6[%add3A_17, %dma_wait3A] : memref<10240x16xf32, #tpu.memory_space<vmem_shared>> -> memref<128x16xf32, #tpu.memory_space<vmem_shared>>
      %dma_wait3A_54 = arith.constant 0 : i32
      %dma_wait3A_55 = tpu.memref_slice %arg6[%add3A_17, %dma_wait3A_54] : memref<10240x16xf32, #tpu.memory_space<vmem_shared>> -> memref<128x16xf32, #tpu.memory_space<vmem_shared>>
      tpu.wait_dma2 semaphore(%run_scoped3A : memref<!tpu.dma_semaphore, #tpu.memory_space<semaphore_mem>>) src(%arg5 : memref<128x16xf32, #tpu.memory_space<vmem>>) dst(%dma_wait3A_55 : memref<128x16xf32, #tpu.memory_space<vmem_shared>>)
      tpu.yield
    }) : () -> ()
    %mul3A_18 = arith.constant 640 : i32
    %mul3A_19 = arith.muli %arg1, %mul3A_18 : i32
    %add3A_20 = arith.constant 384 : i32
    %add3A_21 = arith.addi %mul3A_19, %add3A_20 : i32
    "tpu.region"() ({
      %run_scoped3A = tpu.sem_alloc : memref<!tpu.dma_semaphore, #tpu.memory_space<semaphore_mem>>
      %dma_start3A = arith.constant 0 : i32
      %dma_start3A_50 = tpu.memref_slice %arg6[%add3A_21, %dma_start3A] : memref<10240x16xf32, #tpu.memory_space<vmem_shared>> -> memref<128x16xf32, #tpu.memory_space<vmem_shared>>
      %dma_start3A_51 = arith.constant 0 : i32
      %dma_start3A_52 = tpu.memref_slice %arg6[%add3A_21, %dma_start3A_51] : memref<10240x16xf32, #tpu.memory_space<vmem_shared>> -> memref<128x16xf32, #tpu.memory_space<vmem_shared>>
      tpu.enqueue_dma source(%arg5 : memref<128x16xf32, #tpu.memory_space<vmem>>) target(%dma_start3A_52 : memref<128x16xf32, #tpu.memory_space<vmem_shared>>) target_semaphore(%run_scoped3A : memref<!tpu.dma_semaphore, #tpu.memory_space<semaphore_mem>>)
      %dma_wait3A = arith.constant 0 : i32
      %dma_wait3A_53 = tpu.memref_slice %arg6[%add3A_21, %dma_wait3A] : memref<10240x16xf32, #tpu.memory_space<vmem_shared>> -> memref<128x16xf32, #tpu.memory_space<vmem_shared>>
      %dma_wait3A_54 = arith.constant 0 : i32
      %dma_wait3A_55 = tpu.memref_slice %arg6[%add3A_21, %dma_wait3A_54] : memref<10240x16xf32, #tpu.memory_space<vmem_shared>> -> memref<128x16xf32, #tpu.memory_space<vmem_shared>>
      tpu.wait_dma2 semaphore(%run_scoped3A : memref<!tpu.dma_semaphore, #tpu.memory_space<semaphore_mem>>) src(%arg5 : memref<128x16xf32, #tpu.memory_space<vmem>>) dst(%dma_wait3A_55 : memref<128x16xf32, #tpu.memory_space<vmem_shared>>)
      tpu.yield
    }) : () -> ()
    %mul3A_22 = arith.constant 640 : i32
    %mul3A_23 = arith.muli %arg1, %mul3A_22 : i32
    %add3A_24 = arith.constant 512 : i32
    %add3A_25 = arith.addi %mul3A_23, %add3A_24 : i32
    "tpu.region"() ({
      %run_scoped3A = tpu.sem_alloc : memref<!tpu.dma_semaphore, #tpu.memory_space<semaphore_mem>>
      %dma_start3A = arith.constant 0 : i32
      %dma_start3A_50 = tpu.memref_slice %arg6[%add3A_25, %dma_start3A] : memref<10240x16xf32, #tpu.memory_space<vmem_shared>> -> memref<128x16xf32, #tpu.memory_space<vmem_shared>>
      %dma_start3A_51 = arith.constant 0 : i32
      %dma_start3A_52 = tpu.memref_slice %arg6[%add3A_25, %dma_start3A_51] : memref<10240x16xf32, #tpu.memory_space<vmem_shared>> -> memref<128x16xf32, #tpu.memory_space<vmem_shared>>
      tpu.enqueue_dma source(%arg5 : memref<128x16xf32, #tpu.memory_space<vmem>>) target(%dma_start3A_52 : memref<128x16xf32, #tpu.memory_space<vmem_shared>>) target_semaphore(%run_scoped3A : memref<!tpu.dma_semaphore, #tpu.memory_space<semaphore_mem>>)
      %dma_wait3A = arith.constant 0 : i32
      %dma_wait3A_53 = tpu.memref_slice %arg6[%add3A_25, %dma_wait3A] : memref<10240x16xf32, #tpu.memory_space<vmem_shared>> -> memref<128x16xf32, #tpu.memory_space<vmem_shared>>
      %dma_wait3A_54 = arith.constant 0 : i32
      %dma_wait3A_55 = tpu.memref_slice %arg6[%add3A_25, %dma_wait3A_54] : memref<10240x16xf32, #tpu.memory_space<vmem_shared>> -> memref<128x16xf32, #tpu.memory_space<vmem_shared>>
      tpu.wait_dma2 semaphore(%run_scoped3A : memref<!tpu.dma_semaphore, #tpu.memory_space<semaphore_mem>>) src(%arg5 : memref<128x16xf32, #tpu.memory_space<vmem>>) dst(%dma_wait3A_55 : memref<128x16xf32, #tpu.memory_space<vmem_shared>>)
      tpu.yield
    }) : () -> ()
    %scan3A_26 = arith.constant 1.000000e+00 : f32
    %scan3A_27 = arith.constant 0 : i32
    %scan3A_28 = arith.constant 128 : i32
    %scan3A_29 = arith.addi %scan3A_27, %scan3A_28 : i32
    %scan3A_30 = arith.constant 1 : i32
    scf.for %scan3A_50 = %scan3A_27 to %scan3A_29 step %scan3A_30  : i32 {
      %broadcast_in_dim3A = vector.broadcast %scan3A_26 : f32 to vector<16xf32>
      %swap3A = arith.index_cast %scan3A_50 : i32 to index
      %swap3A_51 = arith.constant 0 : index
      %swap3A_52 = tpu.vector_load %arg5[%swap3A, %swap3A_51] {strides = array<i32>} : memref<128x16xf32, #tpu.memory_space<vmem>>, vector<1x16xf32>,
      %swap3A_53 = vector.shape_cast %swap3A_52 : vector<1x16xf32> to vector<16xf32>
      %swap3A_54 = vector.shape_cast %broadcast_in_dim3A : vector<16xf32> to vector<1x16xf32>
      tpu.vector_store %arg5[%swap3A, %swap3A_51], %swap3A_54 {strides = array<i32>} : memref<128x16xf32, #tpu.memory_space<vmem>>, vector<1x16xf32>,
    }
    %scan3A_31 = arith.constant 128 : i32
    %barrier3A = arith.constant 0 : index
    tpu.barrier barrier_id(%barrier3A)
    "tpu.region"() ({
      %run_scoped3A = tpu.sem_alloc : memref<!tpu.dma_semaphore, #tpu.memory_space<semaphore_mem>>
      %dma_start3A = arith.constant 0 : i32
      %dma_start3A_50 = arith.constant 0 : i32
      %dma_start3A_51 = tpu.memref_slice %arg2[%add3A, %dma_start3A, %dma_start3A_50] : memref<32x80x128xi32, #tpu.memory_space<hbm>> -> memref<1x80x128xi32, #tpu.memory_space<hbm>>
      %dma_start3A_52 = tpu.memref_squeeze %dma_start3A_51 : memref<1x80x128xi32, #tpu.memory_space<hbm>> -> memref<80x128xi32, #tpu.memory_space<hbm>>
      %dma_start3A_53 = arith.constant 0 : i32
      %dma_start3A_54 = arith.constant 0 : i32
      %dma_start3A_55 = tpu.memref_slice %arg2[%add3A, %dma_start3A_53, %dma_start3A_54] : memref<32x80x128xi32, #tpu.memory_space<hbm>> -> memref<1x80x128xi32, #tpu.memory_space<hbm>>
      %dma_start3A_56 = tpu.memref_squeeze %dma_start3A_55 : memref<1x80x128xi32, #tpu.memory_space<hbm>> -> memref<80x128xi32, #tpu.memory_space<hbm>>
      tpu.enqueue_dma source(%dma_start3A_56 : memref<80x128xi32, #tpu.memory_space<hbm>>) target(%arg4 : memref<80x128xi32, #tpu.memory_space<vmem>>) target_semaphore(%run_scoped3A : memref<!tpu.dma_semaphore, #tpu.memory_space<semaphore_mem>>)
      %dma_wait3A = arith.constant 0 : i32
      %dma_wait3A_57 = arith.constant 0 : i32
      %dma_wait3A_58 = tpu.memref_slice %arg2[%add3A, %dma_wait3A, %dma_wait3A_57] : memref<32x80x128xi32, #tpu.memory_space<hbm>> -> memref<1x80x128xi32, #tpu.memory_space<hbm>>
      %dma_wait3A_59 = tpu.memref_squeeze %dma_wait3A_58 : memref<1x80x128xi32, #tpu.memory_space<hbm>> -> memref<80x128xi32, #tpu.memory_space<hbm>>
      %dma_wait3A_60 = arith.constant 0 : i32
      %dma_wait3A_61 = arith.constant 0 : i32
      %dma_wait3A_62 = tpu.memref_slice %arg2[%add3A, %dma_wait3A_60, %dma_wait3A_61] : memref<32x80x128xi32, #tpu.memory_space<hbm>> -> memref<1x80x128xi32, #tpu.memory_space<hbm>>
      %dma_wait3A_63 = tpu.memref_squeeze %dma_wait3A_62 : memref<1x80x128xi32, #tpu.memory_space<hbm>> -> memref<80x128xi32, #tpu.memory_space<hbm>>
      tpu.wait_dma2 semaphore(%run_scoped3A : memref<!tpu.dma_semaphore, #tpu.memory_space<semaphore_mem>>) src(%dma_wait3A_63 : memref<80x128xi32, #tpu.memory_space<hbm>>) dst(%arg4 : memref<80x128xi32, #tpu.memory_space<vmem>>)
      tpu.yield
    }) : () -> ()
    %scan3A_32 = arith.constant 0 : i32
    %scan3A_33 = arith.constant 0 : i32
    %scan3A_34 = arith.constant 80 : i32
    %scan3A_35 = arith.addi %scan3A_33, %scan3A_34 : i32
    %scan3A_36 = arith.constant 1 : i32
    scf.for %scan3A_50 = %scan3A_33 to %scan3A_35 step %scan3A_36  : i32 {
      "tpu.region"() ({
        %run_scoped3A = tpu.sem_alloc : memref<!tpu.dma_semaphore, #tpu.memory_space<semaphore_mem>>
        %dma_start3A = arith.constant 0 : i32
        %dma_start3A_51 = tpu.memref_slice %arg4[%scan3A_50, %dma_start3A] : memref<80x128xi32, #tpu.memory_space<vmem>> -> memref<1x128xi32, #tpu.memory_space<vmem>>
        %dma_start3A_52 = tpu.memref_squeeze %dma_start3A_51 : memref<1x128xi32, #tpu.memory_space<vmem>> -> memref<128xi32, #tpu.memory_space<vmem>>
        %dma_start3A_53 = arith.constant 0 : i32
        %dma_start3A_54 = arith.constant 0 : i32
        %dma_start3A_55 = tpu.memref_slice %arg6[%dma_start3A_53, %dma_start3A_54] : memref<10240x16xf32, #tpu.memory_space<vmem_shared>> -> memref<10240x16xf32, #tpu.memory_space<vmem_shared>>
        tpu.enqueue_indirect_dma source(%arg5 : memref<128x16xf32, #tpu.memory_space<vmem>>) target(%dma_start3A_55 : memref<10240x16xf32, #tpu.memory_space<vmem_shared>>) offsets(%dma_start3A_52 : memref<128xi32, #tpu.memory_space<vmem>>) semaphore(%run_scoped3A : memref<!tpu.dma_semaphore, #tpu.memory_space<semaphore_mem>>) {add = true}
        %dma_wait3A = arith.constant 0 : i32
        %dma_wait3A_56 = tpu.memref_slice %arg4[%scan3A_50, %dma_wait3A] : memref<80x128xi32, #tpu.memory_space<vmem>> -> memref<1x128xi32, #tpu.memory_space<vmem>>
        %dma_wait3A_57 = tpu.memref_squeeze %dma_wait3A_56 : memref<1x128xi32, #tpu.memory_space<vmem>> -> memref<128xi32, #tpu.memory_space<vmem>>
        %dma_wait3A_58 = arith.constant 0 : i32
        %dma_wait3A_59 = arith.constant 0 : i32
        %dma_wait3A_60 = tpu.memref_slice %arg6[%dma_wait3A_58, %dma_wait3A_59] : memref<10240x16xf32, #tpu.memory_space<vmem_shared>> -> memref<10240x16xf32, #tpu.memory_space<vmem_shared>>
        tpu.wait_indirect_dma semaphore(%run_scoped3A : memref<!tpu.dma_semaphore, #tpu.memory_space<semaphore_mem>>) src(%arg5 : memref<128x16xf32, #tpu.memory_space<vmem>>) dst(%dma_wait3A_60 : memref<10240x16xf32, #tpu.memory_space<vmem_shared>>)
        tpu.yield
      }) : () -> ()
    }
    %scan3A_37 = arith.constant 80 : i32
    %barrier3A_38 = arith.constant 0 : index
    tpu.barrier barrier_id(%barrier3A_38)
    %scan3A_39 = arith.constant 1.000000e+00 : f32
    %scan3A_40 = arith.constant 0 : i32
    %scan3A_41 = arith.constant 2048 : i32
    %scan3A_42 = arith.addi %scan3A_40, %scan3A_41 : i32
    %scan3A_43 = arith.constant 1 : i32
    scf.for %scan3A_50 = %scan3A_40 to %scan3A_42 step %scan3A_43  : i32 {
      %broadcast_in_dim3A = vector.broadcast %scan3A_39 : f32 to vector<16xf32>
      %jit3A = arith.constant 128 : i32
      %eq3A = arith.constant 0 : i32
      %eq3A_51 = arith.cmpi eq, %jit3A, %eq3A : i32
      %jit3A_52 = arith.constant 1 : i32
      %select_n3A = arith.select %eq3A_51, %jit3A_52, %jit3A : i32
      %rem3A = arith.remsi %scan3A_50, %select_n3A : i32
      %ne3A = arith.constant 0 : i32
      %ne3A_53 = arith.cmpi ne, %rem3A, %ne3A : i32
      %lt3A = arith.constant 0 : i32
      %lt3A_54 = arith.cmpi slt, %rem3A, %lt3A : i32
      %lt3A_55 = arith.constant 0 : i32
      %lt3A_56 = arith.cmpi slt, %select_n3A, %lt3A_55 : i32
      %ne3A_57 = arith.xori %lt3A_54, %lt3A_56 : i1
      %and3A = arith.andi %ne3A_57, %ne3A_53 : i1
      %add3A_58 = arith.addi %rem3A, %select_n3A : i32
      %select_n3A_59 = arith.select %and3A, %add3A_58, %rem3A : i32
      %swap3A = arith.index_cast %select_n3A_59 : i32 to index
      %swap3A_60 = arith.constant 0 : index
      %swap3A_61 = tpu.vector_load %arg5[%swap3A, %swap3A_60] {strides = array<i32>} : memref<128x16xf32, #tpu.memory_space<vmem>>, vector<1x16xf32>,
      %swap3A_62 = vector.shape_cast %swap3A_61 : vector<1x16xf32> to vector<16xf32>
      %swap3A_63 = vector.shape_cast %broadcast_in_dim3A : vector<16xf32> to vector<1x16xf32>
      tpu.vector_store %arg5[%swap3A, %swap3A_60], %swap3A_63 {strides = array<i32>} : memref<128x16xf32, #tpu.memory_space<vmem>>, vector<1x16xf32>,
    }
    %scan3A_44 = arith.constant 2048 : i32
    %barrier3A_45 = arith.constant 0 : index
    tpu.barrier barrier_id(%barrier3A_45)
    %mul3A_46 = arith.constant 640 : i32
    %mul3A_47 = arith.muli %arg1, %mul3A_46 : i32
    %mul3A_48 = arith.constant 640 : i32
    %mul3A_49 = arith.muli %arg1, %mul3A_48 : i32
    "tpu.region"() ({
      %run_scoped3A = tpu.sem_alloc : memref<!tpu.dma_semaphore, #tpu.memory_space<semaphore_mem>>
      %dma_start3A = arith.constant 0 : i32
      %dma_start3A_50 = tpu.memref_slice %arg3[%arg0, %mul3A_49, %dma_start3A] : memref<2x10240x16xf32, #tpu.memory_space<hbm>> -> memref<1x640x16xf32, #tpu.memory_space<hbm>>
      %dma_start3A_51 = tpu.memref_squeeze %dma_start3A_50 : memref<1x640x16xf32, #tpu.memory_space<hbm>> -> memref<640x16xf32, #tpu.memory_space<hbm>>
      %dma_start3A_52 = arith.constant 0 : i32
      %dma_start3A_53 = tpu.memref_slice %arg6[%mul3A_47, %dma_start3A_52] : memref<10240x16xf32, #tpu.memory_space<vmem_shared>> -> memref<640x16xf32, #tpu.memory_space<vmem_shared>>
      tpu.enqueue_dma source(%dma_start3A_53 : memref<640x16xf32, #tpu.memory_space<vmem_shared>>) target(%dma_start3A_51 : memref<640x16xf32, #tpu.memory_space<hbm>>) target_semaphore(%run_scoped3A : memref<!tpu.dma_semaphore, #tpu.memory_space<semaphore_mem>>)
      %dma_wait3A = arith.constant 0 : i32
      %dma_wait3A_54 = tpu.memref_slice %arg3[%arg0, %mul3A_49, %dma_wait3A] : memref<2x10240x16xf32, #tpu.memory_space<hbm>> -> memref<1x640x16xf32, #tpu.memory_space<hbm>>
      %dma_wait3A_55 = tpu.memref_squeeze %dma_wait3A_54 : memref<1x640x16xf32, #tpu.memory_space<hbm>> -> memref<640x16xf32, #tpu.memory_space<hbm>>
      %dma_wait3A_56 = arith.constant 0 : i32
      %dma_wait3A_57 = tpu.memref_slice %arg6[%mul3A_47, %dma_wait3A_56] : memref<10240x16xf32, #tpu.memory_space<vmem_shared>> -> memref<640x16xf32, #tpu.memory_space<vmem_shared>>
      tpu.wait_dma2 semaphore(%run_scoped3A : memref<!tpu.dma_semaphore, #tpu.memory_space<semaphore_mem>>) src(%dma_wait3A_57 : memref<640x16xf32, #tpu.memory_space<vmem_shared>>) dst(%dma_wait3A_55 : memref<640x16xf32, #tpu.memory_space<hbm>>)
      tpu.yield
    }) : () -> ()
    return
  }
}

#map = affine_map<(d0, d1) -> (0, 0)>
#map1 = affine_map<(d0, d1) -> (0, 0, 0, 0, 0)>
#map2 = affine_map<(d0, d1) -> (0, 0, 0)>
module attributes {stable_mosaic.version = 14 : i64} {
  func.func @agg_kernel(%arg0: i32, %arg1: i32, %arg2: memref<10240x128xf32, #tpu.memory_space<hbm>>, %arg3: memref<32x10x2x8x128xi32, #tpu.memory_space<hbm>>, %arg4: memref<2x10240x128xf32, #tpu.memory_space<hbm>>, %arg5: memref<2x2x8x128xi32, #tpu.memory_space<vmem>>, %arg6: memref<2x128x128xf32, #tpu.memory_space<vmem>>, %arg7: memref<10240x128xf32, #tpu.memory_space<vmem_shared>>, %arg8: memref<!tpu.dma_semaphore, #tpu.memory_space<semaphore_mem>>, %arg9: memref<!tpu.dma_semaphore, #tpu.memory_space<semaphore_mem>>, %arg10: memref<!tpu.dma_semaphore, #tpu.memory_space<semaphore_mem>>, %arg11: memref<!tpu.dma_semaphore, #tpu.memory_space<semaphore_mem>>) attributes {dimension_semantics = [#tpu.dimension_semantics<core_parallel>, #tpu.dimension_semantics<subcore_parallel>], iteration_bounds = array<i64: 2, 16>, scalar_prefetch = 0 : i64, scratch_operands = 7 : i64, tpu.core_type = #tpu.core_type<sc_vector_subcore>, window_params = [{transform_indices = #map}, {transform_indices = #map1}, {transform_indices = #map2}]} {
    %mul3A = arith.constant 2 : i32
    %mul3A_0 = arith.muli %arg1, %mul3A : i32
    %add3A = arith.addi %mul3A_0, %arg0 : i32
    %scan3A = arith.constant 0 : i32
    %scan3A_1 = arith.constant 0 : i32
    %scan3A_2 = arith.constant 128 : i32
    %scan3A_3 = arith.addi %scan3A_1, %scan3A_2 : i32
    %scan3A_4 = arith.constant 1 : i32
    scf.for %scan3A_69 = %scan3A_1 to %scan3A_3 step %scan3A_4  : i32 {
      %broadcast_in_dim3A = arith.constant 0.000000e+00 : f32
      %broadcast_in_dim3A_70 = vector.broadcast %broadcast_in_dim3A : f32 to vector<16xf32>
      %swap3A = arith.constant 0 : i32
      %swap3A_71 = arith.index_cast %swap3A : i32 to index
      %swap3A_72 = arith.index_cast %scan3A_69 : i32 to index
      %swap3A_73 = arith.constant 0 : index
      %swap3A_74 = tpu.vector_load %arg6[%swap3A_71, %swap3A_72, %swap3A_73] {strides = array<i32>} : memref<2x128x128xf32, #tpu.memory_space<vmem>>, vector<1x1x16xf32>,
      %swap3A_75 = vector.shape_cast %swap3A_74 : vector<1x1x16xf32> to vector<16xf32>
      %swap3A_76 = vector.shape_cast %broadcast_in_dim3A_70 : vector<16xf32> to vector<1x1x16xf32>
      tpu.vector_store %arg6[%swap3A_71, %swap3A_72, %swap3A_73], %swap3A_76 {strides = array<i32>} : memref<2x128x128xf32, #tpu.memory_space<vmem>>, vector<1x1x16xf32>,
      %broadcast_in_dim3A_77 = arith.constant 0.000000e+00 : f32
      %broadcast_in_dim3A_78 = vector.broadcast %broadcast_in_dim3A_77 : f32 to vector<16xf32>
      %swap3A_79 = arith.constant 0 : i32
      %swap3A_80 = arith.index_cast %swap3A_79 : i32 to index
      %swap3A_81 = arith.index_cast %scan3A_69 : i32 to index
      %swap3A_82 = arith.constant 16 : index
      %swap3A_83 = tpu.vector_load %arg6[%swap3A_80, %swap3A_81, %swap3A_82] {strides = array<i32>} : memref<2x128x128xf32, #tpu.memory_space<vmem>>, vector<1x1x16xf32>,
      %swap3A_84 = vector.shape_cast %swap3A_83 : vector<1x1x16xf32> to vector<16xf32>
      %swap3A_85 = vector.shape_cast %broadcast_in_dim3A_78 : vector<16xf32> to vector<1x1x16xf32>
      tpu.vector_store %arg6[%swap3A_80, %swap3A_81, %swap3A_82], %swap3A_85 {strides = array<i32>} : memref<2x128x128xf32, #tpu.memory_space<vmem>>, vector<1x1x16xf32>,
      %broadcast_in_dim3A_86 = arith.constant 0.000000e+00 : f32
      %broadcast_in_dim3A_87 = vector.broadcast %broadcast_in_dim3A_86 : f32 to vector<16xf32>
      %swap3A_88 = arith.constant 0 : i32
      %swap3A_89 = arith.index_cast %swap3A_88 : i32 to index
      %swap3A_90 = arith.index_cast %scan3A_69 : i32 to index
      %swap3A_91 = arith.constant 32 : index
      %swap3A_92 = tpu.vector_load %arg6[%swap3A_89, %swap3A_90, %swap3A_91] {strides = array<i32>} : memref<2x128x128xf32, #tpu.memory_space<vmem>>, vector<1x1x16xf32>,
      %swap3A_93 = vector.shape_cast %swap3A_92 : vector<1x1x16xf32> to vector<16xf32>
      %swap3A_94 = vector.shape_cast %broadcast_in_dim3A_87 : vector<16xf32> to vector<1x1x16xf32>
      tpu.vector_store %arg6[%swap3A_89, %swap3A_90, %swap3A_91], %swap3A_94 {strides = array<i32>} : memref<2x128x128xf32, #tpu.memory_space<vmem>>, vector<1x1x16xf32>,
      %broadcast_in_dim3A_95 = arith.constant 0.000000e+00 : f32
      %broadcast_in_dim3A_96 = vector.broadcast %broadcast_in_dim3A_95 : f32 to vector<16xf32>
      %swap3A_97 = arith.constant 0 : i32
      %swap3A_98 = arith.index_cast %swap3A_97 : i32 to index
      %swap3A_99 = arith.index_cast %scan3A_69 : i32 to index
      %swap3A_100 = arith.constant 48 : index
      %swap3A_101 = tpu.vector_load %arg6[%swap3A_98, %swap3A_99, %swap3A_100] {strides = array<i32>} : memref<2x128x128xf32, #tpu.memory_space<vmem>>, vector<1x1x16xf32>,
      %swap3A_102 = vector.shape_cast %swap3A_101 : vector<1x1x16xf32> to vector<16xf32>
      %swap3A_103 = vector.shape_cast %broadcast_in_dim3A_96 : vector<16xf32> to vector<1x1x16xf32>
      tpu.vector_store %arg6[%swap3A_98, %swap3A_99, %swap3A_100], %swap3A_103 {strides = array<i32>} : memref<2x128x128xf32, #tpu.memory_space<vmem>>, vector<1x1x16xf32>,
      %broadcast_in_dim3A_104 = arith.constant 0.000000e+00 : f32
      %broadcast_in_dim3A_105 = vector.broadcast %broadcast_in_dim3A_104 : f32 to vector<16xf32>
      %swap3A_106 = arith.constant 0 : i32
      %swap3A_107 = arith.index_cast %swap3A_106 : i32 to index
      %swap3A_108 = arith.index_cast %scan3A_69 : i32 to index
      %swap3A_109 = arith.constant 64 : index
      %swap3A_110 = tpu.vector_load %arg6[%swap3A_107, %swap3A_108, %swap3A_109] {strides = array<i32>} : memref<2x128x128xf32, #tpu.memory_space<vmem>>, vector<1x1x16xf32>,
      %swap3A_111 = vector.shape_cast %swap3A_110 : vector<1x1x16xf32> to vector<16xf32>
      %swap3A_112 = vector.shape_cast %broadcast_in_dim3A_105 : vector<16xf32> to vector<1x1x16xf32>
      tpu.vector_store %arg6[%swap3A_107, %swap3A_108, %swap3A_109], %swap3A_112 {strides = array<i32>} : memref<2x128x128xf32, #tpu.memory_space<vmem>>, vector<1x1x16xf32>,
      %broadcast_in_dim3A_113 = arith.constant 0.000000e+00 : f32
      %broadcast_in_dim3A_114 = vector.broadcast %broadcast_in_dim3A_113 : f32 to vector<16xf32>
      %swap3A_115 = arith.constant 0 : i32
      %swap3A_116 = arith.index_cast %swap3A_115 : i32 to index
      %swap3A_117 = arith.index_cast %scan3A_69 : i32 to index
      %swap3A_118 = arith.constant 80 : index
      %swap3A_119 = tpu.vector_load %arg6[%swap3A_116, %swap3A_117, %swap3A_118] {strides = array<i32>} : memref<2x128x128xf32, #tpu.memory_space<vmem>>, vector<1x1x16xf32>,
      %swap3A_120 = vector.shape_cast %swap3A_119 : vector<1x1x16xf32> to vector<16xf32>
      %swap3A_121 = vector.shape_cast %broadcast_in_dim3A_114 : vector<16xf32> to vector<1x1x16xf32>
      tpu.vector_store %arg6[%swap3A_116, %swap3A_117, %swap3A_118], %swap3A_121 {strides = array<i32>} : memref<2x128x128xf32, #tpu.memory_space<vmem>>, vector<1x1x16xf32>,
      %broadcast_in_dim3A_122 = arith.constant 0.000000e+00 : f32
      %broadcast_in_dim3A_123 = vector.broadcast %broadcast_in_dim3A_122 : f32 to vector<16xf32>
      %swap3A_124 = arith.constant 0 : i32
      %swap3A_125 = arith.index_cast %swap3A_124 : i32 to index
      %swap3A_126 = arith.index_cast %scan3A_69 : i32 to index
      %swap3A_127 = arith.constant 96 : index
      %swap3A_128 = tpu.vector_load %arg6[%swap3A_125, %swap3A_126, %swap3A_127] {strides = array<i32>} : memref<2x128x128xf32, #tpu.memory_space<vmem>>, vector<1x1x16xf32>,
      %swap3A_129 = vector.shape_cast %swap3A_128 : vector<1x1x16xf32> to vector<16xf32>
      %swap3A_130 = vector.shape_cast %broadcast_in_dim3A_123 : vector<16xf32> to vector<1x1x16xf32>
      tpu.vector_store %arg6[%swap3A_125, %swap3A_126, %swap3A_127], %swap3A_130 {strides = array<i32>} : memref<2x128x128xf32, #tpu.memory_space<vmem>>, vector<1x1x16xf32>,
      %broadcast_in_dim3A_131 = arith.constant 0.000000e+00 : f32
      %broadcast_in_dim3A_132 = vector.broadcast %broadcast_in_dim3A_131 : f32 to vector<16xf32>
      %swap3A_133 = arith.constant 0 : i32
      %swap3A_134 = arith.index_cast %swap3A_133 : i32 to index
      %swap3A_135 = arith.index_cast %scan3A_69 : i32 to index
      %swap3A_136 = arith.constant 112 : index
      %swap3A_137 = tpu.vector_load %arg6[%swap3A_134, %swap3A_135, %swap3A_136] {strides = array<i32>} : memref<2x128x128xf32, #tpu.memory_space<vmem>>, vector<1x1x16xf32>,
      %swap3A_138 = vector.shape_cast %swap3A_137 : vector<1x1x16xf32> to vector<16xf32>
      %swap3A_139 = vector.shape_cast %broadcast_in_dim3A_132 : vector<16xf32> to vector<1x1x16xf32>
      tpu.vector_store %arg6[%swap3A_134, %swap3A_135, %swap3A_136], %swap3A_139 {strides = array<i32>} : memref<2x128x128xf32, #tpu.memory_space<vmem>>, vector<1x1x16xf32>,
    }
    %scan3A_5 = arith.constant 128 : i32
    %mul3A_6 = arith.constant 640 : i32
    %mul3A_7 = arith.muli %arg1, %mul3A_6 : i32
    %add3A_8 = arith.constant 0 : i32
    %add3A_9 = arith.addi %mul3A_7, %add3A_8 : i32
    %run_scoped3A = arith.constant 0 : i32
    "tpu.region"() ({
      %run_scoped3A_69 = tpu.sem_alloc : memref<!tpu.dma_semaphore, #tpu.memory_space<semaphore_mem>>
      %dma_start3A_70 = arith.constant 0 : i32
      %dma_start3A_71 = arith.constant 0 : i32
      %dma_start3A_72 = tpu.memref_slice %arg6[%run_scoped3A, %dma_start3A_70, %dma_start3A_71] : memref<2x128x128xf32, #tpu.memory_space<vmem>> -> memref<1x128x128xf32, #tpu.memory_space<vmem>>
      %dma_start3A_73 = tpu.memref_squeeze %dma_start3A_72 : memref<1x128x128xf32, #tpu.memory_space<vmem>> -> memref<128x128xf32, #tpu.memory_space<vmem>>
      %dma_start3A_74 = arith.constant 0 : i32
      %dma_start3A_75 = tpu.memref_slice %arg7[%add3A_9, %dma_start3A_74] : memref<10240x128xf32, #tpu.memory_space<vmem_shared>> -> memref<128x128xf32, #tpu.memory_space<vmem_shared>>
      %dma_start3A_76 = arith.constant 0 : i32
      %dma_start3A_77 = tpu.memref_slice %arg7[%add3A_9, %dma_start3A_76] : memref<10240x128xf32, #tpu.memory_space<vmem_shared>> -> memref<128x128xf32, #tpu.memory_space<vmem_shared>>
      %dma_start3A_78 = arith.constant 0 : i32
      %dma_start3A_79 = arith.constant 0 : i32
      %dma_start3A_80 = tpu.memref_slice %arg6[%run_scoped3A, %dma_start3A_78, %dma_start3A_79] : memref<2x128x128xf32, #tpu.memory_space<vmem>> -> memref<1x128x128xf32, #tpu.memory_space<vmem>>
      %dma_start3A_81 = tpu.memref_squeeze %dma_start3A_80 : memref<1x128x128xf32, #tpu.memory_space<vmem>> -> memref<128x128xf32, #tpu.memory_space<vmem>>
      tpu.enqueue_dma source(%dma_start3A_81 : memref<128x128xf32, #tpu.memory_space<vmem>>) target(%dma_start3A_77 : memref<128x128xf32, #tpu.memory_space<vmem_shared>>) target_semaphore(%run_scoped3A_69 : memref<!tpu.dma_semaphore, #tpu.memory_space<semaphore_mem>>)
      %dma_wait3A = arith.constant 0 : i32
      %dma_wait3A_82 = arith.constant 0 : i32
      %dma_wait3A_83 = tpu.memref_slice %arg6[%run_scoped3A, %dma_wait3A, %dma_wait3A_82] : memref<2x128x128xf32, #tpu.memory_space<vmem>> -> memref<1x128x128xf32, #tpu.memory_space<vmem>>
      %dma_wait3A_84 = tpu.memref_squeeze %dma_wait3A_83 : memref<1x128x128xf32, #tpu.memory_space<vmem>> -> memref<128x128xf32, #tpu.memory_space<vmem>>
      %dma_wait3A_85 = arith.constant 0 : i32
      %dma_wait3A_86 = tpu.memref_slice %arg7[%add3A_9, %dma_wait3A_85] : memref<10240x128xf32, #tpu.memory_space<vmem_shared>> -> memref<128x128xf32, #tpu.memory_space<vmem_shared>>
      %dma_wait3A_87 = arith.constant 0 : i32
      %dma_wait3A_88 = tpu.memref_slice %arg7[%add3A_9, %dma_wait3A_87] : memref<10240x128xf32, #tpu.memory_space<vmem_shared>> -> memref<128x128xf32, #tpu.memory_space<vmem_shared>>
      %dma_wait3A_89 = arith.constant 0 : i32
      %dma_wait3A_90 = arith.constant 0 : i32
      %dma_wait3A_91 = tpu.memref_slice %arg6[%run_scoped3A, %dma_wait3A_89, %dma_wait3A_90] : memref<2x128x128xf32, #tpu.memory_space<vmem>> -> memref<1x128x128xf32, #tpu.memory_space<vmem>>
      %dma_wait3A_92 = tpu.memref_squeeze %dma_wait3A_91 : memref<1x128x128xf32, #tpu.memory_space<vmem>> -> memref<128x128xf32, #tpu.memory_space<vmem>>
      tpu.wait_dma2 semaphore(%run_scoped3A_69 : memref<!tpu.dma_semaphore, #tpu.memory_space<semaphore_mem>>) src(%dma_wait3A_92 : memref<128x128xf32, #tpu.memory_space<vmem>>) dst(%dma_wait3A_88 : memref<128x128xf32, #tpu.memory_space<vmem_shared>>)
      tpu.yield
    }) : () -> ()
    %mul3A_10 = arith.constant 640 : i32
    %mul3A_11 = arith.muli %arg1, %mul3A_10 : i32
    %add3A_12 = arith.constant 128 : i32
    %add3A_13 = arith.addi %mul3A_11, %add3A_12 : i32
    %run_scoped3A_14 = arith.constant 0 : i32
    "tpu.region"() ({
      %run_scoped3A_69 = tpu.sem_alloc : memref<!tpu.dma_semaphore, #tpu.memory_space<semaphore_mem>>
      %dma_start3A_70 = arith.constant 0 : i32
      %dma_start3A_71 = arith.constant 0 : i32
      %dma_start3A_72 = tpu.memref_slice %arg6[%run_scoped3A_14, %dma_start3A_70, %dma_start3A_71] : memref<2x128x128xf32, #tpu.memory_space<vmem>> -> memref<1x128x128xf32, #tpu.memory_space<vmem>>
      %dma_start3A_73 = tpu.memref_squeeze %dma_start3A_72 : memref<1x128x128xf32, #tpu.memory_space<vmem>> -> memref<128x128xf32, #tpu.memory_space<vmem>>
      %dma_start3A_74 = arith.constant 0 : i32
      %dma_start3A_75 = tpu.memref_slice %arg7[%add3A_13, %dma_start3A_74] : memref<10240x128xf32, #tpu.memory_space<vmem_shared>> -> memref<128x128xf32, #tpu.memory_space<vmem_shared>>
      %dma_start3A_76 = arith.constant 0 : i32
      %dma_start3A_77 = tpu.memref_slice %arg7[%add3A_13, %dma_start3A_76] : memref<10240x128xf32, #tpu.memory_space<vmem_shared>> -> memref<128x128xf32, #tpu.memory_space<vmem_shared>>
      %dma_start3A_78 = arith.constant 0 : i32
      %dma_start3A_79 = arith.constant 0 : i32
      %dma_start3A_80 = tpu.memref_slice %arg6[%run_scoped3A_14, %dma_start3A_78, %dma_start3A_79] : memref<2x128x128xf32, #tpu.memory_space<vmem>> -> memref<1x128x128xf32, #tpu.memory_space<vmem>>
      %dma_start3A_81 = tpu.memref_squeeze %dma_start3A_80 : memref<1x128x128xf32, #tpu.memory_space<vmem>> -> memref<128x128xf32, #tpu.memory_space<vmem>>
      tpu.enqueue_dma source(%dma_start3A_81 : memref<128x128xf32, #tpu.memory_space<vmem>>) target(%dma_start3A_77 : memref<128x128xf32, #tpu.memory_space<vmem_shared>>) target_semaphore(%run_scoped3A_69 : memref<!tpu.dma_semaphore, #tpu.memory_space<semaphore_mem>>)
      %dma_wait3A = arith.constant 0 : i32
      %dma_wait3A_82 = arith.constant 0 : i32
      %dma_wait3A_83 = tpu.memref_slice %arg6[%run_scoped3A_14, %dma_wait3A, %dma_wait3A_82] : memref<2x128x128xf32, #tpu.memory_space<vmem>> -> memref<1x128x128xf32, #tpu.memory_space<vmem>>
      %dma_wait3A_84 = tpu.memref_squeeze %dma_wait3A_83 : memref<1x128x128xf32, #tpu.memory_space<vmem>> -> memref<128x128xf32, #tpu.memory_space<vmem>>
      %dma_wait3A_85 = arith.constant 0 : i32
      %dma_wait3A_86 = tpu.memref_slice %arg7[%add3A_13, %dma_wait3A_85] : memref<10240x128xf32, #tpu.memory_space<vmem_shared>> -> memref<128x128xf32, #tpu.memory_space<vmem_shared>>
      %dma_wait3A_87 = arith.constant 0 : i32
      %dma_wait3A_88 = tpu.memref_slice %arg7[%add3A_13, %dma_wait3A_87] : memref<10240x128xf32, #tpu.memory_space<vmem_shared>> -> memref<128x128xf32, #tpu.memory_space<vmem_shared>>
      %dma_wait3A_89 = arith.constant 0 : i32
      %dma_wait3A_90 = arith.constant 0 : i32
      %dma_wait3A_91 = tpu.memref_slice %arg6[%run_scoped3A_14, %dma_wait3A_89, %dma_wait3A_90] : memref<2x128x128xf32, #tpu.memory_space<vmem>> -> memref<1x128x128xf32, #tpu.memory_space<vmem>>
      %dma_wait3A_92 = tpu.memref_squeeze %dma_wait3A_91 : memref<1x128x128xf32, #tpu.memory_space<vmem>> -> memref<128x128xf32, #tpu.memory_space<vmem>>
      tpu.wait_dma2 semaphore(%run_scoped3A_69 : memref<!tpu.dma_semaphore, #tpu.memory_space<semaphore_mem>>) src(%dma_wait3A_92 : memref<128x128xf32, #tpu.memory_space<vmem>>) dst(%dma_wait3A_88 : memref<128x128xf32, #tpu.memory_space<vmem_shared>>)
      tpu.yield
    }) : () -> ()
    %mul3A_15 = arith.constant 640 : i32
    %mul3A_16 = arith.muli %arg1, %mul3A_15 : i32
    %add3A_17 = arith.constant 256 : i32
    %add3A_18 = arith.addi %mul3A_16, %add3A_17 : i32
    %run_scoped3A_19 = arith.constant 0 : i32
    "tpu.region"() ({
      %run_scoped3A_69 = tpu.sem_alloc : memref<!tpu.dma_semaphore, #tpu.memory_space<semaphore_mem>>
      %dma_start3A_70 = arith.constant 0 : i32
      %dma_start3A_71 = arith.constant 0 : i32
      %dma_start3A_72 = tpu.memref_slice %arg6[%run_scoped3A_19, %dma_start3A_70, %dma_start3A_71] : memref<2x128x128xf32, #tpu.memory_space<vmem>> -> memref<1x128x128xf32, #tpu.memory_space<vmem>>
      %dma_start3A_73 = tpu.memref_squeeze %dma_start3A_72 : memref<1x128x128xf32, #tpu.memory_space<vmem>> -> memref<128x128xf32, #tpu.memory_space<vmem>>
      %dma_start3A_74 = arith.constant 0 : i32
      %dma_start3A_75 = tpu.memref_slice %arg7[%add3A_18, %dma_start3A_74] : memref<10240x128xf32, #tpu.memory_space<vmem_shared>> -> memref<128x128xf32, #tpu.memory_space<vmem_shared>>
      %dma_start3A_76 = arith.constant 0 : i32
      %dma_start3A_77 = tpu.memref_slice %arg7[%add3A_18, %dma_start3A_76] : memref<10240x128xf32, #tpu.memory_space<vmem_shared>> -> memref<128x128xf32, #tpu.memory_space<vmem_shared>>
      %dma_start3A_78 = arith.constant 0 : i32
      %dma_start3A_79 = arith.constant 0 : i32
      %dma_start3A_80 = tpu.memref_slice %arg6[%run_scoped3A_19, %dma_start3A_78, %dma_start3A_79] : memref<2x128x128xf32, #tpu.memory_space<vmem>> -> memref<1x128x128xf32, #tpu.memory_space<vmem>>
      %dma_start3A_81 = tpu.memref_squeeze %dma_start3A_80 : memref<1x128x128xf32, #tpu.memory_space<vmem>> -> memref<128x128xf32, #tpu.memory_space<vmem>>
      tpu.enqueue_dma source(%dma_start3A_81 : memref<128x128xf32, #tpu.memory_space<vmem>>) target(%dma_start3A_77 : memref<128x128xf32, #tpu.memory_space<vmem_shared>>) target_semaphore(%run_scoped3A_69 : memref<!tpu.dma_semaphore, #tpu.memory_space<semaphore_mem>>)
      %dma_wait3A = arith.constant 0 : i32
      %dma_wait3A_82 = arith.constant 0 : i32
      %dma_wait3A_83 = tpu.memref_slice %arg6[%run_scoped3A_19, %dma_wait3A, %dma_wait3A_82] : memref<2x128x128xf32, #tpu.memory_space<vmem>> -> memref<1x128x128xf32, #tpu.memory_space<vmem>>
      %dma_wait3A_84 = tpu.memref_squeeze %dma_wait3A_83 : memref<1x128x128xf32, #tpu.memory_space<vmem>> -> memref<128x128xf32, #tpu.memory_space<vmem>>
      %dma_wait3A_85 = arith.constant 0 : i32
      %dma_wait3A_86 = tpu.memref_slice %arg7[%add3A_18, %dma_wait3A_85] : memref<10240x128xf32, #tpu.memory_space<vmem_shared>> -> memref<128x128xf32, #tpu.memory_space<vmem_shared>>
      %dma_wait3A_87 = arith.constant 0 : i32
      %dma_wait3A_88 = tpu.memref_slice %arg7[%add3A_18, %dma_wait3A_87] : memref<10240x128xf32, #tpu.memory_space<vmem_shared>> -> memref<128x128xf32, #tpu.memory_space<vmem_shared>>
      %dma_wait3A_89 = arith.constant 0 : i32
      %dma_wait3A_90 = arith.constant 0 : i32
      %dma_wait3A_91 = tpu.memref_slice %arg6[%run_scoped3A_19, %dma_wait3A_89, %dma_wait3A_90] : memref<2x128x128xf32, #tpu.memory_space<vmem>> -> memref<1x128x128xf32, #tpu.memory_space<vmem>>
      %dma_wait3A_92 = tpu.memref_squeeze %dma_wait3A_91 : memref<1x128x128xf32, #tpu.memory_space<vmem>> -> memref<128x128xf32, #tpu.memory_space<vmem>>
      tpu.wait_dma2 semaphore(%run_scoped3A_69 : memref<!tpu.dma_semaphore, #tpu.memory_space<semaphore_mem>>) src(%dma_wait3A_92 : memref<128x128xf32, #tpu.memory_space<vmem>>) dst(%dma_wait3A_88 : memref<128x128xf32, #tpu.memory_space<vmem_shared>>)
      tpu.yield
    }) : () -> ()
    %mul3A_20 = arith.constant 640 : i32
    %mul3A_21 = arith.muli %arg1, %mul3A_20 : i32
    %add3A_22 = arith.constant 384 : i32
    %add3A_23 = arith.addi %mul3A_21, %add3A_22 : i32
    %run_scoped3A_24 = arith.constant 0 : i32
    "tpu.region"() ({
      %run_scoped3A_69 = tpu.sem_alloc : memref<!tpu.dma_semaphore, #tpu.memory_space<semaphore_mem>>
      %dma_start3A_70 = arith.constant 0 : i32
      %dma_start3A_71 = arith.constant 0 : i32
      %dma_start3A_72 = tpu.memref_slice %arg6[%run_scoped3A_24, %dma_start3A_70, %dma_start3A_71] : memref<2x128x128xf32, #tpu.memory_space<vmem>> -> memref<1x128x128xf32, #tpu.memory_space<vmem>>
      %dma_start3A_73 = tpu.memref_squeeze %dma_start3A_72 : memref<1x128x128xf32, #tpu.memory_space<vmem>> -> memref<128x128xf32, #tpu.memory_space<vmem>>
      %dma_start3A_74 = arith.constant 0 : i32
      %dma_start3A_75 = tpu.memref_slice %arg7[%add3A_23, %dma_start3A_74] : memref<10240x128xf32, #tpu.memory_space<vmem_shared>> -> memref<128x128xf32, #tpu.memory_space<vmem_shared>>
      %dma_start3A_76 = arith.constant 0 : i32
      %dma_start3A_77 = tpu.memref_slice %arg7[%add3A_23, %dma_start3A_76] : memref<10240x128xf32, #tpu.memory_space<vmem_shared>> -> memref<128x128xf32, #tpu.memory_space<vmem_shared>>
      %dma_start3A_78 = arith.constant 0 : i32
      %dma_start3A_79 = arith.constant 0 : i32
      %dma_start3A_80 = tpu.memref_slice %arg6[%run_scoped3A_24, %dma_start3A_78, %dma_start3A_79] : memref<2x128x128xf32, #tpu.memory_space<vmem>> -> memref<1x128x128xf32, #tpu.memory_space<vmem>>
      %dma_start3A_81 = tpu.memref_squeeze %dma_start3A_80 : memref<1x128x128xf32, #tpu.memory_space<vmem>> -> memref<128x128xf32, #tpu.memory_space<vmem>>
      tpu.enqueue_dma source(%dma_start3A_81 : memref<128x128xf32, #tpu.memory_space<vmem>>) target(%dma_start3A_77 : memref<128x128xf32, #tpu.memory_space<vmem_shared>>) target_semaphore(%run_scoped3A_69 : memref<!tpu.dma_semaphore, #tpu.memory_space<semaphore_mem>>)
      %dma_wait3A = arith.constant 0 : i32
      %dma_wait3A_82 = arith.constant 0 : i32
      %dma_wait3A_83 = tpu.memref_slice %arg6[%run_scoped3A_24, %dma_wait3A, %dma_wait3A_82] : memref<2x128x128xf32, #tpu.memory_space<vmem>> -> memref<1x128x128xf32, #tpu.memory_space<vmem>>
      %dma_wait3A_84 = tpu.memref_squeeze %dma_wait3A_83 : memref<1x128x128xf32, #tpu.memory_space<vmem>> -> memref<128x128xf32, #tpu.memory_space<vmem>>
      %dma_wait3A_85 = arith.constant 0 : i32
      %dma_wait3A_86 = tpu.memref_slice %arg7[%add3A_23, %dma_wait3A_85] : memref<10240x128xf32, #tpu.memory_space<vmem_shared>> -> memref<128x128xf32, #tpu.memory_space<vmem_shared>>
      %dma_wait3A_87 = arith.constant 0 : i32
      %dma_wait3A_88 = tpu.memref_slice %arg7[%add3A_23, %dma_wait3A_87] : memref<10240x128xf32, #tpu.memory_space<vmem_shared>> -> memref<128x128xf32, #tpu.memory_space<vmem_shared>>
      %dma_wait3A_89 = arith.constant 0 : i32
      %dma_wait3A_90 = arith.constant 0 : i32
      %dma_wait3A_91 = tpu.memref_slice %arg6[%run_scoped3A_24, %dma_wait3A_89, %dma_wait3A_90] : memref<2x128x128xf32, #tpu.memory_space<vmem>> -> memref<1x128x128xf32, #tpu.memory_space<vmem>>
      %dma_wait3A_92 = tpu.memref_squeeze %dma_wait3A_91 : memref<1x128x128xf32, #tpu.memory_space<vmem>> -> memref<128x128xf32, #tpu.memory_space<vmem>>
      tpu.wait_dma2 semaphore(%run_scoped3A_69 : memref<!tpu.dma_semaphore, #tpu.memory_space<semaphore_mem>>) src(%dma_wait3A_92 : memref<128x128xf32, #tpu.memory_space<vmem>>) dst(%dma_wait3A_88 : memref<128x128xf32, #tpu.memory_space<vmem_shared>>)
      tpu.yield
    }) : () -> ()
    %mul3A_25 = arith.constant 640 : i32
    %mul3A_26 = arith.muli %arg1, %mul3A_25 : i32
    %add3A_27 = arith.constant 512 : i32
    %add3A_28 = arith.addi %mul3A_26, %add3A_27 : i32
    %run_scoped3A_29 = arith.constant 0 : i32
    "tpu.region"() ({
      %run_scoped3A_69 = tpu.sem_alloc : memref<!tpu.dma_semaphore, #tpu.memory_space<semaphore_mem>>
      %dma_start3A_70 = arith.constant 0 : i32
      %dma_start3A_71 = arith.constant 0 : i32
      %dma_start3A_72 = tpu.memref_slice %arg6[%run_scoped3A_29, %dma_start3A_70, %dma_start3A_71] : memref<2x128x128xf32, #tpu.memory_space<vmem>> -> memref<1x128x128xf32, #tpu.memory_space<vmem>>
      %dma_start3A_73 = tpu.memref_squeeze %dma_start3A_72 : memref<1x128x128xf32, #tpu.memory_space<vmem>> -> memref<128x128xf32, #tpu.memory_space<vmem>>
      %dma_start3A_74 = arith.constant 0 : i32
      %dma_start3A_75 = tpu.memref_slice %arg7[%add3A_28, %dma_start3A_74] : memref<10240x128xf32, #tpu.memory_space<vmem_shared>> -> memref<128x128xf32, #tpu.memory_space<vmem_shared>>
      %dma_start3A_76 = arith.constant 0 : i32
      %dma_start3A_77 = tpu.memref_slice %arg7[%add3A_28, %dma_start3A_76] : memref<10240x128xf32, #tpu.memory_space<vmem_shared>> -> memref<128x128xf32, #tpu.memory_space<vmem_shared>>
      %dma_start3A_78 = arith.constant 0 : i32
      %dma_start3A_79 = arith.constant 0 : i32
      %dma_start3A_80 = tpu.memref_slice %arg6[%run_scoped3A_29, %dma_start3A_78, %dma_start3A_79] : memref<2x128x128xf32, #tpu.memory_space<vmem>> -> memref<1x128x128xf32, #tpu.memory_space<vmem>>
      %dma_start3A_81 = tpu.memref_squeeze %dma_start3A_80 : memref<1x128x128xf32, #tpu.memory_space<vmem>> -> memref<128x128xf32, #tpu.memory_space<vmem>>
      tpu.enqueue_dma source(%dma_start3A_81 : memref<128x128xf32, #tpu.memory_space<vmem>>) target(%dma_start3A_77 : memref<128x128xf32, #tpu.memory_space<vmem_shared>>) target_semaphore(%run_scoped3A_69 : memref<!tpu.dma_semaphore, #tpu.memory_space<semaphore_mem>>)
      %dma_wait3A = arith.constant 0 : i32
      %dma_wait3A_82 = arith.constant 0 : i32
      %dma_wait3A_83 = tpu.memref_slice %arg6[%run_scoped3A_29, %dma_wait3A, %dma_wait3A_82] : memref<2x128x128xf32, #tpu.memory_space<vmem>> -> memref<1x128x128xf32, #tpu.memory_space<vmem>>
      %dma_wait3A_84 = tpu.memref_squeeze %dma_wait3A_83 : memref<1x128x128xf32, #tpu.memory_space<vmem>> -> memref<128x128xf32, #tpu.memory_space<vmem>>
      %dma_wait3A_85 = arith.constant 0 : i32
      %dma_wait3A_86 = tpu.memref_slice %arg7[%add3A_28, %dma_wait3A_85] : memref<10240x128xf32, #tpu.memory_space<vmem_shared>> -> memref<128x128xf32, #tpu.memory_space<vmem_shared>>
      %dma_wait3A_87 = arith.constant 0 : i32
      %dma_wait3A_88 = tpu.memref_slice %arg7[%add3A_28, %dma_wait3A_87] : memref<10240x128xf32, #tpu.memory_space<vmem_shared>> -> memref<128x128xf32, #tpu.memory_space<vmem_shared>>
      %dma_wait3A_89 = arith.constant 0 : i32
      %dma_wait3A_90 = arith.constant 0 : i32
      %dma_wait3A_91 = tpu.memref_slice %arg6[%run_scoped3A_29, %dma_wait3A_89, %dma_wait3A_90] : memref<2x128x128xf32, #tpu.memory_space<vmem>> -> memref<1x128x128xf32, #tpu.memory_space<vmem>>
      %dma_wait3A_92 = tpu.memref_squeeze %dma_wait3A_91 : memref<1x128x128xf32, #tpu.memory_space<vmem>> -> memref<128x128xf32, #tpu.memory_space<vmem>>
      tpu.wait_dma2 semaphore(%run_scoped3A_69 : memref<!tpu.dma_semaphore, #tpu.memory_space<semaphore_mem>>) src(%dma_wait3A_92 : memref<128x128xf32, #tpu.memory_space<vmem>>) dst(%dma_wait3A_88 : memref<128x128xf32, #tpu.memory_space<vmem_shared>>)
      tpu.yield
    }) : () -> ()
    %barrier3A = arith.constant 0 : index
    tpu.barrier barrier_id(%barrier3A)
    %dma_start3A = arith.constant 0 : i32
    %dma_start3A_30 = arith.constant 0 : i32
    %dma_start3A_31 = arith.constant 0 : i32
    %dma_start3A_32 = arith.constant 0 : i32
    %dma_start3A_33 = arith.constant 0 : i32
    %dma_start3A_34 = tpu.memref_slice %arg5[%dma_start3A_30, %dma_start3A_31, %dma_start3A_32, %dma_start3A_33] : memref<2x2x8x128xi32, #tpu.memory_space<vmem>> -> memref<1x2x8x128xi32, #tpu.memory_space<vmem>>
    %dma_start3A_35 = tpu.memref_squeeze %dma_start3A_34 : memref<1x2x8x128xi32, #tpu.memory_space<vmem>> -> memref<2x8x128xi32, #tpu.memory_space<vmem>>
    %dma_start3A_36 = arith.constant 0 : i32
    %dma_start3A_37 = arith.constant 0 : i32
    %dma_start3A_38 = arith.constant 0 : i32
    %dma_start3A_39 = tpu.memref_slice %arg3[%add3A, %dma_start3A, %dma_start3A_36, %dma_start3A_37, %dma_start3A_38] : memref<32x10x2x8x128xi32, #tpu.memory_space<hbm>> -> memref<1x1x2x8x128xi32, #tpu.memory_space<hbm>>
    %dma_start3A_40 = tpu.memref_squeeze %dma_start3A_39 : memref<1x1x2x8x128xi32, #tpu.memory_space<hbm>> -> memref<2x8x128xi32, #tpu.memory_space<hbm>>
    %dma_start3A_41 = arith.constant 0 : i32
    %dma_start3A_42 = arith.constant 0 : i32
    %dma_start3A_43 = arith.constant 0 : i32
    %dma_start3A_44 = tpu.memref_slice %arg5[%dma_start3A_30, %dma_start3A_41, %dma_start3A_42, %dma_start3A_43] : memref<2x2x8x128xi32, #tpu.memory_space<vmem>> -> memref<1x2x8x128xi32, #tpu.memory_space<vmem>>
    %dma_start3A_45 = tpu.memref_squeeze %dma_start3A_44 : memref<1x2x8x128xi32, #tpu.memory_space<vmem>> -> memref<2x8x128xi32, #tpu.memory_space<vmem>>
    %dma_start3A_46 = arith.constant 0 : i32
    %dma_start3A_47 = arith.constant 0 : i32
    %dma_start3A_48 = arith.constant 0 : i32
    %dma_start3A_49 = tpu.memref_slice %arg3[%add3A, %dma_start3A, %dma_start3A_46, %dma_start3A_47, %dma_start3A_48] : memref<32x10x2x8x128xi32, #tpu.memory_space<hbm>> -> memref<1x1x2x8x128xi32, #tpu.memory_space<hbm>>
    %dma_start3A_50 = tpu.memref_squeeze %dma_start3A_49 : memref<1x1x2x8x128xi32, #tpu.memory_space<hbm>> -> memref<2x8x128xi32, #tpu.memory_space<hbm>>
    tpu.enqueue_dma source(%dma_start3A_50 : memref<2x8x128xi32, #tpu.memory_space<hbm>>) target(%dma_start3A_45 : memref<2x8x128xi32, #tpu.memory_space<vmem>>) target_semaphore(%arg8 : memref<!tpu.dma_semaphore, #tpu.memory_space<semaphore_mem>>)
    %scan3A_51 = arith.constant 0 : i32
    %scan3A_52 = arith.constant 0 : i32
    %scan3A_53 = arith.constant 5 : i32
    %scan3A_54 = arith.addi %scan3A_52, %scan3A_53 : i32
    %scan3A_55 = arith.constant 1 : i32
    scf.for %scan3A_69 = %scan3A_52 to %scan3A_54 step %scan3A_55  : i32 {
      %mul3A_70 = arith.constant 2 : i32
      %mul3A_71 = arith.muli %scan3A_69, %mul3A_70 : i32
      %add3A_72 = arith.constant 0 : i32
      %add3A_73 = arith.addi %mul3A_71, %add3A_72 : i32
      %dma_wait3A = arith.constant 0 : i32
      %dma_wait3A_74 = arith.constant 0 : i32
      %dma_wait3A_75 = arith.constant 0 : i32
      %dma_wait3A_76 = arith.constant 0 : i32
      %dma_wait3A_77 = tpu.memref_slice %arg5[%dma_wait3A, %dma_wait3A_74, %dma_wait3A_75, %dma_wait3A_76] : memref<2x2x8x128xi32, #tpu.memory_space<vmem>> -> memref<1x2x8x128xi32, #tpu.memory_space<vmem>>
      %dma_wait3A_78 = tpu.memref_squeeze %dma_wait3A_77 : memref<1x2x8x128xi32, #tpu.memory_space<vmem>> -> memref<2x8x128xi32, #tpu.memory_space<vmem>>
      %dma_wait3A_79 = arith.constant 0 : i32
      %dma_wait3A_80 = arith.constant 0 : i32
      %dma_wait3A_81 = arith.constant 0 : i32
      %dma_wait3A_82 = tpu.memref_slice %arg3[%add3A, %add3A_73, %dma_wait3A_79, %dma_wait3A_80, %dma_wait3A_81] : memref<32x10x2x8x128xi32, #tpu.memory_space<hbm>> -> memref<1x1x2x8x128xi32, #tpu.memory_space<hbm>>
      %dma_wait3A_83 = tpu.memref_squeeze %dma_wait3A_82 : memref<1x1x2x8x128xi32, #tpu.memory_space<hbm>> -> memref<2x8x128xi32, #tpu.memory_space<hbm>>
      %dma_wait3A_84 = arith.constant 0 : i32
      %dma_wait3A_85 = arith.constant 0 : i32
      %dma_wait3A_86 = arith.constant 0 : i32
      %dma_wait3A_87 = tpu.memref_slice %arg5[%dma_wait3A, %dma_wait3A_84, %dma_wait3A_85, %dma_wait3A_86] : memref<2x2x8x128xi32, #tpu.memory_space<vmem>> -> memref<1x2x8x128xi32, #tpu.memory_space<vmem>>
      %dma_wait3A_88 = tpu.memref_squeeze %dma_wait3A_87 : memref<1x2x8x128xi32, #tpu.memory_space<vmem>> -> memref<2x8x128xi32, #tpu.memory_space<vmem>>
      %dma_wait3A_89 = arith.constant 0 : i32
      %dma_wait3A_90 = arith.constant 0 : i32
      %dma_wait3A_91 = arith.constant 0 : i32
      %dma_wait3A_92 = tpu.memref_slice %arg3[%add3A, %add3A_73, %dma_wait3A_89, %dma_wait3A_90, %dma_wait3A_91] : memref<32x10x2x8x128xi32, #tpu.memory_space<hbm>> -> memref<1x1x2x8x128xi32, #tpu.memory_space<hbm>>
      %dma_wait3A_93 = tpu.memref_squeeze %dma_wait3A_92 : memref<1x1x2x8x128xi32, #tpu.memory_space<hbm>> -> memref<2x8x128xi32, #tpu.memory_space<hbm>>
      tpu.wait_dma2 semaphore(%arg8 : memref<!tpu.dma_semaphore, #tpu.memory_space<semaphore_mem>>) src(%dma_wait3A_93 : memref<2x8x128xi32, #tpu.memory_space<hbm>>) dst(%dma_wait3A_88 : memref<2x8x128xi32, #tpu.memory_space<vmem>>)
      %add3A_94 = arith.constant 1 : i32
      %add3A_95 = arith.addi %add3A_73, %add3A_94 : i32
      %lt3A = arith.constant 10 : i32
      %lt3A_96 = arith.cmpi slt, %add3A_95, %lt3A : i32
      %convert_element_type3A = arith.extui %lt3A_96 : i1 to i32
      %cond3A = arith.constant 0 : i32
      %cond3A_97 = arith.cmpi ne, %convert_element_type3A, %cond3A : i32
      scf.if %cond3A_97 {
        %add3A_170 = arith.constant 1 : i32
        %add3A_171 = arith.addi %add3A_73, %add3A_170 : i32
        %dma_start3A_172 = arith.constant 1 : i32
        %dma_start3A_173 = arith.constant 0 : i32
        %dma_start3A_174 = arith.constant 0 : i32
        %dma_start3A_175 = arith.constant 0 : i32
        %dma_start3A_176 = tpu.memref_slice %arg5[%dma_start3A_172, %dma_start3A_173, %dma_start3A_174, %dma_start3A_175] : memref<2x2x8x128xi32, #tpu.memory_space<vmem>> -> memref<1x2x8x128xi32, #tpu.memory_space<vmem>>
        %dma_start3A_177 = tpu.memref_squeeze %dma_start3A_176 : memref<1x2x8x128xi32, #tpu.memory_space<vmem>> -> memref<2x8x128xi32, #tpu.memory_space<vmem>>
        %dma_start3A_178 = arith.constant 0 : i32
        %dma_start3A_179 = arith.constant 0 : i32
        %dma_start3A_180 = arith.constant 0 : i32
        %dma_start3A_181 = tpu.memref_slice %arg3[%add3A, %add3A_171, %dma_start3A_178, %dma_start3A_179, %dma_start3A_180] : memref<32x10x2x8x128xi32, #tpu.memory_space<hbm>> -> memref<1x1x2x8x128xi32, #tpu.memory_space<hbm>>
        %dma_start3A_182 = tpu.memref_squeeze %dma_start3A_181 : memref<1x1x2x8x128xi32, #tpu.memory_space<hbm>> -> memref<2x8x128xi32, #tpu.memory_space<hbm>>
        %dma_start3A_183 = arith.constant 0 : i32
        %dma_start3A_184 = arith.constant 0 : i32
        %dma_start3A_185 = arith.constant 0 : i32
        %dma_start3A_186 = tpu.memref_slice %arg5[%dma_start3A_172, %dma_start3A_183, %dma_start3A_184, %dma_start3A_185] : memref<2x2x8x128xi32, #tpu.memory_space<vmem>> -> memref<1x2x8x128xi32, #tpu.memory_space<vmem>>
        %dma_start3A_187 = tpu.memref_squeeze %dma_start3A_186 : memref<1x2x8x128xi32, #tpu.memory_space<vmem>> -> memref<2x8x128xi32, #tpu.memory_space<vmem>>
        %dma_start3A_188 = arith.constant 0 : i32
        %dma_start3A_189 = arith.constant 0 : i32
        %dma_start3A_190 = arith.constant 0 : i32
        %dma_start3A_191 = tpu.memref_slice %arg3[%add3A, %add3A_171, %dma_start3A_188, %dma_start3A_189, %dma_start3A_190] : memref<32x10x2x8x128xi32, #tpu.memory_space<hbm>> -> memref<1x1x2x8x128xi32, #tpu.memory_space<hbm>>
        %dma_start3A_192 = tpu.memref_squeeze %dma_start3A_191 : memref<1x1x2x8x128xi32, #tpu.memory_space<hbm>> -> memref<2x8x128xi32, #tpu.memory_space<hbm>>
        tpu.enqueue_dma source(%dma_start3A_192 : memref<2x8x128xi32, #tpu.memory_space<hbm>>) target(%dma_start3A_187 : memref<2x8x128xi32, #tpu.memory_space<vmem>>) target_semaphore(%arg9 : memref<!tpu.dma_semaphore, #tpu.memory_space<semaphore_mem>>)
      } else {
      }
      %dma_start3A_98 = arith.constant 0 : i32
      %dma_start3A_99 = arith.constant 0 : i32
      %dma_start3A_100 = arith.constant 0 : i32
      %dma_start3A_101 = arith.constant 0 : i32
      %dma_start3A_102 = arith.constant 0 : i32
      %dma_start3A_103 = arith.constant 0 : i32
      %dma_start3A_104 = tpu.memref_slice %arg6[%dma_start3A_101, %dma_start3A_102, %dma_start3A_103] : memref<2x128x128xf32, #tpu.memory_space<vmem>> -> memref<1x128x128xf32, #tpu.memory_space<vmem>>
      %dma_start3A_105 = tpu.memref_squeeze %dma_start3A_104 : memref<1x128x128xf32, #tpu.memory_space<vmem>> -> memref<128x128xf32, #tpu.memory_space<vmem>>
      %dma_start3A_106 = arith.constant 0 : i32
      %dma_start3A_107 = tpu.memref_slice %arg5[%dma_start3A_98, %dma_start3A_99, %dma_start3A_100, %dma_start3A_106] : memref<2x2x8x128xi32, #tpu.memory_space<vmem>> -> memref<1x1x1x128xi32, #tpu.memory_space<vmem>>
      %dma_start3A_108 = tpu.memref_squeeze %dma_start3A_107 : memref<1x1x1x128xi32, #tpu.memory_space<vmem>> -> memref<128xi32, #tpu.memory_space<vmem>>
      %dma_start3A_109 = arith.constant 0 : i32
      %dma_start3A_110 = arith.constant 0 : i32
      %dma_start3A_111 = tpu.memref_slice %arg2[%dma_start3A_109, %dma_start3A_110] : memref<10240x128xf32, #tpu.memory_space<hbm>> -> memref<10240x128xf32, #tpu.memory_space<hbm>>
      tpu.enqueue_indirect_dma source(%dma_start3A_111 : memref<10240x128xf32, #tpu.memory_space<hbm>>) target(%dma_start3A_105 : memref<128x128xf32, #tpu.memory_space<vmem>>) offsets(%dma_start3A_108 : memref<128xi32, #tpu.memory_space<vmem>>) semaphore(%arg10 : memref<!tpu.dma_semaphore, #tpu.memory_space<semaphore_mem>>)
      %scan3A_112 = arith.constant 0 : i32
      %scan3A_113 = arith.constant 0 : i32
      %scan3A_114 = arith.constant 4 : i32
      %scan3A_115 = arith.addi %scan3A_113, %scan3A_114 : i32
      %scan3A_116 = arith.constant 1 : i32
      scf.for %scan3A_170 = %scan3A_113 to %scan3A_115 step %scan3A_116  : i32 {
        %mul3A_171 = arith.constant 2 : i32
        %mul3A_172 = arith.muli %scan3A_170, %mul3A_171 : i32
        %add3A_173 = arith.constant 0 : i32
        %add3A_174 = arith.addi %mul3A_172, %add3A_173 : i32
        %dma_wait3A_175 = arith.constant 0 : i32
        %dma_wait3A_176 = arith.constant 0 : i32
        %dma_wait3A_177 = arith.constant 0 : i32
        %dma_wait3A_178 = arith.constant 0 : i32
        %dma_wait3A_179 = arith.constant 0 : i32
        %dma_wait3A_180 = tpu.memref_slice %arg6[%dma_wait3A_177, %dma_wait3A_178, %dma_wait3A_179] : memref<2x128x128xf32, #tpu.memory_space<vmem>> -> memref<1x128x128xf32, #tpu.memory_space<vmem>>
        %dma_wait3A_181 = tpu.memref_squeeze %dma_wait3A_180 : memref<1x128x128xf32, #tpu.memory_space<vmem>> -> memref<128x128xf32, #tpu.memory_space<vmem>>
        %dma_wait3A_182 = arith.constant 0 : i32
        %dma_wait3A_183 = tpu.memref_slice %arg5[%dma_wait3A_175, %dma_wait3A_176, %add3A_174, %dma_wait3A_182] : memref<2x2x8x128xi32, #tpu.memory_space<vmem>> -> memref<1x1x1x128xi32, #tpu.memory_space<vmem>>
        %dma_wait3A_184 = tpu.memref_squeeze %dma_wait3A_183 : memref<1x1x1x128xi32, #tpu.memory_space<vmem>> -> memref<128xi32, #tpu.memory_space<vmem>>
        %dma_wait3A_185 = arith.constant 0 : i32
        %dma_wait3A_186 = arith.constant 0 : i32
        %dma_wait3A_187 = tpu.memref_slice %arg2[%dma_wait3A_185, %dma_wait3A_186] : memref<10240x128xf32, #tpu.memory_space<hbm>> -> memref<10240x128xf32, #tpu.memory_space<hbm>>
        tpu.wait_indirect_dma semaphore(%arg10 : memref<!tpu.dma_semaphore, #tpu.memory_space<semaphore_mem>>) src(%dma_wait3A_187 : memref<10240x128xf32, #tpu.memory_space<hbm>>) dst(%dma_wait3A_181 : memref<128x128xf32, #tpu.memory_space<vmem>>)
        %add3A_188 = arith.constant 1 : i32
        %add3A_189 = arith.addi %add3A_174, %add3A_188 : i32
        %lt3A_190 = arith.constant 8 : i32
        %lt3A_191 = arith.cmpi slt, %add3A_189, %lt3A_190 : i32
        %convert_element_type3A_192 = arith.extui %lt3A_191 : i1 to i32
        %cond3A_193 = arith.constant 0 : i32
        %cond3A_194 = arith.cmpi ne, %convert_element_type3A_192, %cond3A_193 : i32
        scf.if %cond3A_194 {
          %add3A_225 = arith.constant 1 : i32
          %add3A_226 = arith.addi %add3A_174, %add3A_225 : i32
          %dma_start3A_227 = arith.constant 0 : i32
          %dma_start3A_228 = arith.constant 0 : i32
          %dma_start3A_229 = arith.constant 1 : i32
          %dma_start3A_230 = arith.constant 0 : i32
          %dma_start3A_231 = arith.constant 0 : i32
          %dma_start3A_232 = tpu.memref_slice %arg6[%dma_start3A_229, %dma_start3A_230, %dma_start3A_231] : memref<2x128x128xf32, #tpu.memory_space<vmem>> -> memref<1x128x128xf32, #tpu.memory_space<vmem>>
          %dma_start3A_233 = tpu.memref_squeeze %dma_start3A_232 : memref<1x128x128xf32, #tpu.memory_space<vmem>> -> memref<128x128xf32, #tpu.memory_space<vmem>>
          %dma_start3A_234 = arith.constant 0 : i32
          %dma_start3A_235 = tpu.memref_slice %arg5[%dma_start3A_227, %dma_start3A_228, %add3A_226, %dma_start3A_234] : memref<2x2x8x128xi32, #tpu.memory_space<vmem>> -> memref<1x1x1x128xi32, #tpu.memory_space<vmem>>
          %dma_start3A_236 = tpu.memref_squeeze %dma_start3A_235 : memref<1x1x1x128xi32, #tpu.memory_space<vmem>> -> memref<128xi32, #tpu.memory_space<vmem>>
          %dma_start3A_237 = arith.constant 0 : i32
          %dma_start3A_238 = arith.constant 0 : i32
          %dma_start3A_239 = tpu.memref_slice %arg2[%dma_start3A_237, %dma_start3A_238] : memref<10240x128xf32, #tpu.memory_space<hbm>> -> memref<10240x128xf32, #tpu.memory_space<hbm>>
          tpu.enqueue_indirect_dma source(%dma_start3A_239 : memref<10240x128xf32, #tpu.memory_space<hbm>>) target(%dma_start3A_233 : memref<128x128xf32, #tpu.memory_space<vmem>>) offsets(%dma_start3A_236 : memref<128xi32, #tpu.memory_space<vmem>>) semaphore(%arg11 : memref<!tpu.dma_semaphore, #tpu.memory_space<semaphore_mem>>)
        } else {
        }
        %run_scoped3A_195 = arith.constant 0 : i32
        %run_scoped3A_196 = arith.constant 0 : i32
        %run_scoped3A_197 = arith.constant 1 : i32
        "tpu.region"() ({
          %run_scoped3A_225 = tpu.sem_alloc : memref<!tpu.dma_semaphore, #tpu.memory_space<semaphore_mem>>
          %dma_start3A_226 = arith.constant 0 : i32
          %dma_start3A_227 = arith.constant 0 : i32
          %dma_start3A_228 = tpu.memref_slice %arg6[%run_scoped3A_195, %dma_start3A_226, %dma_start3A_227] : memref<2x128x128xf32, #tpu.memory_space<vmem>> -> memref<1x128x128xf32, #tpu.memory_space<vmem>>
          %dma_start3A_229 = tpu.memref_squeeze %dma_start3A_228 : memref<1x128x128xf32, #tpu.memory_space<vmem>> -> memref<128x128xf32, #tpu.memory_space<vmem>>
          %dma_start3A_230 = arith.constant 0 : i32
          %dma_start3A_231 = tpu.memref_slice %arg5[%run_scoped3A_196, %run_scoped3A_197, %add3A_174, %dma_start3A_230] : memref<2x2x8x128xi32, #tpu.memory_space<vmem>> -> memref<1x1x1x128xi32, #tpu.memory_space<vmem>>
          %dma_start3A_232 = tpu.memref_squeeze %dma_start3A_231 : memref<1x1x1x128xi32, #tpu.memory_space<vmem>> -> memref<128xi32, #tpu.memory_space<vmem>>
          %dma_start3A_233 = arith.constant 0 : i32
          %dma_start3A_234 = arith.constant 0 : i32
          %dma_start3A_235 = tpu.memref_slice %arg7[%dma_start3A_233, %dma_start3A_234] : memref<10240x128xf32, #tpu.memory_space<vmem_shared>> -> memref<10240x128xf32, #tpu.memory_space<vmem_shared>>
          tpu.enqueue_indirect_dma source(%dma_start3A_229 : memref<128x128xf32, #tpu.memory_space<vmem>>) target(%dma_start3A_235 : memref<10240x128xf32, #tpu.memory_space<vmem_shared>>) offsets(%dma_start3A_232 : memref<128xi32, #tpu.memory_space<vmem>>) semaphore(%run_scoped3A_225 : memref<!tpu.dma_semaphore, #tpu.memory_space<semaphore_mem>>) {add = true}
          %dma_wait3A_236 = arith.constant 0 : i32
          %dma_wait3A_237 = arith.constant 0 : i32
          %dma_wait3A_238 = tpu.memref_slice %arg6[%run_scoped3A_195, %dma_wait3A_236, %dma_wait3A_237] : memref<2x128x128xf32, #tpu.memory_space<vmem>> -> memref<1x128x128xf32, #tpu.memory_space<vmem>>
          %dma_wait3A_239 = tpu.memref_squeeze %dma_wait3A_238 : memref<1x128x128xf32, #tpu.memory_space<vmem>> -> memref<128x128xf32, #tpu.memory_space<vmem>>
          %dma_wait3A_240 = arith.constant 0 : i32
          %dma_wait3A_241 = tpu.memref_slice %arg5[%run_scoped3A_196, %run_scoped3A_197, %add3A_174, %dma_wait3A_240] : memref<2x2x8x128xi32, #tpu.memory_space<vmem>> -> memref<1x1x1x128xi32, #tpu.memory_space<vmem>>
          %dma_wait3A_242 = tpu.memref_squeeze %dma_wait3A_241 : memref<1x1x1x128xi32, #tpu.memory_space<vmem>> -> memref<128xi32, #tpu.memory_space<vmem>>
          %dma_wait3A_243 = arith.constant 0 : i32
          %dma_wait3A_244 = arith.constant 0 : i32
          %dma_wait3A_245 = tpu.memref_slice %arg7[%dma_wait3A_243, %dma_wait3A_244] : memref<10240x128xf32, #tpu.memory_space<vmem_shared>> -> memref<10240x128xf32, #tpu.memory_space<vmem_shared>>
          tpu.wait_indirect_dma semaphore(%run_scoped3A_225 : memref<!tpu.dma_semaphore, #tpu.memory_space<semaphore_mem>>) src(%dma_wait3A_239 : memref<128x128xf32, #tpu.memory_space<vmem>>) dst(%dma_wait3A_245 : memref<10240x128xf32, #tpu.memory_space<vmem_shared>>)
          tpu.yield
        }) : () -> ()
        %mul3A_198 = arith.constant 2 : i32
        %mul3A_199 = arith.muli %scan3A_170, %mul3A_198 : i32
        %add3A_200 = arith.constant 1 : i32
        %add3A_201 = arith.addi %mul3A_199, %add3A_200 : i32
        %dma_wait3A_202 = arith.constant 0 : i32
        %dma_wait3A_203 = arith.constant 0 : i32
        %dma_wait3A_204 = arith.constant 1 : i32
        %dma_wait3A_205 = arith.constant 0 : i32
        %dma_wait3A_206 = arith.constant 0 : i32
        %dma_wait3A_207 = tpu.memref_slice %arg6[%dma_wait3A_204, %dma_wait3A_205, %dma_wait3A_206] : memref<2x128x128xf32, #tpu.memory_space<vmem>> -> memref<1x128x128xf32, #tpu.memory_space<vmem>>
        %dma_wait3A_208 = tpu.memref_squeeze %dma_wait3A_207 : memref<1x128x128xf32, #tpu.memory_space<vmem>> -> memref<128x128xf32, #tpu.memory_space<vmem>>
        %dma_wait3A_209 = arith.constant 0 : i32
        %dma_wait3A_210 = tpu.memref_slice %arg5[%dma_wait3A_202, %dma_wait3A_203, %add3A_201, %dma_wait3A_209] : memref<2x2x8x128xi32, #tpu.memory_space<vmem>> -> memref<1x1x1x128xi32, #tpu.memory_space<vmem>>
        %dma_wait3A_211 = tpu.memref_squeeze %dma_wait3A_210 : memref<1x1x1x128xi32, #tpu.memory_space<vmem>> -> memref<128xi32, #tpu.memory_space<vmem>>
        %dma_wait3A_212 = arith.constant 0 : i32
        %dma_wait3A_213 = arith.constant 0 : i32
        %dma_wait3A_214 = tpu.memref_slice %arg2[%dma_wait3A_212, %dma_wait3A_213] : memref<10240x128xf32, #tpu.memory_space<hbm>> -> memref<10240x128xf32, #tpu.memory_space<hbm>>
        tpu.wait_indirect_dma semaphore(%arg11 : memref<!tpu.dma_semaphore, #tpu.memory_space<semaphore_mem>>) src(%dma_wait3A_214 : memref<10240x128xf32, #tpu.memory_space<hbm>>) dst(%dma_wait3A_208 : memref<128x128xf32, #tpu.memory_space<vmem>>)
        %add3A_215 = arith.constant 1 : i32
        %add3A_216 = arith.addi %add3A_201, %add3A_215 : i32
        %lt3A_217 = arith.constant 8 : i32
        %lt3A_218 = arith.cmpi slt, %add3A_216, %lt3A_217 : i32
        %convert_element_type3A_219 = arith.extui %lt3A_218 : i1 to i32
        %cond3A_220 = arith.constant 0 : i32
        %cond3A_221 = arith.cmpi ne, %convert_element_type3A_219, %cond3A_220 : i32
        scf.if %cond3A_221 {
          %add3A_225 = arith.constant 1 : i32
          %add3A_226 = arith.addi %add3A_201, %add3A_225 : i32
          %dma_start3A_227 = arith.constant 0 : i32
          %dma_start3A_228 = arith.constant 0 : i32
          %dma_start3A_229 = arith.constant 0 : i32
          %dma_start3A_230 = arith.constant 0 : i32
          %dma_start3A_231 = arith.constant 0 : i32
          %dma_start3A_232 = tpu.memref_slice %arg6[%dma_start3A_229, %dma_start3A_230, %dma_start3A_231] : memref<2x128x128xf32, #tpu.memory_space<vmem>> -> memref<1x128x128xf32, #tpu.memory_space<vmem>>
          %dma_start3A_233 = tpu.memref_squeeze %dma_start3A_232 : memref<1x128x128xf32, #tpu.memory_space<vmem>> -> memref<128x128xf32, #tpu.memory_space<vmem>>
          %dma_start3A_234 = arith.constant 0 : i32
          %dma_start3A_235 = tpu.memref_slice %arg5[%dma_start3A_227, %dma_start3A_228, %add3A_226, %dma_start3A_234] : memref<2x2x8x128xi32, #tpu.memory_space<vmem>> -> memref<1x1x1x128xi32, #tpu.memory_space<vmem>>
          %dma_start3A_236 = tpu.memref_squeeze %dma_start3A_235 : memref<1x1x1x128xi32, #tpu.memory_space<vmem>> -> memref<128xi32, #tpu.memory_space<vmem>>
          %dma_start3A_237 = arith.constant 0 : i32
          %dma_start3A_238 = arith.constant 0 : i32
          %dma_start3A_239 = tpu.memref_slice %arg2[%dma_start3A_237, %dma_start3A_238] : memref<10240x128xf32, #tpu.memory_space<hbm>> -> memref<10240x128xf32, #tpu.memory_space<hbm>>
          tpu.enqueue_indirect_dma source(%dma_start3A_239 : memref<10240x128xf32, #tpu.memory_space<hbm>>) target(%dma_start3A_233 : memref<128x128xf32, #tpu.memory_space<vmem>>) offsets(%dma_start3A_236 : memref<128xi32, #tpu.memory_space<vmem>>) semaphore(%arg10 : memref<!tpu.dma_semaphore, #tpu.memory_space<semaphore_mem>>)
        } else {
        }
        %run_scoped3A_222 = arith.constant 1 : i32
        %run_scoped3A_223 = arith.constant 0 : i32
        %run_scoped3A_224 = arith.constant 1 : i32
        "tpu.region"() ({
          %run_scoped3A_225 = tpu.sem_alloc : memref<!tpu.dma_semaphore, #tpu.memory_space<semaphore_mem>>
          %dma_start3A_226 = arith.constant 0 : i32
          %dma_start3A_227 = arith.constant 0 : i32
          %dma_start3A_228 = tpu.memref_slice %arg6[%run_scoped3A_222, %dma_start3A_226, %dma_start3A_227] : memref<2x128x128xf32, #tpu.memory_space<vmem>> -> memref<1x128x128xf32, #tpu.memory_space<vmem>>
          %dma_start3A_229 = tpu.memref_squeeze %dma_start3A_228 : memref<1x128x128xf32, #tpu.memory_space<vmem>> -> memref<128x128xf32, #tpu.memory_space<vmem>>
          %dma_start3A_230 = arith.constant 0 : i32
          %dma_start3A_231 = tpu.memref_slice %arg5[%run_scoped3A_223, %run_scoped3A_224, %add3A_201, %dma_start3A_230] : memref<2x2x8x128xi32, #tpu.memory_space<vmem>> -> memref<1x1x1x128xi32, #tpu.memory_space<vmem>>
          %dma_start3A_232 = tpu.memref_squeeze %dma_start3A_231 : memref<1x1x1x128xi32, #tpu.memory_space<vmem>> -> memref<128xi32, #tpu.memory_space<vmem>>
          %dma_start3A_233 = arith.constant 0 : i32
          %dma_start3A_234 = arith.constant 0 : i32
          %dma_start3A_235 = tpu.memref_slice %arg7[%dma_start3A_233, %dma_start3A_234] : memref<10240x128xf32, #tpu.memory_space<vmem_shared>> -> memref<10240x128xf32, #tpu.memory_space<vmem_shared>>
          tpu.enqueue_indirect_dma source(%dma_start3A_229 : memref<128x128xf32, #tpu.memory_space<vmem>>) target(%dma_start3A_235 : memref<10240x128xf32, #tpu.memory_space<vmem_shared>>) offsets(%dma_start3A_232 : memref<128xi32, #tpu.memory_space<vmem>>) semaphore(%run_scoped3A_225 : memref<!tpu.dma_semaphore, #tpu.memory_space<semaphore_mem>>) {add = true}
          %dma_wait3A_236 = arith.constant 0 : i32
          %dma_wait3A_237 = arith.constant 0 : i32
          %dma_wait3A_238 = tpu.memref_slice %arg6[%run_scoped3A_222, %dma_wait3A_236, %dma_wait3A_237] : memref<2x128x128xf32, #tpu.memory_space<vmem>> -> memref<1x128x128xf32, #tpu.memory_space<vmem>>
          %dma_wait3A_239 = tpu.memref_squeeze %dma_wait3A_238 : memref<1x128x128xf32, #tpu.memory_space<vmem>> -> memref<128x128xf32, #tpu.memory_space<vmem>>
          %dma_wait3A_240 = arith.constant 0 : i32
          %dma_wait3A_241 = tpu.memref_slice %arg5[%run_scoped3A_223, %run_scoped3A_224, %add3A_201, %dma_wait3A_240] : memref<2x2x8x128xi32, #tpu.memory_space<vmem>> -> memref<1x1x1x128xi32, #tpu.memory_space<vmem>>
          %dma_wait3A_242 = tpu.memref_squeeze %dma_wait3A_241 : memref<1x1x1x128xi32, #tpu.memory_space<vmem>> -> memref<128xi32, #tpu.memory_space<vmem>>
          %dma_wait3A_243 = arith.constant 0 : i32
          %dma_wait3A_244 = arith.constant 0 : i32
          %dma_wait3A_245 = tpu.memref_slice %arg7[%dma_wait3A_243, %dma_wait3A_244] : memref<10240x128xf32, #tpu.memory_space<vmem_shared>> -> memref<10240x128xf32, #tpu.memory_space<vmem_shared>>
          tpu.wait_indirect_dma semaphore(%run_scoped3A_225 : memref<!tpu.dma_semaphore, #tpu.memory_space<semaphore_mem>>) src(%dma_wait3A_239 : memref<128x128xf32, #tpu.memory_space<vmem>>) dst(%dma_wait3A_245 : memref<10240x128xf32, #tpu.memory_space<vmem_shared>>)
          tpu.yield
        }) : () -> ()
      }
      %scan3A_117 = arith.constant 4 : i32
      %mul3A_118 = arith.constant 2 : i32
      %mul3A_119 = arith.muli %scan3A_69, %mul3A_118 : i32
      %add3A_120 = arith.constant 1 : i32
      %add3A_121 = arith.addi %mul3A_119, %add3A_120 : i32
      %dma_wait3A_122 = arith.constant 1 : i32
      %dma_wait3A_123 = arith.constant 0 : i32
      %dma_wait3A_124 = arith.constant 0 : i32
      %dma_wait3A_125 = arith.constant 0 : i32
      %dma_wait3A_126 = tpu.memref_slice %arg5[%dma_wait3A_122, %dma_wait3A_123, %dma_wait3A_124, %dma_wait3A_125] : memref<2x2x8x128xi32, #tpu.memory_space<vmem>> -> memref<1x2x8x128xi32, #tpu.memory_space<vmem>>
      %dma_wait3A_127 = tpu.memref_squeeze %dma_wait3A_126 : memref<1x2x8x128xi32, #tpu.memory_space<vmem>> -> memref<2x8x128xi32, #tpu.memory_space<vmem>>
      %dma_wait3A_128 = arith.constant 0 : i32
      %dma_wait3A_129 = arith.constant 0 : i32
      %dma_wait3A_130 = arith.constant 0 : i32
      %dma_wait3A_131 = tpu.memref_slice %arg3[%add3A, %add3A_121, %dma_wait3A_128, %dma_wait3A_129, %dma_wait3A_130] : memref<32x10x2x8x128xi32, #tpu.memory_space<hbm>> -> memref<1x1x2x8x128xi32, #tpu.memory_space<hbm>>
      %dma_wait3A_132 = tpu.memref_squeeze %dma_wait3A_131 : memref<1x1x2x8x128xi32, #tpu.memory_space<hbm>> -> memref<2x8x128xi32, #tpu.memory_space<hbm>>
      %dma_wait3A_133 = arith.constant 0 : i32
      %dma_wait3A_134 = arith.constant 0 : i32
      %dma_wait3A_135 = arith.constant 0 : i32
      %dma_wait3A_136 = tpu.memref_slice %arg5[%dma_wait3A_122, %dma_wait3A_133, %dma_wait3A_134, %dma_wait3A_135] : memref<2x2x8x128xi32, #tpu.memory_space<vmem>> -> memref<1x2x8x128xi32, #tpu.memory_space<vmem>>
      %dma_wait3A_137 = tpu.memref_squeeze %dma_wait3A_136 : memref<1x2x8x128xi32, #tpu.memory_space<vmem>> -> memref<2x8x128xi32, #tpu.memory_space<vmem>>
      %dma_wait3A_138 = arith.constant 0 : i32
      %dma_wait3A_139 = arith.constant 0 : i32
      %dma_wait3A_140 = arith.constant 0 : i32
      %dma_wait3A_141 = tpu.memref_slice %arg3[%add3A, %add3A_121, %dma_wait3A_138, %dma_wait3A_139, %dma_wait3A_140] : memref<32x10x2x8x128xi32, #tpu.memory_space<hbm>> -> memref<1x1x2x8x128xi32, #tpu.memory_space<hbm>>
      %dma_wait3A_142 = tpu.memref_squeeze %dma_wait3A_141 : memref<1x1x2x8x128xi32, #tpu.memory_space<hbm>> -> memref<2x8x128xi32, #tpu.memory_space<hbm>>
      tpu.wait_dma2 semaphore(%arg9 : memref<!tpu.dma_semaphore, #tpu.memory_space<semaphore_mem>>) src(%dma_wait3A_142 : memref<2x8x128xi32, #tpu.memory_space<hbm>>) dst(%dma_wait3A_137 : memref<2x8x128xi32, #tpu.memory_space<vmem>>)
      %add3A_143 = arith.constant 1 : i32
      %add3A_144 = arith.addi %add3A_121, %add3A_143 : i32
      %lt3A_145 = arith.constant 10 : i32
      %lt3A_146 = arith.cmpi slt, %add3A_144, %lt3A_145 : i32
      %convert_element_type3A_147 = arith.extui %lt3A_146 : i1 to i32
      %cond3A_148 = arith.constant 0 : i32
      %cond3A_149 = arith.cmpi ne, %convert_element_type3A_147, %cond3A_148 : i32
      scf.if %cond3A_149 {
        %add3A_170 = arith.constant 1 : i32
        %add3A_171 = arith.addi %add3A_121, %add3A_170 : i32
        %dma_start3A_172 = arith.constant 0 : i32
        %dma_start3A_173 = arith.constant 0 : i32
        %dma_start3A_174 = arith.constant 0 : i32
        %dma_start3A_175 = arith.constant 0 : i32
        %dma_start3A_176 = tpu.memref_slice %arg5[%dma_start3A_172, %dma_start3A_173, %dma_start3A_174, %dma_start3A_175] : memref<2x2x8x128xi32, #tpu.memory_space<vmem>> -> memref<1x2x8x128xi32, #tpu.memory_space<vmem>>
        %dma_start3A_177 = tpu.memref_squeeze %dma_start3A_176 : memref<1x2x8x128xi32, #tpu.memory_space<vmem>> -> memref<2x8x128xi32, #tpu.memory_space<vmem>>
        %dma_start3A_178 = arith.constant 0 : i32
        %dma_start3A_179 = arith.constant 0 : i32
        %dma_start3A_180 = arith.constant 0 : i32
        %dma_start3A_181 = tpu.memref_slice %arg3[%add3A, %add3A_171, %dma_start3A_178, %dma_start3A_179, %dma_start3A_180] : memref<32x10x2x8x128xi32, #tpu.memory_space<hbm>> -> memref<1x1x2x8x128xi32, #tpu.memory_space<hbm>>
        %dma_start3A_182 = tpu.memref_squeeze %dma_start3A_181 : memref<1x1x2x8x128xi32, #tpu.memory_space<hbm>> -> memref<2x8x128xi32, #tpu.memory_space<hbm>>
        %dma_start3A_183 = arith.constant 0 : i32
        %dma_start3A_184 = arith.constant 0 : i32
        %dma_start3A_185 = arith.constant 0 : i32
        %dma_start3A_186 = tpu.memref_slice %arg5[%dma_start3A_172, %dma_start3A_183, %dma_start3A_184, %dma_start3A_185] : memref<2x2x8x128xi32, #tpu.memory_space<vmem>> -> memref<1x2x8x128xi32, #tpu.memory_space<vmem>>
        %dma_start3A_187 = tpu.memref_squeeze %dma_start3A_186 : memref<1x2x8x128xi32, #tpu.memory_space<vmem>> -> memref<2x8x128xi32, #tpu.memory_space<vmem>>
        %dma_start3A_188 = arith.constant 0 : i32
        %dma_start3A_189 = arith.constant 0 : i32
        %dma_start3A_190 = arith.constant 0 : i32
        %dma_start3A_191 = tpu.memref_slice %arg3[%add3A, %add3A_171, %dma_start3A_188, %dma_start3A_189, %dma_start3A_190] : memref<32x10x2x8x128xi32, #tpu.memory_space<hbm>> -> memref<1x1x2x8x128xi32, #tpu.memory_space<hbm>>
        %dma_start3A_192 = tpu.memref_squeeze %dma_start3A_191 : memref<1x1x2x8x128xi32, #tpu.memory_space<hbm>> -> memref<2x8x128xi32, #tpu.memory_space<hbm>>
        tpu.enqueue_dma source(%dma_start3A_192 : memref<2x8x128xi32, #tpu.memory_space<hbm>>) target(%dma_start3A_187 : memref<2x8x128xi32, #tpu.memory_space<vmem>>) target_semaphore(%arg8 : memref<!tpu.dma_semaphore, #tpu.memory_space<semaphore_mem>>)
      } else {
      }
      %dma_start3A_150 = arith.constant 1 : i32
      %dma_start3A_151 = arith.constant 0 : i32
      %dma_start3A_152 = arith.constant 0 : i32
      %dma_start3A_153 = arith.constant 0 : i32
      %dma_start3A_154 = arith.constant 0 : i32
      %dma_start3A_155 = arith.constant 0 : i32
      %dma_start3A_156 = tpu.memref_slice %arg6[%dma_start3A_153, %dma_start3A_154, %dma_start3A_155] : memref<2x128x128xf32, #tpu.memory_space<vmem>> -> memref<1x128x128xf32, #tpu.memory_space<vmem>>
      %dma_start3A_157 = tpu.memref_squeeze %dma_start3A_156 : memref<1x128x128xf32, #tpu.memory_space<vmem>> -> memref<128x128xf32, #tpu.memory_space<vmem>>
      %dma_start3A_158 = arith.constant 0 : i32
      %dma_start3A_159 = tpu.memref_slice %arg5[%dma_start3A_150, %dma_start3A_151, %dma_start3A_152, %dma_start3A_158] : memref<2x2x8x128xi32, #tpu.memory_space<vmem>> -> memref<1x1x1x128xi32, #tpu.memory_space<vmem>>
      %dma_start3A_160 = tpu.memref_squeeze %dma_start3A_159 : memref<1x1x1x128xi32, #tpu.memory_space<vmem>> -> memref<128xi32, #tpu.memory_space<vmem>>
      %dma_start3A_161 = arith.constant 0 : i32
      %dma_start3A_162 = arith.constant 0 : i32
      %dma_start3A_163 = tpu.memref_slice %arg2[%dma_start3A_161, %dma_start3A_162] : memref<10240x128xf32, #tpu.memory_space<hbm>> -> memref<10240x128xf32, #tpu.memory_space<hbm>>
      tpu.enqueue_indirect_dma source(%dma_start3A_163 : memref<10240x128xf32, #tpu.memory_space<hbm>>) target(%dma_start3A_157 : memref<128x128xf32, #tpu.memory_space<vmem>>) offsets(%dma_start3A_160 : memref<128xi32, #tpu.memory_space<vmem>>) semaphore(%arg10 : memref<!tpu.dma_semaphore, #tpu.memory_space<semaphore_mem>>)
      %scan3A_164 = arith.constant 0 : i32
      %scan3A_165 = arith.constant 0 : i32
      %scan3A_166 = arith.constant 4 : i32
      %scan3A_167 = arith.addi %scan3A_165, %scan3A_166 : i32
      %scan3A_168 = arith.constant 1 : i32
      scf.for %scan3A_170 = %scan3A_165 to %scan3A_167 step %scan3A_168  : i32 {
        %mul3A_171 = arith.constant 2 : i32
        %mul3A_172 = arith.muli %scan3A_170, %mul3A_171 : i32
        %add3A_173 = arith.constant 0 : i32
        %add3A_174 = arith.addi %mul3A_172, %add3A_173 : i32
        %dma_wait3A_175 = arith.constant 1 : i32
        %dma_wait3A_176 = arith.constant 0 : i32
        %dma_wait3A_177 = arith.constant 0 : i32
        %dma_wait3A_178 = arith.constant 0 : i32
        %dma_wait3A_179 = arith.constant 0 : i32
        %dma_wait3A_180 = tpu.memref_slice %arg6[%dma_wait3A_177, %dma_wait3A_178, %dma_wait3A_179] : memref<2x128x128xf32, #tpu.memory_space<vmem>> -> memref<1x128x128xf32, #tpu.memory_space<vmem>>
        %dma_wait3A_181 = tpu.memref_squeeze %dma_wait3A_180 : memref<1x128x128xf32, #tpu.memory_space<vmem>> -> memref<128x128xf32, #tpu.memory_space<vmem>>
        %dma_wait3A_182 = arith.constant 0 : i32
        %dma_wait3A_183 = tpu.memref_slice %arg5[%dma_wait3A_175, %dma_wait3A_176, %add3A_174, %dma_wait3A_182] : memref<2x2x8x128xi32, #tpu.memory_space<vmem>> -> memref<1x1x1x128xi32, #tpu.memory_space<vmem>>
        %dma_wait3A_184 = tpu.memref_squeeze %dma_wait3A_183 : memref<1x1x1x128xi32, #tpu.memory_space<vmem>> -> memref<128xi32, #tpu.memory_space<vmem>>
        %dma_wait3A_185 = arith.constant 0 : i32
        %dma_wait3A_186 = arith.constant 0 : i32
        %dma_wait3A_187 = tpu.memref_slice %arg2[%dma_wait3A_185, %dma_wait3A_186] : memref<10240x128xf32, #tpu.memory_space<hbm>> -> memref<10240x128xf32, #tpu.memory_space<hbm>>
        tpu.wait_indirect_dma semaphore(%arg10 : memref<!tpu.dma_semaphore, #tpu.memory_space<semaphore_mem>>) src(%dma_wait3A_187 : memref<10240x128xf32, #tpu.memory_space<hbm>>) dst(%dma_wait3A_181 : memref<128x128xf32, #tpu.memory_space<vmem>>)
        %add3A_188 = arith.constant 1 : i32
        %add3A_189 = arith.addi %add3A_174, %add3A_188 : i32
        %lt3A_190 = arith.constant 8 : i32
        %lt3A_191 = arith.cmpi slt, %add3A_189, %lt3A_190 : i32
        %convert_element_type3A_192 = arith.extui %lt3A_191 : i1 to i32
        %cond3A_193 = arith.constant 0 : i32
        %cond3A_194 = arith.cmpi ne, %convert_element_type3A_192, %cond3A_193 : i32
        scf.if %cond3A_194 {
          %add3A_225 = arith.constant 1 : i32
          %add3A_226 = arith.addi %add3A_174, %add3A_225 : i32
          %dma_start3A_227 = arith.constant 1 : i32
          %dma_start3A_228 = arith.constant 0 : i32
          %dma_start3A_229 = arith.constant 1 : i32
          %dma_start3A_230 = arith.constant 0 : i32
          %dma_start3A_231 = arith.constant 0 : i32
          %dma_start3A_232 = tpu.memref_slice %arg6[%dma_start3A_229, %dma_start3A_230, %dma_start3A_231] : memref<2x128x128xf32, #tpu.memory_space<vmem>> -> memref<1x128x128xf32, #tpu.memory_space<vmem>>
          %dma_start3A_233 = tpu.memref_squeeze %dma_start3A_232 : memref<1x128x128xf32, #tpu.memory_space<vmem>> -> memref<128x128xf32, #tpu.memory_space<vmem>>
          %dma_start3A_234 = arith.constant 0 : i32
          %dma_start3A_235 = tpu.memref_slice %arg5[%dma_start3A_227, %dma_start3A_228, %add3A_226, %dma_start3A_234] : memref<2x2x8x128xi32, #tpu.memory_space<vmem>> -> memref<1x1x1x128xi32, #tpu.memory_space<vmem>>
          %dma_start3A_236 = tpu.memref_squeeze %dma_start3A_235 : memref<1x1x1x128xi32, #tpu.memory_space<vmem>> -> memref<128xi32, #tpu.memory_space<vmem>>
          %dma_start3A_237 = arith.constant 0 : i32
          %dma_start3A_238 = arith.constant 0 : i32
          %dma_start3A_239 = tpu.memref_slice %arg2[%dma_start3A_237, %dma_start3A_238] : memref<10240x128xf32, #tpu.memory_space<hbm>> -> memref<10240x128xf32, #tpu.memory_space<hbm>>
          tpu.enqueue_indirect_dma source(%dma_start3A_239 : memref<10240x128xf32, #tpu.memory_space<hbm>>) target(%dma_start3A_233 : memref<128x128xf32, #tpu.memory_space<vmem>>) offsets(%dma_start3A_236 : memref<128xi32, #tpu.memory_space<vmem>>) semaphore(%arg11 : memref<!tpu.dma_semaphore, #tpu.memory_space<semaphore_mem>>)
        } else {
        }
        %run_scoped3A_195 = arith.constant 0 : i32
        %run_scoped3A_196 = arith.constant 1 : i32
        %run_scoped3A_197 = arith.constant 1 : i32
        "tpu.region"() ({
          %run_scoped3A_225 = tpu.sem_alloc : memref<!tpu.dma_semaphore, #tpu.memory_space<semaphore_mem>>
          %dma_start3A_226 = arith.constant 0 : i32
          %dma_start3A_227 = arith.constant 0 : i32
          %dma_start3A_228 = tpu.memref_slice %arg6[%run_scoped3A_195, %dma_start3A_226, %dma_start3A_227] : memref<2x128x128xf32, #tpu.memory_space<vmem>> -> memref<1x128x128xf32, #tpu.memory_space<vmem>>
          %dma_start3A_229 = tpu.memref_squeeze %dma_start3A_228 : memref<1x128x128xf32, #tpu.memory_space<vmem>> -> memref<128x128xf32, #tpu.memory_space<vmem>>
          %dma_start3A_230 = arith.constant 0 : i32
          %dma_start3A_231 = tpu.memref_slice %arg5[%run_scoped3A_196, %run_scoped3A_197, %add3A_174, %dma_start3A_230] : memref<2x2x8x128xi32, #tpu.memory_space<vmem>> -> memref<1x1x1x128xi32, #tpu.memory_space<vmem>>
          %dma_start3A_232 = tpu.memref_squeeze %dma_start3A_231 : memref<1x1x1x128xi32, #tpu.memory_space<vmem>> -> memref<128xi32, #tpu.memory_space<vmem>>
          %dma_start3A_233 = arith.constant 0 : i32
          %dma_start3A_234 = arith.constant 0 : i32
          %dma_start3A_235 = tpu.memref_slice %arg7[%dma_start3A_233, %dma_start3A_234] : memref<10240x128xf32, #tpu.memory_space<vmem_shared>> -> memref<10240x128xf32, #tpu.memory_space<vmem_shared>>
          tpu.enqueue_indirect_dma source(%dma_start3A_229 : memref<128x128xf32, #tpu.memory_space<vmem>>) target(%dma_start3A_235 : memref<10240x128xf32, #tpu.memory_space<vmem_shared>>) offsets(%dma_start3A_232 : memref<128xi32, #tpu.memory_space<vmem>>) semaphore(%run_scoped3A_225 : memref<!tpu.dma_semaphore, #tpu.memory_space<semaphore_mem>>) {add = true}
          %dma_wait3A_236 = arith.constant 0 : i32
          %dma_wait3A_237 = arith.constant 0 : i32
          %dma_wait3A_238 = tpu.memref_slice %arg6[%run_scoped3A_195, %dma_wait3A_236, %dma_wait3A_237] : memref<2x128x128xf32, #tpu.memory_space<vmem>> -> memref<1x128x128xf32, #tpu.memory_space<vmem>>
          %dma_wait3A_239 = tpu.memref_squeeze %dma_wait3A_238 : memref<1x128x128xf32, #tpu.memory_space<vmem>> -> memref<128x128xf32, #tpu.memory_space<vmem>>
          %dma_wait3A_240 = arith.constant 0 : i32
          %dma_wait3A_241 = tpu.memref_slice %arg5[%run_scoped3A_196, %run_scoped3A_197, %add3A_174, %dma_wait3A_240] : memref<2x2x8x128xi32, #tpu.memory_space<vmem>> -> memref<1x1x1x128xi32, #tpu.memory_space<vmem>>
          %dma_wait3A_242 = tpu.memref_squeeze %dma_wait3A_241 : memref<1x1x1x128xi32, #tpu.memory_space<vmem>> -> memref<128xi32, #tpu.memory_space<vmem>>
          %dma_wait3A_243 = arith.constant 0 : i32
          %dma_wait3A_244 = arith.constant 0 : i32
          %dma_wait3A_245 = tpu.memref_slice %arg7[%dma_wait3A_243, %dma_wait3A_244] : memref<10240x128xf32, #tpu.memory_space<vmem_shared>> -> memref<10240x128xf32, #tpu.memory_space<vmem_shared>>
          tpu.wait_indirect_dma semaphore(%run_scoped3A_225 : memref<!tpu.dma_semaphore, #tpu.memory_space<semaphore_mem>>) src(%dma_wait3A_239 : memref<128x128xf32, #tpu.memory_space<vmem>>) dst(%dma_wait3A_245 : memref<10240x128xf32, #tpu.memory_space<vmem_shared>>)
          tpu.yield
        }) : () -> ()
        %mul3A_198 = arith.constant 2 : i32
        %mul3A_199 = arith.muli %scan3A_170, %mul3A_198 : i32
        %add3A_200 = arith.constant 1 : i32
        %add3A_201 = arith.addi %mul3A_199, %add3A_200 : i32
        %dma_wait3A_202 = arith.constant 1 : i32
        %dma_wait3A_203 = arith.constant 0 : i32
        %dma_wait3A_204 = arith.constant 1 : i32
        %dma_wait3A_205 = arith.constant 0 : i32
        %dma_wait3A_206 = arith.constant 0 : i32
        %dma_wait3A_207 = tpu.memref_slice %arg6[%dma_wait3A_204, %dma_wait3A_205, %dma_wait3A_206] : memref<2x128x128xf32, #tpu.memory_space<vmem>> -> memref<1x128x128xf32, #tpu.memory_space<vmem>>
        %dma_wait3A_208 = tpu.memref_squeeze %dma_wait3A_207 : memref<1x128x128xf32, #tpu.memory_space<vmem>> -> memref<128x128xf32, #tpu.memory_space<vmem>>
        %dma_wait3A_209 = arith.constant 0 : i32
        %dma_wait3A_210 = tpu.memref_slice %arg5[%dma_wait3A_202, %dma_wait3A_203, %add3A_201, %dma_wait3A_209] : memref<2x2x8x128xi32, #tpu.memory_space<vmem>> -> memref<1x1x1x128xi32, #tpu.memory_space<vmem>>
        %dma_wait3A_211 = tpu.memref_squeeze %dma_wait3A_210 : memref<1x1x1x128xi32, #tpu.memory_space<vmem>> -> memref<128xi32, #tpu.memory_space<vmem>>
        %dma_wait3A_212 = arith.constant 0 : i32
        %dma_wait3A_213 = arith.constant 0 : i32
        %dma_wait3A_214 = tpu.memref_slice %arg2[%dma_wait3A_212, %dma_wait3A_213] : memref<10240x128xf32, #tpu.memory_space<hbm>> -> memref<10240x128xf32, #tpu.memory_space<hbm>>
        tpu.wait_indirect_dma semaphore(%arg11 : memref<!tpu.dma_semaphore, #tpu.memory_space<semaphore_mem>>) src(%dma_wait3A_214 : memref<10240x128xf32, #tpu.memory_space<hbm>>) dst(%dma_wait3A_208 : memref<128x128xf32, #tpu.memory_space<vmem>>)
        %add3A_215 = arith.constant 1 : i32
        %add3A_216 = arith.addi %add3A_201, %add3A_215 : i32
        %lt3A_217 = arith.constant 8 : i32
        %lt3A_218 = arith.cmpi slt, %add3A_216, %lt3A_217 : i32
        %convert_element_type3A_219 = arith.extui %lt3A_218 : i1 to i32
        %cond3A_220 = arith.constant 0 : i32
        %cond3A_221 = arith.cmpi ne, %convert_element_type3A_219, %cond3A_220 : i32
        scf.if %cond3A_221 {
          %add3A_225 = arith.constant 1 : i32
          %add3A_226 = arith.addi %add3A_201, %add3A_225 : i32
          %dma_start3A_227 = arith.constant 1 : i32
          %dma_start3A_228 = arith.constant 0 : i32
          %dma_start3A_229 = arith.constant 0 : i32
          %dma_start3A_230 = arith.constant 0 : i32
          %dma_start3A_231 = arith.constant 0 : i32
          %dma_start3A_232 = tpu.memref_slice %arg6[%dma_start3A_229, %dma_start3A_230, %dma_start3A_231] : memref<2x128x128xf32, #tpu.memory_space<vmem>> -> memref<1x128x128xf32, #tpu.memory_space<vmem>>
          %dma_start3A_233 = tpu.memref_squeeze %dma_start3A_232 : memref<1x128x128xf32, #tpu.memory_space<vmem>> -> memref<128x128xf32, #tpu.memory_space<vmem>>
          %dma_start3A_234 = arith.constant 0 : i32
          %dma_start3A_235 = tpu.memref_slice %arg5[%dma_start3A_227, %dma_start3A_228, %add3A_226, %dma_start3A_234] : memref<2x2x8x128xi32, #tpu.memory_space<vmem>> -> memref<1x1x1x128xi32, #tpu.memory_space<vmem>>
          %dma_start3A_236 = tpu.memref_squeeze %dma_start3A_235 : memref<1x1x1x128xi32, #tpu.memory_space<vmem>> -> memref<128xi32, #tpu.memory_space<vmem>>
          %dma_start3A_237 = arith.constant 0 : i32
          %dma_start3A_238 = arith.constant 0 : i32
          %dma_start3A_239 = tpu.memref_slice %arg2[%dma_start3A_237, %dma_start3A_238] : memref<10240x128xf32, #tpu.memory_space<hbm>> -> memref<10240x128xf32, #tpu.memory_space<hbm>>
          tpu.enqueue_indirect_dma source(%dma_start3A_239 : memref<10240x128xf32, #tpu.memory_space<hbm>>) target(%dma_start3A_233 : memref<128x128xf32, #tpu.memory_space<vmem>>) offsets(%dma_start3A_236 : memref<128xi32, #tpu.memory_space<vmem>>) semaphore(%arg10 : memref<!tpu.dma_semaphore, #tpu.memory_space<semaphore_mem>>)
        } else {
        }
        %run_scoped3A_222 = arith.constant 1 : i32
        %run_scoped3A_223 = arith.constant 1 : i32
        %run_scoped3A_224 = arith.constant 1 : i32
        "tpu.region"() ({
          %run_scoped3A_225 = tpu.sem_alloc : memref<!tpu.dma_semaphore, #tpu.memory_space<semaphore_mem>>
          %dma_start3A_226 = arith.constant 0 : i32
          %dma_start3A_227 = arith.constant 0 : i32
          %dma_start3A_228 = tpu.memref_slice %arg6[%run_scoped3A_222, %dma_start3A_226, %dma_start3A_227] : memref<2x128x128xf32, #tpu.memory_space<vmem>> -> memref<1x128x128xf32, #tpu.memory_space<vmem>>
          %dma_start3A_229 = tpu.memref_squeeze %dma_start3A_228 : memref<1x128x128xf32, #tpu.memory_space<vmem>> -> memref<128x128xf32, #tpu.memory_space<vmem>>
          %dma_start3A_230 = arith.constant 0 : i32
          %dma_start3A_231 = tpu.memref_slice %arg5[%run_scoped3A_223, %run_scoped3A_224, %add3A_201, %dma_start3A_230] : memref<2x2x8x128xi32, #tpu.memory_space<vmem>> -> memref<1x1x1x128xi32, #tpu.memory_space<vmem>>
          %dma_start3A_232 = tpu.memref_squeeze %dma_start3A_231 : memref<1x1x1x128xi32, #tpu.memory_space<vmem>> -> memref<128xi32, #tpu.memory_space<vmem>>
          %dma_start3A_233 = arith.constant 0 : i32
          %dma_start3A_234 = arith.constant 0 : i32
          %dma_start3A_235 = tpu.memref_slice %arg7[%dma_start3A_233, %dma_start3A_234] : memref<10240x128xf32, #tpu.memory_space<vmem_shared>> -> memref<10240x128xf32, #tpu.memory_space<vmem_shared>>
          tpu.enqueue_indirect_dma source(%dma_start3A_229 : memref<128x128xf32, #tpu.memory_space<vmem>>) target(%dma_start3A_235 : memref<10240x128xf32, #tpu.memory_space<vmem_shared>>) offsets(%dma_start3A_232 : memref<128xi32, #tpu.memory_space<vmem>>) semaphore(%run_scoped3A_225 : memref<!tpu.dma_semaphore, #tpu.memory_space<semaphore_mem>>) {add = true}
          %dma_wait3A_236 = arith.constant 0 : i32
          %dma_wait3A_237 = arith.constant 0 : i32
          %dma_wait3A_238 = tpu.memref_slice %arg6[%run_scoped3A_222, %dma_wait3A_236, %dma_wait3A_237] : memref<2x128x128xf32, #tpu.memory_space<vmem>> -> memref<1x128x128xf32, #tpu.memory_space<vmem>>
          %dma_wait3A_239 = tpu.memref_squeeze %dma_wait3A_238 : memref<1x128x128xf32, #tpu.memory_space<vmem>> -> memref<128x128xf32, #tpu.memory_space<vmem>>
          %dma_wait3A_240 = arith.constant 0 : i32
          %dma_wait3A_241 = tpu.memref_slice %arg5[%run_scoped3A_223, %run_scoped3A_224, %add3A_201, %dma_wait3A_240] : memref<2x2x8x128xi32, #tpu.memory_space<vmem>> -> memref<1x1x1x128xi32, #tpu.memory_space<vmem>>
          %dma_wait3A_242 = tpu.memref_squeeze %dma_wait3A_241 : memref<1x1x1x128xi32, #tpu.memory_space<vmem>> -> memref<128xi32, #tpu.memory_space<vmem>>
          %dma_wait3A_243 = arith.constant 0 : i32
          %dma_wait3A_244 = arith.constant 0 : i32
          %dma_wait3A_245 = tpu.memref_slice %arg7[%dma_wait3A_243, %dma_wait3A_244] : memref<10240x128xf32, #tpu.memory_space<vmem_shared>> -> memref<10240x128xf32, #tpu.memory_space<vmem_shared>>
          tpu.wait_indirect_dma semaphore(%run_scoped3A_225 : memref<!tpu.dma_semaphore, #tpu.memory_space<semaphore_mem>>) src(%dma_wait3A_239 : memref<128x128xf32, #tpu.memory_space<vmem>>) dst(%dma_wait3A_245 : memref<10240x128xf32, #tpu.memory_space<vmem_shared>>)
          tpu.yield
        }) : () -> ()
      }
      %scan3A_169 = arith.constant 4 : i32
    }
    %scan3A_56 = arith.constant 5 : i32
    %barrier3A_57 = arith.constant 0 : index
    tpu.barrier barrier_id(%barrier3A_57)
    %scan3A_58 = arith.constant 0 : i32
    %scan3A_59 = arith.constant 0 : i32
    %scan3A_60 = arith.constant 1024 : i32
    %scan3A_61 = arith.addi %scan3A_59, %scan3A_60 : i32
    %scan3A_62 = arith.constant 1 : i32
    scf.for %scan3A_69 = %scan3A_59 to %scan3A_61 step %scan3A_62  : i32 {
      %broadcast_in_dim3A = arith.constant 0.000000e+00 : f32
      %broadcast_in_dim3A_70 = vector.broadcast %broadcast_in_dim3A : f32 to vector<16xf32>
      %jit3A = arith.constant 128 : i32
      %eq3A = arith.constant 0 : i32
      %eq3A_71 = arith.cmpi eq, %jit3A, %eq3A : i32
      %jit3A_72 = arith.constant 1 : i32
      %select_n3A = arith.select %eq3A_71, %jit3A_72, %jit3A : i32
      %rem3A = arith.remsi %scan3A_69, %select_n3A : i32
      %ne3A = arith.constant 0 : i32
      %ne3A_73 = arith.cmpi ne, %rem3A, %ne3A : i32
      %lt3A = arith.constant 0 : i32
      %lt3A_74 = arith.cmpi slt, %rem3A, %lt3A : i32
      %lt3A_75 = arith.constant 0 : i32
      %lt3A_76 = arith.cmpi slt, %select_n3A, %lt3A_75 : i32
      %ne3A_77 = arith.xori %lt3A_74, %lt3A_76 : i1
      %and3A = arith.andi %ne3A_77, %ne3A_73 : i1
      %add3A_78 = arith.addi %rem3A, %select_n3A : i32
      %select_n3A_79 = arith.select %and3A, %add3A_78, %rem3A : i32
      %swap3A = arith.constant 0 : i32
      %swap3A_80 = arith.index_cast %swap3A : i32 to index
      %swap3A_81 = arith.index_cast %select_n3A_79 : i32 to index
      %swap3A_82 = arith.constant 0 : index
      %swap3A_83 = tpu.vector_load %arg6[%swap3A_80, %swap3A_81, %swap3A_82] {strides = array<i32>} : memref<2x128x128xf32, #tpu.memory_space<vmem>>, vector<1x1x16xf32>,
      %swap3A_84 = vector.shape_cast %swap3A_83 : vector<1x1x16xf32> to vector<16xf32>
      %swap3A_85 = vector.shape_cast %broadcast_in_dim3A_70 : vector<16xf32> to vector<1x1x16xf32>
      tpu.vector_store %arg6[%swap3A_80, %swap3A_81, %swap3A_82], %swap3A_85 {strides = array<i32>} : memref<2x128x128xf32, #tpu.memory_space<vmem>>, vector<1x1x16xf32>,
      %broadcast_in_dim3A_86 = arith.constant 0.000000e+00 : f32
      %broadcast_in_dim3A_87 = vector.broadcast %broadcast_in_dim3A_86 : f32 to vector<16xf32>
      %jit3A_88 = arith.constant 128 : i32
      %eq3A_89 = arith.constant 0 : i32
      %eq3A_90 = arith.cmpi eq, %jit3A_88, %eq3A_89 : i32
      %jit3A_91 = arith.constant 1 : i32
      %select_n3A_92 = arith.select %eq3A_90, %jit3A_91, %jit3A_88 : i32
      %rem3A_93 = arith.remsi %scan3A_69, %select_n3A_92 : i32
      %ne3A_94 = arith.constant 0 : i32
      %ne3A_95 = arith.cmpi ne, %rem3A_93, %ne3A_94 : i32
      %lt3A_96 = arith.constant 0 : i32
      %lt3A_97 = arith.cmpi slt, %rem3A_93, %lt3A_96 : i32
      %lt3A_98 = arith.constant 0 : i32
      %lt3A_99 = arith.cmpi slt, %select_n3A_92, %lt3A_98 : i32
      %ne3A_100 = arith.xori %lt3A_97, %lt3A_99 : i1
      %and3A_101 = arith.andi %ne3A_100, %ne3A_95 : i1
      %add3A_102 = arith.addi %rem3A_93, %select_n3A_92 : i32
      %select_n3A_103 = arith.select %and3A_101, %add3A_102, %rem3A_93 : i32
      %swap3A_104 = arith.constant 0 : i32
      %swap3A_105 = arith.index_cast %swap3A_104 : i32 to index
      %swap3A_106 = arith.index_cast %select_n3A_103 : i32 to index
      %swap3A_107 = arith.constant 16 : index
      %swap3A_108 = tpu.vector_load %arg6[%swap3A_105, %swap3A_106, %swap3A_107] {strides = array<i32>} : memref<2x128x128xf32, #tpu.memory_space<vmem>>, vector<1x1x16xf32>,
      %swap3A_109 = vector.shape_cast %swap3A_108 : vector<1x1x16xf32> to vector<16xf32>
      %swap3A_110 = vector.shape_cast %broadcast_in_dim3A_87 : vector<16xf32> to vector<1x1x16xf32>
      tpu.vector_store %arg6[%swap3A_105, %swap3A_106, %swap3A_107], %swap3A_110 {strides = array<i32>} : memref<2x128x128xf32, #tpu.memory_space<vmem>>, vector<1x1x16xf32>,
      %broadcast_in_dim3A_111 = arith.constant 0.000000e+00 : f32
      %broadcast_in_dim3A_112 = vector.broadcast %broadcast_in_dim3A_111 : f32 to vector<16xf32>
      %jit3A_113 = arith.constant 128 : i32
      %eq3A_114 = arith.constant 0 : i32
      %eq3A_115 = arith.cmpi eq, %jit3A_113, %eq3A_114 : i32
      %jit3A_116 = arith.constant 1 : i32
      %select_n3A_117 = arith.select %eq3A_115, %jit3A_116, %jit3A_113 : i32
      %rem3A_118 = arith.remsi %scan3A_69, %select_n3A_117 : i32
      %ne3A_119 = arith.constant 0 : i32
      %ne3A_120 = arith.cmpi ne, %rem3A_118, %ne3A_119 : i32
      %lt3A_121 = arith.constant 0 : i32
      %lt3A_122 = arith.cmpi slt, %rem3A_118, %lt3A_121 : i32
      %lt3A_123 = arith.constant 0 : i32
      %lt3A_124 = arith.cmpi slt, %select_n3A_117, %lt3A_123 : i32
      %ne3A_125 = arith.xori %lt3A_122, %lt3A_124 : i1
      %and3A_126 = arith.andi %ne3A_125, %ne3A_120 : i1
      %add3A_127 = arith.addi %rem3A_118, %select_n3A_117 : i32
      %select_n3A_128 = arith.select %and3A_126, %add3A_127, %rem3A_118 : i32
      %swap3A_129 = arith.constant 0 : i32
      %swap3A_130 = arith.index_cast %swap3A_129 : i32 to index
      %swap3A_131 = arith.index_cast %select_n3A_128 : i32 to index
      %swap3A_132 = arith.constant 32 : index
      %swap3A_133 = tpu.vector_load %arg6[%swap3A_130, %swap3A_131, %swap3A_132] {strides = array<i32>} : memref<2x128x128xf32, #tpu.memory_space<vmem>>, vector<1x1x16xf32>,
      %swap3A_134 = vector.shape_cast %swap3A_133 : vector<1x1x16xf32> to vector<16xf32>
      %swap3A_135 = vector.shape_cast %broadcast_in_dim3A_112 : vector<16xf32> to vector<1x1x16xf32>
      tpu.vector_store %arg6[%swap3A_130, %swap3A_131, %swap3A_132], %swap3A_135 {strides = array<i32>} : memref<2x128x128xf32, #tpu.memory_space<vmem>>, vector<1x1x16xf32>,
      %broadcast_in_dim3A_136 = arith.constant 0.000000e+00 : f32
      %broadcast_in_dim3A_137 = vector.broadcast %broadcast_in_dim3A_136 : f32 to vector<16xf32>
      %jit3A_138 = arith.constant 128 : i32
      %eq3A_139 = arith.constant 0 : i32
      %eq3A_140 = arith.cmpi eq, %jit3A_138, %eq3A_139 : i32
      %jit3A_141 = arith.constant 1 : i32
      %select_n3A_142 = arith.select %eq3A_140, %jit3A_141, %jit3A_138 : i32
      %rem3A_143 = arith.remsi %scan3A_69, %select_n3A_142 : i32
      %ne3A_144 = arith.constant 0 : i32
      %ne3A_145 = arith.cmpi ne, %rem3A_143, %ne3A_144 : i32
      %lt3A_146 = arith.constant 0 : i32
      %lt3A_147 = arith.cmpi slt, %rem3A_143, %lt3A_146 : i32
      %lt3A_148 = arith.constant 0 : i32
      %lt3A_149 = arith.cmpi slt, %select_n3A_142, %lt3A_148 : i32
      %ne3A_150 = arith.xori %lt3A_147, %lt3A_149 : i1
      %and3A_151 = arith.andi %ne3A_150, %ne3A_145 : i1
      %add3A_152 = arith.addi %rem3A_143, %select_n3A_142 : i32
      %select_n3A_153 = arith.select %and3A_151, %add3A_152, %rem3A_143 : i32
      %swap3A_154 = arith.constant 0 : i32
      %swap3A_155 = arith.index_cast %swap3A_154 : i32 to index
      %swap3A_156 = arith.index_cast %select_n3A_153 : i32 to index
      %swap3A_157 = arith.constant 48 : index
      %swap3A_158 = tpu.vector_load %arg6[%swap3A_155, %swap3A_156, %swap3A_157] {strides = array<i32>} : memref<2x128x128xf32, #tpu.memory_space<vmem>>, vector<1x1x16xf32>,
      %swap3A_159 = vector.shape_cast %swap3A_158 : vector<1x1x16xf32> to vector<16xf32>
      %swap3A_160 = vector.shape_cast %broadcast_in_dim3A_137 : vector<16xf32> to vector<1x1x16xf32>
      tpu.vector_store %arg6[%swap3A_155, %swap3A_156, %swap3A_157], %swap3A_160 {strides = array<i32>} : memref<2x128x128xf32, #tpu.memory_space<vmem>>, vector<1x1x16xf32>,
      %broadcast_in_dim3A_161 = arith.constant 0.000000e+00 : f32
      %broadcast_in_dim3A_162 = vector.broadcast %broadcast_in_dim3A_161 : f32 to vector<16xf32>
      %jit3A_163 = arith.constant 128 : i32
      %eq3A_164 = arith.constant 0 : i32
      %eq3A_165 = arith.cmpi eq, %jit3A_163, %eq3A_164 : i32
      %jit3A_166 = arith.constant 1 : i32
      %select_n3A_167 = arith.select %eq3A_165, %jit3A_166, %jit3A_163 : i32
      %rem3A_168 = arith.remsi %scan3A_69, %select_n3A_167 : i32
      %ne3A_169 = arith.constant 0 : i32
      %ne3A_170 = arith.cmpi ne, %rem3A_168, %ne3A_169 : i32
      %lt3A_171 = arith.constant 0 : i32
      %lt3A_172 = arith.cmpi slt, %rem3A_168, %lt3A_171 : i32
      %lt3A_173 = arith.constant 0 : i32
      %lt3A_174 = arith.cmpi slt, %select_n3A_167, %lt3A_173 : i32
      %ne3A_175 = arith.xori %lt3A_172, %lt3A_174 : i1
      %and3A_176 = arith.andi %ne3A_175, %ne3A_170 : i1
      %add3A_177 = arith.addi %rem3A_168, %select_n3A_167 : i32
      %select_n3A_178 = arith.select %and3A_176, %add3A_177, %rem3A_168 : i32
      %swap3A_179 = arith.constant 0 : i32
      %swap3A_180 = arith.index_cast %swap3A_179 : i32 to index
      %swap3A_181 = arith.index_cast %select_n3A_178 : i32 to index
      %swap3A_182 = arith.constant 64 : index
      %swap3A_183 = tpu.vector_load %arg6[%swap3A_180, %swap3A_181, %swap3A_182] {strides = array<i32>} : memref<2x128x128xf32, #tpu.memory_space<vmem>>, vector<1x1x16xf32>,
      %swap3A_184 = vector.shape_cast %swap3A_183 : vector<1x1x16xf32> to vector<16xf32>
      %swap3A_185 = vector.shape_cast %broadcast_in_dim3A_162 : vector<16xf32> to vector<1x1x16xf32>
      tpu.vector_store %arg6[%swap3A_180, %swap3A_181, %swap3A_182], %swap3A_185 {strides = array<i32>} : memref<2x128x128xf32, #tpu.memory_space<vmem>>, vector<1x1x16xf32>,
      %broadcast_in_dim3A_186 = arith.constant 0.000000e+00 : f32
      %broadcast_in_dim3A_187 = vector.broadcast %broadcast_in_dim3A_186 : f32 to vector<16xf32>
      %jit3A_188 = arith.constant 128 : i32
      %eq3A_189 = arith.constant 0 : i32
      %eq3A_190 = arith.cmpi eq, %jit3A_188, %eq3A_189 : i32
      %jit3A_191 = arith.constant 1 : i32
      %select_n3A_192 = arith.select %eq3A_190, %jit3A_191, %jit3A_188 : i32
      %rem3A_193 = arith.remsi %scan3A_69, %select_n3A_192 : i32
      %ne3A_194 = arith.constant 0 : i32
      %ne3A_195 = arith.cmpi ne, %rem3A_193, %ne3A_194 : i32
      %lt3A_196 = arith.constant 0 : i32
      %lt3A_197 = arith.cmpi slt, %rem3A_193, %lt3A_196 : i32
      %lt3A_198 = arith.constant 0 : i32
      %lt3A_199 = arith.cmpi slt, %select_n3A_192, %lt3A_198 : i32
      %ne3A_200 = arith.xori %lt3A_197, %lt3A_199 : i1
      %and3A_201 = arith.andi %ne3A_200, %ne3A_195 : i1
      %add3A_202 = arith.addi %rem3A_193, %select_n3A_192 : i32
      %select_n3A_203 = arith.select %and3A_201, %add3A_202, %rem3A_193 : i32
      %swap3A_204 = arith.constant 0 : i32
      %swap3A_205 = arith.index_cast %swap3A_204 : i32 to index
      %swap3A_206 = arith.index_cast %select_n3A_203 : i32 to index
      %swap3A_207 = arith.constant 80 : index
      %swap3A_208 = tpu.vector_load %arg6[%swap3A_205, %swap3A_206, %swap3A_207] {strides = array<i32>} : memref<2x128x128xf32, #tpu.memory_space<vmem>>, vector<1x1x16xf32>,
      %swap3A_209 = vector.shape_cast %swap3A_208 : vector<1x1x16xf32> to vector<16xf32>
      %swap3A_210 = vector.shape_cast %broadcast_in_dim3A_187 : vector<16xf32> to vector<1x1x16xf32>
      tpu.vector_store %arg6[%swap3A_205, %swap3A_206, %swap3A_207], %swap3A_210 {strides = array<i32>} : memref<2x128x128xf32, #tpu.memory_space<vmem>>, vector<1x1x16xf32>,
      %broadcast_in_dim3A_211 = arith.constant 0.000000e+00 : f32
      %broadcast_in_dim3A_212 = vector.broadcast %broadcast_in_dim3A_211 : f32 to vector<16xf32>
      %jit3A_213 = arith.constant 128 : i32
      %eq3A_214 = arith.constant 0 : i32
      %eq3A_215 = arith.cmpi eq, %jit3A_213, %eq3A_214 : i32
      %jit3A_216 = arith.constant 1 : i32
      %select_n3A_217 = arith.select %eq3A_215, %jit3A_216, %jit3A_213 : i32
      %rem3A_218 = arith.remsi %scan3A_69, %select_n3A_217 : i32
      %ne3A_219 = arith.constant 0 : i32
      %ne3A_220 = arith.cmpi ne, %rem3A_218, %ne3A_219 : i32
      %lt3A_221 = arith.constant 0 : i32
      %lt3A_222 = arith.cmpi slt, %rem3A_218, %lt3A_221 : i32
      %lt3A_223 = arith.constant 0 : i32
      %lt3A_224 = arith.cmpi slt, %select_n3A_217, %lt3A_223 : i32
      %ne3A_225 = arith.xori %lt3A_222, %lt3A_224 : i1
      %and3A_226 = arith.andi %ne3A_225, %ne3A_220 : i1
      %add3A_227 = arith.addi %rem3A_218, %select_n3A_217 : i32
      %select_n3A_228 = arith.select %and3A_226, %add3A_227, %rem3A_218 : i32
      %swap3A_229 = arith.constant 0 : i32
      %swap3A_230 = arith.index_cast %swap3A_229 : i32 to index
      %swap3A_231 = arith.index_cast %select_n3A_228 : i32 to index
      %swap3A_232 = arith.constant 96 : index
      %swap3A_233 = tpu.vector_load %arg6[%swap3A_230, %swap3A_231, %swap3A_232] {strides = array<i32>} : memref<2x128x128xf32, #tpu.memory_space<vmem>>, vector<1x1x16xf32>,
      %swap3A_234 = vector.shape_cast %swap3A_233 : vector<1x1x16xf32> to vector<16xf32>
      %swap3A_235 = vector.shape_cast %broadcast_in_dim3A_212 : vector<16xf32> to vector<1x1x16xf32>
      tpu.vector_store %arg6[%swap3A_230, %swap3A_231, %swap3A_232], %swap3A_235 {strides = array<i32>} : memref<2x128x128xf32, #tpu.memory_space<vmem>>, vector<1x1x16xf32>,
      %broadcast_in_dim3A_236 = arith.constant 0.000000e+00 : f32
      %broadcast_in_dim3A_237 = vector.broadcast %broadcast_in_dim3A_236 : f32 to vector<16xf32>
      %jit3A_238 = arith.constant 128 : i32
      %eq3A_239 = arith.constant 0 : i32
      %eq3A_240 = arith.cmpi eq, %jit3A_238, %eq3A_239 : i32
      %jit3A_241 = arith.constant 1 : i32
      %select_n3A_242 = arith.select %eq3A_240, %jit3A_241, %jit3A_238 : i32
      %rem3A_243 = arith.remsi %scan3A_69, %select_n3A_242 : i32
      %ne3A_244 = arith.constant 0 : i32
      %ne3A_245 = arith.cmpi ne, %rem3A_243, %ne3A_244 : i32
      %lt3A_246 = arith.constant 0 : i32
      %lt3A_247 = arith.cmpi slt, %rem3A_243, %lt3A_246 : i32
      %lt3A_248 = arith.constant 0 : i32
      %lt3A_249 = arith.cmpi slt, %select_n3A_242, %lt3A_248 : i32
      %ne3A_250 = arith.xori %lt3A_247, %lt3A_249 : i1
      %and3A_251 = arith.andi %ne3A_250, %ne3A_245 : i1
      %add3A_252 = arith.addi %rem3A_243, %select_n3A_242 : i32
      %select_n3A_253 = arith.select %and3A_251, %add3A_252, %rem3A_243 : i32
      %swap3A_254 = arith.constant 0 : i32
      %swap3A_255 = arith.index_cast %swap3A_254 : i32 to index
      %swap3A_256 = arith.index_cast %select_n3A_253 : i32 to index
      %swap3A_257 = arith.constant 112 : index
      %swap3A_258 = tpu.vector_load %arg6[%swap3A_255, %swap3A_256, %swap3A_257] {strides = array<i32>} : memref<2x128x128xf32, #tpu.memory_space<vmem>>, vector<1x1x16xf32>,
      %swap3A_259 = vector.shape_cast %swap3A_258 : vector<1x1x16xf32> to vector<16xf32>
      %swap3A_260 = vector.shape_cast %broadcast_in_dim3A_237 : vector<16xf32> to vector<1x1x16xf32>
      tpu.vector_store %arg6[%swap3A_255, %swap3A_256, %swap3A_257], %swap3A_260 {strides = array<i32>} : memref<2x128x128xf32, #tpu.memory_space<vmem>>, vector<1x1x16xf32>,
    }
    %scan3A_63 = arith.constant 1024 : i32
    %barrier3A_64 = arith.constant 0 : index
    tpu.barrier barrier_id(%barrier3A_64)
    %mul3A_65 = arith.constant 640 : i32
    %mul3A_66 = arith.muli %arg1, %mul3A_65 : i32
    %mul3A_67 = arith.constant 640 : i32
    %mul3A_68 = arith.muli %arg1, %mul3A_67 : i32
    "tpu.region"() ({
      %run_scoped3A_69 = tpu.sem_alloc : memref<!tpu.dma_semaphore, #tpu.memory_space<semaphore_mem>>
      %dma_start3A_70 = arith.constant 0 : i32
      %dma_start3A_71 = tpu.memref_slice %arg4[%arg0, %mul3A_68, %dma_start3A_70] : memref<2x10240x128xf32, #tpu.memory_space<hbm>> -> memref<1x640x128xf32, #tpu.memory_space<hbm>>
      %dma_start3A_72 = tpu.memref_squeeze %dma_start3A_71 : memref<1x640x128xf32, #tpu.memory_space<hbm>> -> memref<640x128xf32, #tpu.memory_space<hbm>>
      %dma_start3A_73 = arith.constant 0 : i32
      %dma_start3A_74 = tpu.memref_slice %arg7[%mul3A_66, %dma_start3A_73] : memref<10240x128xf32, #tpu.memory_space<vmem_shared>> -> memref<640x128xf32, #tpu.memory_space<vmem_shared>>
      tpu.enqueue_dma source(%dma_start3A_74 : memref<640x128xf32, #tpu.memory_space<vmem_shared>>) target(%dma_start3A_72 : memref<640x128xf32, #tpu.memory_space<hbm>>) target_semaphore(%run_scoped3A_69 : memref<!tpu.dma_semaphore, #tpu.memory_space<semaphore_mem>>)
      %dma_wait3A = arith.constant 0 : i32
      %dma_wait3A_75 = tpu.memref_slice %arg4[%arg0, %mul3A_68, %dma_wait3A] : memref<2x10240x128xf32, #tpu.memory_space<hbm>> -> memref<1x640x128xf32, #tpu.memory_space<hbm>>
      %dma_wait3A_76 = tpu.memref_squeeze %dma_wait3A_75 : memref<1x640x128xf32, #tpu.memory_space<hbm>> -> memref<640x128xf32, #tpu.memory_space<hbm>>
      %dma_wait3A_77 = arith.constant 0 : i32
      %dma_wait3A_78 = tpu.memref_slice %arg7[%mul3A_66, %dma_wait3A_77] : memref<10240x128xf32, #tpu.memory_space<vmem_shared>> -> memref<640x128xf32, #tpu.memory_space<vmem_shared>>
      tpu.wait_dma2 semaphore(%run_scoped3A_69 : memref<!tpu.dma_semaphore, #tpu.memory_space<semaphore_mem>>) src(%dma_wait3A_78 : memref<640x128xf32, #tpu.memory_space<vmem_shared>>) dst(%dma_wait3A_76 : memref<640x128xf32, #tpu.memory_space<hbm>>)
      tpu.yield
    }) : () -> ()
    return
  }
}

#map = affine_map<(d0, d1) -> (0, 0)>
#map1 = affine_map<(d0, d1) -> (0, 0, 0, 0, 0)>
#map2 = affine_map<(d0, d1) -> (0, 0, 0)>
module attributes {stable_mosaic.version = 14 : i64} {
  func.func @agg_kernel(%arg0: i32, %arg1: i32, %arg2: memref<10240x128xf32, #tpu.memory_space<hbm>>, %arg3: memref<32x10x2x8x128xi32, #tpu.memory_space<hbm>>, %arg4: memref<2x10240x128xf32, #tpu.memory_space<hbm>>, %arg5: memref<2x2x8x128xi32, #tpu.memory_space<vmem>>, %arg6: memref<2x128x128xf32, #tpu.memory_space<vmem>>, %arg7: memref<10240x128xf32, #tpu.memory_space<vmem_shared>>, %arg8: memref<!tpu.dma_semaphore, #tpu.memory_space<semaphore_mem>>, %arg9: memref<!tpu.dma_semaphore, #tpu.memory_space<semaphore_mem>>, %arg10: memref<!tpu.dma_semaphore, #tpu.memory_space<semaphore_mem>>, %arg11: memref<!tpu.dma_semaphore, #tpu.memory_space<semaphore_mem>>) attributes {dimension_semantics = [#tpu.dimension_semantics<core_parallel>, #tpu.dimension_semantics<subcore_parallel>], iteration_bounds = array<i64: 2, 16>, scalar_prefetch = 0 : i64, scratch_operands = 7 : i64, tpu.core_type = #tpu.core_type<sc_vector_subcore>, window_params = [{transform_indices = #map}, {transform_indices = #map1}, {transform_indices = #map2}]} {
    %mul3A = arith.constant 2 : i32
    %mul3A_0 = arith.muli %arg1, %mul3A : i32
    %add3A = arith.addi %mul3A_0, %arg0 : i32
    %scan3A = arith.constant 0 : i32
    %scan3A_1 = arith.constant 0 : i32
    %scan3A_2 = arith.constant 128 : i32
    %scan3A_3 = arith.addi %scan3A_1, %scan3A_2 : i32
    %scan3A_4 = arith.constant 1 : i32
    scf.for %scan3A_69 = %scan3A_1 to %scan3A_3 step %scan3A_4  : i32 {
      %broadcast_in_dim3A = arith.constant 0.000000e+00 : f32
      %broadcast_in_dim3A_70 = vector.broadcast %broadcast_in_dim3A : f32 to vector<16xf32>
      %swap3A = arith.constant 0 : i32
      %swap3A_71 = arith.index_cast %swap3A : i32 to index
      %swap3A_72 = arith.index_cast %scan3A_69 : i32 to index
      %swap3A_73 = arith.constant 0 : index
      %swap3A_74 = tpu.vector_load %arg6[%swap3A_71, %swap3A_72, %swap3A_73] {strides = array<i32>} : memref<2x128x128xf32, #tpu.memory_space<vmem>>, vector<1x1x16xf32>,
      %swap3A_75 = vector.shape_cast %swap3A_74 : vector<1x1x16xf32> to vector<16xf32>
      %swap3A_76 = vector.shape_cast %broadcast_in_dim3A_70 : vector<16xf32> to vector<1x1x16xf32>
      tpu.vector_store %arg6[%swap3A_71, %swap3A_72, %swap3A_73], %swap3A_76 {strides = array<i32>} : memref<2x128x128xf32, #tpu.memory_space<vmem>>, vector<1x1x16xf32>,
      %broadcast_in_dim3A_77 = arith.constant 0.000000e+00 : f32
      %broadcast_in_dim3A_78 = vector.broadcast %broadcast_in_dim3A_77 : f32 to vector<16xf32>
      %swap3A_79 = arith.constant 0 : i32
      %swap3A_80 = arith.index_cast %swap3A_79 : i32 to index
      %swap3A_81 = arith.index_cast %scan3A_69 : i32 to index
      %swap3A_82 = arith.constant 16 : index
      %swap3A_83 = tpu.vector_load %arg6[%swap3A_80, %swap3A_81, %swap3A_82] {strides = array<i32>} : memref<2x128x128xf32, #tpu.memory_space<vmem>>, vector<1x1x16xf32>,
      %swap3A_84 = vector.shape_cast %swap3A_83 : vector<1x1x16xf32> to vector<16xf32>
      %swap3A_85 = vector.shape_cast %broadcast_in_dim3A_78 : vector<16xf32> to vector<1x1x16xf32>
      tpu.vector_store %arg6[%swap3A_80, %swap3A_81, %swap3A_82], %swap3A_85 {strides = array<i32>} : memref<2x128x128xf32, #tpu.memory_space<vmem>>, vector<1x1x16xf32>,
      %broadcast_in_dim3A_86 = arith.constant 0.000000e+00 : f32
      %broadcast_in_dim3A_87 = vector.broadcast %broadcast_in_dim3A_86 : f32 to vector<16xf32>
      %swap3A_88 = arith.constant 0 : i32
      %swap3A_89 = arith.index_cast %swap3A_88 : i32 to index
      %swap3A_90 = arith.index_cast %scan3A_69 : i32 to index
      %swap3A_91 = arith.constant 32 : index
      %swap3A_92 = tpu.vector_load %arg6[%swap3A_89, %swap3A_90, %swap3A_91] {strides = array<i32>} : memref<2x128x128xf32, #tpu.memory_space<vmem>>, vector<1x1x16xf32>,
      %swap3A_93 = vector.shape_cast %swap3A_92 : vector<1x1x16xf32> to vector<16xf32>
      %swap3A_94 = vector.shape_cast %broadcast_in_dim3A_87 : vector<16xf32> to vector<1x1x16xf32>
      tpu.vector_store %arg6[%swap3A_89, %swap3A_90, %swap3A_91], %swap3A_94 {strides = array<i32>} : memref<2x128x128xf32, #tpu.memory_space<vmem>>, vector<1x1x16xf32>,
      %broadcast_in_dim3A_95 = arith.constant 0.000000e+00 : f32
      %broadcast_in_dim3A_96 = vector.broadcast %broadcast_in_dim3A_95 : f32 to vector<16xf32>
      %swap3A_97 = arith.constant 0 : i32
      %swap3A_98 = arith.index_cast %swap3A_97 : i32 to index
      %swap3A_99 = arith.index_cast %scan3A_69 : i32 to index
      %swap3A_100 = arith.constant 48 : index
      %swap3A_101 = tpu.vector_load %arg6[%swap3A_98, %swap3A_99, %swap3A_100] {strides = array<i32>} : memref<2x128x128xf32, #tpu.memory_space<vmem>>, vector<1x1x16xf32>,
      %swap3A_102 = vector.shape_cast %swap3A_101 : vector<1x1x16xf32> to vector<16xf32>
      %swap3A_103 = vector.shape_cast %broadcast_in_dim3A_96 : vector<16xf32> to vector<1x1x16xf32>
      tpu.vector_store %arg6[%swap3A_98, %swap3A_99, %swap3A_100], %swap3A_103 {strides = array<i32>} : memref<2x128x128xf32, #tpu.memory_space<vmem>>, vector<1x1x16xf32>,
      %broadcast_in_dim3A_104 = arith.constant 0.000000e+00 : f32
      %broadcast_in_dim3A_105 = vector.broadcast %broadcast_in_dim3A_104 : f32 to vector<16xf32>
      %swap3A_106 = arith.constant 0 : i32
      %swap3A_107 = arith.index_cast %swap3A_106 : i32 to index
      %swap3A_108 = arith.index_cast %scan3A_69 : i32 to index
      %swap3A_109 = arith.constant 64 : index
      %swap3A_110 = tpu.vector_load %arg6[%swap3A_107, %swap3A_108, %swap3A_109] {strides = array<i32>} : memref<2x128x128xf32, #tpu.memory_space<vmem>>, vector<1x1x16xf32>,
      %swap3A_111 = vector.shape_cast %swap3A_110 : vector<1x1x16xf32> to vector<16xf32>
      %swap3A_112 = vector.shape_cast %broadcast_in_dim3A_105 : vector<16xf32> to vector<1x1x16xf32>
      tpu.vector_store %arg6[%swap3A_107, %swap3A_108, %swap3A_109], %swap3A_112 {strides = array<i32>} : memref<2x128x128xf32, #tpu.memory_space<vmem>>, vector<1x1x16xf32>,
      %broadcast_in_dim3A_113 = arith.constant 0.000000e+00 : f32
      %broadcast_in_dim3A_114 = vector.broadcast %broadcast_in_dim3A_113 : f32 to vector<16xf32>
      %swap3A_115 = arith.constant 0 : i32
      %swap3A_116 = arith.index_cast %swap3A_115 : i32 to index
      %swap3A_117 = arith.index_cast %scan3A_69 : i32 to index
      %swap3A_118 = arith.constant 80 : index
      %swap3A_119 = tpu.vector_load %arg6[%swap3A_116, %swap3A_117, %swap3A_118] {strides = array<i32>} : memref<2x128x128xf32, #tpu.memory_space<vmem>>, vector<1x1x16xf32>,
      %swap3A_120 = vector.shape_cast %swap3A_119 : vector<1x1x16xf32> to vector<16xf32>
      %swap3A_121 = vector.shape_cast %broadcast_in_dim3A_114 : vector<16xf32> to vector<1x1x16xf32>
      tpu.vector_store %arg6[%swap3A_116, %swap3A_117, %swap3A_118], %swap3A_121 {strides = array<i32>} : memref<2x128x128xf32, #tpu.memory_space<vmem>>, vector<1x1x16xf32>,
      %broadcast_in_dim3A_122 = arith.constant 0.000000e+00 : f32
      %broadcast_in_dim3A_123 = vector.broadcast %broadcast_in_dim3A_122 : f32 to vector<16xf32>
      %swap3A_124 = arith.constant 0 : i32
      %swap3A_125 = arith.index_cast %swap3A_124 : i32 to index
      %swap3A_126 = arith.index_cast %scan3A_69 : i32 to index
      %swap3A_127 = arith.constant 96 : index
      %swap3A_128 = tpu.vector_load %arg6[%swap3A_125, %swap3A_126, %swap3A_127] {strides = array<i32>} : memref<2x128x128xf32, #tpu.memory_space<vmem>>, vector<1x1x16xf32>,
      %swap3A_129 = vector.shape_cast %swap3A_128 : vector<1x1x16xf32> to vector<16xf32>
      %swap3A_130 = vector.shape_cast %broadcast_in_dim3A_123 : vector<16xf32> to vector<1x1x16xf32>
      tpu.vector_store %arg6[%swap3A_125, %swap3A_126, %swap3A_127], %swap3A_130 {strides = array<i32>} : memref<2x128x128xf32, #tpu.memory_space<vmem>>, vector<1x1x16xf32>,
      %broadcast_in_dim3A_131 = arith.constant 0.000000e+00 : f32
      %broadcast_in_dim3A_132 = vector.broadcast %broadcast_in_dim3A_131 : f32 to vector<16xf32>
      %swap3A_133 = arith.constant 0 : i32
      %swap3A_134 = arith.index_cast %swap3A_133 : i32 to index
      %swap3A_135 = arith.index_cast %scan3A_69 : i32 to index
      %swap3A_136 = arith.constant 112 : index
      %swap3A_137 = tpu.vector_load %arg6[%swap3A_134, %swap3A_135, %swap3A_136] {strides = array<i32>} : memref<2x128x128xf32, #tpu.memory_space<vmem>>, vector<1x1x16xf32>,
      %swap3A_138 = vector.shape_cast %swap3A_137 : vector<1x1x16xf32> to vector<16xf32>
      %swap3A_139 = vector.shape_cast %broadcast_in_dim3A_132 : vector<16xf32> to vector<1x1x16xf32>
      tpu.vector_store %arg6[%swap3A_134, %swap3A_135, %swap3A_136], %swap3A_139 {strides = array<i32>} : memref<2x128x128xf32, #tpu.memory_space<vmem>>, vector<1x1x16xf32>,
    }
    %scan3A_5 = arith.constant 128 : i32
    %mul3A_6 = arith.constant 640 : i32
    %mul3A_7 = arith.muli %arg1, %mul3A_6 : i32
    %add3A_8 = arith.constant 0 : i32
    %add3A_9 = arith.addi %mul3A_7, %add3A_8 : i32
    %run_scoped3A = arith.constant 0 : i32
    "tpu.region"() ({
      %run_scoped3A_69 = tpu.sem_alloc : memref<!tpu.dma_semaphore, #tpu.memory_space<semaphore_mem>>
      %dma_start3A_70 = arith.constant 0 : i32
      %dma_start3A_71 = arith.constant 0 : i32
      %dma_start3A_72 = tpu.memref_slice %arg6[%run_scoped3A, %dma_start3A_70, %dma_start3A_71] : memref<2x128x128xf32, #tpu.memory_space<vmem>> -> memref<1x128x128xf32, #tpu.memory_space<vmem>>
      %dma_start3A_73 = tpu.memref_squeeze %dma_start3A_72 : memref<1x128x128xf32, #tpu.memory_space<vmem>> -> memref<128x128xf32, #tpu.memory_space<vmem>>
      %dma_start3A_74 = arith.constant 0 : i32
      %dma_start3A_75 = tpu.memref_slice %arg7[%add3A_9, %dma_start3A_74] : memref<10240x128xf32, #tpu.memory_space<vmem_shared>> -> memref<128x128xf32, #tpu.memory_space<vmem_shared>>
      %dma_start3A_76 = arith.constant 0 : i32
      %dma_start3A_77 = tpu.memref_slice %arg7[%add3A_9, %dma_start3A_76] : memref<10240x128xf32, #tpu.memory_space<vmem_shared>> -> memref<128x128xf32, #tpu.memory_space<vmem_shared>>
      %dma_start3A_78 = arith.constant 0 : i32
      %dma_start3A_79 = arith.constant 0 : i32
      %dma_start3A_80 = tpu.memref_slice %arg6[%run_scoped3A, %dma_start3A_78, %dma_start3A_79] : memref<2x128x128xf32, #tpu.memory_space<vmem>> -> memref<1x128x128xf32, #tpu.memory_space<vmem>>
      %dma_start3A_81 = tpu.memref_squeeze %dma_start3A_80 : memref<1x128x128xf32, #tpu.memory_space<vmem>> -> memref<128x128xf32, #tpu.memory_space<vmem>>
      tpu.enqueue_dma source(%dma_start3A_81 : memref<128x128xf32, #tpu.memory_space<vmem>>) target(%dma_start3A_77 : memref<128x128xf32, #tpu.memory_space<vmem_shared>>) target_semaphore(%run_scoped3A_69 : memref<!tpu.dma_semaphore, #tpu.memory_space<semaphore_mem>>)
      %dma_wait3A = arith.constant 0 : i32
      %dma_wait3A_82 = arith.constant 0 : i32
      %dma_wait3A_83 = tpu.memref_slice %arg6[%run_scoped3A, %dma_wait3A, %dma_wait3A_82] : memref<2x128x128xf32, #tpu.memory_space<vmem>> -> memref<1x128x128xf32, #tpu.memory_space<vmem>>
      %dma_wait3A_84 = tpu.memref_squeeze %dma_wait3A_83 : memref<1x128x128xf32, #tpu.memory_space<vmem>> -> memref<128x128xf32, #tpu.memory_space<vmem>>
      %dma_wait3A_85 = arith.constant 0 : i32
      %dma_wait3A_86 = tpu.memref_slice %arg7[%add3A_9, %dma_wait3A_85] : memref<10240x128xf32, #tpu.memory_space<vmem_shared>> -> memref<128x128xf32, #tpu.memory_space<vmem_shared>>
      %dma_wait3A_87 = arith.constant 0 : i32
      %dma_wait3A_88 = tpu.memref_slice %arg7[%add3A_9, %dma_wait3A_87] : memref<10240x128xf32, #tpu.memory_space<vmem_shared>> -> memref<128x128xf32, #tpu.memory_space<vmem_shared>>
      %dma_wait3A_89 = arith.constant 0 : i32
      %dma_wait3A_90 = arith.constant 0 : i32
      %dma_wait3A_91 = tpu.memref_slice %arg6[%run_scoped3A, %dma_wait3A_89, %dma_wait3A_90] : memref<2x128x128xf32, #tpu.memory_space<vmem>> -> memref<1x128x128xf32, #tpu.memory_space<vmem>>
      %dma_wait3A_92 = tpu.memref_squeeze %dma_wait3A_91 : memref<1x128x128xf32, #tpu.memory_space<vmem>> -> memref<128x128xf32, #tpu.memory_space<vmem>>
      tpu.wait_dma2 semaphore(%run_scoped3A_69 : memref<!tpu.dma_semaphore, #tpu.memory_space<semaphore_mem>>) src(%dma_wait3A_92 : memref<128x128xf32, #tpu.memory_space<vmem>>) dst(%dma_wait3A_88 : memref<128x128xf32, #tpu.memory_space<vmem_shared>>)
      tpu.yield
    }) : () -> ()
    %mul3A_10 = arith.constant 640 : i32
    %mul3A_11 = arith.muli %arg1, %mul3A_10 : i32
    %add3A_12 = arith.constant 128 : i32
    %add3A_13 = arith.addi %mul3A_11, %add3A_12 : i32
    %run_scoped3A_14 = arith.constant 0 : i32
    "tpu.region"() ({
      %run_scoped3A_69 = tpu.sem_alloc : memref<!tpu.dma_semaphore, #tpu.memory_space<semaphore_mem>>
      %dma_start3A_70 = arith.constant 0 : i32
      %dma_start3A_71 = arith.constant 0 : i32
      %dma_start3A_72 = tpu.memref_slice %arg6[%run_scoped3A_14, %dma_start3A_70, %dma_start3A_71] : memref<2x128x128xf32, #tpu.memory_space<vmem>> -> memref<1x128x128xf32, #tpu.memory_space<vmem>>
      %dma_start3A_73 = tpu.memref_squeeze %dma_start3A_72 : memref<1x128x128xf32, #tpu.memory_space<vmem>> -> memref<128x128xf32, #tpu.memory_space<vmem>>
      %dma_start3A_74 = arith.constant 0 : i32
      %dma_start3A_75 = tpu.memref_slice %arg7[%add3A_13, %dma_start3A_74] : memref<10240x128xf32, #tpu.memory_space<vmem_shared>> -> memref<128x128xf32, #tpu.memory_space<vmem_shared>>
      %dma_start3A_76 = arith.constant 0 : i32
      %dma_start3A_77 = tpu.memref_slice %arg7[%add3A_13, %dma_start3A_76] : memref<10240x128xf32, #tpu.memory_space<vmem_shared>> -> memref<128x128xf32, #tpu.memory_space<vmem_shared>>
      %dma_start3A_78 = arith.constant 0 : i32
      %dma_start3A_79 = arith.constant 0 : i32
      %dma_start3A_80 = tpu.memref_slice %arg6[%run_scoped3A_14, %dma_start3A_78, %dma_start3A_79] : memref<2x128x128xf32, #tpu.memory_space<vmem>> -> memref<1x128x128xf32, #tpu.memory_space<vmem>>
      %dma_start3A_81 = tpu.memref_squeeze %dma_start3A_80 : memref<1x128x128xf32, #tpu.memory_space<vmem>> -> memref<128x128xf32, #tpu.memory_space<vmem>>
      tpu.enqueue_dma source(%dma_start3A_81 : memref<128x128xf32, #tpu.memory_space<vmem>>) target(%dma_start3A_77 : memref<128x128xf32, #tpu.memory_space<vmem_shared>>) target_semaphore(%run_scoped3A_69 : memref<!tpu.dma_semaphore, #tpu.memory_space<semaphore_mem>>)
      %dma_wait3A = arith.constant 0 : i32
      %dma_wait3A_82 = arith.constant 0 : i32
      %dma_wait3A_83 = tpu.memref_slice %arg6[%run_scoped3A_14, %dma_wait3A, %dma_wait3A_82] : memref<2x128x128xf32, #tpu.memory_space<vmem>> -> memref<1x128x128xf32, #tpu.memory_space<vmem>>
      %dma_wait3A_84 = tpu.memref_squeeze %dma_wait3A_83 : memref<1x128x128xf32, #tpu.memory_space<vmem>> -> memref<128x128xf32, #tpu.memory_space<vmem>>
      %dma_wait3A_85 = arith.constant 0 : i32
      %dma_wait3A_86 = tpu.memref_slice %arg7[%add3A_13, %dma_wait3A_85] : memref<10240x128xf32, #tpu.memory_space<vmem_shared>> -> memref<128x128xf32, #tpu.memory_space<vmem_shared>>
      %dma_wait3A_87 = arith.constant 0 : i32
      %dma_wait3A_88 = tpu.memref_slice %arg7[%add3A_13, %dma_wait3A_87] : memref<10240x128xf32, #tpu.memory_space<vmem_shared>> -> memref<128x128xf32, #tpu.memory_space<vmem_shared>>
      %dma_wait3A_89 = arith.constant 0 : i32
      %dma_wait3A_90 = arith.constant 0 : i32
      %dma_wait3A_91 = tpu.memref_slice %arg6[%run_scoped3A_14, %dma_wait3A_89, %dma_wait3A_90] : memref<2x128x128xf32, #tpu.memory_space<vmem>> -> memref<1x128x128xf32, #tpu.memory_space<vmem>>
      %dma_wait3A_92 = tpu.memref_squeeze %dma_wait3A_91 : memref<1x128x128xf32, #tpu.memory_space<vmem>> -> memref<128x128xf32, #tpu.memory_space<vmem>>
      tpu.wait_dma2 semaphore(%run_scoped3A_69 : memref<!tpu.dma_semaphore, #tpu.memory_space<semaphore_mem>>) src(%dma_wait3A_92 : memref<128x128xf32, #tpu.memory_space<vmem>>) dst(%dma_wait3A_88 : memref<128x128xf32, #tpu.memory_space<vmem_shared>>)
      tpu.yield
    }) : () -> ()
    %mul3A_15 = arith.constant 640 : i32
    %mul3A_16 = arith.muli %arg1, %mul3A_15 : i32
    %add3A_17 = arith.constant 256 : i32
    %add3A_18 = arith.addi %mul3A_16, %add3A_17 : i32
    %run_scoped3A_19 = arith.constant 0 : i32
    "tpu.region"() ({
      %run_scoped3A_69 = tpu.sem_alloc : memref<!tpu.dma_semaphore, #tpu.memory_space<semaphore_mem>>
      %dma_start3A_70 = arith.constant 0 : i32
      %dma_start3A_71 = arith.constant 0 : i32
      %dma_start3A_72 = tpu.memref_slice %arg6[%run_scoped3A_19, %dma_start3A_70, %dma_start3A_71] : memref<2x128x128xf32, #tpu.memory_space<vmem>> -> memref<1x128x128xf32, #tpu.memory_space<vmem>>
      %dma_start3A_73 = tpu.memref_squeeze %dma_start3A_72 : memref<1x128x128xf32, #tpu.memory_space<vmem>> -> memref<128x128xf32, #tpu.memory_space<vmem>>
      %dma_start3A_74 = arith.constant 0 : i32
      %dma_start3A_75 = tpu.memref_slice %arg7[%add3A_18, %dma_start3A_74] : memref<10240x128xf32, #tpu.memory_space<vmem_shared>> -> memref<128x128xf32, #tpu.memory_space<vmem_shared>>
      %dma_start3A_76 = arith.constant 0 : i32
      %dma_start3A_77 = tpu.memref_slice %arg7[%add3A_18, %dma_start3A_76] : memref<10240x128xf32, #tpu.memory_space<vmem_shared>> -> memref<128x128xf32, #tpu.memory_space<vmem_shared>>
      %dma_start3A_78 = arith.constant 0 : i32
      %dma_start3A_79 = arith.constant 0 : i32
      %dma_start3A_80 = tpu.memref_slice %arg6[%run_scoped3A_19, %dma_start3A_78, %dma_start3A_79] : memref<2x128x128xf32, #tpu.memory_space<vmem>> -> memref<1x128x128xf32, #tpu.memory_space<vmem>>
      %dma_start3A_81 = tpu.memref_squeeze %dma_start3A_80 : memref<1x128x128xf32, #tpu.memory_space<vmem>> -> memref<128x128xf32, #tpu.memory_space<vmem>>
      tpu.enqueue_dma source(%dma_start3A_81 : memref<128x128xf32, #tpu.memory_space<vmem>>) target(%dma_start3A_77 : memref<128x128xf32, #tpu.memory_space<vmem_shared>>) target_semaphore(%run_scoped3A_69 : memref<!tpu.dma_semaphore, #tpu.memory_space<semaphore_mem>>)
      %dma_wait3A = arith.constant 0 : i32
      %dma_wait3A_82 = arith.constant 0 : i32
      %dma_wait3A_83 = tpu.memref_slice %arg6[%run_scoped3A_19, %dma_wait3A, %dma_wait3A_82] : memref<2x128x128xf32, #tpu.memory_space<vmem>> -> memref<1x128x128xf32, #tpu.memory_space<vmem>>
      %dma_wait3A_84 = tpu.memref_squeeze %dma_wait3A_83 : memref<1x128x128xf32, #tpu.memory_space<vmem>> -> memref<128x128xf32, #tpu.memory_space<vmem>>
      %dma_wait3A_85 = arith.constant 0 : i32
      %dma_wait3A_86 = tpu.memref_slice %arg7[%add3A_18, %dma_wait3A_85] : memref<10240x128xf32, #tpu.memory_space<vmem_shared>> -> memref<128x128xf32, #tpu.memory_space<vmem_shared>>
      %dma_wait3A_87 = arith.constant 0 : i32
      %dma_wait3A_88 = tpu.memref_slice %arg7[%add3A_18, %dma_wait3A_87] : memref<10240x128xf32, #tpu.memory_space<vmem_shared>> -> memref<128x128xf32, #tpu.memory_space<vmem_shared>>
      %dma_wait3A_89 = arith.constant 0 : i32
      %dma_wait3A_90 = arith.constant 0 : i32
      %dma_wait3A_91 = tpu.memref_slice %arg6[%run_scoped3A_19, %dma_wait3A_89, %dma_wait3A_90] : memref<2x128x128xf32, #tpu.memory_space<vmem>> -> memref<1x128x128xf32, #tpu.memory_space<vmem>>
      %dma_wait3A_92 = tpu.memref_squeeze %dma_wait3A_91 : memref<1x128x128xf32, #tpu.memory_space<vmem>> -> memref<128x128xf32, #tpu.memory_space<vmem>>
      tpu.wait_dma2 semaphore(%run_scoped3A_69 : memref<!tpu.dma_semaphore, #tpu.memory_space<semaphore_mem>>) src(%dma_wait3A_92 : memref<128x128xf32, #tpu.memory_space<vmem>>) dst(%dma_wait3A_88 : memref<128x128xf32, #tpu.memory_space<vmem_shared>>)
      tpu.yield
    }) : () -> ()
    %mul3A_20 = arith.constant 640 : i32
    %mul3A_21 = arith.muli %arg1, %mul3A_20 : i32
    %add3A_22 = arith.constant 384 : i32
    %add3A_23 = arith.addi %mul3A_21, %add3A_22 : i32
    %run_scoped3A_24 = arith.constant 0 : i32
    "tpu.region"() ({
      %run_scoped3A_69 = tpu.sem_alloc : memref<!tpu.dma_semaphore, #tpu.memory_space<semaphore_mem>>
      %dma_start3A_70 = arith.constant 0 : i32
      %dma_start3A_71 = arith.constant 0 : i32
      %dma_start3A_72 = tpu.memref_slice %arg6[%run_scoped3A_24, %dma_start3A_70, %dma_start3A_71] : memref<2x128x128xf32, #tpu.memory_space<vmem>> -> memref<1x128x128xf32, #tpu.memory_space<vmem>>
      %dma_start3A_73 = tpu.memref_squeeze %dma_start3A_72 : memref<1x128x128xf32, #tpu.memory_space<vmem>> -> memref<128x128xf32, #tpu.memory_space<vmem>>
      %dma_start3A_74 = arith.constant 0 : i32
      %dma_start3A_75 = tpu.memref_slice %arg7[%add3A_23, %dma_start3A_74] : memref<10240x128xf32, #tpu.memory_space<vmem_shared>> -> memref<128x128xf32, #tpu.memory_space<vmem_shared>>
      %dma_start3A_76 = arith.constant 0 : i32
      %dma_start3A_77 = tpu.memref_slice %arg7[%add3A_23, %dma_start3A_76] : memref<10240x128xf32, #tpu.memory_space<vmem_shared>> -> memref<128x128xf32, #tpu.memory_space<vmem_shared>>
      %dma_start3A_78 = arith.constant 0 : i32
      %dma_start3A_79 = arith.constant 0 : i32
      %dma_start3A_80 = tpu.memref_slice %arg6[%run_scoped3A_24, %dma_start3A_78, %dma_start3A_79] : memref<2x128x128xf32, #tpu.memory_space<vmem>> -> memref<1x128x128xf32, #tpu.memory_space<vmem>>
      %dma_start3A_81 = tpu.memref_squeeze %dma_start3A_80 : memref<1x128x128xf32, #tpu.memory_space<vmem>> -> memref<128x128xf32, #tpu.memory_space<vmem>>
      tpu.enqueue_dma source(%dma_start3A_81 : memref<128x128xf32, #tpu.memory_space<vmem>>) target(%dma_start3A_77 : memref<128x128xf32, #tpu.memory_space<vmem_shared>>) target_semaphore(%run_scoped3A_69 : memref<!tpu.dma_semaphore, #tpu.memory_space<semaphore_mem>>)
      %dma_wait3A = arith.constant 0 : i32
      %dma_wait3A_82 = arith.constant 0 : i32
      %dma_wait3A_83 = tpu.memref_slice %arg6[%run_scoped3A_24, %dma_wait3A, %dma_wait3A_82] : memref<2x128x128xf32, #tpu.memory_space<vmem>> -> memref<1x128x128xf32, #tpu.memory_space<vmem>>
      %dma_wait3A_84 = tpu.memref_squeeze %dma_wait3A_83 : memref<1x128x128xf32, #tpu.memory_space<vmem>> -> memref<128x128xf32, #tpu.memory_space<vmem>>
      %dma_wait3A_85 = arith.constant 0 : i32
      %dma_wait3A_86 = tpu.memref_slice %arg7[%add3A_23, %dma_wait3A_85] : memref<10240x128xf32, #tpu.memory_space<vmem_shared>> -> memref<128x128xf32, #tpu.memory_space<vmem_shared>>
      %dma_wait3A_87 = arith.constant 0 : i32
      %dma_wait3A_88 = tpu.memref_slice %arg7[%add3A_23, %dma_wait3A_87] : memref<10240x128xf32, #tpu.memory_space<vmem_shared>> -> memref<128x128xf32, #tpu.memory_space<vmem_shared>>
      %dma_wait3A_89 = arith.constant 0 : i32
      %dma_wait3A_90 = arith.constant 0 : i32
      %dma_wait3A_91 = tpu.memref_slice %arg6[%run_scoped3A_24, %dma_wait3A_89, %dma_wait3A_90] : memref<2x128x128xf32, #tpu.memory_space<vmem>> -> memref<1x128x128xf32, #tpu.memory_space<vmem>>
      %dma_wait3A_92 = tpu.memref_squeeze %dma_wait3A_91 : memref<1x128x128xf32, #tpu.memory_space<vmem>> -> memref<128x128xf32, #tpu.memory_space<vmem>>
      tpu.wait_dma2 semaphore(%run_scoped3A_69 : memref<!tpu.dma_semaphore, #tpu.memory_space<semaphore_mem>>) src(%dma_wait3A_92 : memref<128x128xf32, #tpu.memory_space<vmem>>) dst(%dma_wait3A_88 : memref<128x128xf32, #tpu.memory_space<vmem_shared>>)
      tpu.yield
    }) : () -> ()
    %mul3A_25 = arith.constant 640 : i32
    %mul3A_26 = arith.muli %arg1, %mul3A_25 : i32
    %add3A_27 = arith.constant 512 : i32
    %add3A_28 = arith.addi %mul3A_26, %add3A_27 : i32
    %run_scoped3A_29 = arith.constant 0 : i32
    "tpu.region"() ({
      %run_scoped3A_69 = tpu.sem_alloc : memref<!tpu.dma_semaphore, #tpu.memory_space<semaphore_mem>>
      %dma_start3A_70 = arith.constant 0 : i32
      %dma_start3A_71 = arith.constant 0 : i32
      %dma_start3A_72 = tpu.memref_slice %arg6[%run_scoped3A_29, %dma_start3A_70, %dma_start3A_71] : memref<2x128x128xf32, #tpu.memory_space<vmem>> -> memref<1x128x128xf32, #tpu.memory_space<vmem>>
      %dma_start3A_73 = tpu.memref_squeeze %dma_start3A_72 : memref<1x128x128xf32, #tpu.memory_space<vmem>> -> memref<128x128xf32, #tpu.memory_space<vmem>>
      %dma_start3A_74 = arith.constant 0 : i32
      %dma_start3A_75 = tpu.memref_slice %arg7[%add3A_28, %dma_start3A_74] : memref<10240x128xf32, #tpu.memory_space<vmem_shared>> -> memref<128x128xf32, #tpu.memory_space<vmem_shared>>
      %dma_start3A_76 = arith.constant 0 : i32
      %dma_start3A_77 = tpu.memref_slice %arg7[%add3A_28, %dma_start3A_76] : memref<10240x128xf32, #tpu.memory_space<vmem_shared>> -> memref<128x128xf32, #tpu.memory_space<vmem_shared>>
      %dma_start3A_78 = arith.constant 0 : i32
      %dma_start3A_79 = arith.constant 0 : i32
      %dma_start3A_80 = tpu.memref_slice %arg6[%run_scoped3A_29, %dma_start3A_78, %dma_start3A_79] : memref<2x128x128xf32, #tpu.memory_space<vmem>> -> memref<1x128x128xf32, #tpu.memory_space<vmem>>
      %dma_start3A_81 = tpu.memref_squeeze %dma_start3A_80 : memref<1x128x128xf32, #tpu.memory_space<vmem>> -> memref<128x128xf32, #tpu.memory_space<vmem>>
      tpu.enqueue_dma source(%dma_start3A_81 : memref<128x128xf32, #tpu.memory_space<vmem>>) target(%dma_start3A_77 : memref<128x128xf32, #tpu.memory_space<vmem_shared>>) target_semaphore(%run_scoped3A_69 : memref<!tpu.dma_semaphore, #tpu.memory_space<semaphore_mem>>)
      %dma_wait3A = arith.constant 0 : i32
      %dma_wait3A_82 = arith.constant 0 : i32
      %dma_wait3A_83 = tpu.memref_slice %arg6[%run_scoped3A_29, %dma_wait3A, %dma_wait3A_82] : memref<2x128x128xf32, #tpu.memory_space<vmem>> -> memref<1x128x128xf32, #tpu.memory_space<vmem>>
      %dma_wait3A_84 = tpu.memref_squeeze %dma_wait3A_83 : memref<1x128x128xf32, #tpu.memory_space<vmem>> -> memref<128x128xf32, #tpu.memory_space<vmem>>
      %dma_wait3A_85 = arith.constant 0 : i32
      %dma_wait3A_86 = tpu.memref_slice %arg7[%add3A_28, %dma_wait3A_85] : memref<10240x128xf32, #tpu.memory_space<vmem_shared>> -> memref<128x128xf32, #tpu.memory_space<vmem_shared>>
      %dma_wait3A_87 = arith.constant 0 : i32
      %dma_wait3A_88 = tpu.memref_slice %arg7[%add3A_28, %dma_wait3A_87] : memref<10240x128xf32, #tpu.memory_space<vmem_shared>> -> memref<128x128xf32, #tpu.memory_space<vmem_shared>>
      %dma_wait3A_89 = arith.constant 0 : i32
      %dma_wait3A_90 = arith.constant 0 : i32
      %dma_wait3A_91 = tpu.memref_slice %arg6[%run_scoped3A_29, %dma_wait3A_89, %dma_wait3A_90] : memref<2x128x128xf32, #tpu.memory_space<vmem>> -> memref<1x128x128xf32, #tpu.memory_space<vmem>>
      %dma_wait3A_92 = tpu.memref_squeeze %dma_wait3A_91 : memref<1x128x128xf32, #tpu.memory_space<vmem>> -> memref<128x128xf32, #tpu.memory_space<vmem>>
      tpu.wait_dma2 semaphore(%run_scoped3A_69 : memref<!tpu.dma_semaphore, #tpu.memory_space<semaphore_mem>>) src(%dma_wait3A_92 : memref<128x128xf32, #tpu.memory_space<vmem>>) dst(%dma_wait3A_88 : memref<128x128xf32, #tpu.memory_space<vmem_shared>>)
      tpu.yield
    }) : () -> ()
    %barrier3A = arith.constant 0 : index
    tpu.barrier barrier_id(%barrier3A)
    %dma_start3A = arith.constant 0 : i32
    %dma_start3A_30 = arith.constant 0 : i32
    %dma_start3A_31 = arith.constant 0 : i32
    %dma_start3A_32 = arith.constant 0 : i32
    %dma_start3A_33 = arith.constant 0 : i32
    %dma_start3A_34 = tpu.memref_slice %arg5[%dma_start3A_30, %dma_start3A_31, %dma_start3A_32, %dma_start3A_33] : memref<2x2x8x128xi32, #tpu.memory_space<vmem>> -> memref<1x2x8x128xi32, #tpu.memory_space<vmem>>
    %dma_start3A_35 = tpu.memref_squeeze %dma_start3A_34 : memref<1x2x8x128xi32, #tpu.memory_space<vmem>> -> memref<2x8x128xi32, #tpu.memory_space<vmem>>
    %dma_start3A_36 = arith.constant 0 : i32
    %dma_start3A_37 = arith.constant 0 : i32
    %dma_start3A_38 = arith.constant 0 : i32
    %dma_start3A_39 = tpu.memref_slice %arg3[%add3A, %dma_start3A, %dma_start3A_36, %dma_start3A_37, %dma_start3A_38] : memref<32x10x2x8x128xi32, #tpu.memory_space<hbm>> -> memref<1x1x2x8x128xi32, #tpu.memory_space<hbm>>
    %dma_start3A_40 = tpu.memref_squeeze %dma_start3A_39 : memref<1x1x2x8x128xi32, #tpu.memory_space<hbm>> -> memref<2x8x128xi32, #tpu.memory_space<hbm>>
    %dma_start3A_41 = arith.constant 0 : i32
    %dma_start3A_42 = arith.constant 0 : i32
    %dma_start3A_43 = arith.constant 0 : i32
    %dma_start3A_44 = tpu.memref_slice %arg5[%dma_start3A_30, %dma_start3A_41, %dma_start3A_42, %dma_start3A_43] : memref<2x2x8x128xi32, #tpu.memory_space<vmem>> -> memref<1x2x8x128xi32, #tpu.memory_space<vmem>>
    %dma_start3A_45 = tpu.memref_squeeze %dma_start3A_44 : memref<1x2x8x128xi32, #tpu.memory_space<vmem>> -> memref<2x8x128xi32, #tpu.memory_space<vmem>>
    %dma_start3A_46 = arith.constant 0 : i32
    %dma_start3A_47 = arith.constant 0 : i32
    %dma_start3A_48 = arith.constant 0 : i32
    %dma_start3A_49 = tpu.memref_slice %arg3[%add3A, %dma_start3A, %dma_start3A_46, %dma_start3A_47, %dma_start3A_48] : memref<32x10x2x8x128xi32, #tpu.memory_space<hbm>> -> memref<1x1x2x8x128xi32, #tpu.memory_space<hbm>>
    %dma_start3A_50 = tpu.memref_squeeze %dma_start3A_49 : memref<1x1x2x8x128xi32, #tpu.memory_space<hbm>> -> memref<2x8x128xi32, #tpu.memory_space<hbm>>
    tpu.enqueue_dma source(%dma_start3A_50 : memref<2x8x128xi32, #tpu.memory_space<hbm>>) target(%dma_start3A_45 : memref<2x8x128xi32, #tpu.memory_space<vmem>>) target_semaphore(%arg8 : memref<!tpu.dma_semaphore, #tpu.memory_space<semaphore_mem>>)
    %scan3A_51 = arith.constant 0 : i32
    %scan3A_52 = arith.constant 0 : i32
    %scan3A_53 = arith.constant 5 : i32
    %scan3A_54 = arith.addi %scan3A_52, %scan3A_53 : i32
    %scan3A_55 = arith.constant 1 : i32
    scf.for %scan3A_69 = %scan3A_52 to %scan3A_54 step %scan3A_55  : i32 {
      %mul3A_70 = arith.constant 2 : i32
      %mul3A_71 = arith.muli %scan3A_69, %mul3A_70 : i32
      %add3A_72 = arith.constant 0 : i32
      %add3A_73 = arith.addi %mul3A_71, %add3A_72 : i32
      %dma_wait3A = arith.constant 0 : i32
      %dma_wait3A_74 = arith.constant 0 : i32
      %dma_wait3A_75 = arith.constant 0 : i32
      %dma_wait3A_76 = arith.constant 0 : i32
      %dma_wait3A_77 = tpu.memref_slice %arg5[%dma_wait3A, %dma_wait3A_74, %dma_wait3A_75, %dma_wait3A_76] : memref<2x2x8x128xi32, #tpu.memory_space<vmem>> -> memref<1x2x8x128xi32, #tpu.memory_space<vmem>>
      %dma_wait3A_78 = tpu.memref_squeeze %dma_wait3A_77 : memref<1x2x8x128xi32, #tpu.memory_space<vmem>> -> memref<2x8x128xi32, #tpu.memory_space<vmem>>
      %dma_wait3A_79 = arith.constant 0 : i32
      %dma_wait3A_80 = arith.constant 0 : i32
      %dma_wait3A_81 = arith.constant 0 : i32
      %dma_wait3A_82 = tpu.memref_slice %arg3[%add3A, %add3A_73, %dma_wait3A_79, %dma_wait3A_80, %dma_wait3A_81] : memref<32x10x2x8x128xi32, #tpu.memory_space<hbm>> -> memref<1x1x2x8x128xi32, #tpu.memory_space<hbm>>
      %dma_wait3A_83 = tpu.memref_squeeze %dma_wait3A_82 : memref<1x1x2x8x128xi32, #tpu.memory_space<hbm>> -> memref<2x8x128xi32, #tpu.memory_space<hbm>>
      %dma_wait3A_84 = arith.constant 0 : i32
      %dma_wait3A_85 = arith.constant 0 : i32
      %dma_wait3A_86 = arith.constant 0 : i32
      %dma_wait3A_87 = tpu.memref_slice %arg5[%dma_wait3A, %dma_wait3A_84, %dma_wait3A_85, %dma_wait3A_86] : memref<2x2x8x128xi32, #tpu.memory_space<vmem>> -> memref<1x2x8x128xi32, #tpu.memory_space<vmem>>
      %dma_wait3A_88 = tpu.memref_squeeze %dma_wait3A_87 : memref<1x2x8x128xi32, #tpu.memory_space<vmem>> -> memref<2x8x128xi32, #tpu.memory_space<vmem>>
      %dma_wait3A_89 = arith.constant 0 : i32
      %dma_wait3A_90 = arith.constant 0 : i32
      %dma_wait3A_91 = arith.constant 0 : i32
      %dma_wait3A_92 = tpu.memref_slice %arg3[%add3A, %add3A_73, %dma_wait3A_89, %dma_wait3A_90, %dma_wait3A_91] : memref<32x10x2x8x128xi32, #tpu.memory_space<hbm>> -> memref<1x1x2x8x128xi32, #tpu.memory_space<hbm>>
      %dma_wait3A_93 = tpu.memref_squeeze %dma_wait3A_92 : memref<1x1x2x8x128xi32, #tpu.memory_space<hbm>> -> memref<2x8x128xi32, #tpu.memory_space<hbm>>
      tpu.wait_dma2 semaphore(%arg8 : memref<!tpu.dma_semaphore, #tpu.memory_space<semaphore_mem>>) src(%dma_wait3A_93 : memref<2x8x128xi32, #tpu.memory_space<hbm>>) dst(%dma_wait3A_88 : memref<2x8x128xi32, #tpu.memory_space<vmem>>)
      %add3A_94 = arith.constant 1 : i32
      %add3A_95 = arith.addi %add3A_73, %add3A_94 : i32
      %lt3A = arith.constant 10 : i32
      %lt3A_96 = arith.cmpi slt, %add3A_95, %lt3A : i32
      %convert_element_type3A = arith.extui %lt3A_96 : i1 to i32
      %cond3A = arith.constant 0 : i32
      %cond3A_97 = arith.cmpi ne, %convert_element_type3A, %cond3A : i32
      scf.if %cond3A_97 {
        %add3A_170 = arith.constant 1 : i32
        %add3A_171 = arith.addi %add3A_73, %add3A_170 : i32
        %dma_start3A_172 = arith.constant 1 : i32
        %dma_start3A_173 = arith.constant 0 : i32
        %dma_start3A_174 = arith.constant 0 : i32
        %dma_start3A_175 = arith.constant 0 : i32
        %dma_start3A_176 = tpu.memref_slice %arg5[%dma_start3A_172, %dma_start3A_173, %dma_start3A_174, %dma_start3A_175] : memref<2x2x8x128xi32, #tpu.memory_space<vmem>> -> memref<1x2x8x128xi32, #tpu.memory_space<vmem>>
        %dma_start3A_177 = tpu.memref_squeeze %dma_start3A_176 : memref<1x2x8x128xi32, #tpu.memory_space<vmem>> -> memref<2x8x128xi32, #tpu.memory_space<vmem>>
        %dma_start3A_178 = arith.constant 0 : i32
        %dma_start3A_179 = arith.constant 0 : i32
        %dma_start3A_180 = arith.constant 0 : i32
        %dma_start3A_181 = tpu.memref_slice %arg3[%add3A, %add3A_171, %dma_start3A_178, %dma_start3A_179, %dma_start3A_180] : memref<32x10x2x8x128xi32, #tpu.memory_space<hbm>> -> memref<1x1x2x8x128xi32, #tpu.memory_space<hbm>>
        %dma_start3A_182 = tpu.memref_squeeze %dma_start3A_181 : memref<1x1x2x8x128xi32, #tpu.memory_space<hbm>> -> memref<2x8x128xi32, #tpu.memory_space<hbm>>
        %dma_start3A_183 = arith.constant 0 : i32
        %dma_start3A_184 = arith.constant 0 : i32
        %dma_start3A_185 = arith.constant 0 : i32
        %dma_start3A_186 = tpu.memref_slice %arg5[%dma_start3A_172, %dma_start3A_183, %dma_start3A_184, %dma_start3A_185] : memref<2x2x8x128xi32, #tpu.memory_space<vmem>> -> memref<1x2x8x128xi32, #tpu.memory_space<vmem>>
        %dma_start3A_187 = tpu.memref_squeeze %dma_start3A_186 : memref<1x2x8x128xi32, #tpu.memory_space<vmem>> -> memref<2x8x128xi32, #tpu.memory_space<vmem>>
        %dma_start3A_188 = arith.constant 0 : i32
        %dma_start3A_189 = arith.constant 0 : i32
        %dma_start3A_190 = arith.constant 0 : i32
        %dma_start3A_191 = tpu.memref_slice %arg3[%add3A, %add3A_171, %dma_start3A_188, %dma_start3A_189, %dma_start3A_190] : memref<32x10x2x8x128xi32, #tpu.memory_space<hbm>> -> memref<1x1x2x8x128xi32, #tpu.memory_space<hbm>>
        %dma_start3A_192 = tpu.memref_squeeze %dma_start3A_191 : memref<1x1x2x8x128xi32, #tpu.memory_space<hbm>> -> memref<2x8x128xi32, #tpu.memory_space<hbm>>
        tpu.enqueue_dma source(%dma_start3A_192 : memref<2x8x128xi32, #tpu.memory_space<hbm>>) target(%dma_start3A_187 : memref<2x8x128xi32, #tpu.memory_space<vmem>>) target_semaphore(%arg9 : memref<!tpu.dma_semaphore, #tpu.memory_space<semaphore_mem>>)
      } else {
      }
      %dma_start3A_98 = arith.constant 0 : i32
      %dma_start3A_99 = arith.constant 0 : i32
      %dma_start3A_100 = arith.constant 0 : i32
      %dma_start3A_101 = arith.constant 0 : i32
      %dma_start3A_102 = arith.constant 0 : i32
      %dma_start3A_103 = arith.constant 0 : i32
      %dma_start3A_104 = tpu.memref_slice %arg6[%dma_start3A_101, %dma_start3A_102, %dma_start3A_103] : memref<2x128x128xf32, #tpu.memory_space<vmem>> -> memref<1x128x128xf32, #tpu.memory_space<vmem>>
      %dma_start3A_105 = tpu.memref_squeeze %dma_start3A_104 : memref<1x128x128xf32, #tpu.memory_space<vmem>> -> memref<128x128xf32, #tpu.memory_space<vmem>>
      %dma_start3A_106 = arith.constant 0 : i32
      %dma_start3A_107 = tpu.memref_slice %arg5[%dma_start3A_98, %dma_start3A_99, %dma_start3A_100, %dma_start3A_106] : memref<2x2x8x128xi32, #tpu.memory_space<vmem>> -> memref<1x1x1x128xi32, #tpu.memory_space<vmem>>
      %dma_start3A_108 = tpu.memref_squeeze %dma_start3A_107 : memref<1x1x1x128xi32, #tpu.memory_space<vmem>> -> memref<128xi32, #tpu.memory_space<vmem>>
      %dma_start3A_109 = arith.constant 0 : i32
      %dma_start3A_110 = arith.constant 0 : i32
      %dma_start3A_111 = tpu.memref_slice %arg2[%dma_start3A_109, %dma_start3A_110] : memref<10240x128xf32, #tpu.memory_space<hbm>> -> memref<10240x128xf32, #tpu.memory_space<hbm>>
      tpu.enqueue_indirect_dma source(%dma_start3A_111 : memref<10240x128xf32, #tpu.memory_space<hbm>>) target(%dma_start3A_105 : memref<128x128xf32, #tpu.memory_space<vmem>>) offsets(%dma_start3A_108 : memref<128xi32, #tpu.memory_space<vmem>>) semaphore(%arg10 : memref<!tpu.dma_semaphore, #tpu.memory_space<semaphore_mem>>)
      %scan3A_112 = arith.constant 0 : i32
      %scan3A_113 = arith.constant 0 : i32
      %scan3A_114 = arith.constant 4 : i32
      %scan3A_115 = arith.addi %scan3A_113, %scan3A_114 : i32
      %scan3A_116 = arith.constant 1 : i32
      scf.for %scan3A_170 = %scan3A_113 to %scan3A_115 step %scan3A_116  : i32 {
        %mul3A_171 = arith.constant 2 : i32
        %mul3A_172 = arith.muli %scan3A_170, %mul3A_171 : i32
        %add3A_173 = arith.constant 0 : i32
        %add3A_174 = arith.addi %mul3A_172, %add3A_173 : i32
        %dma_wait3A_175 = arith.constant 0 : i32
        %dma_wait3A_176 = arith.constant 0 : i32
        %dma_wait3A_177 = arith.constant 0 : i32
        %dma_wait3A_178 = arith.constant 0 : i32
        %dma_wait3A_179 = arith.constant 0 : i32
        %dma_wait3A_180 = tpu.memref_slice %arg6[%dma_wait3A_177, %dma_wait3A_178, %dma_wait3A_179] : memref<2x128x128xf32, #tpu.memory_space<vmem>> -> memref<1x128x128xf32, #tpu.memory_space<vmem>>
        %dma_wait3A_181 = tpu.memref_squeeze %dma_wait3A_180 : memref<1x128x128xf32, #tpu.memory_space<vmem>> -> memref<128x128xf32, #tpu.memory_space<vmem>>
        %dma_wait3A_182 = arith.constant 0 : i32
        %dma_wait3A_183 = tpu.memref_slice %arg5[%dma_wait3A_175, %dma_wait3A_176, %add3A_174, %dma_wait3A_182] : memref<2x2x8x128xi32, #tpu.memory_space<vmem>> -> memref<1x1x1x128xi32, #tpu.memory_space<vmem>>
        %dma_wait3A_184 = tpu.memref_squeeze %dma_wait3A_183 : memref<1x1x1x128xi32, #tpu.memory_space<vmem>> -> memref<128xi32, #tpu.memory_space<vmem>>
        %dma_wait3A_185 = arith.constant 0 : i32
        %dma_wait3A_186 = arith.constant 0 : i32
        %dma_wait3A_187 = tpu.memref_slice %arg2[%dma_wait3A_185, %dma_wait3A_186] : memref<10240x128xf32, #tpu.memory_space<hbm>> -> memref<10240x128xf32, #tpu.memory_space<hbm>>
        tpu.wait_indirect_dma semaphore(%arg10 : memref<!tpu.dma_semaphore, #tpu.memory_space<semaphore_mem>>) src(%dma_wait3A_187 : memref<10240x128xf32, #tpu.memory_space<hbm>>) dst(%dma_wait3A_181 : memref<128x128xf32, #tpu.memory_space<vmem>>)
        %add3A_188 = arith.constant 1 : i32
        %add3A_189 = arith.addi %add3A_174, %add3A_188 : i32
        %lt3A_190 = arith.constant 8 : i32
        %lt3A_191 = arith.cmpi slt, %add3A_189, %lt3A_190 : i32
        %convert_element_type3A_192 = arith.extui %lt3A_191 : i1 to i32
        %cond3A_193 = arith.constant 0 : i32
        %cond3A_194 = arith.cmpi ne, %convert_element_type3A_192, %cond3A_193 : i32
        scf.if %cond3A_194 {
          %add3A_225 = arith.constant 1 : i32
          %add3A_226 = arith.addi %add3A_174, %add3A_225 : i32
          %dma_start3A_227 = arith.constant 0 : i32
          %dma_start3A_228 = arith.constant 0 : i32
          %dma_start3A_229 = arith.constant 1 : i32
          %dma_start3A_230 = arith.constant 0 : i32
          %dma_start3A_231 = arith.constant 0 : i32
          %dma_start3A_232 = tpu.memref_slice %arg6[%dma_start3A_229, %dma_start3A_230, %dma_start3A_231] : memref<2x128x128xf32, #tpu.memory_space<vmem>> -> memref<1x128x128xf32, #tpu.memory_space<vmem>>
          %dma_start3A_233 = tpu.memref_squeeze %dma_start3A_232 : memref<1x128x128xf32, #tpu.memory_space<vmem>> -> memref<128x128xf32, #tpu.memory_space<vmem>>
          %dma_start3A_234 = arith.constant 0 : i32
          %dma_start3A_235 = tpu.memref_slice %arg5[%dma_start3A_227, %dma_start3A_228, %add3A_226, %dma_start3A_234] : memref<2x2x8x128xi32, #tpu.memory_space<vmem>> -> memref<1x1x1x128xi32, #tpu.memory_space<vmem>>
          %dma_start3A_236 = tpu.memref_squeeze %dma_start3A_235 : memref<1x1x1x128xi32, #tpu.memory_space<vmem>> -> memref<128xi32, #tpu.memory_space<vmem>>
          %dma_start3A_237 = arith.constant 0 : i32
          %dma_start3A_238 = arith.constant 0 : i32
          %dma_start3A_239 = tpu.memref_slice %arg2[%dma_start3A_237, %dma_start3A_238] : memref<10240x128xf32, #tpu.memory_space<hbm>> -> memref<10240x128xf32, #tpu.memory_space<hbm>>
          tpu.enqueue_indirect_dma source(%dma_start3A_239 : memref<10240x128xf32, #tpu.memory_space<hbm>>) target(%dma_start3A_233 : memref<128x128xf32, #tpu.memory_space<vmem>>) offsets(%dma_start3A_236 : memref<128xi32, #tpu.memory_space<vmem>>) semaphore(%arg11 : memref<!tpu.dma_semaphore, #tpu.memory_space<semaphore_mem>>)
        } else {
        }
        %run_scoped3A_195 = arith.constant 0 : i32
        %run_scoped3A_196 = arith.constant 0 : i32
        %run_scoped3A_197 = arith.constant 1 : i32
        "tpu.region"() ({
          %run_scoped3A_225 = tpu.sem_alloc : memref<!tpu.dma_semaphore, #tpu.memory_space<semaphore_mem>>
          %dma_start3A_226 = arith.constant 0 : i32
          %dma_start3A_227 = arith.constant 0 : i32
          %dma_start3A_228 = tpu.memref_slice %arg6[%run_scoped3A_195, %dma_start3A_226, %dma_start3A_227] : memref<2x128x128xf32, #tpu.memory_space<vmem>> -> memref<1x128x128xf32, #tpu.memory_space<vmem>>
          %dma_start3A_229 = tpu.memref_squeeze %dma_start3A_228 : memref<1x128x128xf32, #tpu.memory_space<vmem>> -> memref<128x128xf32, #tpu.memory_space<vmem>>
          %dma_start3A_230 = arith.constant 0 : i32
          %dma_start3A_231 = tpu.memref_slice %arg5[%run_scoped3A_196, %run_scoped3A_197, %add3A_174, %dma_start3A_230] : memref<2x2x8x128xi32, #tpu.memory_space<vmem>> -> memref<1x1x1x128xi32, #tpu.memory_space<vmem>>
          %dma_start3A_232 = tpu.memref_squeeze %dma_start3A_231 : memref<1x1x1x128xi32, #tpu.memory_space<vmem>> -> memref<128xi32, #tpu.memory_space<vmem>>
          %dma_start3A_233 = arith.constant 0 : i32
          %dma_start3A_234 = arith.constant 0 : i32
          %dma_start3A_235 = tpu.memref_slice %arg7[%dma_start3A_233, %dma_start3A_234] : memref<10240x128xf32, #tpu.memory_space<vmem_shared>> -> memref<10240x128xf32, #tpu.memory_space<vmem_shared>>
          tpu.enqueue_indirect_dma source(%dma_start3A_229 : memref<128x128xf32, #tpu.memory_space<vmem>>) target(%dma_start3A_235 : memref<10240x128xf32, #tpu.memory_space<vmem_shared>>) offsets(%dma_start3A_232 : memref<128xi32, #tpu.memory_space<vmem>>) semaphore(%run_scoped3A_225 : memref<!tpu.dma_semaphore, #tpu.memory_space<semaphore_mem>>) {add = true}
          %dma_wait3A_236 = arith.constant 0 : i32
          %dma_wait3A_237 = arith.constant 0 : i32
          %dma_wait3A_238 = tpu.memref_slice %arg6[%run_scoped3A_195, %dma_wait3A_236, %dma_wait3A_237] : memref<2x128x128xf32, #tpu.memory_space<vmem>> -> memref<1x128x128xf32, #tpu.memory_space<vmem>>
          %dma_wait3A_239 = tpu.memref_squeeze %dma_wait3A_238 : memref<1x128x128xf32, #tpu.memory_space<vmem>> -> memref<128x128xf32, #tpu.memory_space<vmem>>
          %dma_wait3A_240 = arith.constant 0 : i32
          %dma_wait3A_241 = tpu.memref_slice %arg5[%run_scoped3A_196, %run_scoped3A_197, %add3A_174, %dma_wait3A_240] : memref<2x2x8x128xi32, #tpu.memory_space<vmem>> -> memref<1x1x1x128xi32, #tpu.memory_space<vmem>>
          %dma_wait3A_242 = tpu.memref_squeeze %dma_wait3A_241 : memref<1x1x1x128xi32, #tpu.memory_space<vmem>> -> memref<128xi32, #tpu.memory_space<vmem>>
          %dma_wait3A_243 = arith.constant 0 : i32
          %dma_wait3A_244 = arith.constant 0 : i32
          %dma_wait3A_245 = tpu.memref_slice %arg7[%dma_wait3A_243, %dma_wait3A_244] : memref<10240x128xf32, #tpu.memory_space<vmem_shared>> -> memref<10240x128xf32, #tpu.memory_space<vmem_shared>>
          tpu.wait_indirect_dma semaphore(%run_scoped3A_225 : memref<!tpu.dma_semaphore, #tpu.memory_space<semaphore_mem>>) src(%dma_wait3A_239 : memref<128x128xf32, #tpu.memory_space<vmem>>) dst(%dma_wait3A_245 : memref<10240x128xf32, #tpu.memory_space<vmem_shared>>)
          tpu.yield
        }) : () -> ()
        %mul3A_198 = arith.constant 2 : i32
        %mul3A_199 = arith.muli %scan3A_170, %mul3A_198 : i32
        %add3A_200 = arith.constant 1 : i32
        %add3A_201 = arith.addi %mul3A_199, %add3A_200 : i32
        %dma_wait3A_202 = arith.constant 0 : i32
        %dma_wait3A_203 = arith.constant 0 : i32
        %dma_wait3A_204 = arith.constant 1 : i32
        %dma_wait3A_205 = arith.constant 0 : i32
        %dma_wait3A_206 = arith.constant 0 : i32
        %dma_wait3A_207 = tpu.memref_slice %arg6[%dma_wait3A_204, %dma_wait3A_205, %dma_wait3A_206] : memref<2x128x128xf32, #tpu.memory_space<vmem>> -> memref<1x128x128xf32, #tpu.memory_space<vmem>>
        %dma_wait3A_208 = tpu.memref_squeeze %dma_wait3A_207 : memref<1x128x128xf32, #tpu.memory_space<vmem>> -> memref<128x128xf32, #tpu.memory_space<vmem>>
        %dma_wait3A_209 = arith.constant 0 : i32
        %dma_wait3A_210 = tpu.memref_slice %arg5[%dma_wait3A_202, %dma_wait3A_203, %add3A_201, %dma_wait3A_209] : memref<2x2x8x128xi32, #tpu.memory_space<vmem>> -> memref<1x1x1x128xi32, #tpu.memory_space<vmem>>
        %dma_wait3A_211 = tpu.memref_squeeze %dma_wait3A_210 : memref<1x1x1x128xi32, #tpu.memory_space<vmem>> -> memref<128xi32, #tpu.memory_space<vmem>>
        %dma_wait3A_212 = arith.constant 0 : i32
        %dma_wait3A_213 = arith.constant 0 : i32
        %dma_wait3A_214 = tpu.memref_slice %arg2[%dma_wait3A_212, %dma_wait3A_213] : memref<10240x128xf32, #tpu.memory_space<hbm>> -> memref<10240x128xf32, #tpu.memory_space<hbm>>
        tpu.wait_indirect_dma semaphore(%arg11 : memref<!tpu.dma_semaphore, #tpu.memory_space<semaphore_mem>>) src(%dma_wait3A_214 : memref<10240x128xf32, #tpu.memory_space<hbm>>) dst(%dma_wait3A_208 : memref<128x128xf32, #tpu.memory_space<vmem>>)
        %add3A_215 = arith.constant 1 : i32
        %add3A_216 = arith.addi %add3A_201, %add3A_215 : i32
        %lt3A_217 = arith.constant 8 : i32
        %lt3A_218 = arith.cmpi slt, %add3A_216, %lt3A_217 : i32
        %convert_element_type3A_219 = arith.extui %lt3A_218 : i1 to i32
        %cond3A_220 = arith.constant 0 : i32
        %cond3A_221 = arith.cmpi ne, %convert_element_type3A_219, %cond3A_220 : i32
        scf.if %cond3A_221 {
          %add3A_225 = arith.constant 1 : i32
          %add3A_226 = arith.addi %add3A_201, %add3A_225 : i32
          %dma_start3A_227 = arith.constant 0 : i32
          %dma_start3A_228 = arith.constant 0 : i32
          %dma_start3A_229 = arith.constant 0 : i32
          %dma_start3A_230 = arith.constant 0 : i32
          %dma_start3A_231 = arith.constant 0 : i32
          %dma_start3A_232 = tpu.memref_slice %arg6[%dma_start3A_229, %dma_start3A_230, %dma_start3A_231] : memref<2x128x128xf32, #tpu.memory_space<vmem>> -> memref<1x128x128xf32, #tpu.memory_space<vmem>>
          %dma_start3A_233 = tpu.memref_squeeze %dma_start3A_232 : memref<1x128x128xf32, #tpu.memory_space<vmem>> -> memref<128x128xf32, #tpu.memory_space<vmem>>
          %dma_start3A_234 = arith.constant 0 : i32
          %dma_start3A_235 = tpu.memref_slice %arg5[%dma_start3A_227, %dma_start3A_228, %add3A_226, %dma_start3A_234] : memref<2x2x8x128xi32, #tpu.memory_space<vmem>> -> memref<1x1x1x128xi32, #tpu.memory_space<vmem>>
          %dma_start3A_236 = tpu.memref_squeeze %dma_start3A_235 : memref<1x1x1x128xi32, #tpu.memory_space<vmem>> -> memref<128xi32, #tpu.memory_space<vmem>>
          %dma_start3A_237 = arith.constant 0 : i32
          %dma_start3A_238 = arith.constant 0 : i32
          %dma_start3A_239 = tpu.memref_slice %arg2[%dma_start3A_237, %dma_start3A_238] : memref<10240x128xf32, #tpu.memory_space<hbm>> -> memref<10240x128xf32, #tpu.memory_space<hbm>>
          tpu.enqueue_indirect_dma source(%dma_start3A_239 : memref<10240x128xf32, #tpu.memory_space<hbm>>) target(%dma_start3A_233 : memref<128x128xf32, #tpu.memory_space<vmem>>) offsets(%dma_start3A_236 : memref<128xi32, #tpu.memory_space<vmem>>) semaphore(%arg10 : memref<!tpu.dma_semaphore, #tpu.memory_space<semaphore_mem>>)
        } else {
        }
        %run_scoped3A_222 = arith.constant 1 : i32
        %run_scoped3A_223 = arith.constant 0 : i32
        %run_scoped3A_224 = arith.constant 1 : i32
        "tpu.region"() ({
          %run_scoped3A_225 = tpu.sem_alloc : memref<!tpu.dma_semaphore, #tpu.memory_space<semaphore_mem>>
          %dma_start3A_226 = arith.constant 0 : i32
          %dma_start3A_227 = arith.constant 0 : i32
          %dma_start3A_228 = tpu.memref_slice %arg6[%run_scoped3A_222, %dma_start3A_226, %dma_start3A_227] : memref<2x128x128xf32, #tpu.memory_space<vmem>> -> memref<1x128x128xf32, #tpu.memory_space<vmem>>
          %dma_start3A_229 = tpu.memref_squeeze %dma_start3A_228 : memref<1x128x128xf32, #tpu.memory_space<vmem>> -> memref<128x128xf32, #tpu.memory_space<vmem>>
          %dma_start3A_230 = arith.constant 0 : i32
          %dma_start3A_231 = tpu.memref_slice %arg5[%run_scoped3A_223, %run_scoped3A_224, %add3A_201, %dma_start3A_230] : memref<2x2x8x128xi32, #tpu.memory_space<vmem>> -> memref<1x1x1x128xi32, #tpu.memory_space<vmem>>
          %dma_start3A_232 = tpu.memref_squeeze %dma_start3A_231 : memref<1x1x1x128xi32, #tpu.memory_space<vmem>> -> memref<128xi32, #tpu.memory_space<vmem>>
          %dma_start3A_233 = arith.constant 0 : i32
          %dma_start3A_234 = arith.constant 0 : i32
          %dma_start3A_235 = tpu.memref_slice %arg7[%dma_start3A_233, %dma_start3A_234] : memref<10240x128xf32, #tpu.memory_space<vmem_shared>> -> memref<10240x128xf32, #tpu.memory_space<vmem_shared>>
          tpu.enqueue_indirect_dma source(%dma_start3A_229 : memref<128x128xf32, #tpu.memory_space<vmem>>) target(%dma_start3A_235 : memref<10240x128xf32, #tpu.memory_space<vmem_shared>>) offsets(%dma_start3A_232 : memref<128xi32, #tpu.memory_space<vmem>>) semaphore(%run_scoped3A_225 : memref<!tpu.dma_semaphore, #tpu.memory_space<semaphore_mem>>) {add = true}
          %dma_wait3A_236 = arith.constant 0 : i32
          %dma_wait3A_237 = arith.constant 0 : i32
          %dma_wait3A_238 = tpu.memref_slice %arg6[%run_scoped3A_222, %dma_wait3A_236, %dma_wait3A_237] : memref<2x128x128xf32, #tpu.memory_space<vmem>> -> memref<1x128x128xf32, #tpu.memory_space<vmem>>
          %dma_wait3A_239 = tpu.memref_squeeze %dma_wait3A_238 : memref<1x128x128xf32, #tpu.memory_space<vmem>> -> memref<128x128xf32, #tpu.memory_space<vmem>>
          %dma_wait3A_240 = arith.constant 0 : i32
          %dma_wait3A_241 = tpu.memref_slice %arg5[%run_scoped3A_223, %run_scoped3A_224, %add3A_201, %dma_wait3A_240] : memref<2x2x8x128xi32, #tpu.memory_space<vmem>> -> memref<1x1x1x128xi32, #tpu.memory_space<vmem>>
          %dma_wait3A_242 = tpu.memref_squeeze %dma_wait3A_241 : memref<1x1x1x128xi32, #tpu.memory_space<vmem>> -> memref<128xi32, #tpu.memory_space<vmem>>
          %dma_wait3A_243 = arith.constant 0 : i32
          %dma_wait3A_244 = arith.constant 0 : i32
          %dma_wait3A_245 = tpu.memref_slice %arg7[%dma_wait3A_243, %dma_wait3A_244] : memref<10240x128xf32, #tpu.memory_space<vmem_shared>> -> memref<10240x128xf32, #tpu.memory_space<vmem_shared>>
          tpu.wait_indirect_dma semaphore(%run_scoped3A_225 : memref<!tpu.dma_semaphore, #tpu.memory_space<semaphore_mem>>) src(%dma_wait3A_239 : memref<128x128xf32, #tpu.memory_space<vmem>>) dst(%dma_wait3A_245 : memref<10240x128xf32, #tpu.memory_space<vmem_shared>>)
          tpu.yield
        }) : () -> ()
      }
      %scan3A_117 = arith.constant 4 : i32
      %mul3A_118 = arith.constant 2 : i32
      %mul3A_119 = arith.muli %scan3A_69, %mul3A_118 : i32
      %add3A_120 = arith.constant 1 : i32
      %add3A_121 = arith.addi %mul3A_119, %add3A_120 : i32
      %dma_wait3A_122 = arith.constant 1 : i32
      %dma_wait3A_123 = arith.constant 0 : i32
      %dma_wait3A_124 = arith.constant 0 : i32
      %dma_wait3A_125 = arith.constant 0 : i32
      %dma_wait3A_126 = tpu.memref_slice %arg5[%dma_wait3A_122, %dma_wait3A_123, %dma_wait3A_124, %dma_wait3A_125] : memref<2x2x8x128xi32, #tpu.memory_space<vmem>> -> memref<1x2x8x128xi32, #tpu.memory_space<vmem>>
      %dma_wait3A_127 = tpu.memref_squeeze %dma_wait3A_126 : memref<1x2x8x128xi32, #tpu.memory_space<vmem>> -> memref<2x8x128xi32, #tpu.memory_space<vmem>>
      %dma_wait3A_128 = arith.constant 0 : i32
      %dma_wait3A_129 = arith.constant 0 : i32
      %dma_wait3A_130 = arith.constant 0 : i32
      %dma_wait3A_131 = tpu.memref_slice %arg3[%add3A, %add3A_121, %dma_wait3A_128, %dma_wait3A_129, %dma_wait3A_130] : memref<32x10x2x8x128xi32, #tpu.memory_space<hbm>> -> memref<1x1x2x8x128xi32, #tpu.memory_space<hbm>>
      %dma_wait3A_132 = tpu.memref_squeeze %dma_wait3A_131 : memref<1x1x2x8x128xi32, #tpu.memory_space<hbm>> -> memref<2x8x128xi32, #tpu.memory_space<hbm>>
      %dma_wait3A_133 = arith.constant 0 : i32
      %dma_wait3A_134 = arith.constant 0 : i32
      %dma_wait3A_135 = arith.constant 0 : i32
      %dma_wait3A_136 = tpu.memref_slice %arg5[%dma_wait3A_122, %dma_wait3A_133, %dma_wait3A_134, %dma_wait3A_135] : memref<2x2x8x128xi32, #tpu.memory_space<vmem>> -> memref<1x2x8x128xi32, #tpu.memory_space<vmem>>
      %dma_wait3A_137 = tpu.memref_squeeze %dma_wait3A_136 : memref<1x2x8x128xi32, #tpu.memory_space<vmem>> -> memref<2x8x128xi32, #tpu.memory_space<vmem>>
      %dma_wait3A_138 = arith.constant 0 : i32
      %dma_wait3A_139 = arith.constant 0 : i32
      %dma_wait3A_140 = arith.constant 0 : i32
      %dma_wait3A_141 = tpu.memref_slice %arg3[%add3A, %add3A_121, %dma_wait3A_138, %dma_wait3A_139, %dma_wait3A_140] : memref<32x10x2x8x128xi32, #tpu.memory_space<hbm>> -> memref<1x1x2x8x128xi32, #tpu.memory_space<hbm>>
      %dma_wait3A_142 = tpu.memref_squeeze %dma_wait3A_141 : memref<1x1x2x8x128xi32, #tpu.memory_space<hbm>> -> memref<2x8x128xi32, #tpu.memory_space<hbm>>
      tpu.wait_dma2 semaphore(%arg9 : memref<!tpu.dma_semaphore, #tpu.memory_space<semaphore_mem>>) src(%dma_wait3A_142 : memref<2x8x128xi32, #tpu.memory_space<hbm>>) dst(%dma_wait3A_137 : memref<2x8x128xi32, #tpu.memory_space<vmem>>)
      %add3A_143 = arith.constant 1 : i32
      %add3A_144 = arith.addi %add3A_121, %add3A_143 : i32
      %lt3A_145 = arith.constant 10 : i32
      %lt3A_146 = arith.cmpi slt, %add3A_144, %lt3A_145 : i32
      %convert_element_type3A_147 = arith.extui %lt3A_146 : i1 to i32
      %cond3A_148 = arith.constant 0 : i32
      %cond3A_149 = arith.cmpi ne, %convert_element_type3A_147, %cond3A_148 : i32
      scf.if %cond3A_149 {
        %add3A_170 = arith.constant 1 : i32
        %add3A_171 = arith.addi %add3A_121, %add3A_170 : i32
        %dma_start3A_172 = arith.constant 0 : i32
        %dma_start3A_173 = arith.constant 0 : i32
        %dma_start3A_174 = arith.constant 0 : i32
        %dma_start3A_175 = arith.constant 0 : i32
        %dma_start3A_176 = tpu.memref_slice %arg5[%dma_start3A_172, %dma_start3A_173, %dma_start3A_174, %dma_start3A_175] : memref<2x2x8x128xi32, #tpu.memory_space<vmem>> -> memref<1x2x8x128xi32, #tpu.memory_space<vmem>>
        %dma_start3A_177 = tpu.memref_squeeze %dma_start3A_176 : memref<1x2x8x128xi32, #tpu.memory_space<vmem>> -> memref<2x8x128xi32, #tpu.memory_space<vmem>>
        %dma_start3A_178 = arith.constant 0 : i32
        %dma_start3A_179 = arith.constant 0 : i32
        %dma_start3A_180 = arith.constant 0 : i32
        %dma_start3A_181 = tpu.memref_slice %arg3[%add3A, %add3A_171, %dma_start3A_178, %dma_start3A_179, %dma_start3A_180] : memref<32x10x2x8x128xi32, #tpu.memory_space<hbm>> -> memref<1x1x2x8x128xi32, #tpu.memory_space<hbm>>
        %dma_start3A_182 = tpu.memref_squeeze %dma_start3A_181 : memref<1x1x2x8x128xi32, #tpu.memory_space<hbm>> -> memref<2x8x128xi32, #tpu.memory_space<hbm>>
        %dma_start3A_183 = arith.constant 0 : i32
        %dma_start3A_184 = arith.constant 0 : i32
        %dma_start3A_185 = arith.constant 0 : i32
        %dma_start3A_186 = tpu.memref_slice %arg5[%dma_start3A_172, %dma_start3A_183, %dma_start3A_184, %dma_start3A_185] : memref<2x2x8x128xi32, #tpu.memory_space<vmem>> -> memref<1x2x8x128xi32, #tpu.memory_space<vmem>>
        %dma_start3A_187 = tpu.memref_squeeze %dma_start3A_186 : memref<1x2x8x128xi32, #tpu.memory_space<vmem>> -> memref<2x8x128xi32, #tpu.memory_space<vmem>>
        %dma_start3A_188 = arith.constant 0 : i32
        %dma_start3A_189 = arith.constant 0 : i32
        %dma_start3A_190 = arith.constant 0 : i32
        %dma_start3A_191 = tpu.memref_slice %arg3[%add3A, %add3A_171, %dma_start3A_188, %dma_start3A_189, %dma_start3A_190] : memref<32x10x2x8x128xi32, #tpu.memory_space<hbm>> -> memref<1x1x2x8x128xi32, #tpu.memory_space<hbm>>
        %dma_start3A_192 = tpu.memref_squeeze %dma_start3A_191 : memref<1x1x2x8x128xi32, #tpu.memory_space<hbm>> -> memref<2x8x128xi32, #tpu.memory_space<hbm>>
        tpu.enqueue_dma source(%dma_start3A_192 : memref<2x8x128xi32, #tpu.memory_space<hbm>>) target(%dma_start3A_187 : memref<2x8x128xi32, #tpu.memory_space<vmem>>) target_semaphore(%arg8 : memref<!tpu.dma_semaphore, #tpu.memory_space<semaphore_mem>>)
      } else {
      }
      %dma_start3A_150 = arith.constant 1 : i32
      %dma_start3A_151 = arith.constant 0 : i32
      %dma_start3A_152 = arith.constant 0 : i32
      %dma_start3A_153 = arith.constant 0 : i32
      %dma_start3A_154 = arith.constant 0 : i32
      %dma_start3A_155 = arith.constant 0 : i32
      %dma_start3A_156 = tpu.memref_slice %arg6[%dma_start3A_153, %dma_start3A_154, %dma_start3A_155] : memref<2x128x128xf32, #tpu.memory_space<vmem>> -> memref<1x128x128xf32, #tpu.memory_space<vmem>>
      %dma_start3A_157 = tpu.memref_squeeze %dma_start3A_156 : memref<1x128x128xf32, #tpu.memory_space<vmem>> -> memref<128x128xf32, #tpu.memory_space<vmem>>
      %dma_start3A_158 = arith.constant 0 : i32
      %dma_start3A_159 = tpu.memref_slice %arg5[%dma_start3A_150, %dma_start3A_151, %dma_start3A_152, %dma_start3A_158] : memref<2x2x8x128xi32, #tpu.memory_space<vmem>> -> memref<1x1x1x128xi32, #tpu.memory_space<vmem>>
      %dma_start3A_160 = tpu.memref_squeeze %dma_start3A_159 : memref<1x1x1x128xi32, #tpu.memory_space<vmem>> -> memref<128xi32, #tpu.memory_space<vmem>>
      %dma_start3A_161 = arith.constant 0 : i32
      %dma_start3A_162 = arith.constant 0 : i32
      %dma_start3A_163 = tpu.memref_slice %arg2[%dma_start3A_161, %dma_start3A_162] : memref<10240x128xf32, #tpu.memory_space<hbm>> -> memref<10240x128xf32, #tpu.memory_space<hbm>>
      tpu.enqueue_indirect_dma source(%dma_start3A_163 : memref<10240x128xf32, #tpu.memory_space<hbm>>) target(%dma_start3A_157 : memref<128x128xf32, #tpu.memory_space<vmem>>) offsets(%dma_start3A_160 : memref<128xi32, #tpu.memory_space<vmem>>) semaphore(%arg10 : memref<!tpu.dma_semaphore, #tpu.memory_space<semaphore_mem>>)
      %scan3A_164 = arith.constant 0 : i32
      %scan3A_165 = arith.constant 0 : i32
      %scan3A_166 = arith.constant 4 : i32
      %scan3A_167 = arith.addi %scan3A_165, %scan3A_166 : i32
      %scan3A_168 = arith.constant 1 : i32
      scf.for %scan3A_170 = %scan3A_165 to %scan3A_167 step %scan3A_168  : i32 {
        %mul3A_171 = arith.constant 2 : i32
        %mul3A_172 = arith.muli %scan3A_170, %mul3A_171 : i32
        %add3A_173 = arith.constant 0 : i32
        %add3A_174 = arith.addi %mul3A_172, %add3A_173 : i32
        %dma_wait3A_175 = arith.constant 1 : i32
        %dma_wait3A_176 = arith.constant 0 : i32
        %dma_wait3A_177 = arith.constant 0 : i32
        %dma_wait3A_178 = arith.constant 0 : i32
        %dma_wait3A_179 = arith.constant 0 : i32
        %dma_wait3A_180 = tpu.memref_slice %arg6[%dma_wait3A_177, %dma_wait3A_178, %dma_wait3A_179] : memref<2x128x128xf32, #tpu.memory_space<vmem>> -> memref<1x128x128xf32, #tpu.memory_space<vmem>>
        %dma_wait3A_181 = tpu.memref_squeeze %dma_wait3A_180 : memref<1x128x128xf32, #tpu.memory_space<vmem>> -> memref<128x128xf32, #tpu.memory_space<vmem>>
        %dma_wait3A_182 = arith.constant 0 : i32
        %dma_wait3A_183 = tpu.memref_slice %arg5[%dma_wait3A_175, %dma_wait3A_176, %add3A_174, %dma_wait3A_182] : memref<2x2x8x128xi32, #tpu.memory_space<vmem>> -> memref<1x1x1x128xi32, #tpu.memory_space<vmem>>
        %dma_wait3A_184 = tpu.memref_squeeze %dma_wait3A_183 : memref<1x1x1x128xi32, #tpu.memory_space<vmem>> -> memref<128xi32, #tpu.memory_space<vmem>>
        %dma_wait3A_185 = arith.constant 0 : i32
        %dma_wait3A_186 = arith.constant 0 : i32
        %dma_wait3A_187 = tpu.memref_slice %arg2[%dma_wait3A_185, %dma_wait3A_186] : memref<10240x128xf32, #tpu.memory_space<hbm>> -> memref<10240x128xf32, #tpu.memory_space<hbm>>
        tpu.wait_indirect_dma semaphore(%arg10 : memref<!tpu.dma_semaphore, #tpu.memory_space<semaphore_mem>>) src(%dma_wait3A_187 : memref<10240x128xf32, #tpu.memory_space<hbm>>) dst(%dma_wait3A_181 : memref<128x128xf32, #tpu.memory_space<vmem>>)
        %add3A_188 = arith.constant 1 : i32
        %add3A_189 = arith.addi %add3A_174, %add3A_188 : i32
        %lt3A_190 = arith.constant 8 : i32
        %lt3A_191 = arith.cmpi slt, %add3A_189, %lt3A_190 : i32
        %convert_element_type3A_192 = arith.extui %lt3A_191 : i1 to i32
        %cond3A_193 = arith.constant 0 : i32
        %cond3A_194 = arith.cmpi ne, %convert_element_type3A_192, %cond3A_193 : i32
        scf.if %cond3A_194 {
          %add3A_225 = arith.constant 1 : i32
          %add3A_226 = arith.addi %add3A_174, %add3A_225 : i32
          %dma_start3A_227 = arith.constant 1 : i32
          %dma_start3A_228 = arith.constant 0 : i32
          %dma_start3A_229 = arith.constant 1 : i32
          %dma_start3A_230 = arith.constant 0 : i32
          %dma_start3A_231 = arith.constant 0 : i32
          %dma_start3A_232 = tpu.memref_slice %arg6[%dma_start3A_229, %dma_start3A_230, %dma_start3A_231] : memref<2x128x128xf32, #tpu.memory_space<vmem>> -> memref<1x128x128xf32, #tpu.memory_space<vmem>>
          %dma_start3A_233 = tpu.memref_squeeze %dma_start3A_232 : memref<1x128x128xf32, #tpu.memory_space<vmem>> -> memref<128x128xf32, #tpu.memory_space<vmem>>
          %dma_start3A_234 = arith.constant 0 : i32
          %dma_start3A_235 = tpu.memref_slice %arg5[%dma_start3A_227, %dma_start3A_228, %add3A_226, %dma_start3A_234] : memref<2x2x8x128xi32, #tpu.memory_space<vmem>> -> memref<1x1x1x128xi32, #tpu.memory_space<vmem>>
          %dma_start3A_236 = tpu.memref_squeeze %dma_start3A_235 : memref<1x1x1x128xi32, #tpu.memory_space<vmem>> -> memref<128xi32, #tpu.memory_space<vmem>>
          %dma_start3A_237 = arith.constant 0 : i32
          %dma_start3A_238 = arith.constant 0 : i32
          %dma_start3A_239 = tpu.memref_slice %arg2[%dma_start3A_237, %dma_start3A_238] : memref<10240x128xf32, #tpu.memory_space<hbm>> -> memref<10240x128xf32, #tpu.memory_space<hbm>>
          tpu.enqueue_indirect_dma source(%dma_start3A_239 : memref<10240x128xf32, #tpu.memory_space<hbm>>) target(%dma_start3A_233 : memref<128x128xf32, #tpu.memory_space<vmem>>) offsets(%dma_start3A_236 : memref<128xi32, #tpu.memory_space<vmem>>) semaphore(%arg11 : memref<!tpu.dma_semaphore, #tpu.memory_space<semaphore_mem>>)
        } else {
        }
        %run_scoped3A_195 = arith.constant 0 : i32
        %run_scoped3A_196 = arith.constant 1 : i32
        %run_scoped3A_197 = arith.constant 1 : i32
        "tpu.region"() ({
          %run_scoped3A_225 = tpu.sem_alloc : memref<!tpu.dma_semaphore, #tpu.memory_space<semaphore_mem>>
          %dma_start3A_226 = arith.constant 0 : i32
          %dma_start3A_227 = arith.constant 0 : i32
          %dma_start3A_228 = tpu.memref_slice %arg6[%run_scoped3A_195, %dma_start3A_226, %dma_start3A_227] : memref<2x128x128xf32, #tpu.memory_space<vmem>> -> memref<1x128x128xf32, #tpu.memory_space<vmem>>
          %dma_start3A_229 = tpu.memref_squeeze %dma_start3A_228 : memref<1x128x128xf32, #tpu.memory_space<vmem>> -> memref<128x128xf32, #tpu.memory_space<vmem>>
          %dma_start3A_230 = arith.constant 0 : i32
          %dma_start3A_231 = tpu.memref_slice %arg5[%run_scoped3A_196, %run_scoped3A_197, %add3A_174, %dma_start3A_230] : memref<2x2x8x128xi32, #tpu.memory_space<vmem>> -> memref<1x1x1x128xi32, #tpu.memory_space<vmem>>
          %dma_start3A_232 = tpu.memref_squeeze %dma_start3A_231 : memref<1x1x1x128xi32, #tpu.memory_space<vmem>> -> memref<128xi32, #tpu.memory_space<vmem>>
          %dma_start3A_233 = arith.constant 0 : i32
          %dma_start3A_234 = arith.constant 0 : i32
          %dma_start3A_235 = tpu.memref_slice %arg7[%dma_start3A_233, %dma_start3A_234] : memref<10240x128xf32, #tpu.memory_space<vmem_shared>> -> memref<10240x128xf32, #tpu.memory_space<vmem_shared>>
          tpu.enqueue_indirect_dma source(%dma_start3A_229 : memref<128x128xf32, #tpu.memory_space<vmem>>) target(%dma_start3A_235 : memref<10240x128xf32, #tpu.memory_space<vmem_shared>>) offsets(%dma_start3A_232 : memref<128xi32, #tpu.memory_space<vmem>>) semaphore(%run_scoped3A_225 : memref<!tpu.dma_semaphore, #tpu.memory_space<semaphore_mem>>) {add = true}
          %dma_wait3A_236 = arith.constant 0 : i32
          %dma_wait3A_237 = arith.constant 0 : i32
          %dma_wait3A_238 = tpu.memref_slice %arg6[%run_scoped3A_195, %dma_wait3A_236, %dma_wait3A_237] : memref<2x128x128xf32, #tpu.memory_space<vmem>> -> memref<1x128x128xf32, #tpu.memory_space<vmem>>
          %dma_wait3A_239 = tpu.memref_squeeze %dma_wait3A_238 : memref<1x128x128xf32, #tpu.memory_space<vmem>> -> memref<128x128xf32, #tpu.memory_space<vmem>>
          %dma_wait3A_240 = arith.constant 0 : i32
          %dma_wait3A_241 = tpu.memref_slice %arg5[%run_scoped3A_196, %run_scoped3A_197, %add3A_174, %dma_wait3A_240] : memref<2x2x8x128xi32, #tpu.memory_space<vmem>> -> memref<1x1x1x128xi32, #tpu.memory_space<vmem>>
          %dma_wait3A_242 = tpu.memref_squeeze %dma_wait3A_241 : memref<1x1x1x128xi32, #tpu.memory_space<vmem>> -> memref<128xi32, #tpu.memory_space<vmem>>
          %dma_wait3A_243 = arith.constant 0 : i32
          %dma_wait3A_244 = arith.constant 0 : i32
          %dma_wait3A_245 = tpu.memref_slice %arg7[%dma_wait3A_243, %dma_wait3A_244] : memref<10240x128xf32, #tpu.memory_space<vmem_shared>> -> memref<10240x128xf32, #tpu.memory_space<vmem_shared>>
          tpu.wait_indirect_dma semaphore(%run_scoped3A_225 : memref<!tpu.dma_semaphore, #tpu.memory_space<semaphore_mem>>) src(%dma_wait3A_239 : memref<128x128xf32, #tpu.memory_space<vmem>>) dst(%dma_wait3A_245 : memref<10240x128xf32, #tpu.memory_space<vmem_shared>>)
          tpu.yield
        }) : () -> ()
        %mul3A_198 = arith.constant 2 : i32
        %mul3A_199 = arith.muli %scan3A_170, %mul3A_198 : i32
        %add3A_200 = arith.constant 1 : i32
        %add3A_201 = arith.addi %mul3A_199, %add3A_200 : i32
        %dma_wait3A_202 = arith.constant 1 : i32
        %dma_wait3A_203 = arith.constant 0 : i32
        %dma_wait3A_204 = arith.constant 1 : i32
        %dma_wait3A_205 = arith.constant 0 : i32
        %dma_wait3A_206 = arith.constant 0 : i32
        %dma_wait3A_207 = tpu.memref_slice %arg6[%dma_wait3A_204, %dma_wait3A_205, %dma_wait3A_206] : memref<2x128x128xf32, #tpu.memory_space<vmem>> -> memref<1x128x128xf32, #tpu.memory_space<vmem>>
        %dma_wait3A_208 = tpu.memref_squeeze %dma_wait3A_207 : memref<1x128x128xf32, #tpu.memory_space<vmem>> -> memref<128x128xf32, #tpu.memory_space<vmem>>
        %dma_wait3A_209 = arith.constant 0 : i32
        %dma_wait3A_210 = tpu.memref_slice %arg5[%dma_wait3A_202, %dma_wait3A_203, %add3A_201, %dma_wait3A_209] : memref<2x2x8x128xi32, #tpu.memory_space<vmem>> -> memref<1x1x1x128xi32, #tpu.memory_space<vmem>>
        %dma_wait3A_211 = tpu.memref_squeeze %dma_wait3A_210 : memref<1x1x1x128xi32, #tpu.memory_space<vmem>> -> memref<128xi32, #tpu.memory_space<vmem>>
        %dma_wait3A_212 = arith.constant 0 : i32
        %dma_wait3A_213 = arith.constant 0 : i32
        %dma_wait3A_214 = tpu.memref_slice %arg2[%dma_wait3A_212, %dma_wait3A_213] : memref<10240x128xf32, #tpu.memory_space<hbm>> -> memref<10240x128xf32, #tpu.memory_space<hbm>>
        tpu.wait_indirect_dma semaphore(%arg11 : memref<!tpu.dma_semaphore, #tpu.memory_space<semaphore_mem>>) src(%dma_wait3A_214 : memref<10240x128xf32, #tpu.memory_space<hbm>>) dst(%dma_wait3A_208 : memref<128x128xf32, #tpu.memory_space<vmem>>)
        %add3A_215 = arith.constant 1 : i32
        %add3A_216 = arith.addi %add3A_201, %add3A_215 : i32
        %lt3A_217 = arith.constant 8 : i32
        %lt3A_218 = arith.cmpi slt, %add3A_216, %lt3A_217 : i32
        %convert_element_type3A_219 = arith.extui %lt3A_218 : i1 to i32
        %cond3A_220 = arith.constant 0 : i32
        %cond3A_221 = arith.cmpi ne, %convert_element_type3A_219, %cond3A_220 : i32
        scf.if %cond3A_221 {
          %add3A_225 = arith.constant 1 : i32
          %add3A_226 = arith.addi %add3A_201, %add3A_225 : i32
          %dma_start3A_227 = arith.constant 1 : i32
          %dma_start3A_228 = arith.constant 0 : i32
          %dma_start3A_229 = arith.constant 0 : i32
          %dma_start3A_230 = arith.constant 0 : i32
          %dma_start3A_231 = arith.constant 0 : i32
          %dma_start3A_232 = tpu.memref_slice %arg6[%dma_start3A_229, %dma_start3A_230, %dma_start3A_231] : memref<2x128x128xf32, #tpu.memory_space<vmem>> -> memref<1x128x128xf32, #tpu.memory_space<vmem>>
          %dma_start3A_233 = tpu.memref_squeeze %dma_start3A_232 : memref<1x128x128xf32, #tpu.memory_space<vmem>> -> memref<128x128xf32, #tpu.memory_space<vmem>>
          %dma_start3A_234 = arith.constant 0 : i32
          %dma_start3A_235 = tpu.memref_slice %arg5[%dma_start3A_227, %dma_start3A_228, %add3A_226, %dma_start3A_234] : memref<2x2x8x128xi32, #tpu.memory_space<vmem>> -> memref<1x1x1x128xi32, #tpu.memory_space<vmem>>
          %dma_start3A_236 = tpu.memref_squeeze %dma_start3A_235 : memref<1x1x1x128xi32, #tpu.memory_space<vmem>> -> memref<128xi32, #tpu.memory_space<vmem>>
          %dma_start3A_237 = arith.constant 0 : i32
          %dma_start3A_238 = arith.constant 0 : i32
          %dma_start3A_239 = tpu.memref_slice %arg2[%dma_start3A_237, %dma_start3A_238] : memref<10240x128xf32, #tpu.memory_space<hbm>> -> memref<10240x128xf32, #tpu.memory_space<hbm>>
          tpu.enqueue_indirect_dma source(%dma_start3A_239 : memref<10240x128xf32, #tpu.memory_space<hbm>>) target(%dma_start3A_233 : memref<128x128xf32, #tpu.memory_space<vmem>>) offsets(%dma_start3A_236 : memref<128xi32, #tpu.memory_space<vmem>>) semaphore(%arg10 : memref<!tpu.dma_semaphore, #tpu.memory_space<semaphore_mem>>)
        } else {
        }
        %run_scoped3A_222 = arith.constant 1 : i32
        %run_scoped3A_223 = arith.constant 1 : i32
        %run_scoped3A_224 = arith.constant 1 : i32
        "tpu.region"() ({
          %run_scoped3A_225 = tpu.sem_alloc : memref<!tpu.dma_semaphore, #tpu.memory_space<semaphore_mem>>
          %dma_start3A_226 = arith.constant 0 : i32
          %dma_start3A_227 = arith.constant 0 : i32
          %dma_start3A_228 = tpu.memref_slice %arg6[%run_scoped3A_222, %dma_start3A_226, %dma_start3A_227] : memref<2x128x128xf32, #tpu.memory_space<vmem>> -> memref<1x128x128xf32, #tpu.memory_space<vmem>>
          %dma_start3A_229 = tpu.memref_squeeze %dma_start3A_228 : memref<1x128x128xf32, #tpu.memory_space<vmem>> -> memref<128x128xf32, #tpu.memory_space<vmem>>
          %dma_start3A_230 = arith.constant 0 : i32
          %dma_start3A_231 = tpu.memref_slice %arg5[%run_scoped3A_223, %run_scoped3A_224, %add3A_201, %dma_start3A_230] : memref<2x2x8x128xi32, #tpu.memory_space<vmem>> -> memref<1x1x1x128xi32, #tpu.memory_space<vmem>>
          %dma_start3A_232 = tpu.memref_squeeze %dma_start3A_231 : memref<1x1x1x128xi32, #tpu.memory_space<vmem>> -> memref<128xi32, #tpu.memory_space<vmem>>
          %dma_start3A_233 = arith.constant 0 : i32
          %dma_start3A_234 = arith.constant 0 : i32
          %dma_start3A_235 = tpu.memref_slice %arg7[%dma_start3A_233, %dma_start3A_234] : memref<10240x128xf32, #tpu.memory_space<vmem_shared>> -> memref<10240x128xf32, #tpu.memory_space<vmem_shared>>
          tpu.enqueue_indirect_dma source(%dma_start3A_229 : memref<128x128xf32, #tpu.memory_space<vmem>>) target(%dma_start3A_235 : memref<10240x128xf32, #tpu.memory_space<vmem_shared>>) offsets(%dma_start3A_232 : memref<128xi32, #tpu.memory_space<vmem>>) semaphore(%run_scoped3A_225 : memref<!tpu.dma_semaphore, #tpu.memory_space<semaphore_mem>>) {add = true}
          %dma_wait3A_236 = arith.constant 0 : i32
          %dma_wait3A_237 = arith.constant 0 : i32
          %dma_wait3A_238 = tpu.memref_slice %arg6[%run_scoped3A_222, %dma_wait3A_236, %dma_wait3A_237] : memref<2x128x128xf32, #tpu.memory_space<vmem>> -> memref<1x128x128xf32, #tpu.memory_space<vmem>>
          %dma_wait3A_239 = tpu.memref_squeeze %dma_wait3A_238 : memref<1x128x128xf32, #tpu.memory_space<vmem>> -> memref<128x128xf32, #tpu.memory_space<vmem>>
          %dma_wait3A_240 = arith.constant 0 : i32
          %dma_wait3A_241 = tpu.memref_slice %arg5[%run_scoped3A_223, %run_scoped3A_224, %add3A_201, %dma_wait3A_240] : memref<2x2x8x128xi32, #tpu.memory_space<vmem>> -> memref<1x1x1x128xi32, #tpu.memory_space<vmem>>
          %dma_wait3A_242 = tpu.memref_squeeze %dma_wait3A_241 : memref<1x1x1x128xi32, #tpu.memory_space<vmem>> -> memref<128xi32, #tpu.memory_space<vmem>>
          %dma_wait3A_243 = arith.constant 0 : i32
          %dma_wait3A_244 = arith.constant 0 : i32
          %dma_wait3A_245 = tpu.memref_slice %arg7[%dma_wait3A_243, %dma_wait3A_244] : memref<10240x128xf32, #tpu.memory_space<vmem_shared>> -> memref<10240x128xf32, #tpu.memory_space<vmem_shared>>
          tpu.wait_indirect_dma semaphore(%run_scoped3A_225 : memref<!tpu.dma_semaphore, #tpu.memory_space<semaphore_mem>>) src(%dma_wait3A_239 : memref<128x128xf32, #tpu.memory_space<vmem>>) dst(%dma_wait3A_245 : memref<10240x128xf32, #tpu.memory_space<vmem_shared>>)
          tpu.yield
        }) : () -> ()
      }
      %scan3A_169 = arith.constant 4 : i32
    }
    %scan3A_56 = arith.constant 5 : i32
    %barrier3A_57 = arith.constant 0 : index
    tpu.barrier barrier_id(%barrier3A_57)
    %scan3A_58 = arith.constant 0 : i32
    %scan3A_59 = arith.constant 0 : i32
    %scan3A_60 = arith.constant 1024 : i32
    %scan3A_61 = arith.addi %scan3A_59, %scan3A_60 : i32
    %scan3A_62 = arith.constant 1 : i32
    scf.for %scan3A_69 = %scan3A_59 to %scan3A_61 step %scan3A_62  : i32 {
      %broadcast_in_dim3A = arith.constant 0.000000e+00 : f32
      %broadcast_in_dim3A_70 = vector.broadcast %broadcast_in_dim3A : f32 to vector<16xf32>
      %jit3A = arith.constant 128 : i32
      %eq3A = arith.constant 0 : i32
      %eq3A_71 = arith.cmpi eq, %jit3A, %eq3A : i32
      %jit3A_72 = arith.constant 1 : i32
      %select_n3A = arith.select %eq3A_71, %jit3A_72, %jit3A : i32
      %rem3A = arith.remsi %scan3A_69, %select_n3A : i32
      %ne3A = arith.constant 0 : i32
      %ne3A_73 = arith.cmpi ne, %rem3A, %ne3A : i32
      %lt3A = arith.constant 0 : i32
      %lt3A_74 = arith.cmpi slt, %rem3A, %lt3A : i32
      %lt3A_75 = arith.constant 0 : i32
      %lt3A_76 = arith.cmpi slt, %select_n3A, %lt3A_75 : i32
      %ne3A_77 = arith.xori %lt3A_74, %lt3A_76 : i1
      %and3A = arith.andi %ne3A_77, %ne3A_73 : i1
      %add3A_78 = arith.addi %rem3A, %select_n3A : i32
      %select_n3A_79 = arith.select %and3A, %add3A_78, %rem3A : i32
      %swap3A = arith.constant 0 : i32
      %swap3A_80 = arith.index_cast %swap3A : i32 to index
      %swap3A_81 = arith.index_cast %select_n3A_79 : i32 to index
      %swap3A_82 = arith.constant 0 : index
      %swap3A_83 = tpu.vector_load %arg6[%swap3A_80, %swap3A_81, %swap3A_82] {strides = array<i32>} : memref<2x128x128xf32, #tpu.memory_space<vmem>>, vector<1x1x16xf32>,
      %swap3A_84 = vector.shape_cast %swap3A_83 : vector<1x1x16xf32> to vector<16xf32>
      %swap3A_85 = vector.shape_cast %broadcast_in_dim3A_70 : vector<16xf32> to vector<1x1x16xf32>
      tpu.vector_store %arg6[%swap3A_80, %swap3A_81, %swap3A_82], %swap3A_85 {strides = array<i32>} : memref<2x128x128xf32, #tpu.memory_space<vmem>>, vector<1x1x16xf32>,
      %broadcast_in_dim3A_86 = arith.constant 0.000000e+00 : f32
      %broadcast_in_dim3A_87 = vector.broadcast %broadcast_in_dim3A_86 : f32 to vector<16xf32>
      %jit3A_88 = arith.constant 128 : i32
      %eq3A_89 = arith.constant 0 : i32
      %eq3A_90 = arith.cmpi eq, %jit3A_88, %eq3A_89 : i32
      %jit3A_91 = arith.constant 1 : i32
      %select_n3A_92 = arith.select %eq3A_90, %jit3A_91, %jit3A_88 : i32
      %rem3A_93 = arith.remsi %scan3A_69, %select_n3A_92 : i32
      %ne3A_94 = arith.constant 0 : i32
      %ne3A_95 = arith.cmpi ne, %rem3A_93, %ne3A_94 : i32
      %lt3A_96 = arith.constant 0 : i32
      %lt3A_97 = arith.cmpi slt, %rem3A_93, %lt3A_96 : i32
      %lt3A_98 = arith.constant 0 : i32
      %lt3A_99 = arith.cmpi slt, %select_n3A_92, %lt3A_98 : i32
      %ne3A_100 = arith.xori %lt3A_97, %lt3A_99 : i1
      %and3A_101 = arith.andi %ne3A_100, %ne3A_95 : i1
      %add3A_102 = arith.addi %rem3A_93, %select_n3A_92 : i32
      %select_n3A_103 = arith.select %and3A_101, %add3A_102, %rem3A_93 : i32
      %swap3A_104 = arith.constant 0 : i32
      %swap3A_105 = arith.index_cast %swap3A_104 : i32 to index
      %swap3A_106 = arith.index_cast %select_n3A_103 : i32 to index
      %swap3A_107 = arith.constant 16 : index
      %swap3A_108 = tpu.vector_load %arg6[%swap3A_105, %swap3A_106, %swap3A_107] {strides = array<i32>} : memref<2x128x128xf32, #tpu.memory_space<vmem>>, vector<1x1x16xf32>,
      %swap3A_109 = vector.shape_cast %swap3A_108 : vector<1x1x16xf32> to vector<16xf32>
      %swap3A_110 = vector.shape_cast %broadcast_in_dim3A_87 : vector<16xf32> to vector<1x1x16xf32>
      tpu.vector_store %arg6[%swap3A_105, %swap3A_106, %swap3A_107], %swap3A_110 {strides = array<i32>} : memref<2x128x128xf32, #tpu.memory_space<vmem>>, vector<1x1x16xf32>,
      %broadcast_in_dim3A_111 = arith.constant 0.000000e+00 : f32
      %broadcast_in_dim3A_112 = vector.broadcast %broadcast_in_dim3A_111 : f32 to vector<16xf32>
      %jit3A_113 = arith.constant 128 : i32
      %eq3A_114 = arith.constant 0 : i32
      %eq3A_115 = arith.cmpi eq, %jit3A_113, %eq3A_114 : i32
      %jit3A_116 = arith.constant 1 : i32
      %select_n3A_117 = arith.select %eq3A_115, %jit3A_116, %jit3A_113 : i32
      %rem3A_118 = arith.remsi %scan3A_69, %select_n3A_117 : i32
      %ne3A_119 = arith.constant 0 : i32
      %ne3A_120 = arith.cmpi ne, %rem3A_118, %ne3A_119 : i32
      %lt3A_121 = arith.constant 0 : i32
      %lt3A_122 = arith.cmpi slt, %rem3A_118, %lt3A_121 : i32
      %lt3A_123 = arith.constant 0 : i32
      %lt3A_124 = arith.cmpi slt, %select_n3A_117, %lt3A_123 : i32
      %ne3A_125 = arith.xori %lt3A_122, %lt3A_124 : i1
      %and3A_126 = arith.andi %ne3A_125, %ne3A_120 : i1
      %add3A_127 = arith.addi %rem3A_118, %select_n3A_117 : i32
      %select_n3A_128 = arith.select %and3A_126, %add3A_127, %rem3A_118 : i32
      %swap3A_129 = arith.constant 0 : i32
      %swap3A_130 = arith.index_cast %swap3A_129 : i32 to index
      %swap3A_131 = arith.index_cast %select_n3A_128 : i32 to index
      %swap3A_132 = arith.constant 32 : index
      %swap3A_133 = tpu.vector_load %arg6[%swap3A_130, %swap3A_131, %swap3A_132] {strides = array<i32>} : memref<2x128x128xf32, #tpu.memory_space<vmem>>, vector<1x1x16xf32>,
      %swap3A_134 = vector.shape_cast %swap3A_133 : vector<1x1x16xf32> to vector<16xf32>
      %swap3A_135 = vector.shape_cast %broadcast_in_dim3A_112 : vector<16xf32> to vector<1x1x16xf32>
      tpu.vector_store %arg6[%swap3A_130, %swap3A_131, %swap3A_132], %swap3A_135 {strides = array<i32>} : memref<2x128x128xf32, #tpu.memory_space<vmem>>, vector<1x1x16xf32>,
      %broadcast_in_dim3A_136 = arith.constant 0.000000e+00 : f32
      %broadcast_in_dim3A_137 = vector.broadcast %broadcast_in_dim3A_136 : f32 to vector<16xf32>
      %jit3A_138 = arith.constant 128 : i32
      %eq3A_139 = arith.constant 0 : i32
      %eq3A_140 = arith.cmpi eq, %jit3A_138, %eq3A_139 : i32
      %jit3A_141 = arith.constant 1 : i32
      %select_n3A_142 = arith.select %eq3A_140, %jit3A_141, %jit3A_138 : i32
      %rem3A_143 = arith.remsi %scan3A_69, %select_n3A_142 : i32
      %ne3A_144 = arith.constant 0 : i32
      %ne3A_145 = arith.cmpi ne, %rem3A_143, %ne3A_144 : i32
      %lt3A_146 = arith.constant 0 : i32
      %lt3A_147 = arith.cmpi slt, %rem3A_143, %lt3A_146 : i32
      %lt3A_148 = arith.constant 0 : i32
      %lt3A_149 = arith.cmpi slt, %select_n3A_142, %lt3A_148 : i32
      %ne3A_150 = arith.xori %lt3A_147, %lt3A_149 : i1
      %and3A_151 = arith.andi %ne3A_150, %ne3A_145 : i1
      %add3A_152 = arith.addi %rem3A_143, %select_n3A_142 : i32
      %select_n3A_153 = arith.select %and3A_151, %add3A_152, %rem3A_143 : i32
      %swap3A_154 = arith.constant 0 : i32
      %swap3A_155 = arith.index_cast %swap3A_154 : i32 to index
      %swap3A_156 = arith.index_cast %select_n3A_153 : i32 to index
      %swap3A_157 = arith.constant 48 : index
      %swap3A_158 = tpu.vector_load %arg6[%swap3A_155, %swap3A_156, %swap3A_157] {strides = array<i32>} : memref<2x128x128xf32, #tpu.memory_space<vmem>>, vector<1x1x16xf32>,
      %swap3A_159 = vector.shape_cast %swap3A_158 : vector<1x1x16xf32> to vector<16xf32>
      %swap3A_160 = vector.shape_cast %broadcast_in_dim3A_137 : vector<16xf32> to vector<1x1x16xf32>
      tpu.vector_store %arg6[%swap3A_155, %swap3A_156, %swap3A_157], %swap3A_160 {strides = array<i32>} : memref<2x128x128xf32, #tpu.memory_space<vmem>>, vector<1x1x16xf32>,
      %broadcast_in_dim3A_161 = arith.constant 0.000000e+00 : f32
      %broadcast_in_dim3A_162 = vector.broadcast %broadcast_in_dim3A_161 : f32 to vector<16xf32>
      %jit3A_163 = arith.constant 128 : i32
      %eq3A_164 = arith.constant 0 : i32
      %eq3A_165 = arith.cmpi eq, %jit3A_163, %eq3A_164 : i32
      %jit3A_166 = arith.constant 1 : i32
      %select_n3A_167 = arith.select %eq3A_165, %jit3A_166, %jit3A_163 : i32
      %rem3A_168 = arith.remsi %scan3A_69, %select_n3A_167 : i32
      %ne3A_169 = arith.constant 0 : i32
      %ne3A_170 = arith.cmpi ne, %rem3A_168, %ne3A_169 : i32
      %lt3A_171 = arith.constant 0 : i32
      %lt3A_172 = arith.cmpi slt, %rem3A_168, %lt3A_171 : i32
      %lt3A_173 = arith.constant 0 : i32
      %lt3A_174 = arith.cmpi slt, %select_n3A_167, %lt3A_173 : i32
      %ne3A_175 = arith.xori %lt3A_172, %lt3A_174 : i1
      %and3A_176 = arith.andi %ne3A_175, %ne3A_170 : i1
      %add3A_177 = arith.addi %rem3A_168, %select_n3A_167 : i32
      %select_n3A_178 = arith.select %and3A_176, %add3A_177, %rem3A_168 : i32
      %swap3A_179 = arith.constant 0 : i32
      %swap3A_180 = arith.index_cast %swap3A_179 : i32 to index
      %swap3A_181 = arith.index_cast %select_n3A_178 : i32 to index
      %swap3A_182 = arith.constant 64 : index
      %swap3A_183 = tpu.vector_load %arg6[%swap3A_180, %swap3A_181, %swap3A_182] {strides = array<i32>} : memref<2x128x128xf32, #tpu.memory_space<vmem>>, vector<1x1x16xf32>,
      %swap3A_184 = vector.shape_cast %swap3A_183 : vector<1x1x16xf32> to vector<16xf32>
      %swap3A_185 = vector.shape_cast %broadcast_in_dim3A_162 : vector<16xf32> to vector<1x1x16xf32>
      tpu.vector_store %arg6[%swap3A_180, %swap3A_181, %swap3A_182], %swap3A_185 {strides = array<i32>} : memref<2x128x128xf32, #tpu.memory_space<vmem>>, vector<1x1x16xf32>,
      %broadcast_in_dim3A_186 = arith.constant 0.000000e+00 : f32
      %broadcast_in_dim3A_187 = vector.broadcast %broadcast_in_dim3A_186 : f32 to vector<16xf32>
      %jit3A_188 = arith.constant 128 : i32
      %eq3A_189 = arith.constant 0 : i32
      %eq3A_190 = arith.cmpi eq, %jit3A_188, %eq3A_189 : i32
      %jit3A_191 = arith.constant 1 : i32
      %select_n3A_192 = arith.select %eq3A_190, %jit3A_191, %jit3A_188 : i32
      %rem3A_193 = arith.remsi %scan3A_69, %select_n3A_192 : i32
      %ne3A_194 = arith.constant 0 : i32
      %ne3A_195 = arith.cmpi ne, %rem3A_193, %ne3A_194 : i32
      %lt3A_196 = arith.constant 0 : i32
      %lt3A_197 = arith.cmpi slt, %rem3A_193, %lt3A_196 : i32
      %lt3A_198 = arith.constant 0 : i32
      %lt3A_199 = arith.cmpi slt, %select_n3A_192, %lt3A_198 : i32
      %ne3A_200 = arith.xori %lt3A_197, %lt3A_199 : i1
      %and3A_201 = arith.andi %ne3A_200, %ne3A_195 : i1
      %add3A_202 = arith.addi %rem3A_193, %select_n3A_192 : i32
      %select_n3A_203 = arith.select %and3A_201, %add3A_202, %rem3A_193 : i32
      %swap3A_204 = arith.constant 0 : i32
      %swap3A_205 = arith.index_cast %swap3A_204 : i32 to index
      %swap3A_206 = arith.index_cast %select_n3A_203 : i32 to index
      %swap3A_207 = arith.constant 80 : index
      %swap3A_208 = tpu.vector_load %arg6[%swap3A_205, %swap3A_206, %swap3A_207] {strides = array<i32>} : memref<2x128x128xf32, #tpu.memory_space<vmem>>, vector<1x1x16xf32>,
      %swap3A_209 = vector.shape_cast %swap3A_208 : vector<1x1x16xf32> to vector<16xf32>
      %swap3A_210 = vector.shape_cast %broadcast_in_dim3A_187 : vector<16xf32> to vector<1x1x16xf32>
      tpu.vector_store %arg6[%swap3A_205, %swap3A_206, %swap3A_207], %swap3A_210 {strides = array<i32>} : memref<2x128x128xf32, #tpu.memory_space<vmem>>, vector<1x1x16xf32>,
      %broadcast_in_dim3A_211 = arith.constant 0.000000e+00 : f32
      %broadcast_in_dim3A_212 = vector.broadcast %broadcast_in_dim3A_211 : f32 to vector<16xf32>
      %jit3A_213 = arith.constant 128 : i32
      %eq3A_214 = arith.constant 0 : i32
      %eq3A_215 = arith.cmpi eq, %jit3A_213, %eq3A_214 : i32
      %jit3A_216 = arith.constant 1 : i32
      %select_n3A_217 = arith.select %eq3A_215, %jit3A_216, %jit3A_213 : i32
      %rem3A_218 = arith.remsi %scan3A_69, %select_n3A_217 : i32
      %ne3A_219 = arith.constant 0 : i32
      %ne3A_220 = arith.cmpi ne, %rem3A_218, %ne3A_219 : i32
      %lt3A_221 = arith.constant 0 : i32
      %lt3A_222 = arith.cmpi slt, %rem3A_218, %lt3A_221 : i32
      %lt3A_223 = arith.constant 0 : i32
      %lt3A_224 = arith.cmpi slt, %select_n3A_217, %lt3A_223 : i32
      %ne3A_225 = arith.xori %lt3A_222, %lt3A_224 : i1
      %and3A_226 = arith.andi %ne3A_225, %ne3A_220 : i1
      %add3A_227 = arith.addi %rem3A_218, %select_n3A_217 : i32
      %select_n3A_228 = arith.select %and3A_226, %add3A_227, %rem3A_218 : i32
      %swap3A_229 = arith.constant 0 : i32
      %swap3A_230 = arith.index_cast %swap3A_229 : i32 to index
      %swap3A_231 = arith.index_cast %select_n3A_228 : i32 to index
      %swap3A_232 = arith.constant 96 : index
      %swap3A_233 = tpu.vector_load %arg6[%swap3A_230, %swap3A_231, %swap3A_232] {strides = array<i32>} : memref<2x128x128xf32, #tpu.memory_space<vmem>>, vector<1x1x16xf32>,
      %swap3A_234 = vector.shape_cast %swap3A_233 : vector<1x1x16xf32> to vector<16xf32>
      %swap3A_235 = vector.shape_cast %broadcast_in_dim3A_212 : vector<16xf32> to vector<1x1x16xf32>
      tpu.vector_store %arg6[%swap3A_230, %swap3A_231, %swap3A_232], %swap3A_235 {strides = array<i32>} : memref<2x128x128xf32, #tpu.memory_space<vmem>>, vector<1x1x16xf32>,
      %broadcast_in_dim3A_236 = arith.constant 0.000000e+00 : f32
      %broadcast_in_dim3A_237 = vector.broadcast %broadcast_in_dim3A_236 : f32 to vector<16xf32>
      %jit3A_238 = arith.constant 128 : i32
      %eq3A_239 = arith.constant 0 : i32
      %eq3A_240 = arith.cmpi eq, %jit3A_238, %eq3A_239 : i32
      %jit3A_241 = arith.constant 1 : i32
      %select_n3A_242 = arith.select %eq3A_240, %jit3A_241, %jit3A_238 : i32
      %rem3A_243 = arith.remsi %scan3A_69, %select_n3A_242 : i32
      %ne3A_244 = arith.constant 0 : i32
      %ne3A_245 = arith.cmpi ne, %rem3A_243, %ne3A_244 : i32
      %lt3A_246 = arith.constant 0 : i32
      %lt3A_247 = arith.cmpi slt, %rem3A_243, %lt3A_246 : i32
      %lt3A_248 = arith.constant 0 : i32
      %lt3A_249 = arith.cmpi slt, %select_n3A_242, %lt3A_248 : i32
      %ne3A_250 = arith.xori %lt3A_247, %lt3A_249 : i1
      %and3A_251 = arith.andi %ne3A_250, %ne3A_245 : i1
      %add3A_252 = arith.addi %rem3A_243, %select_n3A_242 : i32
      %select_n3A_253 = arith.select %and3A_251, %add3A_252, %rem3A_243 : i32
      %swap3A_254 = arith.constant 0 : i32
      %swap3A_255 = arith.index_cast %swap3A_254 : i32 to index
      %swap3A_256 = arith.index_cast %select_n3A_253 : i32 to index
      %swap3A_257 = arith.constant 112 : index
      %swap3A_258 = tpu.vector_load %arg6[%swap3A_255, %swap3A_256, %swap3A_257] {strides = array<i32>} : memref<2x128x128xf32, #tpu.memory_space<vmem>>, vector<1x1x16xf32>,
      %swap3A_259 = vector.shape_cast %swap3A_258 : vector<1x1x16xf32> to vector<16xf32>
      %swap3A_260 = vector.shape_cast %broadcast_in_dim3A_237 : vector<16xf32> to vector<1x1x16xf32>
      tpu.vector_store %arg6[%swap3A_255, %swap3A_256, %swap3A_257], %swap3A_260 {strides = array<i32>} : memref<2x128x128xf32, #tpu.memory_space<vmem>>, vector<1x1x16xf32>,
    }
    %scan3A_63 = arith.constant 1024 : i32
    %barrier3A_64 = arith.constant 0 : index
    tpu.barrier barrier_id(%barrier3A_64)
    %mul3A_65 = arith.constant 640 : i32
    %mul3A_66 = arith.muli %arg1, %mul3A_65 : i32
    %mul3A_67 = arith.constant 640 : i32
    %mul3A_68 = arith.muli %arg1, %mul3A_67 : i32
    "tpu.region"() ({
      %run_scoped3A_69 = tpu.sem_alloc : memref<!tpu.dma_semaphore, #tpu.memory_space<semaphore_mem>>
      %dma_start3A_70 = arith.constant 0 : i32
      %dma_start3A_71 = tpu.memref_slice %arg4[%arg0, %mul3A_68, %dma_start3A_70] : memref<2x10240x128xf32, #tpu.memory_space<hbm>> -> memref<1x640x128xf32, #tpu.memory_space<hbm>>
      %dma_start3A_72 = tpu.memref_squeeze %dma_start3A_71 : memref<1x640x128xf32, #tpu.memory_space<hbm>> -> memref<640x128xf32, #tpu.memory_space<hbm>>
      %dma_start3A_73 = arith.constant 0 : i32
      %dma_start3A_74 = tpu.memref_slice %arg7[%mul3A_66, %dma_start3A_73] : memref<10240x128xf32, #tpu.memory_space<vmem_shared>> -> memref<640x128xf32, #tpu.memory_space<vmem_shared>>
      tpu.enqueue_dma source(%dma_start3A_74 : memref<640x128xf32, #tpu.memory_space<vmem_shared>>) target(%dma_start3A_72 : memref<640x128xf32, #tpu.memory_space<hbm>>) target_semaphore(%run_scoped3A_69 : memref<!tpu.dma_semaphore, #tpu.memory_space<semaphore_mem>>)
      %dma_wait3A = arith.constant 0 : i32
      %dma_wait3A_75 = tpu.memref_slice %arg4[%arg0, %mul3A_68, %dma_wait3A] : memref<2x10240x128xf32, #tpu.memory_space<hbm>> -> memref<1x640x128xf32, #tpu.memory_space<hbm>>
      %dma_wait3A_76 = tpu.memref_squeeze %dma_wait3A_75 : memref<1x640x128xf32, #tpu.memory_space<hbm>> -> memref<640x128xf32, #tpu.memory_space<hbm>>
      %dma_wait3A_77 = arith.constant 0 : i32
      %dma_wait3A_78 = tpu.memref_slice %arg7[%mul3A_66, %dma_wait3A_77] : memref<10240x128xf32, #tpu.memory_space<vmem_shared>> -> memref<640x128xf32, #tpu.memory_space<vmem_shared>>
      tpu.wait_dma2 semaphore(%run_scoped3A_69 : memref<!tpu.dma_semaphore, #tpu.memory_space<semaphore_mem>>) src(%dma_wait3A_78 : memref<640x128xf32, #tpu.memory_space<vmem_shared>>) dst(%dma_wait3A_76 : memref<640x128xf32, #tpu.memory_space<hbm>>)
      tpu.yield
    }) : () -> ()
    return
  }
}

module attributes {stable_mosaic.version = 14 : i64} {
  func.func @body(%arg0: i32, %arg1: memref<1024x128xf32, #tpu.memory_space<vmem>>, %arg2: memref<128x128xf32, #tpu.memory_space<vmem>>, %arg3: memref<2x1024x16xf32, #tpu.memory_space<vmem>>, %arg4: memref<1024x128xf32, #tpu.memory_space<vmem>>, %arg5: memref<1024x1xf32, #tpu.memory_space<vmem>>) attributes {dimension_semantics = [#tpu.dimension_semantics<arbitrary>], iteration_bounds = array<i64: 10>, scalar_prefetch = 0 : i64, scratch_operands = 0 : i64, tpu.core_type = #tpu.core_type<tc>, window_params = [{transform_indices = @transform_0, window_bounds = array<i64: 1024, 128>}, {pipeline_mode = #tpu.pipeline_mode<synchronous>, transform_indices = @transform_1, window_bounds = array<i64: 128, 128>}, {transform_indices = @transform_2, window_bounds = array<i64: 2, 1024, 16>}, {transform_indices = @transform_3, window_bounds = array<i64: 1024, 128>}, {transform_indices = @transform_4, window_bounds = array<i64: 1024, 1>}]} {
    %get3A = arith.constant 0 : index
    %get3A_0 = arith.constant 0 : index
    %get3A_1 = arith.constant 0 : index
    %get3A_2 = vector.load %arg3[%get3A, %get3A_0, %get3A_1] : memref<2x1024x16xf32, #tpu.memory_space<vmem>>, vector<1x1024x1xf32>
    %get3A_3 = vector.shape_cast %get3A_2 : vector<1x1024x1xf32> to vector<1024x1xf32>
    %get3A_4 = arith.constant 1 : index
    %get3A_5 = arith.constant 0 : index
    %get3A_6 = arith.constant 0 : index
    %get3A_7 = vector.load %arg3[%get3A_4, %get3A_5, %get3A_6] : memref<2x1024x16xf32, #tpu.memory_space<vmem>>, vector<1x1024x1xf32>
    %get3A_8 = vector.shape_cast %get3A_7 : vector<1x1024x1xf32> to vector<1024x1xf32>
    %add3A = arith.addf %get3A_3, %get3A_8 : vector<1024x1xf32>
    %add3A_9 = arith.constant 1.000000e+00 : f32
    %add3A_10 = vector.broadcast %add3A_9 : f32 to vector<1024x1xf32>
    %add3A_11 = arith.addf %add3A, %add3A_10 : vector<1024x1xf32>
    %sqrt3A = math.sqrt %add3A_11 : vector<1024x1xf32>
    %div3A = arith.constant 1.000000e+00 : f32
    %div3A_12 = vector.broadcast %div3A : f32 to vector<1024x1xf32>
    %div3A_13 = arith.divf %div3A_12, %sqrt3A : vector<1024x1xf32>
    %swap3A = arith.constant 0 : index
    %swap3A_14 = arith.constant 0 : index
    %swap3A_15 = vector.load %arg5[%swap3A, %swap3A_14] : memref<1024x1xf32, #tpu.memory_space<vmem>>, vector<1024x1xf32>
    tpu.vector_store %arg5[%swap3A, %swap3A_14], %div3A_13 {strides = array<i32>} : memref<1024x1xf32, #tpu.memory_space<vmem>>, vector<1024x1xf32>,
    %get3A_16 = arith.constant 0 : index
    %get3A_17 = arith.constant 0 : index
    %get3A_18 = vector.load %arg1[%get3A_16, %get3A_17] : memref<1024x128xf32, #tpu.memory_space<vmem>>, vector<1024x128xf32>
    %get3A_19 = arith.constant 0 : index
    %get3A_20 = arith.constant 0 : index
    %get3A_21 = vector.load %arg2[%get3A_19, %get3A_20] : memref<128x128xf32, #tpu.memory_space<vmem>>, vector<128x128xf32>
    %dot_general3A = arith.constant dense<0.000000e+00> : vector<1024x128xf32>
    %dot_general3A_22 = tpu.matmul %get3A_18, %get3A_21, %dot_general3A {dimension_numbers = #tpu.dot_dimension_numbers<[1], [0], [0], [1], [0, 0, 1, 1], [], []>, transpose_lhs_hint = false} : vector<1024x128xf32>, vector<128x128xf32>, vector<1024x128xf32> -> vector<1024x128xf32>
    %mul3A = vector.broadcast %div3A_13 : vector<1024x1xf32> to vector<1024x128xf32>
    %mul3A_23 = arith.mulf %dot_general3A_22, %mul3A : vector<1024x128xf32>
    %swap3A_24 = arith.constant 0 : index
    %swap3A_25 = arith.constant 0 : index
    %swap3A_26 = vector.load %arg4[%swap3A_24, %swap3A_25] : memref<1024x128xf32, #tpu.memory_space<vmem>>, vector<1024x128xf32>
    tpu.vector_store %arg4[%swap3A_24, %swap3A_25], %mul3A_23 {strides = array<i32>} : memref<1024x128xf32, #tpu.memory_space<vmem>>, vector<1024x128xf32>,
    return
  }
  func.func @transform_0(%arg0: i32) -> (i32, i32) {
    %c0_i32 = arith.constant 0 : i32
    %c0_i32_0 = arith.constant 0 : i32
    return %arg0, %c0_i32 : i32, i32
  }
  func.func @transform_1(%arg0: i32) -> (i32, i32) {
    %c0_i32 = arith.constant 0 : i32
    %c0_i32_0 = arith.constant 0 : i32
    %c0_i32_1 = arith.constant 0 : i32
    return %c0_i32, %c0_i32_0 : i32, i32
  }
  func.func @transform_2(%arg0: i32) -> (i32, i32, i32) {
    %c0_i32 = arith.constant 0 : i32
    %c0_i32_0 = arith.constant 0 : i32
    %c0_i32_1 = arith.constant 0 : i32
    return %c0_i32, %arg0, %c0_i32_0 : i32, i32, i32
  }
  func.func @transform_3(%arg0: i32) -> (i32, i32) {
    %c0_i32 = arith.constant 0 : i32
    %c0_i32_0 = arith.constant 0 : i32
    return %arg0, %c0_i32 : i32, i32
  }
  func.func @transform_4(%arg0: i32) -> (i32, i32) {
    %c0_i32 = arith.constant 0 : i32
    %c0_i32_0 = arith.constant 0 : i32
    return %arg0, %c0_i32 : i32, i32
  }
}

module attributes {stable_mosaic.version = 14 : i64} {
  func.func @body(%arg0: i32, %arg1: memref<2x1024x128xf32, #tpu.memory_space<vmem>>, %arg2: memref<1024x128xf32, #tpu.memory_space<vmem>>, %arg3: memref<1024x1xf32, #tpu.memory_space<vmem>>, %arg4: memref<1x128xf32, #tpu.memory_space<vmem>>, %arg5: memref<128x128xf32, #tpu.memory_space<vmem>>, %arg6: memref<1024x128xf32, #tpu.memory_space<vmem>>) attributes {dimension_semantics = [#tpu.dimension_semantics<arbitrary>], iteration_bounds = array<i64: 10>, scalar_prefetch = 0 : i64, scratch_operands = 0 : i64, tpu.core_type = #tpu.core_type<tc>, window_params = [{transform_indices = @transform_0, window_bounds = array<i64: 2, 1024, 128>}, {transform_indices = @transform_1, window_bounds = array<i64: 1024, 128>}, {transform_indices = @transform_2, window_bounds = array<i64: 1024, 1>}, {pipeline_mode = #tpu.pipeline_mode<synchronous>, transform_indices = @transform_3, window_bounds = array<i64: 1, 128>}, {pipeline_mode = #tpu.pipeline_mode<synchronous>, transform_indices = @transform_4, window_bounds = array<i64: 128, 128>}, {transform_indices = @transform_5, window_bounds = array<i64: 1024, 128>}]} {
    %get3A = arith.constant 0 : index
    %get3A_0 = arith.constant 0 : index
    %get3A_1 = arith.constant 0 : index
    %get3A_2 = vector.load %arg1[%get3A, %get3A_0, %get3A_1] : memref<2x1024x128xf32, #tpu.memory_space<vmem>>, vector<1x1024x128xf32>
    %get3A_3 = vector.shape_cast %get3A_2 : vector<1x1024x128xf32> to vector<1024x128xf32>
    %get3A_4 = arith.constant 1 : index
    %get3A_5 = arith.constant 0 : index
    %get3A_6 = arith.constant 0 : index
    %get3A_7 = vector.load %arg1[%get3A_4, %get3A_5, %get3A_6] : memref<2x1024x128xf32, #tpu.memory_space<vmem>>, vector<1x1024x128xf32>
    %get3A_8 = vector.shape_cast %get3A_7 : vector<1x1024x128xf32> to vector<1024x128xf32>
    %add3A = arith.addf %get3A_3, %get3A_8 : vector<1024x128xf32>
    %get3A_9 = arith.constant 0 : index
    %get3A_10 = arith.constant 0 : index
    %get3A_11 = vector.load %arg2[%get3A_9, %get3A_10] : memref<1024x128xf32, #tpu.memory_space<vmem>>, vector<1024x128xf32>
    %add3A_12 = arith.addf %add3A, %get3A_11 : vector<1024x128xf32>
    %get3A_13 = arith.constant 0 : index
    %get3A_14 = arith.constant 0 : index
    %get3A_15 = vector.load %arg3[%get3A_13, %get3A_14] : memref<1024x1xf32, #tpu.memory_space<vmem>>, vector<1024x1xf32>
    %mul3A = vector.broadcast %get3A_15 : vector<1024x1xf32> to vector<1024x128xf32>
    %mul3A_16 = arith.mulf %add3A_12, %mul3A : vector<1024x128xf32>
    %get3A_17 = arith.constant 0 : index
    %get3A_18 = arith.constant 0 : index
    %get3A_19 = vector.load %arg4[%get3A_17, %get3A_18] : memref<1x128xf32, #tpu.memory_space<vmem>>, vector<1x128xf32>
    %add3A_20 = vector.broadcast %get3A_19 : vector<1x128xf32> to vector<1024x128xf32>
    %add3A_21 = arith.addf %mul3A_16, %add3A_20 : vector<1024x128xf32>
    %max3A = arith.constant 0.000000e+00 : f32
    %max3A_22 = vector.broadcast %max3A : f32 to vector<1024x128xf32>
    %max3A_23 = arith.maximumf %add3A_21, %max3A_22 : vector<1024x128xf32>
    %get3A_24 = arith.constant 0 : index
    %get3A_25 = arith.constant 0 : index
    %get3A_26 = vector.load %arg5[%get3A_24, %get3A_25] : memref<128x128xf32, #tpu.memory_space<vmem>>, vector<128x128xf32>
    %dot_general3A = arith.constant dense<0.000000e+00> : vector<1024x128xf32>
    %dot_general3A_27 = tpu.matmul %max3A_23, %get3A_26, %dot_general3A {dimension_numbers = #tpu.dot_dimension_numbers<[1], [0], [0], [1], [0, 0, 1, 1], [], []>, transpose_lhs_hint = false} : vector<1024x128xf32>, vector<128x128xf32>, vector<1024x128xf32> -> vector<1024x128xf32>
    %get3A_28 = arith.constant 0 : index
    %get3A_29 = arith.constant 0 : index
    %get3A_30 = vector.load %arg3[%get3A_28, %get3A_29] : memref<1024x1xf32, #tpu.memory_space<vmem>>, vector<1024x1xf32>
    %mul3A_31 = vector.broadcast %get3A_30 : vector<1024x1xf32> to vector<1024x128xf32>
    %mul3A_32 = arith.mulf %dot_general3A_27, %mul3A_31 : vector<1024x128xf32>
    %swap3A = arith.constant 0 : index
    %swap3A_33 = arith.constant 0 : index
    %swap3A_34 = vector.load %arg6[%swap3A, %swap3A_33] : memref<1024x128xf32, #tpu.memory_space<vmem>>, vector<1024x128xf32>
    tpu.vector_store %arg6[%swap3A, %swap3A_33], %mul3A_32 {strides = array<i32>} : memref<1024x128xf32, #tpu.memory_space<vmem>>, vector<1024x128xf32>,
    return
  }
  func.func @transform_0(%arg0: i32) -> (i32, i32, i32) {
    %c0_i32 = arith.constant 0 : i32
    %c0_i32_0 = arith.constant 0 : i32
    %c0_i32_1 = arith.constant 0 : i32
    return %c0_i32, %arg0, %c0_i32_0 : i32, i32, i32
  }
  func.func @transform_1(%arg0: i32) -> (i32, i32) {
    %c0_i32 = arith.constant 0 : i32
    %c0_i32_0 = arith.constant 0 : i32
    return %arg0, %c0_i32 : i32, i32
  }
  func.func @transform_2(%arg0: i32) -> (i32, i32) {
    %c0_i32 = arith.constant 0 : i32
    %c0_i32_0 = arith.constant 0 : i32
    return %arg0, %c0_i32 : i32, i32
  }
  func.func @transform_3(%arg0: i32) -> (i32, i32) {
    %c0_i32 = arith.constant 0 : i32
    %c0_i32_0 = arith.constant 0 : i32
    %c0_i32_1 = arith.constant 0 : i32
    return %c0_i32, %c0_i32_0 : i32, i32
  }
  func.func @transform_4(%arg0: i32) -> (i32, i32) {
    %c0_i32 = arith.constant 0 : i32
    %c0_i32_0 = arith.constant 0 : i32
    %c0_i32_1 = arith.constant 0 : i32
    return %c0_i32, %c0_i32_0 : i32, i32
  }
  func.func @transform_5(%arg0: i32) -> (i32, i32) {
    %c0_i32 = arith.constant 0 : i32
    %c0_i32_0 = arith.constant 0 : i32
    return %arg0, %c0_i32 : i32, i32
  }
}

module attributes {stable_mosaic.version = 14 : i64} {
  func.func @body(%arg0: i32, %arg1: memref<2x1024x128xf32, #tpu.memory_space<vmem>>, %arg2: memref<1024x128xf32, #tpu.memory_space<vmem>>, %arg3: memref<1024x1xf32, #tpu.memory_space<vmem>>, %arg4: memref<1x128xf32, #tpu.memory_space<vmem>>, %arg5: memref<1024x128xf32, #tpu.memory_space<vmem>>) attributes {dimension_semantics = [#tpu.dimension_semantics<arbitrary>], iteration_bounds = array<i64: 10>, scalar_prefetch = 0 : i64, scratch_operands = 0 : i64, tpu.core_type = #tpu.core_type<tc>, window_params = [{transform_indices = @transform_0, window_bounds = array<i64: 2, 1024, 128>}, {transform_indices = @transform_1, window_bounds = array<i64: 1024, 128>}, {transform_indices = @transform_2, window_bounds = array<i64: 1024, 1>}, {pipeline_mode = #tpu.pipeline_mode<synchronous>, transform_indices = @transform_3, window_bounds = array<i64: 1, 128>}, {transform_indices = @transform_4, window_bounds = array<i64: 1024, 128>}]} {
    %get3A = arith.constant 0 : index
    %get3A_0 = arith.constant 0 : index
    %get3A_1 = arith.constant 0 : index
    %get3A_2 = vector.load %arg1[%get3A, %get3A_0, %get3A_1] : memref<2x1024x128xf32, #tpu.memory_space<vmem>>, vector<1x1024x128xf32>
    %get3A_3 = vector.shape_cast %get3A_2 : vector<1x1024x128xf32> to vector<1024x128xf32>
    %get3A_4 = arith.constant 1 : index
    %get3A_5 = arith.constant 0 : index
    %get3A_6 = arith.constant 0 : index
    %get3A_7 = vector.load %arg1[%get3A_4, %get3A_5, %get3A_6] : memref<2x1024x128xf32, #tpu.memory_space<vmem>>, vector<1x1024x128xf32>
    %get3A_8 = vector.shape_cast %get3A_7 : vector<1x1024x128xf32> to vector<1024x128xf32>
    %add3A = arith.addf %get3A_3, %get3A_8 : vector<1024x128xf32>
    %get3A_9 = arith.constant 0 : index
    %get3A_10 = arith.constant 0 : index
    %get3A_11 = vector.load %arg2[%get3A_9, %get3A_10] : memref<1024x128xf32, #tpu.memory_space<vmem>>, vector<1024x128xf32>
    %add3A_12 = arith.addf %add3A, %get3A_11 : vector<1024x128xf32>
    %get3A_13 = arith.constant 0 : index
    %get3A_14 = arith.constant 0 : index
    %get3A_15 = vector.load %arg3[%get3A_13, %get3A_14] : memref<1024x1xf32, #tpu.memory_space<vmem>>, vector<1024x1xf32>
    %mul3A = vector.broadcast %get3A_15 : vector<1024x1xf32> to vector<1024x128xf32>
    %mul3A_16 = arith.mulf %add3A_12, %mul3A : vector<1024x128xf32>
    %get3A_17 = arith.constant 0 : index
    %get3A_18 = arith.constant 0 : index
    %get3A_19 = vector.load %arg4[%get3A_17, %get3A_18] : memref<1x128xf32, #tpu.memory_space<vmem>>, vector<1x128xf32>
    %add3A_20 = vector.broadcast %get3A_19 : vector<1x128xf32> to vector<1024x128xf32>
    %add3A_21 = arith.addf %mul3A_16, %add3A_20 : vector<1024x128xf32>
    %swap3A = arith.constant 0 : index
    %swap3A_22 = arith.constant 0 : index
    %swap3A_23 = vector.load %arg5[%swap3A, %swap3A_22] : memref<1024x128xf32, #tpu.memory_space<vmem>>, vector<1024x128xf32>
    tpu.vector_store %arg5[%swap3A, %swap3A_22], %add3A_21 {strides = array<i32>} : memref<1024x128xf32, #tpu.memory_space<vmem>>, vector<1024x128xf32>,
    return
  }
  func.func @transform_0(%arg0: i32) -> (i32, i32, i32) {
    %c0_i32 = arith.constant 0 : i32
    %c0_i32_0 = arith.constant 0 : i32
    %c0_i32_1 = arith.constant 0 : i32
    return %c0_i32, %arg0, %c0_i32_0 : i32, i32, i32
  }
  func.func @transform_1(%arg0: i32) -> (i32, i32) {
    %c0_i32 = arith.constant 0 : i32
    %c0_i32_0 = arith.constant 0 : i32
    return %arg0, %c0_i32 : i32, i32
  }
  func.func @transform_2(%arg0: i32) -> (i32, i32) {
    %c0_i32 = arith.constant 0 : i32
    %c0_i32_0 = arith.constant 0 : i32
    return %arg0, %c0_i32 : i32, i32
  }
  func.func @transform_3(%arg0: i32) -> (i32, i32) {
    %c0_i32 = arith.constant 0 : i32
    %c0_i32_0 = arith.constant 0 : i32
    %c0_i32_1 = arith.constant 0 : i32
    return %c0_i32, %c0_i32_0 : i32, i32
  }
  func.func @transform_4(%arg0: i32) -> (i32, i32) {
    %c0_i32 = arith.constant 0 : i32
    %c0_i32_0 = arith.constant 0 : i32
    return %arg0, %c0_i32 : i32, i32
  }
}

</mosaic_0001>

<sc_bundles>
// kernel: kernel.10.cloned.1.call-start
scs
__scs_entry_jumppad:
0x0: {  	(pc) =	sbr.rel $0x88, $3  }
0x1: {  	(tag) =	ssettag $0x0;
	lr =	simm.s32 $0x1  }
0x2: {  	[smem:$0x3F99] =	sst lr;
	_ =	strace $0xD0000000  }
0x3: {  	_ = 	snop  }
0x4: {  	_ = 	snop  }
0x5: {  	_ = 	snop  }
0x6: {  	_ = 	snop  }
0x7: {  	_ = 	snop  }
__scs_overlays_trampoline_lowered:
0x8: {  	[smem:$0x3FA8] =	sst s0  }
0x9: {  	[smem:$0x3FA9] =	sst s1  }
0xa: {  	[smem:$0x3FAA] =	sst s2  }
0xb: {  	[smem:$0x3FAB] =	sst s3  }
0xc: {  	[smem:$0x3FAC] =	sst s4  }
0xd: {  	[smem:$0x3FAD] =	sst s5  }
0xe: {  	[smem:$0x3FAE] =	sst s6  }
0xf: {  	[smem:$0x3FAF] =	sst s7  }
0x10: {  	[smem:$0x3FB0] =	sst s8  }
0x11: {  	[smem:$0x3FB1] =	sst s9;
	s0 =	simm.s32 @!p0 $0x0  }
0x12: {  	s1 =	sld [smem:$0x3F97];
	s0 =	simm.s32 @p0 $0x1  }
0x13: {  	[smem:$0x3FB2] =	sst s0;
	s0 =	simm.s32 @!p1 $0x0  }
0x14: {  	s2 =	sld [smem:$0x3F96];
	s0 =	simm.s32 @p1 $0x1  }
0x15: {  	[smem:$0x3FB3] =	sst s0;
	s0 =	simm.s32 @!p2 $0x0  }
0x16: {  	s3 =	sld [smem:$0x3FDB];
	s0 =	simm.s32 @p2 $0x1  }
0x17: {  	s4 =	simm.s32 $0x1BF5;
	[smem:$0x3FB5] =	sst s0  }
0x18: {  	s0 =	sld [smem:$0x3F98];
	_ =	swait.ge [sflag:s4], $0x0  }
0x19: {  	s7 =	sld [smem:$0x3F99]  }
0x1a: {  	s8 =	sadd.s32 $0xFFFFE003, lr  }
0x1b: {  	s9 =	sadd.s32 $0xFFFFFEF7, lr;
	s5 =	simm.s32 $0xFFFFFFFF;
	p2 =	slt.u32 s8, $0xFFFFF086  }
0x1c: {  	p1 =	slt.u32 s9, $0xF7A;
	s5 =	simm.s32 @!p2 $0x0  }
0x1d: {  	s5 =	simm.s32 @p1 $0x1;
	p0 =	seq.s32 s7, s2  }
0x1e: {  	s7 =	smul.u32 @!p0 $0xF7A, s2;
	p2 =	seq.s32 @!p0 s5, $0x0  }
0x1f: {  	s9 =	smul.u32 $0xF7A, s1;
	s8 =	simm.s32 @!p0 $0x1BF5;
	p2 =	por !p2, p0  }
0x20: {  	[sflag:s8] =	ssyncset.s32 @!p0 $0xFFFFF086;
	s6 =	sadd.s32 @!p0 s3, s7;
	s7 =	simm.s32 @!p0 $0x108  }
0x21: {  	s3 =	sadd.s32 s3, s9;
	s6 =	sadd.s32 @!p0 $0x88, s6;
	s7 =	simm.s32 @p2 $0x1082  }
0x22: {  	[simem:s7], [sflag:s8] =	dma.local @!p0 [hbm:s6], $0xF7A  }
0x23: {  	s9 =	sor.u32 $0xD0000000, s2;
	s6 =	simm.s32 $0x108;
	_ =	swait.ge @!p0 [sflag:s8], $0x0  }
0x24: {  	s3 =	sadd.s32 $0x88, s3;
	s6 =	simm.s32 @!p1 $0x1082;
	[sflag:s4] =	ssyncset.s32 $0xFFFFF086  }
0x25: {  	[simem:s6], [sflag:s4] =	dma.local [hbm:s3], $0xF7A  }
0x26: {  	[smem:$0x3F99] =	sst s1;
	(tag) =	ssettag s2;
	_ =	strace s9  }
0x27: {  	s1 =	sld [smem:$0x3FA9]  }
0x28: {  	s2 =	sld [smem:$0x3FAA]  }
0x29: {  	s4 =	sld [smem:$0x3FAC]  }
0x2a: {  	p0 =	seq.s32 s5, $0x0;
	s5 =	sld [smem:$0x3FAD]  }
0x2b: {  	s6 =	sld [smem:$0x3FAE]  }
0x2c: {  	s7 =	sld [smem:$0x3FAF]  }
0x2d: {  	s3 =	simm.s32 $0x108;
	s8 =	sld [smem:$0x3FB0]  }
0x2e: {  	s3 =	simm.s32 @!p0 $0x1082;
	s9 =	sld [smem:$0x3FB1]  }
0x2f: {  	lr =	sadd.s32 s0, s3;
	s0 =	sld [smem:$0x3FA8]  }
0x30: {  	s3 =	sld [smem:$0x3FAB]  }
0x31: {  	[smem:$0x3FB4] =	sst s10  }
0x32: {  	s10 =	sld [smem:$0x3FB2];
	_ =	sdelay $0x3  }
0x33: {  	p0 =	seq.s32 s10, $0x1;
	s10 =	sld [smem:$0x3FB4];
	_ =	sdelay $0x3  }
0x34: {  	[smem:$0x3FB4] =	sst s10  }
0x35: {  	s10 =	sld [smem:$0x3FB3];
	_ =	sdelay $0x3  }
0x36: {  	p1 =	seq.s32 s10, $0x1;
	s10 =	sld [smem:$0x3FB4];
	_ =	sdelay $0x3  }
0x37: {  	[smem:$0x3FB4] =	sst s10  }
0x38: {  	s10 =	sld [smem:$0x3FB5]  }
0x39: {  	_ = 	snop;
	(pc) =	sbr.ind lr, $3  }
0x3a: {  	_ = 	snop  }
0x3b: {  	_ = 	snop  }
0x3c: {  	p2 =	seq.s32 s10, $0x1;
	s10 =	sld [smem:$0x3FB4]  }
0x3d: {  	_ =	shalt  }
0x3e: {  	_ =	shalt  }
0x3f: {  	_ =	shalt  }
0x40: {  	_ =	shalt  }
0x41: {  	_ =	shalt  }
0x42: {  	_ =	shalt  }
0x43: {  	_ =	shalt  }
0x44: {  	_ =	shalt  }
0x45: {  	_ =	shalt  }
0x46: {  	_ =	shalt  }
0x47: {  	_ =	shalt  }
0x48: {  	_ =	shalt  }
0x49: {  	_ =	shalt  }
0x4a: {  	_ =	shalt  }
0x4b: {  	_ =	shalt  }
0x4c: {  	_ =	shalt  }
0x4d: {  	_ =	shalt  }
0x4e: {  	_ =	shalt  }
0x4f: {  	_ =	shalt  }
0x50: {  	_ =	shalt  }
0x51: {  	_ =	shalt  }
0x52: {  	_ =	shalt  }
0x53: {  	_ =	shalt  }
0x54: {  	_ =	shalt  }
0x55: {  	_ =	shalt  }
0x56: {  	_ =	shalt  }
0x57: {  	_ =	shalt  }
0x58: {  	_ =	shalt  }
0x59: {  	_ =	shalt  }
0x5a: {  	_ =	shalt  }
0x5b: {  	_ =	shalt  }
0x5c: {  	_ =	shalt  }
0x5d: {  	_ =	shalt  }
0x5e: {  	_ =	shalt  }
0x5f: {  	_ =	shalt  }
0x60: {  	_ =	shalt  }
0x61: {  	_ =	shalt  }
0x62: {  	_ =	shalt  }
0x63: {  	_ =	shalt  }
0x64: {  	_ =	shalt  }
0x65: {  	_ =	shalt  }
0x66: {  	_ =	shalt  }
0x67: {  	_ =	shalt  }
0x68: {  	_ =	shalt  }
0x69: {  	_ =	shalt  }
0x6a: {  	_ =	shalt  }
0x6b: {  	_ =	shalt  }
0x6c: {  	_ =	shalt  }
0x6d: {  	_ =	shalt  }
0x6e: {  	_ =	shalt  }
0x6f: {  	_ =	shalt  }
0x70: {  	_ =	shalt  }
0x71: {  	_ =	shalt  }
0x72: {  	_ =	shalt  }
0x73: {  	_ =	shalt  }
0x74: {  	_ =	shalt  }
0x75: {  	_ =	shalt  }
0x76: {  	_ =	shalt  }
0x77: {  	_ =	shalt  }
0x78: {  	_ =	shalt  }
0x79: {  	_ =	shalt  }
0x7a: {  	_ =	shalt  }
0x7b: {  	_ =	shalt  }
0x7c: {  	_ =	shalt  }
0x7d: {  	_ =	shalt  }
0x7e: {  	_ =	shalt  }
0x7f: {  	_ =	shalt  }
0x80: {  	_ =	shalt  }
0x81: {  	_ =	shalt  }
0x82: {  	_ =	shalt  }
0x83: {  	_ =	shalt  }
0x84: {  	_ =	shalt  }
0x85: {  	_ =	shalt  }
0x86: {  	_ =	shalt  }
0x87: {  	_ =	shalt  }
.Lfunc_end0:
.L_simem_size_0:
called_computation_lowered:
.L_overlay_start_0:
0x88: {  	s2 =	sld [smem:$0x3FD9]  }
0x89: {  	s3 =	sld [smem:$0x3FFE];
	_ =	sdelay $0x1  }
0x8a: {  	s1 =	srdreg.scid  }
0x8b: {  	s0 =	sand.u32 $0x1, s1  }
0x8c: {  	s16 =	sshll.u32 s0, $0xA;
	s2 =	sadd.s32 s3, s2  }
0x8d: {  	s2 =	sadd.s32 s2, s16  }
0x8e: {  	[smem:$0x3FC0] =	sst s2  }
0x8f: {  	_ = 	snop  }
0x90: {  	(tm) =	ssettm $0x1  }
0x91: {  	s17 =	sld [smem:$0x3FFB];
	_ =	sdelay $0x3  }
0x92: {  	_ =	strace s17  }
0x93: {  	s2 =	sld [smem:$0x3FFC];
	_ =	sdelay $0x3  }
0x94: {  	_ =	strace s2  }
0x95: {  	s2 =	sld [smem:$0x3FFD];
	_ =	sdelay $0x3  }
0x96: {  	_ =	strace s2  }
0x97: {  	_ =	strace $0x8FFFFFFF  }
0x98: {  	s18 =	sld [smem:$0x3FDB];
	_ =	sdelay $0x1  }
0x99: {  	s19 =	simm.s32 $_scs_section_size  }
0x9a: {  	s4 =	simm.s32 $_size__tile_overlayer_lowered;
	s5 =	simm.s32 $_tile_overlayer_lowered  }
0x9b: {  	s22 =	simm.s32 $0x1BFF;
	s21 =	sshll.u32 s5, $0x1;
	s2 =	sadd.s32 s19, s18  }
0x9c: {  	s6 =	simm.s32 $0x0;
	s20 =	sshll.u32 s4, $0x1;
	s4 =	sadd.s32 s21, s2  }
0x9d: {  	[timem:s6], [sflag:s22] =	dma.local [hbm:s4], s20  }
0x9e: {  	_ =	swait.ge [sflag:s22], s20  }
0x9f: {  	s3 =	ssub.s32 $0x0, s20;
	[sflag:s22] =	ssyncset.done $0x0  }
0xa0: {  	[sflag:s22] =	ssyncadd.s32 s3;
	_ =	sdelay $0x1  }
0xa1: {  	s23 =	simm.s32 $0x1B8B  }
0xa2: {  	_ =	swait.ge [sflag:s23], $0x1  }
0xa3: {  	[sflag:s23] =	ssyncset.done $0x0  }
0xa4: {  	s25 =	simm.s32 $0x1B8E;
	s24 =	sld [smem:$0x3FFE];
	[sflag:s23] =	ssyncadd.s32 $0xFFFFFFFF  }
0xa5: {  	s26 =	simm.s32 $execute0_lowered;
	[smem:$0x3FD2] =	sst s25  }
0xa6: {  	s4 =	sshll.u32 s26, $0x1;
	_ =	strace $0x80000046;
	[dreg:$0x1] =	wrdreg $0xFFFFFFFF  }
0xa7: {  	s28 =	simm.s32 $_size_execute0_lowered;
	s2 =	sadd.s32 s2, s4;
	[dreg:$0x0] =	wrdreg $0x0  }
0xa8: {  	s4 =	sshll.u32 s28, $0x1;
	[dreg:$0x2] =	wrdreg s2  }
0xa9: {  	[dreg:$0x3] =	wrdreg s4  }
0xaa: {  	[dreg:$0x4] =	wrdreg $0xC0  }
0xab: {  	_ =	task [dreg:s6], $0x5FFFF  }
0xac: {  	[dreg:$0x1] =	wrdreg $0xFFFFFFFF  }
0xad: {  	[dreg:$0x0] =	wrdreg $0x60  }
0xae: {  	[dreg:$0x2] =	wrdreg s24  }
0xaf: {  	[dreg:$0x3] =	wrdreg $0x68000  }
0xb0: {  	[dreg:$0x4] =	wrdreg $0x9  }
0xb1: {  	_ =	task.clear_ibuf [dreg:s6], $0x5FFFF;
	_ =	strace $0x90000046  }
0xb2: {  	s29 =	simm.s32 $0x9;
	_ =	strace $0x80000048  }
0xb3: {  	_ =	swait.ge [sflag:s29], $0x1  }
0xb4: {  	[sflag:s29] =	ssyncadd.s32 $0xFFFFFFFF  }
0xb5: {  	_ =	strace $0x90000048  }
0xb6: {  	_ =	sfence  }
0xb7: {  	s30 =	sld [smem:$0x0];
	_ =	sdelay $0x2  }
0xb8: {  	s31 =	sshll.u32 s1, $0xD;
	s1 =	sshrl.u32 s1, $0x2  }
0xb9: {  	s3 =	sand.u32 $0x4000, s31;
	s1 =	sadd.s32 s1, s30  }
0xba: {  	s0 =	sor.u32 s3, s0;
	s1 =	sshll.u32 s1, $0x11  }
0xbb: {  	s0 =	sor.u32 s1, s0  }
0xbc: {  	s0 =	sadd.s32 $0x8F2B, s0  }
0xbd: {  	[sflag:s0] =	ssyncadd.remote.s32 $0x1  }
0xbe: {  	_ =	sfence.sel $0xFFFF  }
0xbf: {  	[dreg:$0x0] =	wrdreg $0xFFFFFFFF;
	(pc) =	sbr.abs _section_cstart, $3  }
0xc0: {  	[dreg:$0x1] =	wrdreg $0xFFFFFFFF  }
0xc1: {  	_ =	task.clear_ibuf [dreg:s6], $0x2FFFF;
	_ =	strace $0x9FFFFFFF  }
0xc2: {  	(tm) =	ssettm $0x7FFFFFFF  }
0xc3: {  	_ =	shalt  }
tec
execute0_lowered:
.L_overlay_start_1:
0x0: {  	(tag) =	ssettag $0x1  }
0x1: {  	s1 =	srdreg.scid;
	s5 =	rddreg [dreg:$0x0]  }
0x2: {  	s0 =	stileid.u32;
	s2 =	rddreg [dreg:$0x1]  }
0x3: {  	s3 =	simm.s32 $0x0;
	s13 =	simm.s32 $0x1;
	s14 =	simm.s32 $0x80  }
0x4: {  	s4 =	sand.u32 $0x1, s1;
	s26 =	sshll.u32 s0, $0x1;
	s8 =	smul.u32 $0x14000, s0  }
0x5: {  	[smem:$0x7FF] =	sst s3;
	s9 =	smul.u32 $0x50000, s0;
	s15 =	sshll.u32 s0, $0x6  }
0x6: {  	s1 =	sor.u32 s4, s26;
	s7 =	smul.u32 $0x140000, s4;
	s29 =	ssub.s32 $0x2, s4  }
0x7: {  	s15 =	sor.u32 $0x1C01, s15;
	s6 =	smul.u32 $0x500, s1;
	s1 =	rddreg [dreg:$0x2]  }
0x8: {  	_ =	strace $0x80000047;
	s30 =	sshrl.u32 s9, $0x2;
	s31 =	sshrl.u32 s29, $0x1  }
0x9: {  	s28 =	sadd.s32 s8, s7;
	s4 =	sadd.s32 s30, s2;
	s12 =	ssub.s32 s29, s31  }
0xa: {  	s10 =	sadd.s32 s6, s5;
	s6 =	sshrl.u32 s28, $0x3;
	s7 =	sadd.s32 $0xC000, s4  }
0xb: {  	s8 =	sadd.s32 $0x10000, s4;
	s16 =	sshrl.u32 s4, $0x3;
	s11 =	sadd.s32 s6, s5  }
0xc: {  	s5 =	sadd.s32 $0x4000, s4;
	s6 =	sadd.s32 $0x8000, s4;
	s9 =	sadd.s32 $0x3400, s10  }
0xd: {  	v0 =	vimm.f32 $0.0e+00;
	v1 =	vimm.f32 $1.000000000e+00;
	s10 =	sadd.s32 $0xD400, s11;
	s11 =	smax.u32 s12, $0x1;
	s12 =	simm.s32 $0x2800  }
.LBB2_1:
0xe: {  	s17 =	simm.s32 $0x200;
	s18 =	simm.s32 $0x0  }
.LBB2_2:
0xf: {  	p0 =	sne.s32 s17, $0xFE00;
	[tilespmem:s18+$0x2800] =	vst v0;
	s18 =	smov.u32 s17;
	s17 =	sadd.s32 $0x200, s17  }
.Ltmp0:
0x10: {  	(pc) =	sbr.rel @p0 .LBB2_2-.Ltmp0, $2  }
0x11: {  	_ =	sdelay $0x2  }
0x12: {  	s18 =	sshra.s32 s18, $0x2  }
0x13: {  	[tilespmem:s18+$0x2800] =	vst v0  }
0x14: {  	[spmem:s4] =	stream.linear.scatter [tilespmem:s12], [sflag:$0x1], $0x4000, $0x38;
	[tilespmem:$0x9000] =	vst v63  }
0x15: {  	_ =	swait.ge [sflag:s13], $0x4000  }
0x16: {  	[sflag:s13] =	ssyncset.done $0x0  }
0x17: {  	[sflag:s13] =	ssyncadd.s32 $0xFFFFC000  }
0x18: {  	[spmem:s5] =	stream.linear.scatter [tilespmem:s12], [sflag:$0x1], $0x4000, $0x38;
	[tilespmem:$0x9000] =	vst v63  }
0x19: {  	_ =	swait.ge [sflag:s13], $0x4000  }
0x1a: {  	[sflag:s13] =	ssyncset.done $0x0  }
0x1b: {  	[sflag:s13] =	ssyncadd.s32 $0xFFFFC000  }
0x1c: {  	[spmem:s6] =	stream.linear.scatter [tilespmem:s12], [sflag:$0x1], $0x4000, $0x38;
	[tilespmem:$0x9000] =	vst v63  }
0x1d: {  	_ =	swait.ge [sflag:s13], $0x4000  }
0x1e: {  	[sflag:s13] =	ssyncset.done $0x0  }
0x1f: {  	[sflag:s13] =	ssyncadd.s32 $0xFFFFC000  }
0x20: {  	[spmem:s7] =	stream.linear.scatter [tilespmem:s12], [sflag:$0x1], $0x4000, $0x38;
	[tilespmem:$0x9000] =	vst v63  }
0x21: {  	_ =	swait.ge [sflag:s13], $0x4000  }
0x22: {  	[sflag:s13] =	ssyncset.done $0x0  }
0x23: {  	[sflag:s13] =	ssyncadd.s32 $0xFFFFC000  }
0x24: {  	[spmem:s8] =	stream.linear.scatter [tilespmem:s12], [sflag:$0x1], $0x4000, $0x38;
	[tilespmem:$0x9000] =	vst v63  }
0x25: {  	_ =	swait.ge [sflag:s13], $0x4000  }
0x26: {  	[sflag:s13] =	ssyncset.done $0x0  }
0x27: {  	s17 =	simm.s32 $0x200;
	s18 =	simm.s32 $0x0;
	[sflag:s13] =	ssyncadd.s32 $0xFFFFC000  }
.LBB2_4:
0x28: {  	p0 =	sne.s32 s17, $0xFE00;
	[tilespmem:s18+$0x2800] =	vst v1;
	s18 =	smov.u32 s17;
	s17 =	sadd.s32 $0x200, s17  }
.Ltmp1:
0x29: {  	(pc) =	sbr.rel @p0 .LBB2_4-.Ltmp1, $2  }
0x2a: {  	_ =	sdelay $0x2  }
0x2b: {  	s18 =	sshra.s32 s18, $0x2  }
0x2c: {  	[tilespmem:s18+$0x2800] =	vst v1  }
0x2d: {  	s17 =	simm.s32 $0x0;
	[bflag:$0x0] =	sbarrier.arrive $0xFFFF  }
0x2e: {  	[tilespmem:s17], [sflag:$0x1] =	stream.linear.gather [hbm4b:s9+s17], $0x2800, $0x38;
	[tilespmem:$0x9000] =	vst v63  }
0x2f: {  	_ =	swait.ge [sflag:s13], $0x2800  }
0x30: {  	[sflag:s13] =	ssyncset.done $0x0  }
0x31: {  	s31 =	simm.s32 $0x0;
	[sflag:s13] =	ssyncadd.s32 $0xFFFFD800  }
0x32: {  	[spmem:s2] =	stream.indirect.scatter.add.f32 [tilespmem:s12], [sflag:$0x1], $0x10, s31, s14, $0xb8;
	[tilespmem:$0x9000] =	vst v63  }
0x33: {  	_ =	swait.ge [sflag:s13], $0x800  }
0x34: {  	s17 =	simm.s32 $0x200;
	[sflag:s13] =	ssyncset.done $0x0  }
.LBB2_6:
0x35: {  	s18 =	sshra.s32 s17, $0x2;
	[sflag:s13] =	ssyncadd.s32 $0xFFFFF800;
	p0 =	sne.s32 s17, $0x9E00  }
0x36: {  	[spmem:s2] =	stream.indirect.scatter.add.f32 [tilespmem:s12], [sflag:$0x1], $0x10, s18, s14, $0xb8;
	[tilespmem:$0x9000] =	vst v63  }
.Ltmp2:
0x37: {  	_ = 	snop;
	(pc) =	sbr.rel @p0 .LBB2_6-.Ltmp2, $4  }
0x38: {  	_ = 	snop  }
0x39: {  	s17 =	sadd.s32 $0x200, s17  }
0x3a: {  	_ =	swait.ge [sflag:s13], $0x800  }
0x3b: {  	[sflag:s13] =	ssyncset.done $0x0  }
0x3c: {  	[sflag:s13] =	ssyncadd.s32 $0xFFFFF800;
	s18 =	simm.s32 $0x0  }
0x3d: {  	s17 =	simm.s32 $0x80;
	[bflag:$0x0] =	sbarrier.arrive $0xFFFF;
	s18 =	sand.u32 $0x3F80, s18  }
.LBB2_8:
0x3e: {  	p0 =	sne.s32 s17, $0x3FF80;
	[tilespmem:s18+$0x2800] =	vst v1;
	s18 =	smov.u32 s17;
	s17 =	sadd.s32 $0x80, s17  }
.Ltmp3:
0x3f: {  	(pc) =	sbr.rel @p0 .LBB2_8-.Ltmp3, $2  }
0x40: {  	_ =	sdelay $0x2  }
0x41: {  	s18 =	sand.u32 $0x3F80, s18  }
0x42: {  	s3 =	sadd.s32 $0x1, s3  }
0x43: {  	[tilespmem:s18+$0x2800] =	vst v1;
	p0 =	sne.s32 s3, s11  }
.Ltmp4:
0x44: {  	[bflag:$0x0] =	sbarrier.arrive $0xFFFF;
	(pc) =	sbr.rel @p0 .LBB2_1-.Ltmp4, $4  }
0x45: {  	[hbm:s10], [sflag:s15] =	dma.local [spmem:s16], $0x2800  }
0x46: {  	_ =	swait.ge [sflag:s13], $0x2800  }
0x47: {  	[sflag:s13] =	ssyncset.done $0x0  }
0x48: {  	[sflag:s13] =	ssyncadd.s32 $0xFFFFD800  }
0x49: {  	_ =	sfence.sel $0x180000  }
0x4a: {  	[bflag:$0x0] =	sbarrier.arrive $0xFFFF  }
0x4b: {  	p0 =	sne.s32 s0, $0x0;
	_ =	strace $0x90000047  }
0x4c: {  	s0 =	sadd.s32 @!p0 $0x100000, s1;
	[bflag:$0x2] =	sbarrier.arrive $0xFFFF  }
0x4d: {  	[sflag:s0] =	ssyncadd.tile.s32 @!p0 $0x1;
	_ =	shalt  }
.Lfunc_end2:
_tile_overlayer_lowered:
.L_overlay_start_2:
0x4e: {  	(tag) =	ssettag $0x2  }
0x4f: {  	s0 =	rddreg [dreg:$0x0];
	s2 =	stileid.u32  }
0x50: {  	s1 =	rddreg [dreg:$0x1];
	p0 =	sne.s32 s2, $0x0  }
0x51: {  	s3 =	rddreg [dreg:$0x2];
	[bflag:$0x3] =	sbarrier.arrive $0xFFFF;
	s2 =	simm.s32 @!p0 $0x1C01  }
0x52: {  	[timem:s3], [sflag:s2] =	dma.local @!p0 [hbm:s0], s1  }
0x53: {  	s0 =	simm.s32 @!p0 $0x1  }
0x54: {  	_ =	swait.ge @!p0 [sflag:s0], s1  }
0x55: {  	s1 =	ssub.s32 @!p0 $0x0, s1;
	[sflag:s0] =	ssyncset.done @!p0 $0x0  }
0x56: {  	[sflag:s0] =	ssyncadd.s32 @!p0 s1  }
0x57: {  	[bflag:$0x3] =	sbarrier.arrive $0xFFFF  }
0x58: {  	_ =	shalt  }

// kernel: kernel.13.cloned.1.call-start
scs
__scs_entry_jumppad:
0x0: {  	(pc) =	sbr.rel $0x88, $3  }
0x1: {  	(tag) =	ssettag $0x0;
	lr =	simm.s32 $0x1  }
0x2: {  	[smem:$0x3F99] =	sst lr;
	_ =	strace $0xD0000000  }
0x3: {  	_ = 	snop  }
0x4: {  	_ = 	snop  }
0x5: {  	_ = 	snop  }
0x6: {  	_ = 	snop  }
0x7: {  	_ = 	snop  }
__scs_overlays_trampoline_lowered:
0x8: {  	[smem:$0x3FA8] =	sst s0  }
0x9: {  	[smem:$0x3FA9] =	sst s1  }
0xa: {  	[smem:$0x3FAA] =	sst s2  }
0xb: {  	[smem:$0x3FAB] =	sst s3  }
0xc: {  	[smem:$0x3FAC] =	sst s4  }
0xd: {  	[smem:$0x3FAD] =	sst s5  }
0xe: {  	[smem:$0x3FAE] =	sst s6  }
0xf: {  	[smem:$0x3FAF] =	sst s7  }
0x10: {  	[smem:$0x3FB0] =	sst s8  }
0x11: {  	[smem:$0x3FB1] =	sst s9;
	s0 =	simm.s32 @!p0 $0x0  }
0x12: {  	s1 =	sld [smem:$0x3F97];
	s0 =	simm.s32 @p0 $0x1  }
0x13: {  	[smem:$0x3FB2] =	sst s0;
	s0 =	simm.s32 @!p1 $0x0  }
0x14: {  	s2 =	sld [smem:$0x3F96];
	s0 =	simm.s32 @p1 $0x1  }
0x15: {  	[smem:$0x3FB3] =	sst s0;
	s0 =	simm.s32 @!p2 $0x0  }
0x16: {  	s3 =	sld [smem:$0x3FDB];
	s0 =	simm.s32 @p2 $0x1  }
0x17: {  	s4 =	simm.s32 $0x1BF5;
	[smem:$0x3FB5] =	sst s0  }
0x18: {  	s0 =	sld [smem:$0x3F98];
	_ =	swait.ge [sflag:s4], $0x0  }
0x19: {  	s7 =	sld [smem:$0x3F99]  }
0x1a: {  	s8 =	sadd.s32 $0xFFFFE003, lr  }
0x1b: {  	s9 =	sadd.s32 $0xFFFFFEF7, lr;
	s5 =	simm.s32 $0xFFFFFFFF;
	p2 =	slt.u32 s8, $0xFFFFF086  }
0x1c: {  	p1 =	slt.u32 s9, $0xF7A;
	s5 =	simm.s32 @!p2 $0x0  }
0x1d: {  	s5 =	simm.s32 @p1 $0x1;
	p0 =	seq.s32 s7, s2  }
0x1e: {  	s7 =	smul.u32 @!p0 $0xF7A, s2;
	p2 =	seq.s32 @!p0 s5, $0x0  }
0x1f: {  	s9 =	smul.u32 $0xF7A, s1;
	s8 =	simm.s32 @!p0 $0x1BF5;
	p2 =	por !p2, p0  }
0x20: {  	[sflag:s8] =	ssyncset.s32 @!p0 $0xFFFFF086;
	s6 =	sadd.s32 @!p0 s3, s7;
	s7 =	simm.s32 @!p0 $0x108  }
0x21: {  	s3 =	sadd.s32 s3, s9;
	s6 =	sadd.s32 @!p0 $0x88, s6;
	s7 =	simm.s32 @p2 $0x1082  }
0x22: {  	[simem:s7], [sflag:s8] =	dma.local @!p0 [hbm:s6], $0xF7A  }
0x23: {  	s9 =	sor.u32 $0xD0000000, s2;
	s6 =	simm.s32 $0x108;
	_ =	swait.ge @!p0 [sflag:s8], $0x0  }
0x24: {  	s3 =	sadd.s32 $0x88, s3;
	s6 =	simm.s32 @!p1 $0x1082;
	[sflag:s4] =	ssyncset.s32 $0xFFFFF086  }
0x25: {  	[simem:s6], [sflag:s4] =	dma.local [hbm:s3], $0xF7A  }
0x26: {  	[smem:$0x3F99] =	sst s1;
	(tag) =	ssettag s2;
	_ =	strace s9  }
0x27: {  	s1 =	sld [smem:$0x3FA9]  }
0x28: {  	s2 =	sld [smem:$0x3FAA]  }
0x29: {  	s4 =	sld [smem:$0x3FAC]  }
0x2a: {  	p0 =	seq.s32 s5, $0x0;
	s5 =	sld [smem:$0x3FAD]  }
0x2b: {  	s6 =	sld [smem:$0x3FAE]  }
0x2c: {  	s7 =	sld [smem:$0x3FAF]  }
0x2d: {  	s3 =	simm.s32 $0x108;
	s8 =	sld [smem:$0x3FB0]  }
0x2e: {  	s3 =	simm.s32 @!p0 $0x1082;
	s9 =	sld [smem:$0x3FB1]  }
0x2f: {  	lr =	sadd.s32 s0, s3;
	s0 =	sld [smem:$0x3FA8]  }
0x30: {  	s3 =	sld [smem:$0x3FAB]  }
0x31: {  	[smem:$0x3FB4] =	sst s10  }
0x32: {  	s10 =	sld [smem:$0x3FB2];
	_ =	sdelay $0x3  }
0x33: {  	p0 =	seq.s32 s10, $0x1;
	s10 =	sld [smem:$0x3FB4];
	_ =	sdelay $0x3  }
0x34: {  	[smem:$0x3FB4] =	sst s10  }
0x35: {  	s10 =	sld [smem:$0x3FB3];
	_ =	sdelay $0x3  }
0x36: {  	p1 =	seq.s32 s10, $0x1;
	s10 =	sld [smem:$0x3FB4];
	_ =	sdelay $0x3  }
0x37: {  	[smem:$0x3FB4] =	sst s10  }
0x38: {  	s10 =	sld [smem:$0x3FB5]  }
0x39: {  	_ = 	snop;
	(pc) =	sbr.ind lr, $3  }
0x3a: {  	_ = 	snop  }
0x3b: {  	_ = 	snop  }
0x3c: {  	p2 =	seq.s32 s10, $0x1;
	s10 =	sld [smem:$0x3FB4]  }
0x3d: {  	_ =	shalt  }
0x3e: {  	_ =	shalt  }
0x3f: {  	_ =	shalt  }
0x40: {  	_ =	shalt  }
0x41: {  	_ =	shalt  }
0x42: {  	_ =	shalt  }
0x43: {  	_ =	shalt  }
0x44: {  	_ =	shalt  }
0x45: {  	_ =	shalt  }
0x46: {  	_ =	shalt  }
0x47: {  	_ =	shalt  }
0x48: {  	_ =	shalt  }
0x49: {  	_ =	shalt  }
0x4a: {  	_ =	shalt  }
0x4b: {  	_ =	shalt  }
0x4c: {  	_ =	shalt  }
0x4d: {  	_ =	shalt  }
0x4e: {  	_ =	shalt  }
0x4f: {  	_ =	shalt  }
0x50: {  	_ =	shalt  }
0x51: {  	_ =	shalt  }
0x52: {  	_ =	shalt  }
0x53: {  	_ =	shalt  }
0x54: {  	_ =	shalt  }
0x55: {  	_ =	shalt  }
0x56: {  	_ =	shalt  }
0x57: {  	_ =	shalt  }
0x58: {  	_ =	shalt  }
0x59: {  	_ =	shalt  }
0x5a: {  	_ =	shalt  }
0x5b: {  	_ =	shalt  }
0x5c: {  	_ =	shalt  }
0x5d: {  	_ =	shalt  }
0x5e: {  	_ =	shalt  }
0x5f: {  	_ =	shalt  }
0x60: {  	_ =	shalt  }
0x61: {  	_ =	shalt  }
0x62: {  	_ =	shalt  }
0x63: {  	_ =	shalt  }
0x64: {  	_ =	shalt  }
0x65: {  	_ =	shalt  }
0x66: {  	_ =	shalt  }
0x67: {  	_ =	shalt  }
0x68: {  	_ =	shalt  }
0x69: {  	_ =	shalt  }
0x6a: {  	_ =	shalt  }
0x6b: {  	_ =	shalt  }
0x6c: {  	_ =	shalt  }
0x6d: {  	_ =	shalt  }
0x6e: {  	_ =	shalt  }
0x6f: {  	_ =	shalt  }
0x70: {  	_ =	shalt  }
0x71: {  	_ =	shalt  }
0x72: {  	_ =	shalt  }
0x73: {  	_ =	shalt  }
0x74: {  	_ =	shalt  }
0x75: {  	_ =	shalt  }
0x76: {  	_ =	shalt  }
0x77: {  	_ =	shalt  }
0x78: {  	_ =	shalt  }
0x79: {  	_ =	shalt  }
0x7a: {  	_ =	shalt  }
0x7b: {  	_ =	shalt  }
0x7c: {  	_ =	shalt  }
0x7d: {  	_ =	shalt  }
0x7e: {  	_ =	shalt  }
0x7f: {  	_ =	shalt  }
0x80: {  	_ =	shalt  }
0x81: {  	_ =	shalt  }
0x82: {  	_ =	shalt  }
0x83: {  	_ =	shalt  }
0x84: {  	_ =	shalt  }
0x85: {  	_ =	shalt  }
0x86: {  	_ =	shalt  }
0x87: {  	_ =	shalt  }
.Lfunc_end0:
.L_simem_size_0:
called_computation.1_lowered:
.L_overlay_start_0:
0x88: {  	s2 =	sld [smem:$0x3FD9]  }
0x89: {  	s3 =	sld [smem:$0x3FFE];
	_ =	sdelay $0x1  }
0x8a: {  	s1 =	srdreg.scid  }
0x8b: {  	s0 =	sand.u32 $0x1, s1  }
0x8c: {  	s17 =	sshll.u32 s0, $0xA;
	s2 =	sadd.s32 s3, s2  }
0x8d: {  	s2 =	sadd.s32 s2, s17  }
0x8e: {  	[smem:$0x3FC0] =	sst s2  }
0x8f: {  	_ = 	snop  }
0x90: {  	s2 =	sld [smem:$0x3FD0];
	(tm) =	ssettm $0x1  }
0x91: {  	s18 =	sld [smem:$0x3FFB];
	_ =	sdelay $0x3  }
0x92: {  	_ =	strace s18  }
0x93: {  	s3 =	sld [smem:$0x3FFC];
	_ =	sdelay $0x3  }
0x94: {  	_ =	strace s3  }
0x95: {  	s3 =	sld [smem:$0x3FFD];
	_ =	sdelay $0x3  }
0x96: {  	_ =	strace s3  }
0x97: {  	_ =	strace $0x8FFFFFFF  }
0x98: {  	s19 =	sld [smem:$0x3FDB];
	_ =	sdelay $0x1  }
0x99: {  	s4 =	simm.s32 $_scs_section_size  }
0x9a: {  	s5 =	simm.s32 $_size__tile_overlayer_lowered;
	s6 =	simm.s32 $_tile_overlayer_lowered  }
0x9b: {  	s22 =	simm.s32 $0x1BFF;
	s21 =	sshll.u32 s6, $0x1;
	s3 =	sadd.s32 s4, s19  }
0x9c: {  	s7 =	simm.s32 $0x0;
	s20 =	sshll.u32 s5, $0x1;
	s5 =	sadd.s32 s21, s3  }
0x9d: {  	[timem:s7], [sflag:s22] =	dma.local [hbm:s5], s20  }
0x9e: {  	_ =	swait.ge [sflag:s22], s20  }
0x9f: {  	s4 =	ssub.s32 $0x0, s20;
	[sflag:s22] =	ssyncset.done $0x0  }
0xa0: {  	[sflag:s22] =	ssyncadd.s32 s4;
	_ =	sdelay $0x1  }
0xa1: {  	s23 =	simm.s32 $0x1B8B  }
0xa2: {  	_ =	swait.ge [sflag:s23], $0x1  }
0xa3: {  	[sflag:s23] =	ssyncset.done $0x0  }
0xa4: {  	s25 =	simm.s32 $0x1B8E;
	s24 =	sld [smem:$0x3FFE];
	[sflag:s23] =	ssyncadd.s32 $0xFFFFFFFF  }
0xa5: {  	s26 =	simm.s32 $execute0_lowered;
	[smem:$0x3FD2] =	sst s25  }
0xa6: {  	s5 =	sshll.u32 s26, $0x1;
	_ =	strace $0x80000049;
	[dreg:$0x1] =	wrdreg $0xFFFFFFFF  }
0xa7: {  	s28 =	simm.s32 $_size_execute0_lowered;
	s3 =	sadd.s32 s3, s5;
	[dreg:$0x0] =	wrdreg $0x0  }
0xa8: {  	s5 =	sshll.u32 s28, $0x1;
	[dreg:$0x2] =	wrdreg s3  }
0xa9: {  	[dreg:$0x3] =	wrdreg s5  }
0xaa: {  	[dreg:$0x4] =	wrdreg $0xC0  }
0xab: {  	_ =	task [dreg:s7], $0x5FFFF  }
0xac: {  	[dreg:$0x1] =	wrdreg $0xFFFFFFFF  }
0xad: {  	[dreg:$0x0] =	wrdreg $0x60  }
0xae: {  	[dreg:$0x2] =	wrdreg s24  }
0xaf: {  	[dreg:$0x3] =	wrdreg s2  }
0xb0: {  	[dreg:$0x4] =	wrdreg $0x90000  }
0xb1: {  	[dreg:$0x5] =	wrdreg $0x9  }
0xb2: {  	_ =	task.clear_ibuf [dreg:s7], $0x6FFFF;
	_ =	strace $0x90000049  }
0xb3: {  	s29 =	simm.s32 $0x9;
	_ =	strace $0x8000004B  }
0xb4: {  	_ =	swait.ge [sflag:s29], $0x1  }
0xb5: {  	[sflag:s29] =	ssyncadd.s32 $0xFFFFFFFF  }
0xb6: {  	_ =	strace $0x9000004B  }
0xb7: {  	_ =	sfence  }
0xb8: {  	s30 =	sld [smem:$0x0];
	_ =	sdelay $0x2  }
0xb9: {  	s31 =	sshll.u32 s1, $0xD;
	s1 =	sshrl.u32 s1, $0x2  }
0xba: {  	s3 =	sand.u32 $0x4000, s31;
	s1 =	sadd.s32 s1, s30  }
0xbb: {  	s0 =	sor.u32 s3, s0;
	s1 =	sshll.u32 s1, $0x11  }
0xbc: {  	s0 =	sor.u32 s1, s0  }
0xbd: {  	s0 =	sadd.s32 $0x8F2B, s0  }
0xbe: {  	[sflag:s0] =	ssyncadd.remote.s32 $0x1  }
0xbf: {  	_ =	sfence.sel $0xFFFF  }
0xc0: {  	[dreg:$0x0] =	wrdreg $0xFFFFFFFF;
	(pc) =	sbr.abs _section_cstart, $3  }
0xc1: {  	[dreg:$0x1] =	wrdreg $0xFFFFFFFF  }
0xc2: {  	_ =	task.clear_ibuf [dreg:s7], $0x2FFFF;
	_ =	strace $0x9FFFFFFF  }
0xc3: {  	(tm) =	ssettm $0x7FFFFFFF  }
tec
execute0_lowered:
.L_overlay_start_1:
0x0: {  	(tag) =	ssettag $0x1  }
0x1: {  	s0 =	rddreg [dreg:$0x0]  }
0x2: {  	s1 =	srdreg.scid;
	s2 =	rddreg [dreg:$0x1]  }
0x3: {  	s11 =	stileid.u32;
	s3 =	rddreg [dreg:$0x2];
	s4 =	simm.s32 $0x0  }
0x4: {  	s19 =	simm.s32 $0x400;
	s21 =	simm.s32 $0x100;
	s23 =	simm.s32 $0x480  }
0x5: {  	s25 =	simm.s32 $0x180;
	s26 =	simm.s32 $0x500;
	s12 =	simm.s32 $0x200  }
0x6: {  	s13 =	simm.s32 $0x580;
	s28 =	simm.s32 $0xD80;
	[smem:$0x7FF] =	sst s4  }
0x7: {  	s29 =	simm.s32 $0xA80;
	_ =	strace $0x8000004A;
	[dreg:$0x5] =	wrdreg s19  }
0x8: {  	s30 =	simm.s32 $0xE00;
	s6 =	smul.u32 $0x14000, s11;
	[dreg:$0x6] =	wrdreg s21  }
0x9: {  	s31 =	simm.s32 $0xB00;
	s7 =	smul.u32 $0xA000, s11;
	[dreg:$0x7] =	wrdreg s23  }
0xa: {  	s1 =	sand.u32 $0x1, s1;
	s9 =	smul.u32 $0x50000, s11;
	[dreg:$0x8] =	wrdreg s25  }
0xb: {  	s16 =	sshll.u32 s11, $0x1;
	s5 =	smul.u32 $0x140000, s1;
	[dreg:$0x9] =	wrdreg s26  }
0xc: {  	s8 =	smul.u32 $0x5000, s1;
	s14 =	ssub.s32 $0x2, s1;
	[dreg:$0xa] =	wrdreg s12  }
0xd: {  	s1 =	sor.u32 s1, s16;
	[dreg:$0xb] =	wrdreg s13;
	s19 =	simm.s32 $0x680  }
0xe: {  	s21 =	simm.s32 $0x700;
	s23 =	simm.s32 $0x880;
	[dreg:$0xf] =	wrdreg s19  }
0xf: {  	s25 =	simm.s32 $0x900;
	s26 =	simm.s32 $0xC80;
	[dreg:$0x11] =	wrdreg s21  }
0x10: {  	s15 =	sshrl.u32 s14, $0x1;
	s17 =	sshrl.u32 s9, $0x2;
	[dreg:$0x13] =	wrdreg s23  }
0x11: {  	s1 =	smul.u32 $0x5000, s1;
	s19 =	simm.s32 $0x80;
	[dreg:$0x15] =	wrdreg s25  }
0x12: {  	s21 =	simm.s32 $0x5000;
	s23 =	simm.s32 $0x2;
	[dreg:$0x16] =	wrdreg s26  }
0x13: {  	s25 =	simm.s32 $0xD00;
	s26 =	simm.s32 $0xA00;
	s6 =	sadd.s32 s6, s5  }
0x14: {  	s5 =	sadd.s32 $0x3400, s0;
	s7 =	sadd.s32 s8, s7;
	s8 =	ssub.s32 s14, s15  }
0x15: {  	s14 =	simm.s32 $0x280;
	s15 =	simm.s32 $0x600;
	s6 =	sshrl.u32 s6, $0x3  }
0x16: {  	s10 =	sor.u32 $0x800, s7;
	s1 =	sshrl.u32 s1, $0x3;
	[dreg:$0xc] =	wrdreg s14  }
0x17: {  	s16 =	smax.u32 s8, $0x1;
	[dreg:$0xd] =	wrdreg s15;
	s0 =	sadd.s32 s6, s0  }
0x18: {  	s10 =	sshrl.u32 s10, $0x3;
	s1 =	sadd.s32 s2, s1;
	[dreg:$0x1d] =	wrdreg s16  }
0x19: {  	s6 =	sadd.s32 s17, s3;
	s17 =	simm.s32 $0x300;
	[dreg:$0x1b] =	wrdreg s1  }
0x1a: {  	s9 =	simm.s32 $0x0;
	s18 =	sadd.s32 s10, s2;
	[dreg:$0xe] =	wrdreg s17  }
0x1b: {  	s15 =	simm.s32 $0x1000;
	s20 =	sadd.s32 $0x4000, s6;
	[dreg:$0x4] =	wrdreg s18  }
0x1c: {  	s8 =	simm.s32 $0xF80;
	s22 =	sadd.s32 $0x8000, s6;
	[dreg:$0x17] =	wrdreg s20  }
0x1d: {  	s16 =	simm.s32 $0x5;
	s24 =	sadd.s32 $0xC000, s6;
	[dreg:$0x18] =	wrdreg s22  }
0x1e: {  	s11 =	sadd.s32 $0x10000, s6;
	s0 =	sadd.s32 $0x2B400, s0;
	[dreg:$0x19] =	wrdreg s24  }
0x1f: {  	s17 =	simm.s32 $0x1;
	s1 =	simm.s32 $0xE80;
	[dreg:$0x1a] =	wrdreg s11  }
0x20: {  	[dreg:$0x1c] =	wrdreg s0;
	s18 =	sadd.s32 $0x1000, s7;
	s20 =	simm.s32 $0x380  }
0x21: {  	s22 =	simm.s32 $0x780;
	s24 =	simm.s32 $0xC00;
	[dreg:$0x1e] =	wrdreg s18  }
0x22: {  	s0 =	simm.s32 $0xB80;
	s7 =	simm.s32 $0xF00;
	[dreg:$0x10] =	wrdreg s20  }
0x23: {  	s18 =	simm.s32 $0x800;
	[dreg:$0x12] =	wrdreg s22;
	s20 =	simm.s32 $0x3  }
0x24: {  	v0 =	vimm.f32 $0.0e+00;
	[dreg:$0x14] =	wrdreg s24;
	s22 =	simm.s32 $0x4;
	s24 =	simm.s32 $0x980  }
.LBB2_1:
0x25: {  	s10 =	simm.s32 $0x0;
	s12 =	simm.s32 $0x200  }
.LBB2_2:
0x26: {  	p0 =	sne.s32 s12, $0xFE00;
	[tilespmem:s10+$0x1070] =	vst v0  }
0x27: {  	[tilespmem:s10+$0x1000] =	vst v0  }
0x28: {  	[tilespmem:s10+$0x1010] =	vst v0  }
.Ltmp0:
0x29: {  	[tilespmem:s10+$0x1020] =	vst v0;
	(pc) =	sbr.rel @p0 .LBB2_2-.Ltmp0, $4  }
0x2a: {  	[tilespmem:s10+$0x1030] =	vst v0  }
0x2b: {  	[tilespmem:s10+$0x1040] =	vst v0  }
0x2c: {  	[tilespmem:s10+$0x1050] =	vst v0  }
0x2d: {  	[tilespmem:s10+$0x1060] =	vst v0;
	s10 =	sshra.s32 s12, $0x2;
	s12 =	sadd.s32 $0x200, s12  }
0x2e: {  	[tilespmem:s10+$0x1070] =	vst v0  }
0x2f: {  	[tilespmem:s10+$0x1000] =	vst v0  }
0x30: {  	[tilespmem:s10+$0x1010] =	vst v0  }
0x31: {  	[tilespmem:s10+$0x1020] =	vst v0  }
0x32: {  	[tilespmem:s10+$0x1030] =	vst v0  }
0x33: {  	[tilespmem:s10+$0x1040] =	vst v0  }
0x34: {  	[tilespmem:s10+$0x1050] =	vst v0  }
0x35: {  	[tilespmem:s10+$0x1060] =	vst v0  }
0x36: {  	[spmem:s6] =	stream.linear.scatter [tilespmem:s15], [sflag:$0x5], $0x4000, $0x38;
	[tilespmem:$0x1D000] =	vst v63  }
0x37: {  	_ =	swait.ge [sflag:s16], $0x4000  }
0x38: {  	[sflag:s16] =	ssyncset.done $0x0  }
0x39: {  	s14 =	rddreg [dreg:$0x17];
	[sflag:s16] =	ssyncadd.s32 $0xFFFFC000  }
0x3a: {  	[spmem:s14] =	stream.linear.scatter [tilespmem:s15], [sflag:$0x5], $0x4000, $0x38;
	[tilespmem:$0x1D000] =	vst v63  }
0x3b: {  	_ =	swait.ge [sflag:s16], $0x4000  }
0x3c: {  	[sflag:s16] =	ssyncset.done $0x0  }
0x3d: {  	s11 =	rddreg [dreg:$0x18];
	[sflag:s16] =	ssyncadd.s32 $0xFFFFC000  }
0x3e: {  	[spmem:s11] =	stream.linear.scatter [tilespmem:s15], [sflag:$0x5], $0x4000, $0x38;
	[tilespmem:$0x1D000] =	vst v63  }
0x3f: {  	_ =	swait.ge [sflag:s16], $0x4000  }
0x40: {  	[sflag:s16] =	ssyncset.done $0x0  }
0x41: {  	s12 =	rddreg [dreg:$0x19];
	[sflag:s16] =	ssyncadd.s32 $0xFFFFC000  }
0x42: {  	[spmem:s12] =	stream.linear.scatter [tilespmem:s15], [sflag:$0x5], $0x4000, $0x38;
	[tilespmem:$0x1D000] =	vst v63  }
0x43: {  	_ =	swait.ge [sflag:s16], $0x4000  }
0x44: {  	[sflag:s16] =	ssyncset.done $0x0  }
0x45: {  	s13 =	rddreg [dreg:$0x1a];
	[sflag:s16] =	ssyncadd.s32 $0xFFFFC000  }
0x46: {  	[spmem:s13] =	stream.linear.scatter [tilespmem:s15], [sflag:$0x5], $0x4000, $0x38;
	[tilespmem:$0x1D000] =	vst v63  }
0x47: {  	_ =	swait.ge [sflag:s16], $0x4000  }
0x48: {  	[sflag:s16] =	ssyncset.done $0x0  }
0x49: {  	[sflag:s16] =	ssyncadd.s32 $0xFFFFC000  }
0x4a: {  	[bflag:$0x0] =	sbarrier.arrive $0xFFFF  }
0x4b: {  	s14 =	simm.s32 $0x0;
	s11 =	rddreg [dreg:$0x1b]  }
0x4c: {  	[tilespmem:s14], [sflag:$0x1] =	stream.linear.gather [hbm4b:s11+s14], $0x800, $0x38;
	[tilespmem:$0x1D000] =	vst v63  }
0x4d: {  	_ =	swait.ge [sflag:s17], $0x800  }
0x4e: {  	s11 =	rddreg [dreg:$0x4];
	[sflag:s17] =	ssyncset.done $0x0  }
0x4f: {  	[sflag:s17] =	ssyncadd.s32 $0xFFFFF800;
	s10 =	sadd.s32 $0x0, s11  }
0x50: {  	[tilespmem:s18], [sflag:$0x2] =	stream.linear.gather [hbm4b:s10+s4], $0x800, $0x38;
	[tilespmem:$0x1D000] =	vst v63  }
0x51: {  	_ = 	snop  }
0x52: {  	[tilespmem:s15], [sflag:$0x3] =	stream.indirect.gather [hbm4b:s5+s19], $0x80, s4, s19, $0xb8;
	[tilespmem:$0x1D000] =	vst v63  }
0x53: {  	_ =	swait.ge [sflag:s20], $0x4000  }
0x54: {  	[sflag:s20] =	ssyncset.done $0x0  }
0x55: {  	[sflag:s20] =	ssyncadd.s32 $0xFFFFC000  }
0x56: {  	[tilespmem:s21], [sflag:$0x4] =	stream.indirect.gather [hbm4b:s5+s19], $0x80, s19, s19, $0xb8;
	[tilespmem:$0x1D000] =	vst v63  }
0x57: {  	s12 =	rddreg [dreg:$0x5]  }
0x58: {  	[spmem:s3] =	stream.indirect.scatter.add.f32 [tilespmem:s15], [sflag:$0x5], $0x80, s12, s19, $0xb8;
	[tilespmem:$0x1D000] =	vst v63  }
0x59: {  	_ =	swait.ge [sflag:s16], $0x4000  }
0x5a: {  	[sflag:s16] =	ssyncset.done $0x0  }
0x5b: {  	[sflag:s16] =	ssyncadd.s32 $0xFFFFC000  }
0x5c: {  	_ =	swait.ge [sflag:s22], $0x4000  }
0x5d: {  	[sflag:s22] =	ssyncset.done $0x0  }
0x5e: {  	s13 =	rddreg [dreg:$0x6];
	[sflag:s22] =	ssyncadd.s32 $0xFFFFC000  }
0x5f: {  	[tilespmem:s15], [sflag:$0x3] =	stream.indirect.gather [hbm4b:s5+s19], $0x80, s13, s19, $0xb8;
	[tilespmem:$0x1D000] =	vst v63  }
0x60: {  	s12 =	rddreg [dreg:$0x7]  }
0x61: {  	[spmem:s3] =	stream.indirect.scatter.add.f32 [tilespmem:s21], [sflag:$0x5], $0x80, s12, s19, $0xb8;
	[tilespmem:$0x1D000] =	vst v63  }
0x62: {  	_ =	swait.ge [sflag:s16], $0x4000  }
0x63: {  	[sflag:s16] =	ssyncset.done $0x0  }
0x64: {  	[sflag:s16] =	ssyncadd.s32 $0xFFFFC000  }
0x65: {  	_ =	swait.ge [sflag:s20], $0x4000  }
0x66: {  	[sflag:s20] =	ssyncset.done $0x0  }
0x67: {  	s14 =	rddreg [dreg:$0x8];
	[sflag:s20] =	ssyncadd.s32 $0xFFFFC000  }
0x68: {  	[tilespmem:s21], [sflag:$0x4] =	stream.indirect.gather [hbm4b:s5+s19], $0x80, s14, s19, $0xb8;
	[tilespmem:$0x1D000] =	vst v63  }
0x69: {  	s11 =	rddreg [dreg:$0x9]  }
0x6a: {  	[spmem:s3] =	stream.indirect.scatter.add.f32 [tilespmem:s15], [sflag:$0x5], $0x80, s11, s19, $0xb8;
	[tilespmem:$0x1D000] =	vst v63  }
0x6b: {  	_ =	swait.ge [sflag:s16], $0x4000  }
0x6c: {  	[sflag:s16] =	ssyncset.done $0x0  }
0x6d: {  	[sflag:s16] =	ssyncadd.s32 $0xFFFFC000  }
0x6e: {  	_ =	swait.ge [sflag:s22], $0x4000  }
0x6f: {  	[sflag:s22] =	ssyncset.done $0x0  }
0x70: {  	s12 =	rddreg [dreg:$0xa];
	[sflag:s22] =	ssyncadd.s32 $0xFFFFC000  }
0x71: {  	[tilespmem:s15], [sflag:$0x3] =	stream.indirect.gather [hbm4b:s5+s19], $0x80, s12, s19, $0xb8;
	[tilespmem:$0x1D000] =	vst v63  }
0x72: {  	s13 =	rddreg [dreg:$0xb]  }
0x73: {  	[spmem:s3] =	stream.indirect.scatter.add.f32 [tilespmem:s21], [sflag:$0x5], $0x80, s13, s19, $0xb8;
	[tilespmem:$0x1D000] =	vst v63  }
0x74: {  	_ =	swait.ge [sflag:s16], $0x4000  }
0x75: {  	[sflag:s16] =	ssyncset.done $0x0  }
0x76: {  	[sflag:s16] =	ssyncadd.s32 $0xFFFFC000  }
0x77: {  	_ =	swait.ge [sflag:s20], $0x4000  }
0x78: {  	[sflag:s20] =	ssyncset.done $0x0  }
0x79: {  	s14 =	rddreg [dreg:$0xc];
	[sflag:s20] =	ssyncadd.s32 $0xFFFFC000  }
0x7a: {  	[tilespmem:s21], [sflag:$0x4] =	stream.indirect.gather [hbm4b:s5+s19], $0x80, s14, s19, $0xb8;
	[tilespmem:$0x1D000] =	vst v63  }
0x7b: {  	s11 =	rddreg [dreg:$0xd]  }
0x7c: {  	[spmem:s3] =	stream.indirect.scatter.add.f32 [tilespmem:s15], [sflag:$0x5], $0x80, s11, s19, $0xb8;
	[tilespmem:$0x1D000] =	vst v63  }
0x7d: {  	_ =	swait.ge [sflag:s16], $0x4000  }
0x7e: {  	[sflag:s16] =	ssyncset.done $0x0  }
0x7f: {  	[sflag:s16] =	ssyncadd.s32 $0xFFFFC000  }
0x80: {  	_ =	swait.ge [sflag:s22], $0x4000  }
0x81: {  	[sflag:s22] =	ssyncset.done $0x0  }
0x82: {  	s12 =	rddreg [dreg:$0xe];
	[sflag:s22] =	ssyncadd.s32 $0xFFFFC000  }
0x83: {  	[tilespmem:s15], [sflag:$0x3] =	stream.indirect.gather [hbm4b:s5+s19], $0x80, s12, s19, $0xb8;
	[tilespmem:$0x1D000] =	vst v63  }
0x84: {  	s13 =	rddreg [dreg:$0xf]  }
0x85: {  	[spmem:s3] =	stream.indirect.scatter.add.f32 [tilespmem:s21], [sflag:$0x5], $0x80, s13, s19, $0xb8;
	[tilespmem:$0x1D000] =	vst v63  }
0x86: {  	_ =	swait.ge [sflag:s16], $0x4000  }
0x87: {  	[sflag:s16] =	ssyncset.done $0x0  }
0x88: {  	[sflag:s16] =	ssyncadd.s32 $0xFFFFC000  }
0x89: {  	_ =	swait.ge [sflag:s20], $0x4000  }
0x8a: {  	[sflag:s20] =	ssyncset.done $0x0  }
0x8b: {  	s14 =	rddreg [dreg:$0x10];
	[sflag:s20] =	ssyncadd.s32 $0xFFFFC000  }
0x8c: {  	[tilespmem:s21], [sflag:$0x4] =	stream.indirect.gather [hbm4b:s5+s19], $0x80, s14, s19, $0xb8;
	[tilespmem:$0x1D000] =	vst v63  }
0x8d: {  	s11 =	rddreg [dreg:$0x11]  }
0x8e: {  	[spmem:s3] =	stream.indirect.scatter.add.f32 [tilespmem:s15], [sflag:$0x5], $0x80, s11, s19, $0xb8;
	[tilespmem:$0x1D000] =	vst v63  }
0x8f: {  	_ =	swait.ge [sflag:s16], $0x4000  }
0x90: {  	[sflag:s16] =	ssyncset.done $0x0  }
0x91: {  	[sflag:s16] =	ssyncadd.s32 $0xFFFFC000  }
0x92: {  	_ =	swait.ge [sflag:s22], $0x4000  }
0x93: {  	[sflag:s22] =	ssyncset.done $0x0  }
0x94: {  	s12 =	rddreg [dreg:$0x12];
	[sflag:s22] =	ssyncadd.s32 $0xFFFFC000  }
0x95: {  	[spmem:s3] =	stream.indirect.scatter.add.f32 [tilespmem:s21], [sflag:$0x5], $0x80, s12, s19, $0xb8;
	[tilespmem:$0x1D000] =	vst v63  }
0x96: {  	_ =	swait.ge [sflag:s16], $0x4000  }
0x97: {  	[sflag:s16] =	ssyncset.done $0x0  }
0x98: {  	[sflag:s16] =	ssyncadd.s32 $0xFFFFC000  }
0x99: {  	_ =	swait.ge [sflag:s23], $0x800  }
0x9a: {  	p0 =	por $0x0, $0x0;
	s14 =	rddreg [dreg:$0x1e]  }
0x9b: {  	[sflag:s23] =	ssyncset.done $0x0;
	s10 =	sshrl.u32 @!p0 s14, $0x3  }
0x9c: {  	s12 =	simm.s32 @!p0 $0x0;
	[sflag:s23] =	ssyncadd.s32 $0xFFFFF800;
	s10 =	sadd.s32 @!p0 s2, s10  }
0x9d: {  	[tilespmem:s12], [sflag:$0x1] =	stream.linear.gather @!p0 [hbm4b:s10+s12], $0x800, $0x38;
	[tilespmem:$0x1D000] =	vst v63  }
0x9e: {  	_ = 	snop  }
0x9f: {  	[tilespmem:s15], [sflag:$0x3] =	stream.indirect.gather [hbm4b:s5+s19], $0x80, s18, s19, $0xb8;
	[tilespmem:$0x1D000] =	vst v63  }
0xa0: {  	_ =	swait.ge [sflag:s20], $0x4000  }
0xa1: {  	[sflag:s20] =	ssyncset.done $0x0  }
0xa2: {  	s13 =	rddreg [dreg:$0x13];
	[sflag:s20] =	ssyncadd.s32 $0xFFFFC000  }
0xa3: {  	[tilespmem:s21], [sflag:$0x4] =	stream.indirect.gather [hbm4b:s5+s19], $0x80, s13, s19, $0xb8;
	[tilespmem:$0x1D000] =	vst v63  }
0xa4: {  	s11 =	rddreg [dreg:$0x14]  }
0xa5: {  	[spmem:s3] =	stream.indirect.scatter.add.f32 [tilespmem:s15], [sflag:$0x5], $0x80, s11, s19, $0xb8;
	[tilespmem:$0x1D000] =	vst v63  }
0xa6: {  	_ =	swait.ge [sflag:s16], $0x4000  }
0xa7: {  	[sflag:s16] =	ssyncset.done $0x0  }
0xa8: {  	[sflag:s16] =	ssyncadd.s32 $0xFFFFC000  }
0xa9: {  	_ =	swait.ge [sflag:s22], $0x4000  }
0xaa: {  	[sflag:s22] =	ssyncset.done $0x0  }
0xab: {  	s12 =	rddreg [dreg:$0x15];
	[sflag:s22] =	ssyncadd.s32 $0xFFFFC000  }
0xac: {  	[tilespmem:s15], [sflag:$0x3] =	stream.indirect.gather [hbm4b:s5+s19], $0x80, s12, s19, $0xb8;
	[tilespmem:$0x1D000] =	vst v63  }
0xad: {  	s13 =	rddreg [dreg:$0x16]  }
0xae: {  	[spmem:s3] =	stream.indirect.scatter.add.f32 [tilespmem:s21], [sflag:$0x5], $0x80, s13, s19, $0xb8;
	[tilespmem:$0x1D000] =	vst v63  }
0xaf: {  	_ =	swait.ge [sflag:s16], $0x4000  }
0xb0: {  	[sflag:s16] =	ssyncset.done $0x0  }
0xb1: {  	[sflag:s16] =	ssyncadd.s32 $0xFFFFC000  }
0xb2: {  	_ =	swait.ge [sflag:s20], $0x4000  }
0xb3: {  	[sflag:s20] =	ssyncset.done $0x0  }
0xb4: {  	[sflag:s20] =	ssyncadd.s32 $0xFFFFC000  }
0xb5: {  	[tilespmem:s21], [sflag:$0x4] =	stream.indirect.gather [hbm4b:s5+s19], $0x80, s24, s19, $0xb8;
	[tilespmem:$0x1D000] =	vst v63  }
0xb6: {  	_ = 	snop  }
0xb7: {  	[spmem:s3] =	stream.indirect.scatter.add.f32 [tilespmem:s15], [sflag:$0x5], $0x80, s25, s19, $0xb8;
	[tilespmem:$0x1D000] =	vst v63  }
0xb8: {  	_ =	swait.ge [sflag:s16], $0x4000  }
0xb9: {  	[sflag:s16] =	ssyncset.done $0x0  }
0xba: {  	[sflag:s16] =	ssyncadd.s32 $0xFFFFC000  }
0xbb: {  	_ =	swait.ge [sflag:s22], $0x4000  }
0xbc: {  	[sflag:s22] =	ssyncset.done $0x0  }
0xbd: {  	[sflag:s22] =	ssyncadd.s32 $0xFFFFC000  }
0xbe: {  	[tilespmem:s15], [sflag:$0x3] =	stream.indirect.gather [hbm4b:s5+s19], $0x80, s26, s19, $0xb8;
	[tilespmem:$0x1D000] =	vst v63  }
0xbf: {  	_ = 	snop  }
0xc0: {  	[spmem:s3] =	stream.indirect.scatter.add.f32 [tilespmem:s21], [sflag:$0x5], $0x80, s28, s19, $0xb8;
	[tilespmem:$0x1D000] =	vst v63  }
0xc1: {  	_ =	swait.ge [sflag:s16], $0x4000  }
0xc2: {  	[sflag:s16] =	ssyncset.done $0x0  }
0xc3: {  	[sflag:s16] =	ssyncadd.s32 $0xFFFFC000  }
0xc4: {  	_ =	swait.ge [sflag:s20], $0x4000  }
0xc5: {  	[sflag:s20] =	ssyncset.done $0x0  }
0xc6: {  	[sflag:s20] =	ssyncadd.s32 $0xFFFFC000  }
0xc7: {  	[tilespmem:s21], [sflag:$0x4] =	stream.indirect.gather [hbm4b:s5+s19], $0x80, s29, s19, $0xb8;
	[tilespmem:$0x1D000] =	vst v63  }
0xc8: {  	_ = 	snop  }
0xc9: {  	[spmem:s3] =	stream.indirect.scatter.add.f32 [tilespmem:s15], [sflag:$0x5], $0x80, s30, s19, $0xb8;
	[tilespmem:$0x1D000] =	vst v63  }
0xca: {  	_ =	swait.ge [sflag:s16], $0x4000  }
0xcb: {  	[sflag:s16] =	ssyncset.done $0x0  }
0xcc: {  	[sflag:s16] =	ssyncadd.s32 $0xFFFFC000  }
0xcd: {  	_ =	swait.ge [sflag:s22], $0x4000  }
0xce: {  	[sflag:s22] =	ssyncset.done $0x0  }
0xcf: {  	[sflag:s22] =	ssyncadd.s32 $0xFFFFC000  }
0xd0: {  	[tilespmem:s15], [sflag:$0x3] =	stream.indirect.gather [hbm4b:s5+s19], $0x80, s31, s19, $0xb8;
	[tilespmem:$0x1D000] =	vst v63  }
0xd1: {  	_ = 	snop  }
0xd2: {  	[spmem:s3] =	stream.indirect.scatter.add.f32 [tilespmem:s21], [sflag:$0x5], $0x80, s1, s19, $0xb8;
	[tilespmem:$0x1D000] =	vst v63  }
0xd3: {  	_ =	swait.ge [sflag:s16], $0x4000  }
0xd4: {  	[sflag:s16] =	ssyncset.done $0x0  }
0xd5: {  	[sflag:s16] =	ssyncadd.s32 $0xFFFFC000  }
0xd6: {  	_ =	swait.ge [sflag:s20], $0x4000  }
0xd7: {  	[sflag:s20] =	ssyncset.done $0x0  }
0xd8: {  	[sflag:s20] =	ssyncadd.s32 $0xFFFFC000  }
0xd9: {  	[tilespmem:s21], [sflag:$0x4] =	stream.indirect.gather [hbm4b:s5+s19], $0x80, s0, s19, $0xb8;
	[tilespmem:$0x1D000] =	vst v63  }
0xda: {  	_ = 	snop  }
0xdb: {  	[spmem:s3] =	stream.indirect.scatter.add.f32 [tilespmem:s15], [sflag:$0x5], $0x80, s7, s19, $0xb8;
	[tilespmem:$0x1D000] =	vst v63  }
0xdc: {  	_ =	swait.ge [sflag:s16], $0x4000  }
0xdd: {  	[sflag:s16] =	ssyncset.done $0x0  }
0xde: {  	[sflag:s16] =	ssyncadd.s32 $0xFFFFC000  }
0xdf: {  	_ =	swait.ge [sflag:s22], $0x4000  }
0xe0: {  	[sflag:s22] =	ssyncset.done $0x0  }
0xe1: {  	[sflag:s22] =	ssyncadd.s32 $0xFFFFC000  }
0xe2: {  	[spmem:s3] =	stream.indirect.scatter.add.f32 [tilespmem:s21], [sflag:$0x5], $0x80, s8, s19, $0xb8;
	[tilespmem:$0x1D000] =	vst v63  }
0xe3: {  	_ =	swait.ge [sflag:s16], $0x4000  }
0xe4: {  	s10 =	simm.s32 $0x200;
	[sflag:s16] =	ssyncset.done $0x0  }
.LBB2_4:
0xe5: {  	[sflag:s16] =	ssyncadd.s32 $0xFFFFC000  }
0xe6: {  	_ =	swait.ge [sflag:s17], $0x800  }
0xe7: {  	s12 =	smov.u32 s10;
	s13 =	rddreg [dreg:$0x4];
	[sflag:s17] =	ssyncset.done $0x0  }
0xe8: {  	[sflag:s17] =	ssyncadd.s32 $0xFFFFF800;
	s13 =	sadd.s32 s12, s13  }
0xe9: {  	[tilespmem:s18], [sflag:$0x2] =	stream.linear.gather [hbm4b:s13+s4], $0x800, $0x38;
	[tilespmem:$0x1D000] =	vst v63  }
0xea: {  	_ = 	snop  }
0xeb: {  	[tilespmem:s15], [sflag:$0x3] =	stream.indirect.gather [hbm4b:s5+s19], $0x80, s4, s19, $0xb8;
	[tilespmem:$0x1D000] =	vst v63  }
0xec: {  	_ =	swait.ge [sflag:s20], $0x4000  }
0xed: {  	[sflag:s20] =	ssyncset.done $0x0  }
0xee: {  	[sflag:s20] =	ssyncadd.s32 $0xFFFFC000  }
0xef: {  	[tilespmem:s21], [sflag:$0x4] =	stream.indirect.gather [hbm4b:s5+s19], $0x80, s19, s19, $0xb8;
	[tilespmem:$0x1D000] =	vst v63  }
0xf0: {  	s11 =	rddreg [dreg:$0x5]  }
0xf1: {  	[spmem:s3] =	stream.indirect.scatter.add.f32 [tilespmem:s15], [sflag:$0x5], $0x80, s11, s19, $0xb8;
	[tilespmem:$0x1D000] =	vst v63  }
0xf2: {  	_ =	swait.ge [sflag:s16], $0x4000  }
0xf3: {  	[sflag:s16] =	ssyncset.done $0x0  }
0xf4: {  	[sflag:s16] =	ssyncadd.s32 $0xFFFFC000  }
0xf5: {  	_ =	swait.ge [sflag:s22], $0x4000  }
0xf6: {  	[sflag:s22] =	ssyncset.done $0x0  }
0xf7: {  	s13 =	rddreg [dreg:$0x6];
	[sflag:s22] =	ssyncadd.s32 $0xFFFFC000  }
0xf8: {  	[tilespmem:s15], [sflag:$0x3] =	stream.indirect.gather [hbm4b:s5+s19], $0x80, s13, s19, $0xb8;
	[tilespmem:$0x1D000] =	vst v63  }
0xf9: {  	s11 =	rddreg [dreg:$0x7]  }
0xfa: {  	[spmem:s3] =	stream.indirect.scatter.add.f32 [tilespmem:s21], [sflag:$0x5], $0x80, s11, s19, $0xb8;
	[tilespmem:$0x1D000] =	vst v63  }
0xfb: {  	_ =	swait.ge [sflag:s16], $0x4000  }
0xfc: {  	[sflag:s16] =	ssyncset.done $0x0  }
0xfd: {  	[sflag:s16] =	ssyncadd.s32 $0xFFFFC000  }
0xfe: {  	_ =	swait.ge [sflag:s20], $0x4000  }
0xff: {  	[sflag:s20] =	ssyncset.done $0x0  }
0x100: {  	s11 =	rddreg [dreg:$0x8];
	[sflag:s20] =	ssyncadd.s32 $0xFFFFC000  }
0x101: {  	[tilespmem:s21], [sflag:$0x4] =	stream.indirect.gather [hbm4b:s5+s19], $0x80, s11, s19, $0xb8;
	[tilespmem:$0x1D000] =	vst v63  }
0x102: {  	s13 =	rddreg [dreg:$0x9]  }
0x103: {  	[spmem:s3] =	stream.indirect.scatter.add.f32 [tilespmem:s15], [sflag:$0x5], $0x80, s13, s19, $0xb8;
	[tilespmem:$0x1D000] =	vst v63  }
0x104: {  	_ =	swait.ge [sflag:s16], $0x4000  }
0x105: {  	[sflag:s16] =	ssyncset.done $0x0  }
0x106: {  	[sflag:s16] =	ssyncadd.s32 $0xFFFFC000  }
0x107: {  	_ =	swait.ge [sflag:s22], $0x4000  }
0x108: {  	[sflag:s22] =	ssyncset.done $0x0  }
0x109: {  	s11 =	rddreg [dreg:$0xa];
	[sflag:s22] =	ssyncadd.s32 $0xFFFFC000  }
0x10a: {  	[tilespmem:s15], [sflag:$0x3] =	stream.indirect.gather [hbm4b:s5+s19], $0x80, s11, s19, $0xb8;
	[tilespmem:$0x1D000] =	vst v63  }
0x10b: {  	s13 =	rddreg [dreg:$0xb]  }
0x10c: {  	[spmem:s3] =	stream.indirect.scatter.add.f32 [tilespmem:s21], [sflag:$0x5], $0x80, s13, s19, $0xb8;
	[tilespmem:$0x1D000] =	vst v63  }
0x10d: {  	_ =	swait.ge [sflag:s16], $0x4000  }
0x10e: {  	[sflag:s16] =	ssyncset.done $0x0  }
0x10f: {  	[sflag:s16] =	ssyncadd.s32 $0xFFFFC000  }
0x110: {  	_ =	swait.ge [sflag:s20], $0x4000  }
0x111: {  	[sflag:s20] =	ssyncset.done $0x0  }
0x112: {  	s11 =	rddreg [dreg:$0xc];
	[sflag:s20] =	ssyncadd.s32 $0xFFFFC000  }
0x113: {  	[tilespmem:s21], [sflag:$0x4] =	stream.indirect.gather [hbm4b:s5+s19], $0x80, s11, s19, $0xb8;
	[tilespmem:$0x1D000] =	vst v63  }
0x114: {  	s13 =	rddreg [dreg:$0xd]  }
0x115: {  	[spmem:s3] =	stream.indirect.scatter.add.f32 [tilespmem:s15], [sflag:$0x5], $0x80, s13, s19, $0xb8;
	[tilespmem:$0x1D000] =	vst v63  }
0x116: {  	_ =	swait.ge [sflag:s16], $0x4000  }
0x117: {  	[sflag:s16] =	ssyncset.done $0x0  }
0x118: {  	[sflag:s16] =	ssyncadd.s32 $0xFFFFC000  }
0x119: {  	_ =	swait.ge [sflag:s22], $0x4000  }
0x11a: {  	[sflag:s22] =	ssyncset.done $0x0  }
0x11b: {  	s11 =	rddreg [dreg:$0xe];
	[sflag:s22] =	ssyncadd.s32 $0xFFFFC000  }
0x11c: {  	[tilespmem:s15], [sflag:$0x3] =	stream.indirect.gather [hbm4b:s5+s19], $0x80, s11, s19, $0xb8;
	[tilespmem:$0x1D000] =	vst v63  }
0x11d: {  	s13 =	rddreg [dreg:$0xf]  }
0x11e: {  	[spmem:s3] =	stream.indirect.scatter.add.f32 [tilespmem:s21], [sflag:$0x5], $0x80, s13, s19, $0xb8;
	[tilespmem:$0x1D000] =	vst v63  }
0x11f: {  	_ =	swait.ge [sflag:s16], $0x4000  }
0x120: {  	[sflag:s16] =	ssyncset.done $0x0  }
0x121: {  	[sflag:s16] =	ssyncadd.s32 $0xFFFFC000  }
0x122: {  	_ =	swait.ge [sflag:s20], $0x4000  }
0x123: {  	[sflag:s20] =	ssyncset.done $0x0  }
0x124: {  	s11 =	rddreg [dreg:$0x10];
	[sflag:s20] =	ssyncadd.s32 $0xFFFFC000  }
0x125: {  	[tilespmem:s21], [sflag:$0x4] =	stream.indirect.gather [hbm4b:s5+s19], $0x80, s11, s19, $0xb8;
	[tilespmem:$0x1D000] =	vst v63  }
0x126: {  	s13 =	rddreg [dreg:$0x11]  }
0x127: {  	[spmem:s3] =	stream.indirect.scatter.add.f32 [tilespmem:s15], [sflag:$0x5], $0x80, s13, s19, $0xb8;
	[tilespmem:$0x1D000] =	vst v63  }
0x128: {  	_ =	swait.ge [sflag:s16], $0x4000  }
0x129: {  	[sflag:s16] =	ssyncset.done $0x0  }
0x12a: {  	[sflag:s16] =	ssyncadd.s32 $0xFFFFC000  }
0x12b: {  	_ =	swait.ge [sflag:s22], $0x4000  }
0x12c: {  	[sflag:s22] =	ssyncset.done $0x0  }
0x12d: {  	s13 =	rddreg [dreg:$0x12];
	[sflag:s22] =	ssyncadd.s32 $0xFFFFC000  }
0x12e: {  	[spmem:s3] =	stream.indirect.scatter.add.f32 [tilespmem:s21], [sflag:$0x5], $0x80, s13, s19, $0xb8;
	[tilespmem:$0x1D000] =	vst v63  }
0x12f: {  	_ =	swait.ge [sflag:s16], $0x4000  }
0x130: {  	[sflag:s16] =	ssyncset.done $0x0  }
0x131: {  	[sflag:s16] =	ssyncadd.s32 $0xFFFFC000  }
0x132: {  	s14 =	sadd.s32 $0x1000, s14;
	p1 =	seq.s32 s12, $0x800;
	_ =	swait.ge [sflag:s23], $0x800  }
0x133: {  	s11 =	sshrl.u32 @!p1 s14, $0x3;
	[sflag:s23] =	ssyncset.done $0x0  }
0x134: {  	s12 =	simm.s32 @!p1 $0x0;
	s11 =	sadd.s32 @!p1 s2, s11;
	[sflag:s23] =	ssyncadd.s32 $0xFFFFF800  }
0x135: {  	[tilespmem:s12], [sflag:$0x1] =	stream.linear.gather @!p1 [hbm4b:s11+s12], $0x800, $0x38;
	[tilespmem:$0x1D000] =	vst v63  }
0x136: {  	_ = 	snop  }
0x137: {  	[tilespmem:s15], [sflag:$0x3] =	stream.indirect.gather [hbm4b:s5+s19], $0x80, s18, s19, $0xb8;
	[tilespmem:$0x1D000] =	vst v63  }
0x138: {  	_ =	swait.ge [sflag:s20], $0x4000  }
0x139: {  	[sflag:s20] =	ssyncset.done $0x0  }
0x13a: {  	s12 =	rddreg [dreg:$0x13];
	[sflag:s20] =	ssyncadd.s32 $0xFFFFC000  }
0x13b: {  	[tilespmem:s21], [sflag:$0x4] =	stream.indirect.gather [hbm4b:s5+s19], $0x80, s12, s19, $0xb8;
	[tilespmem:$0x1D000] =	vst v63  }
0x13c: {  	s13 =	rddreg [dreg:$0x14]  }
0x13d: {  	[spmem:s3] =	stream.indirect.scatter.add.f32 [tilespmem:s15], [sflag:$0x5], $0x80, s13, s19, $0xb8;
	[tilespmem:$0x1D000] =	vst v63  }
0x13e: {  	_ =	swait.ge [sflag:s16], $0x4000  }
0x13f: {  	[sflag:s16] =	ssyncset.done $0x0  }
0x140: {  	[sflag:s16] =	ssyncadd.s32 $0xFFFFC000  }
0x141: {  	_ =	swait.ge [sflag:s22], $0x4000  }
0x142: {  	[sflag:s22] =	ssyncset.done $0x0  }
0x143: {  	s12 =	rddreg [dreg:$0x15];
	[sflag:s22] =	ssyncadd.s32 $0xFFFFC000  }
0x144: {  	[tilespmem:s15], [sflag:$0x3] =	stream.indirect.gather [hbm4b:s5+s19], $0x80, s12, s19, $0xb8;
	[tilespmem:$0x1D000] =	vst v63  }
0x145: {  	s13 =	rddreg [dreg:$0x16]  }
0x146: {  	[spmem:s3] =	stream.indirect.scatter.add.f32 [tilespmem:s21], [sflag:$0x5], $0x80, s13, s19, $0xb8;
	[tilespmem:$0x1D000] =	vst v63  }
0x147: {  	_ =	swait.ge [sflag:s16], $0x4000  }
0x148: {  	[sflag:s16] =	ssyncset.done $0x0  }
0x149: {  	[sflag:s16] =	ssyncadd.s32 $0xFFFFC000  }
0x14a: {  	_ =	swait.ge [sflag:s20], $0x4000  }
0x14b: {  	[sflag:s20] =	ssyncset.done $0x0  }
0x14c: {  	[sflag:s20] =	ssyncadd.s32 $0xFFFFC000  }
0x14d: {  	[tilespmem:s21], [sflag:$0x4] =	stream.indirect.gather [hbm4b:s5+s19], $0x80, s24, s19, $0xb8;
	[tilespmem:$0x1D000] =	vst v63  }
0x14e: {  	_ = 	snop  }
0x14f: {  	[spmem:s3] =	stream.indirect.scatter.add.f32 [tilespmem:s15], [sflag:$0x5], $0x80, s25, s19, $0xb8;
	[tilespmem:$0x1D000] =	vst v63  }
0x150: {  	_ =	swait.ge [sflag:s16], $0x4000  }
0x151: {  	[sflag:s16] =	ssyncset.done $0x0  }
0x152: {  	[sflag:s16] =	ssyncadd.s32 $0xFFFFC000  }
0x153: {  	_ =	swait.ge [sflag:s22], $0x4000  }
0x154: {  	[sflag:s22] =	ssyncset.done $0x0  }
0x155: {  	[sflag:s22] =	ssyncadd.s32 $0xFFFFC000  }
0x156: {  	[tilespmem:s15], [sflag:$0x3] =	stream.indirect.gather [hbm4b:s5+s19], $0x80, s26, s19, $0xb8;
	[tilespmem:$0x1D000] =	vst v63  }
0x157: {  	_ = 	snop  }
0x158: {  	[spmem:s3] =	stream.indirect.scatter.add.f32 [tilespmem:s21], [sflag:$0x5], $0x80, s28, s19, $0xb8;
	[tilespmem:$0x1D000] =	vst v63  }
0x159: {  	_ =	swait.ge [sflag:s16], $0x4000  }
0x15a: {  	[sflag:s16] =	ssyncset.done $0x0  }
0x15b: {  	[sflag:s16] =	ssyncadd.s32 $0xFFFFC000  }
0x15c: {  	_ =	swait.ge [sflag:s20], $0x4000  }
0x15d: {  	[sflag:s20] =	ssyncset.done $0x0  }
0x15e: {  	[sflag:s20] =	ssyncadd.s32 $0xFFFFC000  }
0x15f: {  	[tilespmem:s21], [sflag:$0x4] =	stream.indirect.gather [hbm4b:s5+s19], $0x80, s29, s19, $0xb8;
	[tilespmem:$0x1D000] =	vst v63  }
0x160: {  	_ = 	snop  }
0x161: {  	[spmem:s3] =	stream.indirect.scatter.add.f32 [tilespmem:s15], [sflag:$0x5], $0x80, s30, s19, $0xb8;
	[tilespmem:$0x1D000] =	vst v63  }
0x162: {  	_ =	swait.ge [sflag:s16], $0x4000  }
0x163: {  	[sflag:s16] =	ssyncset.done $0x0  }
0x164: {  	[sflag:s16] =	ssyncadd.s32 $0xFFFFC000  }
0x165: {  	_ =	swait.ge [sflag:s22], $0x4000  }
0x166: {  	[sflag:s22] =	ssyncset.done $0x0  }
0x167: {  	[sflag:s22] =	ssyncadd.s32 $0xFFFFC000  }
0x168: {  	[tilespmem:s15], [sflag:$0x3] =	stream.indirect.gather [hbm4b:s5+s19], $0x80, s31, s19, $0xb8;
	[tilespmem:$0x1D000] =	vst v63  }
0x169: {  	_ = 	snop  }
0x16a: {  	[spmem:s3] =	stream.indirect.scatter.add.f32 [tilespmem:s21], [sflag:$0x5], $0x80, s1, s19, $0xb8;
	[tilespmem:$0x1D000] =	vst v63  }
0x16b: {  	_ =	swait.ge [sflag:s16], $0x4000  }
0x16c: {  	[sflag:s16] =	ssyncset.done $0x0  }
0x16d: {  	[sflag:s16] =	ssyncadd.s32 $0xFFFFC000  }
0x16e: {  	_ =	swait.ge [sflag:s20], $0x4000  }
0x16f: {  	[sflag:s20] =	ssyncset.done $0x0  }
0x170: {  	[sflag:s20] =	ssyncadd.s32 $0xFFFFC000  }
0x171: {  	[tilespmem:s21], [sflag:$0x4] =	stream.indirect.gather [hbm4b:s5+s19], $0x80, s0, s19, $0xb8;
	[tilespmem:$0x1D000] =	vst v63  }
0x172: {  	_ = 	snop  }
0x173: {  	[spmem:s3] =	stream.indirect.scatter.add.f32 [tilespmem:s15], [sflag:$0x5], $0x80, s7, s19, $0xb8;
	[tilespmem:$0x1D000] =	vst v63  }
0x174: {  	_ =	swait.ge [sflag:s16], $0x4000  }
0x175: {  	[sflag:s16] =	ssyncset.done $0x0  }
0x176: {  	s10 =	sadd.s32 $0x200, s10;
	[sflag:s16] =	ssyncadd.s32 $0xFFFFC000  }
0x177: {  	p0 =	sne.s32 s10, $0xA00;
	_ =	swait.ge [sflag:s22], $0x4000  }
.Ltmp1:
0x178: {  	[sflag:s22] =	ssyncset.done $0x0;
	(pc) =	sbr.rel @p0 .LBB2_4-.Ltmp1, $4  }
0x179: {  	[sflag:s22] =	ssyncadd.s32 $0xFFFFC000  }
0x17a: {  	[spmem:s3] =	stream.indirect.scatter.add.f32 [tilespmem:s21], [sflag:$0x5], $0x80, s8, s19, $0xb8;
	[tilespmem:$0x1D000] =	vst v63  }
0x17b: {  	_ =	swait.ge [sflag:s16], $0x4000  }
0x17c: {  	[sflag:s16] =	ssyncset.done $0x0  }
0x17d: {  	[sflag:s16] =	ssyncadd.s32 $0xFFFFC000;
	s10 =	simm.s32 $0x0  }
0x17e: {  	s12 =	simm.s32 $0x80;
	[bflag:$0x0] =	sbarrier.arrive $0xFFFF;
	s10 =	sand.u32 $0x3F80, s10  }
.LBB2_6:
0x17f: {  	p0 =	sne.s32 s12, $0x1FF80;
	[tilespmem:s10+$0x1070] =	vst v0  }
0x180: {  	[tilespmem:s10+$0x1000] =	vst v0  }
0x181: {  	[tilespmem:s10+$0x1010] =	vst v0  }
.Ltmp2:
0x182: {  	[tilespmem:s10+$0x1020] =	vst v0;
	(pc) =	sbr.rel @p0 .LBB2_6-.Ltmp2, $4  }
0x183: {  	[tilespmem:s10+$0x1030] =	vst v0  }
0x184: {  	[tilespmem:s10+$0x1040] =	vst v0  }
0x185: {  	[tilespmem:s10+$0x1050] =	vst v0  }
0x186: {  	[tilespmem:s10+$0x1060] =	vst v0;
	s10 =	sand.u32 $0x3F80, s12;
	s12 =	sadd.s32 $0x80, s12  }
0x187: {  	[tilespmem:s10+$0x1070] =	vst v0  }
0x188: {  	[tilespmem:s10+$0x1000] =	vst v0  }
0x189: {  	[tilespmem:s10+$0x1010] =	vst v0  }
0x18a: {  	[tilespmem:s10+$0x1020] =	vst v0  }
0x18b: {  	[tilespmem:s10+$0x1030] =	vst v0  }
0x18c: {  	[tilespmem:s10+$0x1040] =	vst v0  }
0x18d: {  	[tilespmem:s10+$0x1050] =	vst v0  }
0x18e: {  	[tilespmem:s10+$0x1060] =	vst v0;
	s13 =	stileid.u32  }
0x18f: {  	s10 =	sshll.u32 s13, $0x6;
	[bflag:$0x0] =	sbarrier.arrive $0xFFFF  }
0x190: {  	s11 =	sshrl.u32 s6, $0x3;
	s10 =	sor.u32 $0x1C05, s10;
	s12 =	rddreg [dreg:$0x1c]  }
0x191: {  	[hbm:s12], [sflag:s10] =	dma.local [spmem:s11], $0x2800  }
0x192: {  	_ =	swait.ge [sflag:s16], $0x2800  }
0x193: {  	s9 =	sadd.s32 $0x1, s9;
	s14 =	rddreg [dreg:$0x1d]  }
0x194: {  	p0 =	sne.s32 s9, s14  }
.Ltmp3:
0x195: {  	_ = 	snop;
	(pc) =	sbr.rel @p0 .LBB2_1-.Ltmp3, $3  }
0x196: {  	_ =	sdelay $0x1  }
0x197: {  	[sflag:s16] =	ssyncset.done $0x0  }
0x198: {  	[sflag:s16] =	ssyncadd.s32 $0xFFFFD800  }
0x199: {  	_ =	sfence.sel $0x180000  }
0x19a: {  	[bflag:$0x0] =	sbarrier.arrive $0xFFFF  }
0x19b: {  	_ =	strace $0x9000004A  }
0x19c: {  	s0 =	stileid.u32;
	[bflag:$0x2] =	sbarrier.arrive $0xFFFF  }
0x19d: {  	p0 =	sne.s32 s0, $0x0;
	s0 =	rddreg [dreg:$0x3]  }
0x19e: {  	s0 =	sadd.s32 @!p0 $0x100000, s0  }
0x19f: {  	[sflag:s0] =	ssyncadd.tile.s32 @!p0 $0x1;
	_ =	shalt  }
.Lfunc_end2:
_tile_overlayer_lowered:
.L_overlay_start_2:
0x1a0: {  	(tag) =	ssettag $0x2  }
0x1a1: {  	s0 =	rddreg [dreg:$0x0];
	s2 =	stileid.u32  }
0x1a2: {  	s1 =	rddreg [dreg:$0x1];
	p0 =	sne.s32 s2, $0x0  }
0x1a3: {  	s3 =	rddreg [dreg:$0x2];
	[bflag:$0x3] =	sbarrier.arrive $0xFFFF;
	s2 =	simm.s32 @!p0 $0x1C05  }
0x1a4: {  	[timem:s3], [sflag:s2] =	dma.local @!p0 [hbm:s0], s1  }
0x1a5: {  	s0 =	simm.s32 @!p0 $0x5  }
0x1a6: {  	_ =	swait.ge @!p0 [sflag:s0], s1  }
0x1a7: {  	s1 =	ssub.s32 @!p0 $0x0, s1;
	[sflag:s0] =	ssyncset.done @!p0 $0x0  }
0x1a8: {  	[sflag:s0] =	ssyncadd.s32 @!p0 s1  }
0x1a9: {  	[bflag:$0x3] =	sbarrier.arrive $0xFFFF  }
0x1aa: {  	_ =	shalt  }

// kernel: kernel.16.cloned.1.call-start
scs
__scs_entry_jumppad:
0x0: {  	(pc) =	sbr.rel $0x88, $3  }
0x1: {  	(tag) =	ssettag $0x0;
	lr =	simm.s32 $0x1  }
0x2: {  	[smem:$0x3F99] =	sst lr;
	_ =	strace $0xD0000000  }
0x3: {  	_ = 	snop  }
0x4: {  	_ = 	snop  }
0x5: {  	_ = 	snop  }
0x6: {  	_ = 	snop  }
0x7: {  	_ = 	snop  }
__scs_overlays_trampoline_lowered:
0x8: {  	[smem:$0x3FA8] =	sst s0  }
0x9: {  	[smem:$0x3FA9] =	sst s1  }
0xa: {  	[smem:$0x3FAA] =	sst s2  }
0xb: {  	[smem:$0x3FAB] =	sst s3  }
0xc: {  	[smem:$0x3FAC] =	sst s4  }
0xd: {  	[smem:$0x3FAD] =	sst s5  }
0xe: {  	[smem:$0x3FAE] =	sst s6  }
0xf: {  	[smem:$0x3FAF] =	sst s7  }
0x10: {  	[smem:$0x3FB0] =	sst s8  }
0x11: {  	[smem:$0x3FB1] =	sst s9;
	s0 =	simm.s32 @!p0 $0x0  }
0x12: {  	s1 =	sld [smem:$0x3F97];
	s0 =	simm.s32 @p0 $0x1  }
0x13: {  	[smem:$0x3FB2] =	sst s0;
	s0 =	simm.s32 @!p1 $0x0  }
0x14: {  	s2 =	sld [smem:$0x3F96];
	s0 =	simm.s32 @p1 $0x1  }
0x15: {  	[smem:$0x3FB3] =	sst s0;
	s0 =	simm.s32 @!p2 $0x0  }
0x16: {  	s3 =	sld [smem:$0x3FDB];
	s0 =	simm.s32 @p2 $0x1  }
0x17: {  	s4 =	simm.s32 $0x1BF5;
	[smem:$0x3FB5] =	sst s0  }
0x18: {  	s0 =	sld [smem:$0x3F98];
	_ =	swait.ge [sflag:s4], $0x0  }
0x19: {  	s7 =	sld [smem:$0x3F99]  }
0x1a: {  	s8 =	sadd.s32 $0xFFFFE003, lr  }
0x1b: {  	s9 =	sadd.s32 $0xFFFFFEF7, lr;
	s5 =	simm.s32 $0xFFFFFFFF;
	p2 =	slt.u32 s8, $0xFFFFF086  }
0x1c: {  	p1 =	slt.u32 s9, $0xF7A;
	s5 =	simm.s32 @!p2 $0x0  }
0x1d: {  	s5 =	simm.s32 @p1 $0x1;
	p0 =	seq.s32 s7, s2  }
0x1e: {  	s7 =	smul.u32 @!p0 $0xF7A, s2;
	p2 =	seq.s32 @!p0 s5, $0x0  }
0x1f: {  	s9 =	smul.u32 $0xF7A, s1;
	s8 =	simm.s32 @!p0 $0x1BF5;
	p2 =	por !p2, p0  }
0x20: {  	[sflag:s8] =	ssyncset.s32 @!p0 $0xFFFFF086;
	s6 =	sadd.s32 @!p0 s3, s7;
	s7 =	simm.s32 @!p0 $0x108  }
0x21: {  	s3 =	sadd.s32 s3, s9;
	s6 =	sadd.s32 @!p0 $0x88, s6;
	s7 =	simm.s32 @p2 $0x1082  }
0x22: {  	[simem:s7], [sflag:s8] =	dma.local @!p0 [hbm:s6], $0xF7A  }
0x23: {  	s9 =	sor.u32 $0xD0000000, s2;
	s6 =	simm.s32 $0x108;
	_ =	swait.ge @!p0 [sflag:s8], $0x0  }
0x24: {  	s3 =	sadd.s32 $0x88, s3;
	s6 =	simm.s32 @!p1 $0x1082;
	[sflag:s4] =	ssyncset.s32 $0xFFFFF086  }
0x25: {  	[simem:s6], [sflag:s4] =	dma.local [hbm:s3], $0xF7A  }
0x26: {  	[smem:$0x3F99] =	sst s1;
	(tag) =	ssettag s2;
	_ =	strace s9  }
0x27: {  	s1 =	sld [smem:$0x3FA9]  }
0x28: {  	s2 =	sld [smem:$0x3FAA]  }
0x29: {  	s4 =	sld [smem:$0x3FAC]  }
0x2a: {  	p0 =	seq.s32 s5, $0x0;
	s5 =	sld [smem:$0x3FAD]  }
0x2b: {  	s6 =	sld [smem:$0x3FAE]  }
0x2c: {  	s7 =	sld [smem:$0x3FAF]  }
0x2d: {  	s3 =	simm.s32 $0x108;
	s8 =	sld [smem:$0x3FB0]  }
0x2e: {  	s3 =	simm.s32 @!p0 $0x1082;
	s9 =	sld [smem:$0x3FB1]  }
0x2f: {  	lr =	sadd.s32 s0, s3;
	s0 =	sld [smem:$0x3FA8]  }
0x30: {  	s3 =	sld [smem:$0x3FAB]  }
0x31: {  	[smem:$0x3FB4] =	sst s10  }
0x32: {  	s10 =	sld [smem:$0x3FB2];
	_ =	sdelay $0x3  }
0x33: {  	p0 =	seq.s32 s10, $0x1;
	s10 =	sld [smem:$0x3FB4];
	_ =	sdelay $0x3  }
0x34: {  	[smem:$0x3FB4] =	sst s10  }
0x35: {  	s10 =	sld [smem:$0x3FB3];
	_ =	sdelay $0x3  }
0x36: {  	p1 =	seq.s32 s10, $0x1;
	s10 =	sld [smem:$0x3FB4];
	_ =	sdelay $0x3  }
0x37: {  	[smem:$0x3FB4] =	sst s10  }
0x38: {  	s10 =	sld [smem:$0x3FB5]  }
0x39: {  	_ = 	snop;
	(pc) =	sbr.ind lr, $3  }
0x3a: {  	_ = 	snop  }
0x3b: {  	_ = 	snop  }
0x3c: {  	p2 =	seq.s32 s10, $0x1;
	s10 =	sld [smem:$0x3FB4]  }
0x3d: {  	_ =	shalt  }
0x3e: {  	_ =	shalt  }
0x3f: {  	_ =	shalt  }
0x40: {  	_ =	shalt  }
0x41: {  	_ =	shalt  }
0x42: {  	_ =	shalt  }
0x43: {  	_ =	shalt  }
0x44: {  	_ =	shalt  }
0x45: {  	_ =	shalt  }
0x46: {  	_ =	shalt  }
0x47: {  	_ =	shalt  }
0x48: {  	_ =	shalt  }
0x49: {  	_ =	shalt  }
0x4a: {  	_ =	shalt  }
0x4b: {  	_ =	shalt  }
0x4c: {  	_ =	shalt  }
0x4d: {  	_ =	shalt  }
0x4e: {  	_ =	shalt  }
0x4f: {  	_ =	shalt  }
0x50: {  	_ =	shalt  }
0x51: {  	_ =	shalt  }
0x52: {  	_ =	shalt  }
0x53: {  	_ =	shalt  }
0x54: {  	_ =	shalt  }
0x55: {  	_ =	shalt  }
0x56: {  	_ =	shalt  }
0x57: {  	_ =	shalt  }
0x58: {  	_ =	shalt  }
0x59: {  	_ =	shalt  }
0x5a: {  	_ =	shalt  }
0x5b: {  	_ =	shalt  }
0x5c: {  	_ =	shalt  }
0x5d: {  	_ =	shalt  }
0x5e: {  	_ =	shalt  }
0x5f: {  	_ =	shalt  }
0x60: {  	_ =	shalt  }
0x61: {  	_ =	shalt  }
0x62: {  	_ =	shalt  }
0x63: {  	_ =	shalt  }
0x64: {  	_ =	shalt  }
0x65: {  	_ =	shalt  }
0x66: {  	_ =	shalt  }
0x67: {  	_ =	shalt  }
0x68: {  	_ =	shalt  }
0x69: {  	_ =	shalt  }
0x6a: {  	_ =	shalt  }
0x6b: {  	_ =	shalt  }
0x6c: {  	_ =	shalt  }
0x6d: {  	_ =	shalt  }
0x6e: {  	_ =	shalt  }
0x6f: {  	_ =	shalt  }
0x70: {  	_ =	shalt  }
0x71: {  	_ =	shalt  }
0x72: {  	_ =	shalt  }
0x73: {  	_ =	shalt  }
0x74: {  	_ =	shalt  }
0x75: {  	_ =	shalt  }
0x76: {  	_ =	shalt  }
0x77: {  	_ =	shalt  }
0x78: {  	_ =	shalt  }
0x79: {  	_ =	shalt  }
0x7a: {  	_ =	shalt  }
0x7b: {  	_ =	shalt  }
0x7c: {  	_ =	shalt  }
0x7d: {  	_ =	shalt  }
0x7e: {  	_ =	shalt  }
0x7f: {  	_ =	shalt  }
0x80: {  	_ =	shalt  }
0x81: {  	_ =	shalt  }
0x82: {  	_ =	shalt  }
0x83: {  	_ =	shalt  }
0x84: {  	_ =	shalt  }
0x85: {  	_ =	shalt  }
0x86: {  	_ =	shalt  }
0x87: {  	_ =	shalt  }
.Lfunc_end0:
.L_simem_size_0:
called_computation.2_lowered:
.L_overlay_start_0:
0x88: {  	s2 =	sld [smem:$0x3FD9]  }
0x89: {  	s3 =	sld [smem:$0x3FFE];
	_ =	sdelay $0x1  }
0x8a: {  	s1 =	srdreg.scid  }
0x8b: {  	s0 =	sand.u32 $0x1, s1  }
0x8c: {  	s17 =	sshll.u32 s0, $0xA;
	s2 =	sadd.s32 s3, s2  }
0x8d: {  	s2 =	sadd.s32 s2, s17  }
0x8e: {  	[smem:$0x3FC0] =	sst s2  }
0x8f: {  	_ = 	snop  }
0x90: {  	s2 =	sld [smem:$0x3FD0];
	(tm) =	ssettm $0x1  }
0x91: {  	s18 =	sld [smem:$0x3FFB];
	_ =	sdelay $0x3  }
0x92: {  	_ =	strace s18  }
0x93: {  	s3 =	sld [smem:$0x3FFC];
	_ =	sdelay $0x3  }
0x94: {  	_ =	strace s3  }
0x95: {  	s3 =	sld [smem:$0x3FFD];
	_ =	sdelay $0x3  }
0x96: {  	_ =	strace s3  }
0x97: {  	_ =	strace $0x8FFFFFFF  }
0x98: {  	s19 =	sld [smem:$0x3FDB];
	_ =	sdelay $0x1  }
0x99: {  	s4 =	simm.s32 $_scs_section_size  }
0x9a: {  	s5 =	simm.s32 $_size__tile_overlayer_lowered;
	s6 =	simm.s32 $_tile_overlayer_lowered  }
0x9b: {  	s22 =	simm.s32 $0x1BFF;
	s21 =	sshll.u32 s6, $0x1;
	s3 =	sadd.s32 s4, s19  }
0x9c: {  	s7 =	simm.s32 $0x0;
	s20 =	sshll.u32 s5, $0x1;
	s5 =	sadd.s32 s21, s3  }
0x9d: {  	[timem:s7], [sflag:s22] =	dma.local [hbm:s5], s20  }
0x9e: {  	_ =	swait.ge [sflag:s22], s20  }
0x9f: {  	s4 =	ssub.s32 $0x0, s20;
	[sflag:s22] =	ssyncset.done $0x0  }
0xa0: {  	[sflag:s22] =	ssyncadd.s32 s4;
	_ =	sdelay $0x1  }
0xa1: {  	s23 =	simm.s32 $0x1B8B  }
0xa2: {  	_ =	swait.ge [sflag:s23], $0x1  }
0xa3: {  	[sflag:s23] =	ssyncset.done $0x0  }
0xa4: {  	s25 =	simm.s32 $0x1B8E;
	s24 =	sld [smem:$0x3FFE];
	[sflag:s23] =	ssyncadd.s32 $0xFFFFFFFF  }
0xa5: {  	s26 =	simm.s32 $execute0_lowered;
	[smem:$0x3FD2] =	sst s25  }
0xa6: {  	s5 =	sshll.u32 s26, $0x1;
	_ =	strace $0x8000004C;
	[dreg:$0x1] =	wrdreg $0xFFFFFFFF  }
0xa7: {  	s28 =	simm.s32 $_size_execute0_lowered;
	s3 =	sadd.s32 s3, s5;
	[dreg:$0x0] =	wrdreg $0x0  }
0xa8: {  	s5 =	sshll.u32 s28, $0x1;
	[dreg:$0x2] =	wrdreg s3  }
0xa9: {  	[dreg:$0x3] =	wrdreg s5  }
0xaa: {  	[dreg:$0x4] =	wrdreg $0xC0  }
0xab: {  	_ =	task [dreg:s7], $0x5FFFF  }
0xac: {  	[dreg:$0x1] =	wrdreg $0xFFFFFFFF  }
0xad: {  	[dreg:$0x0] =	wrdreg $0x60  }
0xae: {  	[dreg:$0x2] =	wrdreg s24  }
0xaf: {  	[dreg:$0x3] =	wrdreg s2  }
0xb0: {  	[dreg:$0x4] =	wrdreg $0x90000  }
0xb1: {  	[dreg:$0x5] =	wrdreg $0x9  }
0xb2: {  	_ =	task.clear_ibuf [dreg:s7], $0x6FFFF;
	_ =	strace $0x9000004C  }
0xb3: {  	s29 =	simm.s32 $0x9;
	_ =	strace $0x8000004E  }
0xb4: {  	_ =	swait.ge [sflag:s29], $0x1  }
0xb5: {  	[sflag:s29] =	ssyncadd.s32 $0xFFFFFFFF  }
0xb6: {  	_ =	strace $0x9000004E  }
0xb7: {  	_ =	sfence  }
0xb8: {  	s30 =	sld [smem:$0x0];
	_ =	sdelay $0x2  }
0xb9: {  	s31 =	sshll.u32 s1, $0xD;
	s1 =	sshrl.u32 s1, $0x2  }
0xba: {  	s3 =	sand.u32 $0x4000, s31;
	s1 =	sadd.s32 s1, s30  }
0xbb: {  	s0 =	sor.u32 s3, s0;
	s1 =	sshll.u32 s1, $0x11  }
0xbc: {  	s0 =	sor.u32 s1, s0  }
0xbd: {  	s0 =	sadd.s32 $0x8F2B, s0  }
0xbe: {  	[sflag:s0] =	ssyncadd.remote.s32 $0x1  }
0xbf: {  	_ =	sfence.sel $0xFFFF  }
0xc0: {  	[dreg:$0x0] =	wrdreg $0xFFFFFFFF;
	(pc) =	sbr.abs _section_cstart, $3  }
0xc1: {  	[dreg:$0x1] =	wrdreg $0xFFFFFFFF  }
0xc2: {  	_ =	task.clear_ibuf [dreg:s7], $0x2FFFF;
	_ =	strace $0x9FFFFFFF  }
0xc3: {  	(tm) =	ssettm $0x7FFFFFFF  }
tec
execute0_lowered:
.L_overlay_start_1:
0x0: {  	(tag) =	ssettag $0x1  }
0x1: {  	s0 =	rddreg [dreg:$0x0]  }
0x2: {  	s1 =	srdreg.scid;
	s2 =	rddreg [dreg:$0x1]  }
0x3: {  	s11 =	stileid.u32;
	s3 =	rddreg [dreg:$0x2];
	s4 =	simm.s32 $0x0  }
0x4: {  	s19 =	simm.s32 $0x400;
	s21 =	simm.s32 $0x100;
	s23 =	simm.s32 $0x480  }
0x5: {  	s25 =	simm.s32 $0x180;
	s26 =	simm.s32 $0x500;
	s12 =	simm.s32 $0x200  }
0x6: {  	s13 =	simm.s32 $0x580;
	s28 =	simm.s32 $0xD80;
	[smem:$0x7FF] =	sst s4  }
0x7: {  	s29 =	simm.s32 $0xA80;
	_ =	strace $0x8000004D;
	[dreg:$0x5] =	wrdreg s19  }
0x8: {  	s30 =	simm.s32 $0xE00;
	s6 =	smul.u32 $0x14000, s11;
	[dreg:$0x6] =	wrdreg s21  }
0x9: {  	s31 =	simm.s32 $0xB00;
	s7 =	smul.u32 $0xA000, s11;
	[dreg:$0x7] =	wrdreg s23  }
0xa: {  	s1 =	sand.u32 $0x1, s1;
	s9 =	smul.u32 $0x50000, s11;
	[dreg:$0x8] =	wrdreg s25  }
0xb: {  	s16 =	sshll.u32 s11, $0x1;
	s5 =	smul.u32 $0x140000, s1;
	[dreg:$0x9] =	wrdreg s26  }
0xc: {  	s8 =	smul.u32 $0x5000, s1;
	s14 =	ssub.s32 $0x2, s1;
	[dreg:$0xa] =	wrdreg s12  }
0xd: {  	s1 =	sor.u32 s1, s16;
	[dreg:$0xb] =	wrdreg s13;
	s19 =	simm.s32 $0x680  }
0xe: {  	s21 =	simm.s32 $0x700;
	s23 =	simm.s32 $0x880;
	[dreg:$0xf] =	wrdreg s19  }
0xf: {  	s25 =	simm.s32 $0x900;
	s26 =	simm.s32 $0xC80;
	[dreg:$0x11] =	wrdreg s21  }
0x10: {  	s15 =	sshrl.u32 s14, $0x1;
	s17 =	sshrl.u32 s9, $0x2;
	[dreg:$0x13] =	wrdreg s23  }
0x11: {  	s1 =	smul.u32 $0x5000, s1;
	s19 =	simm.s32 $0x80;
	[dreg:$0x15] =	wrdreg s25  }
0x12: {  	s21 =	simm.s32 $0x5000;
	s23 =	simm.s32 $0x2;
	[dreg:$0x16] =	wrdreg s26  }
0x13: {  	s25 =	simm.s32 $0xD00;
	s26 =	simm.s32 $0xA00;
	s6 =	sadd.s32 s6, s5  }
0x14: {  	s5 =	sadd.s32 $0x3400, s0;
	s7 =	sadd.s32 s8, s7;
	s8 =	ssub.s32 s14, s15  }
0x15: {  	s14 =	simm.s32 $0x280;
	s15 =	simm.s32 $0x600;
	s6 =	sshrl.u32 s6, $0x3  }
0x16: {  	s10 =	sor.u32 $0x800, s7;
	s1 =	sshrl.u32 s1, $0x3;
	[dreg:$0xc] =	wrdreg s14  }
0x17: {  	s16 =	smax.u32 s8, $0x1;
	[dreg:$0xd] =	wrdreg s15;
	s0 =	sadd.s32 s6, s0  }
0x18: {  	s10 =	sshrl.u32 s10, $0x3;
	s1 =	sadd.s32 s2, s1;
	[dreg:$0x1d] =	wrdreg s16  }
0x19: {  	s6 =	sadd.s32 s17, s3;
	s17 =	simm.s32 $0x300;
	[dreg:$0x1b] =	wrdreg s1  }
0x1a: {  	s9 =	simm.s32 $0x0;
	s18 =	sadd.s32 s10, s2;
	[dreg:$0xe] =	wrdreg s17  }
0x1b: {  	s15 =	simm.s32 $0x1000;
	s20 =	sadd.s32 $0x4000, s6;
	[dreg:$0x4] =	wrdreg s18  }
0x1c: {  	s8 =	simm.s32 $0xF80;
	s22 =	sadd.s32 $0x8000, s6;
	[dreg:$0x17] =	wrdreg s20  }
0x1d: {  	s16 =	simm.s32 $0x5;
	s24 =	sadd.s32 $0xC000, s6;
	[dreg:$0x18] =	wrdreg s22  }
0x1e: {  	s11 =	sadd.s32 $0x10000, s6;
	s0 =	sadd.s32 $0x2B400, s0;
	[dreg:$0x19] =	wrdreg s24  }
0x1f: {  	s17 =	simm.s32 $0x1;
	s1 =	simm.s32 $0xE80;
	[dreg:$0x1a] =	wrdreg s11  }
0x20: {  	[dreg:$0x1c] =	wrdreg s0;
	s18 =	sadd.s32 $0x1000, s7;
	s20 =	simm.s32 $0x380  }
0x21: {  	s22 =	simm.s32 $0x780;
	s24 =	simm.s32 $0xC00;
	[dreg:$0x1e] =	wrdreg s18  }
0x22: {  	s0 =	simm.s32 $0xB80;
	s7 =	simm.s32 $0xF00;
	[dreg:$0x10] =	wrdreg s20  }
0x23: {  	s18 =	simm.s32 $0x800;
	[dreg:$0x12] =	wrdreg s22;
	s20 =	simm.s32 $0x3  }
0x24: {  	v0 =	vimm.f32 $0.0e+00;
	[dreg:$0x14] =	wrdreg s24;
	s22 =	simm.s32 $0x4;
	s24 =	simm.s32 $0x980  }
.LBB2_1:
0x25: {  	s10 =	simm.s32 $0x0;
	s12 =	simm.s32 $0x200  }
.LBB2_2:
0x26: {  	p0 =	sne.s32 s12, $0xFE00;
	[tilespmem:s10+$0x1070] =	vst v0  }
0x27: {  	[tilespmem:s10+$0x1000] =	vst v0  }
0x28: {  	[tilespmem:s10+$0x1010] =	vst v0  }
.Ltmp0:
0x29: {  	[tilespmem:s10+$0x1020] =	vst v0;
	(pc) =	sbr.rel @p0 .LBB2_2-.Ltmp0, $4  }
0x2a: {  	[tilespmem:s10+$0x1030] =	vst v0  }
0x2b: {  	[tilespmem:s10+$0x1040] =	vst v0  }
0x2c: {  	[tilespmem:s10+$0x1050] =	vst v0  }
0x2d: {  	[tilespmem:s10+$0x1060] =	vst v0;
	s10 =	sshra.s32 s12, $0x2;
	s12 =	sadd.s32 $0x200, s12  }
0x2e: {  	[tilespmem:s10+$0x1070] =	vst v0  }
0x2f: {  	[tilespmem:s10+$0x1000] =	vst v0  }
0x30: {  	[tilespmem:s10+$0x1010] =	vst v0  }
0x31: {  	[tilespmem:s10+$0x1020] =	vst v0  }
0x32: {  	[tilespmem:s10+$0x1030] =	vst v0  }
0x33: {  	[tilespmem:s10+$0x1040] =	vst v0  }
0x34: {  	[tilespmem:s10+$0x1050] =	vst v0  }
0x35: {  	[tilespmem:s10+$0x1060] =	vst v0  }
0x36: {  	[spmem:s6] =	stream.linear.scatter [tilespmem:s15], [sflag:$0x5], $0x4000, $0x38;
	[tilespmem:$0x1D000] =	vst v63  }
0x37: {  	_ =	swait.ge [sflag:s16], $0x4000  }
0x38: {  	[sflag:s16] =	ssyncset.done $0x0  }
0x39: {  	s14 =	rddreg [dreg:$0x17];
	[sflag:s16] =	ssyncadd.s32 $0xFFFFC000  }
0x3a: {  	[spmem:s14] =	stream.linear.scatter [tilespmem:s15], [sflag:$0x5], $0x4000, $0x38;
	[tilespmem:$0x1D000] =	vst v63  }
0x3b: {  	_ =	swait.ge [sflag:s16], $0x4000  }
0x3c: {  	[sflag:s16] =	ssyncset.done $0x0  }
0x3d: {  	s11 =	rddreg [dreg:$0x18];
	[sflag:s16] =	ssyncadd.s32 $0xFFFFC000  }
0x3e: {  	[spmem:s11] =	stream.linear.scatter [tilespmem:s15], [sflag:$0x5], $0x4000, $0x38;
	[tilespmem:$0x1D000] =	vst v63  }
0x3f: {  	_ =	swait.ge [sflag:s16], $0x4000  }
0x40: {  	[sflag:s16] =	ssyncset.done $0x0  }
0x41: {  	s12 =	rddreg [dreg:$0x19];
	[sflag:s16] =	ssyncadd.s32 $0xFFFFC000  }
0x42: {  	[spmem:s12] =	stream.linear.scatter [tilespmem:s15], [sflag:$0x5], $0x4000, $0x38;
	[tilespmem:$0x1D000] =	vst v63  }
0x43: {  	_ =	swait.ge [sflag:s16], $0x4000  }
0x44: {  	[sflag:s16] =	ssyncset.done $0x0  }
0x45: {  	s13 =	rddreg [dreg:$0x1a];
	[sflag:s16] =	ssyncadd.s32 $0xFFFFC000  }
0x46: {  	[spmem:s13] =	stream.linear.scatter [tilespmem:s15], [sflag:$0x5], $0x4000, $0x38;
	[tilespmem:$0x1D000] =	vst v63  }
0x47: {  	_ =	swait.ge [sflag:s16], $0x4000  }
0x48: {  	[sflag:s16] =	ssyncset.done $0x0  }
0x49: {  	[sflag:s16] =	ssyncadd.s32 $0xFFFFC000  }
0x4a: {  	[bflag:$0x0] =	sbarrier.arrive $0xFFFF  }
0x4b: {  	s14 =	simm.s32 $0x0;
	s11 =	rddreg [dreg:$0x1b]  }
0x4c: {  	[tilespmem:s14], [sflag:$0x1] =	stream.linear.gather [hbm4b:s11+s14], $0x800, $0x38;
	[tilespmem:$0x1D000] =	vst v63  }
0x4d: {  	_ =	swait.ge [sflag:s17], $0x800  }
0x4e: {  	s11 =	rddreg [dreg:$0x4];
	[sflag:s17] =	ssyncset.done $0x0  }
0x4f: {  	[sflag:s17] =	ssyncadd.s32 $0xFFFFF800;
	s10 =	sadd.s32 $0x0, s11  }
0x50: {  	[tilespmem:s18], [sflag:$0x2] =	stream.linear.gather [hbm4b:s10+s4], $0x800, $0x38;
	[tilespmem:$0x1D000] =	vst v63  }
0x51: {  	_ = 	snop  }
0x52: {  	[tilespmem:s15], [sflag:$0x3] =	stream.indirect.gather [hbm4b:s5+s19], $0x80, s4, s19, $0xb8;
	[tilespmem:$0x1D000] =	vst v63  }
0x53: {  	_ =	swait.ge [sflag:s20], $0x4000  }
0x54: {  	[sflag:s20] =	ssyncset.done $0x0  }
0x55: {  	[sflag:s20] =	ssyncadd.s32 $0xFFFFC000  }
0x56: {  	[tilespmem:s21], [sflag:$0x4] =	stream.indirect.gather [hbm4b:s5+s19], $0x80, s19, s19, $0xb8;
	[tilespmem:$0x1D000] =	vst v63  }
0x57: {  	s12 =	rddreg [dreg:$0x5]  }
0x58: {  	[spmem:s3] =	stream.indirect.scatter.add.f32 [tilespmem:s15], [sflag:$0x5], $0x80, s12, s19, $0xb8;
	[tilespmem:$0x1D000] =	vst v63  }
0x59: {  	_ =	swait.ge [sflag:s16], $0x4000  }
0x5a: {  	[sflag:s16] =	ssyncset.done $0x0  }
0x5b: {  	[sflag:s16] =	ssyncadd.s32 $0xFFFFC000  }
0x5c: {  	_ =	swait.ge [sflag:s22], $0x4000  }
0x5d: {  	[sflag:s22] =	ssyncset.done $0x0  }
0x5e: {  	s13 =	rddreg [dreg:$0x6];
	[sflag:s22] =	ssyncadd.s32 $0xFFFFC000  }
0x5f: {  	[tilespmem:s15], [sflag:$0x3] =	stream.indirect.gather [hbm4b:s5+s19], $0x80, s13, s19, $0xb8;
	[tilespmem:$0x1D000] =	vst v63  }
0x60: {  	s12 =	rddreg [dreg:$0x7]  }
0x61: {  	[spmem:s3] =	stream.indirect.scatter.add.f32 [tilespmem:s21], [sflag:$0x5], $0x80, s12, s19, $0xb8;
	[tilespmem:$0x1D000] =	vst v63  }
0x62: {  	_ =	swait.ge [sflag:s16], $0x4000  }
0x63: {  	[sflag:s16] =	ssyncset.done $0x0  }
0x64: {  	[sflag:s16] =	ssyncadd.s32 $0xFFFFC000  }
0x65: {  	_ =	swait.ge [sflag:s20], $0x4000  }
0x66: {  	[sflag:s20] =	ssyncset.done $0x0  }
0x67: {  	s14 =	rddreg [dreg:$0x8];
	[sflag:s20] =	ssyncadd.s32 $0xFFFFC000  }
0x68: {  	[tilespmem:s21], [sflag:$0x4] =	stream.indirect.gather [hbm4b:s5+s19], $0x80, s14, s19, $0xb8;
	[tilespmem:$0x1D000] =	vst v63  }
0x69: {  	s11 =	rddreg [dreg:$0x9]  }
0x6a: {  	[spmem:s3] =	stream.indirect.scatter.add.f32 [tilespmem:s15], [sflag:$0x5], $0x80, s11, s19, $0xb8;
	[tilespmem:$0x1D000] =	vst v63  }
0x6b: {  	_ =	swait.ge [sflag:s16], $0x4000  }
0x6c: {  	[sflag:s16] =	ssyncset.done $0x0  }
0x6d: {  	[sflag:s16] =	ssyncadd.s32 $0xFFFFC000  }
0x6e: {  	_ =	swait.ge [sflag:s22], $0x4000  }
0x6f: {  	[sflag:s22] =	ssyncset.done $0x0  }
0x70: {  	s12 =	rddreg [dreg:$0xa];
	[sflag:s22] =	ssyncadd.s32 $0xFFFFC000  }
0x71: {  	[tilespmem:s15], [sflag:$0x3] =	stream.indirect.gather [hbm4b:s5+s19], $0x80, s12, s19, $0xb8;
	[tilespmem:$0x1D000] =	vst v63  }
0x72: {  	s13 =	rddreg [dreg:$0xb]  }
0x73: {  	[spmem:s3] =	stream.indirect.scatter.add.f32 [tilespmem:s21], [sflag:$0x5], $0x80, s13, s19, $0xb8;
	[tilespmem:$0x1D000] =	vst v63  }
0x74: {  	_ =	swait.ge [sflag:s16], $0x4000  }
0x75: {  	[sflag:s16] =	ssyncset.done $0x0  }
0x76: {  	[sflag:s16] =	ssyncadd.s32 $0xFFFFC000  }
0x77: {  	_ =	swait.ge [sflag:s20], $0x4000  }
0x78: {  	[sflag:s20] =	ssyncset.done $0x0  }
0x79: {  	s14 =	rddreg [dreg:$0xc];
	[sflag:s20] =	ssyncadd.s32 $0xFFFFC000  }
0x7a: {  	[tilespmem:s21], [sflag:$0x4] =	stream.indirect.gather [hbm4b:s5+s19], $0x80, s14, s19, $0xb8;
	[tilespmem:$0x1D000] =	vst v63  }
0x7b: {  	s11 =	rddreg [dreg:$0xd]  }
0x7c: {  	[spmem:s3] =	stream.indirect.scatter.add.f32 [tilespmem:s15], [sflag:$0x5], $0x80, s11, s19, $0xb8;
	[tilespmem:$0x1D000] =	vst v63  }
0x7d: {  	_ =	swait.ge [sflag:s16], $0x4000  }
0x7e: {  	[sflag:s16] =	ssyncset.done $0x0  }
0x7f: {  	[sflag:s16] =	ssyncadd.s32 $0xFFFFC000  }
0x80: {  	_ =	swait.ge [sflag:s22], $0x4000  }
0x81: {  	[sflag:s22] =	ssyncset.done $0x0  }
0x82: {  	s12 =	rddreg [dreg:$0xe];
	[sflag:s22] =	ssyncadd.s32 $0xFFFFC000  }
0x83: {  	[tilespmem:s15], [sflag:$0x3] =	stream.indirect.gather [hbm4b:s5+s19], $0x80, s12, s19, $0xb8;
	[tilespmem:$0x1D000] =	vst v63  }
0x84: {  	s13 =	rddreg [dreg:$0xf]  }
0x85: {  	[spmem:s3] =	stream.indirect.scatter.add.f32 [tilespmem:s21], [sflag:$0x5], $0x80, s13, s19, $0xb8;
	[tilespmem:$0x1D000] =	vst v63  }
0x86: {  	_ =	swait.ge [sflag:s16], $0x4000  }
0x87: {  	[sflag:s16] =	ssyncset.done $0x0  }
0x88: {  	[sflag:s16] =	ssyncadd.s32 $0xFFFFC000  }
0x89: {  	_ =	swait.ge [sflag:s20], $0x4000  }
0x8a: {  	[sflag:s20] =	ssyncset.done $0x0  }
0x8b: {  	s14 =	rddreg [dreg:$0x10];
	[sflag:s20] =	ssyncadd.s32 $0xFFFFC000  }
0x8c: {  	[tilespmem:s21], [sflag:$0x4] =	stream.indirect.gather [hbm4b:s5+s19], $0x80, s14, s19, $0xb8;
	[tilespmem:$0x1D000] =	vst v63  }
0x8d: {  	s11 =	rddreg [dreg:$0x11]  }
0x8e: {  	[spmem:s3] =	stream.indirect.scatter.add.f32 [tilespmem:s15], [sflag:$0x5], $0x80, s11, s19, $0xb8;
	[tilespmem:$0x1D000] =	vst v63  }
0x8f: {  	_ =	swait.ge [sflag:s16], $0x4000  }
0x90: {  	[sflag:s16] =	ssyncset.done $0x0  }
0x91: {  	[sflag:s16] =	ssyncadd.s32 $0xFFFFC000  }
0x92: {  	_ =	swait.ge [sflag:s22], $0x4000  }
0x93: {  	[sflag:s22] =	ssyncset.done $0x0  }
0x94: {  	s12 =	rddreg [dreg:$0x12];
	[sflag:s22] =	ssyncadd.s32 $0xFFFFC000  }
0x95: {  	[spmem:s3] =	stream.indirect.scatter.add.f32 [tilespmem:s21], [sflag:$0x5], $0x80, s12, s19, $0xb8;
	[tilespmem:$0x1D000] =	vst v63  }
0x96: {  	_ =	swait.ge [sflag:s16], $0x4000  }
0x97: {  	[sflag:s16] =	ssyncset.done $0x0  }
0x98: {  	[sflag:s16] =	ssyncadd.s32 $0xFFFFC000  }
0x99: {  	_ =	swait.ge [sflag:s23], $0x800  }
0x9a: {  	p0 =	por $0x0, $0x0;
	s14 =	rddreg [dreg:$0x1e]  }
0x9b: {  	[sflag:s23] =	ssyncset.done $0x0;
	s10 =	sshrl.u32 @!p0 s14, $0x3  }
0x9c: {  	s12 =	simm.s32 @!p0 $0x0;
	[sflag:s23] =	ssyncadd.s32 $0xFFFFF800;
	s10 =	sadd.s32 @!p0 s2, s10  }
0x9d: {  	[tilespmem:s12], [sflag:$0x1] =	stream.linear.gather @!p0 [hbm4b:s10+s12], $0x800, $0x38;
	[tilespmem:$0x1D000] =	vst v63  }
0x9e: {  	_ = 	snop  }
0x9f: {  	[tilespmem:s15], [sflag:$0x3] =	stream.indirect.gather [hbm4b:s5+s19], $0x80, s18, s19, $0xb8;
	[tilespmem:$0x1D000] =	vst v63  }
0xa0: {  	_ =	swait.ge [sflag:s20], $0x4000  }
0xa1: {  	[sflag:s20] =	ssyncset.done $0x0  }
0xa2: {  	s13 =	rddreg [dreg:$0x13];
	[sflag:s20] =	ssyncadd.s32 $0xFFFFC000  }
0xa3: {  	[tilespmem:s21], [sflag:$0x4] =	stream.indirect.gather [hbm4b:s5+s19], $0x80, s13, s19, $0xb8;
	[tilespmem:$0x1D000] =	vst v63  }
0xa4: {  	s11 =	rddreg [dreg:$0x14]  }
0xa5: {  	[spmem:s3] =	stream.indirect.scatter.add.f32 [tilespmem:s15], [sflag:$0x5], $0x80, s11, s19, $0xb8;
	[tilespmem:$0x1D000] =	vst v63  }
0xa6: {  	_ =	swait.ge [sflag:s16], $0x4000  }
0xa7: {  	[sflag:s16] =	ssyncset.done $0x0  }
0xa8: {  	[sflag:s16] =	ssyncadd.s32 $0xFFFFC000  }
0xa9: {  	_ =	swait.ge [sflag:s22], $0x4000  }
0xaa: {  	[sflag:s22] =	ssyncset.done $0x0  }
0xab: {  	s12 =	rddreg [dreg:$0x15];
	[sflag:s22] =	ssyncadd.s32 $0xFFFFC000  }
0xac: {  	[tilespmem:s15], [sflag:$0x3] =	stream.indirect.gather [hbm4b:s5+s19], $0x80, s12, s19, $0xb8;
	[tilespmem:$0x1D000] =	vst v63  }
0xad: {  	s13 =	rddreg [dreg:$0x16]  }
0xae: {  	[spmem:s3] =	stream.indirect.scatter.add.f32 [tilespmem:s21], [sflag:$0x5], $0x80, s13, s19, $0xb8;
	[tilespmem:$0x1D000] =	vst v63  }
0xaf: {  	_ =	swait.ge [sflag:s16], $0x4000  }
0xb0: {  	[sflag:s16] =	ssyncset.done $0x0  }
0xb1: {  	[sflag:s16] =	ssyncadd.s32 $0xFFFFC000  }
0xb2: {  	_ =	swait.ge [sflag:s20], $0x4000  }
0xb3: {  	[sflag:s20] =	ssyncset.done $0x0  }
0xb4: {  	[sflag:s20] =	ssyncadd.s32 $0xFFFFC000  }
0xb5: {  	[tilespmem:s21], [sflag:$0x4] =	stream.indirect.gather [hbm4b:s5+s19], $0x80, s24, s19, $0xb8;
	[tilespmem:$0x1D000] =	vst v63  }
0xb6: {  	_ = 	snop  }
0xb7: {  	[spmem:s3] =	stream.indirect.scatter.add.f32 [tilespmem:s15], [sflag:$0x5], $0x80, s25, s19, $0xb8;
	[tilespmem:$0x1D000] =	vst v63  }
0xb8: {  	_ =	swait.ge [sflag:s16], $0x4000  }
0xb9: {  	[sflag:s16] =	ssyncset.done $0x0  }
0xba: {  	[sflag:s16] =	ssyncadd.s32 $0xFFFFC000  }
0xbb: {  	_ =	swait.ge [sflag:s22], $0x4000  }
0xbc: {  	[sflag:s22] =	ssyncset.done $0x0  }
0xbd: {  	[sflag:s22] =	ssyncadd.s32 $0xFFFFC000  }
0xbe: {  	[tilespmem:s15], [sflag:$0x3] =	stream.indirect.gather [hbm4b:s5+s19], $0x80, s26, s19, $0xb8;
	[tilespmem:$0x1D000] =	vst v63  }
0xbf: {  	_ = 	snop  }
0xc0: {  	[spmem:s3] =	stream.indirect.scatter.add.f32 [tilespmem:s21], [sflag:$0x5], $0x80, s28, s19, $0xb8;
	[tilespmem:$0x1D000] =	vst v63  }
0xc1: {  	_ =	swait.ge [sflag:s16], $0x4000  }
0xc2: {  	[sflag:s16] =	ssyncset.done $0x0  }
0xc3: {  	[sflag:s16] =	ssyncadd.s32 $0xFFFFC000  }
0xc4: {  	_ =	swait.ge [sflag:s20], $0x4000  }
0xc5: {  	[sflag:s20] =	ssyncset.done $0x0  }
0xc6: {  	[sflag:s20] =	ssyncadd.s32 $0xFFFFC000  }
0xc7: {  	[tilespmem:s21], [sflag:$0x4] =	stream.indirect.gather [hbm4b:s5+s19], $0x80, s29, s19, $0xb8;
	[tilespmem:$0x1D000] =	vst v63  }
0xc8: {  	_ = 	snop  }
0xc9: {  	[spmem:s3] =	stream.indirect.scatter.add.f32 [tilespmem:s15], [sflag:$0x5], $0x80, s30, s19, $0xb8;
	[tilespmem:$0x1D000] =	vst v63  }
0xca: {  	_ =	swait.ge [sflag:s16], $0x4000  }
0xcb: {  	[sflag:s16] =	ssyncset.done $0x0  }
0xcc: {  	[sflag:s16] =	ssyncadd.s32 $0xFFFFC000  }
0xcd: {  	_ =	swait.ge [sflag:s22], $0x4000  }
0xce: {  	[sflag:s22] =	ssyncset.done $0x0  }
0xcf: {  	[sflag:s22] =	ssyncadd.s32 $0xFFFFC000  }
0xd0: {  	[tilespmem:s15], [sflag:$0x3] =	stream.indirect.gather [hbm4b:s5+s19], $0x80, s31, s19, $0xb8;
	[tilespmem:$0x1D000] =	vst v63  }
0xd1: {  	_ = 	snop  }
0xd2: {  	[spmem:s3] =	stream.indirect.scatter.add.f32 [tilespmem:s21], [sflag:$0x5], $0x80, s1, s19, $0xb8;
	[tilespmem:$0x1D000] =	vst v63  }
0xd3: {  	_ =	swait.ge [sflag:s16], $0x4000  }
0xd4: {  	[sflag:s16] =	ssyncset.done $0x0  }
0xd5: {  	[sflag:s16] =	ssyncadd.s32 $0xFFFFC000  }
0xd6: {  	_ =	swait.ge [sflag:s20], $0x4000  }
0xd7: {  	[sflag:s20] =	ssyncset.done $0x0  }
0xd8: {  	[sflag:s20] =	ssyncadd.s32 $0xFFFFC000  }
0xd9: {  	[tilespmem:s21], [sflag:$0x4] =	stream.indirect.gather [hbm4b:s5+s19], $0x80, s0, s19, $0xb8;
	[tilespmem:$0x1D000] =	vst v63  }
0xda: {  	_ = 	snop  }
0xdb: {  	[spmem:s3] =	stream.indirect.scatter.add.f32 [tilespmem:s15], [sflag:$0x5], $0x80, s7, s19, $0xb8;
	[tilespmem:$0x1D000] =	vst v63  }
0xdc: {  	_ =	swait.ge [sflag:s16], $0x4000  }
0xdd: {  	[sflag:s16] =	ssyncset.done $0x0  }
0xde: {  	[sflag:s16] =	ssyncadd.s32 $0xFFFFC000  }
0xdf: {  	_ =	swait.ge [sflag:s22], $0x4000  }
0xe0: {  	[sflag:s22] =	ssyncset.done $0x0  }
0xe1: {  	[sflag:s22] =	ssyncadd.s32 $0xFFFFC000  }
0xe2: {  	[spmem:s3] =	stream.indirect.scatter.add.f32 [tilespmem:s21], [sflag:$0x5], $0x80, s8, s19, $0xb8;
	[tilespmem:$0x1D000] =	vst v63  }
0xe3: {  	_ =	swait.ge [sflag:s16], $0x4000  }
0xe4: {  	s10 =	simm.s32 $0x200;
	[sflag:s16] =	ssyncset.done $0x0  }
.LBB2_4:
0xe5: {  	[sflag:s16] =	ssyncadd.s32 $0xFFFFC000  }
0xe6: {  	_ =	swait.ge [sflag:s17], $0x800  }
0xe7: {  	s12 =	smov.u32 s10;
	s13 =	rddreg [dreg:$0x4];
	[sflag:s17] =	ssyncset.done $0x0  }
0xe8: {  	[sflag:s17] =	ssyncadd.s32 $0xFFFFF800;
	s13 =	sadd.s32 s12, s13  }
0xe9: {  	[tilespmem:s18], [sflag:$0x2] =	stream.linear.gather [hbm4b:s13+s4], $0x800, $0x38;
	[tilespmem:$0x1D000] =	vst v63  }
0xea: {  	_ = 	snop  }
0xeb: {  	[tilespmem:s15], [sflag:$0x3] =	stream.indirect.gather [hbm4b:s5+s19], $0x80, s4, s19, $0xb8;
	[tilespmem:$0x1D000] =	vst v63  }
0xec: {  	_ =	swait.ge [sflag:s20], $0x4000  }
0xed: {  	[sflag:s20] =	ssyncset.done $0x0  }
0xee: {  	[sflag:s20] =	ssyncadd.s32 $0xFFFFC000  }
0xef: {  	[tilespmem:s21], [sflag:$0x4] =	stream.indirect.gather [hbm4b:s5+s19], $0x80, s19, s19, $0xb8;
	[tilespmem:$0x1D000] =	vst v63  }
0xf0: {  	s11 =	rddreg [dreg:$0x5]  }
0xf1: {  	[spmem:s3] =	stream.indirect.scatter.add.f32 [tilespmem:s15], [sflag:$0x5], $0x80, s11, s19, $0xb8;
	[tilespmem:$0x1D000] =	vst v63  }
0xf2: {  	_ =	swait.ge [sflag:s16], $0x4000  }
0xf3: {  	[sflag:s16] =	ssyncset.done $0x0  }
0xf4: {  	[sflag:s16] =	ssyncadd.s32 $0xFFFFC000  }
0xf5: {  	_ =	swait.ge [sflag:s22], $0x4000  }
0xf6: {  	[sflag:s22] =	ssyncset.done $0x0  }
0xf7: {  	s13 =	rddreg [dreg:$0x6];
	[sflag:s22] =	ssyncadd.s32 $0xFFFFC000  }
0xf8: {  	[tilespmem:s15], [sflag:$0x3] =	stream.indirect.gather [hbm4b:s5+s19], $0x80, s13, s19, $0xb8;
	[tilespmem:$0x1D000] =	vst v63  }
0xf9: {  	s11 =	rddreg [dreg:$0x7]  }
0xfa: {  	[spmem:s3] =	stream.indirect.scatter.add.f32 [tilespmem:s21], [sflag:$0x5], $0x80, s11, s19, $0xb8;
	[tilespmem:$0x1D000] =	vst v63  }
0xfb: {  	_ =	swait.ge [sflag:s16], $0x4000  }
0xfc: {  	[sflag:s16] =	ssyncset.done $0x0  }
0xfd: {  	[sflag:s16] =	ssyncadd.s32 $0xFFFFC000  }
0xfe: {  	_ =	swait.ge [sflag:s20], $0x4000  }
0xff: {  	[sflag:s20] =	ssyncset.done $0x0  }
0x100: {  	s11 =	rddreg [dreg:$0x8];
	[sflag:s20] =	ssyncadd.s32 $0xFFFFC000  }
0x101: {  	[tilespmem:s21], [sflag:$0x4] =	stream.indirect.gather [hbm4b:s5+s19], $0x80, s11, s19, $0xb8;
	[tilespmem:$0x1D000] =	vst v63  }
0x102: {  	s13 =	rddreg [dreg:$0x9]  }
0x103: {  	[spmem:s3] =	stream.indirect.scatter.add.f32 [tilespmem:s15], [sflag:$0x5], $0x80, s13, s19, $0xb8;
	[tilespmem:$0x1D000] =	vst v63  }
0x104: {  	_ =	swait.ge [sflag:s16], $0x4000  }
0x105: {  	[sflag:s16] =	ssyncset.done $0x0  }
0x106: {  	[sflag:s16] =	ssyncadd.s32 $0xFFFFC000  }
0x107: {  	_ =	swait.ge [sflag:s22], $0x4000  }
0x108: {  	[sflag:s22] =	ssyncset.done $0x0  }
0x109: {  	s11 =	rddreg [dreg:$0xa];
	[sflag:s22] =	ssyncadd.s32 $0xFFFFC000  }
0x10a: {  	[tilespmem:s15], [sflag:$0x3] =	stream.indirect.gather [hbm4b:s5+s19], $0x80, s11, s19, $0xb8;
	[tilespmem:$0x1D000] =	vst v63  }
0x10b: {  	s13 =	rddreg [dreg:$0xb]  }
0x10c: {  	[spmem:s3] =	stream.indirect.scatter.add.f32 [tilespmem:s21], [sflag:$0x5], $0x80, s13, s19, $0xb8;
	[tilespmem:$0x1D000] =	vst v63  }
0x10d: {  	_ =	swait.ge [sflag:s16], $0x4000  }
0x10e: {  	[sflag:s16] =	ssyncset.done $0x0  }
0x10f: {  	[sflag:s16] =	ssyncadd.s32 $0xFFFFC000  }
0x110: {  	_ =	swait.ge [sflag:s20], $0x4000  }
0x111: {  	[sflag:s20] =	ssyncset.done $0x0  }
0x112: {  	s11 =	rddreg [dreg:$0xc];
	[sflag:s20] =	ssyncadd.s32 $0xFFFFC000  }
0x113: {  	[tilespmem:s21], [sflag:$0x4] =	stream.indirect.gather [hbm4b:s5+s19], $0x80, s11, s19, $0xb8;
	[tilespmem:$0x1D000] =	vst v63  }
0x114: {  	s13 =	rddreg [dreg:$0xd]  }
0x115: {  	[spmem:s3] =	stream.indirect.scatter.add.f32 [tilespmem:s15], [sflag:$0x5], $0x80, s13, s19, $0xb8;
	[tilespmem:$0x1D000] =	vst v63  }
0x116: {  	_ =	swait.ge [sflag:s16], $0x4000  }
0x117: {  	[sflag:s16] =	ssyncset.done $0x0  }
0x118: {  	[sflag:s16] =	ssyncadd.s32 $0xFFFFC000  }
0x119: {  	_ =	swait.ge [sflag:s22], $0x4000  }
0x11a: {  	[sflag:s22] =	ssyncset.done $0x0  }
0x11b: {  	s11 =	rddreg [dreg:$0xe];
	[sflag:s22] =	ssyncadd.s32 $0xFFFFC000  }
0x11c: {  	[tilespmem:s15], [sflag:$0x3] =	stream.indirect.gather [hbm4b:s5+s19], $0x80, s11, s19, $0xb8;
	[tilespmem:$0x1D000] =	vst v63  }
0x11d: {  	s13 =	rddreg [dreg:$0xf]  }
0x11e: {  	[spmem:s3] =	stream.indirect.scatter.add.f32 [tilespmem:s21], [sflag:$0x5], $0x80, s13, s19, $0xb8;
	[tilespmem:$0x1D000] =	vst v63  }
0x11f: {  	_ =	swait.ge [sflag:s16], $0x4000  }
0x120: {  	[sflag:s16] =	ssyncset.done $0x0  }
0x121: {  	[sflag:s16] =	ssyncadd.s32 $0xFFFFC000  }
0x122: {  	_ =	swait.ge [sflag:s20], $0x4000  }
0x123: {  	[sflag:s20] =	ssyncset.done $0x0  }
0x124: {  	s11 =	rddreg [dreg:$0x10];
	[sflag:s20] =	ssyncadd.s32 $0xFFFFC000  }
0x125: {  	[tilespmem:s21], [sflag:$0x4] =	stream.indirect.gather [hbm4b:s5+s19], $0x80, s11, s19, $0xb8;
	[tilespmem:$0x1D000] =	vst v63  }
0x126: {  	s13 =	rddreg [dreg:$0x11]  }
0x127: {  	[spmem:s3] =	stream.indirect.scatter.add.f32 [tilespmem:s15], [sflag:$0x5], $0x80, s13, s19, $0xb8;
	[tilespmem:$0x1D000] =	vst v63  }
0x128: {  	_ =	swait.ge [sflag:s16], $0x4000  }
0x129: {  	[sflag:s16] =	ssyncset.done $0x0  }
0x12a: {  	[sflag:s16] =	ssyncadd.s32 $0xFFFFC000  }
0x12b: {  	_ =	swait.ge [sflag:s22], $0x4000  }
0x12c: {  	[sflag:s22] =	ssyncset.done $0x0  }
0x12d: {  	s13 =	rddreg [dreg:$0x12];
	[sflag:s22] =	ssyncadd.s32 $0xFFFFC000  }
0x12e: {  	[spmem:s3] =	stream.indirect.scatter.add.f32 [tilespmem:s21], [sflag:$0x5], $0x80, s13, s19, $0xb8;
	[tilespmem:$0x1D000] =	vst v63  }
0x12f: {  	_ =	swait.ge [sflag:s16], $0x4000  }
0x130: {  	[sflag:s16] =	ssyncset.done $0x0  }
0x131: {  	[sflag:s16] =	ssyncadd.s32 $0xFFFFC000  }
0x132: {  	s14 =	sadd.s32 $0x1000, s14;
	p1 =	seq.s32 s12, $0x800;
	_ =	swait.ge [sflag:s23], $0x800  }
0x133: {  	s11 =	sshrl.u32 @!p1 s14, $0x3;
	[sflag:s23] =	ssyncset.done $0x0  }
0x134: {  	s12 =	simm.s32 @!p1 $0x0;
	s11 =	sadd.s32 @!p1 s2, s11;
	[sflag:s23] =	ssyncadd.s32 $0xFFFFF800  }
0x135: {  	[tilespmem:s12], [sflag:$0x1] =	stream.linear.gather @!p1 [hbm4b:s11+s12], $0x800, $0x38;
	[tilespmem:$0x1D000] =	vst v63  }
0x136: {  	_ = 	snop  }
0x137: {  	[tilespmem:s15], [sflag:$0x3] =	stream.indirect.gather [hbm4b:s5+s19], $0x80, s18, s19, $0xb8;
	[tilespmem:$0x1D000] =	vst v63  }
0x138: {  	_ =	swait.ge [sflag:s20], $0x4000  }
0x139: {  	[sflag:s20] =	ssyncset.done $0x0  }
0x13a: {  	s12 =	rddreg [dreg:$0x13];
	[sflag:s20] =	ssyncadd.s32 $0xFFFFC000  }
0x13b: {  	[tilespmem:s21], [sflag:$0x4] =	stream.indirect.gather [hbm4b:s5+s19], $0x80, s12, s19, $0xb8;
	[tilespmem:$0x1D000] =	vst v63  }
0x13c: {  	s13 =	rddreg [dreg:$0x14]  }
0x13d: {  	[spmem:s3] =	stream.indirect.scatter.add.f32 [tilespmem:s15], [sflag:$0x5], $0x80, s13, s19, $0xb8;
	[tilespmem:$0x1D000] =	vst v63  }
0x13e: {  	_ =	swait.ge [sflag:s16], $0x4000  }
0x13f: {  	[sflag:s16] =	ssyncset.done $0x0  }
0x140: {  	[sflag:s16] =	ssyncadd.s32 $0xFFFFC000  }
0x141: {  	_ =	swait.ge [sflag:s22], $0x4000  }
0x142: {  	[sflag:s22] =	ssyncset.done $0x0  }
0x143: {  	s12 =	rddreg [dreg:$0x15];
	[sflag:s22] =	ssyncadd.s32 $0xFFFFC000  }
0x144: {  	[tilespmem:s15], [sflag:$0x3] =	stream.indirect.gather [hbm4b:s5+s19], $0x80, s12, s19, $0xb8;
	[tilespmem:$0x1D000] =	vst v63  }
0x145: {  	s13 =	rddreg [dreg:$0x16]  }
0x146: {  	[spmem:s3] =	stream.indirect.scatter.add.f32 [tilespmem:s21], [sflag:$0x5], $0x80, s13, s19, $0xb8;
	[tilespmem:$0x1D000] =	vst v63  }
0x147: {  	_ =	swait.ge [sflag:s16], $0x4000  }
0x148: {  	[sflag:s16] =	ssyncset.done $0x0  }
0x149: {  	[sflag:s16] =	ssyncadd.s32 $0xFFFFC000  }
0x14a: {  	_ =	swait.ge [sflag:s20], $0x4000  }
0x14b: {  	[sflag:s20] =	ssyncset.done $0x0  }
0x14c: {  	[sflag:s20] =	ssyncadd.s32 $0xFFFFC000  }
0x14d: {  	[tilespmem:s21], [sflag:$0x4] =	stream.indirect.gather [hbm4b:s5+s19], $0x80, s24, s19, $0xb8;
	[tilespmem:$0x1D000] =	vst v63  }
0x14e: {  	_ = 	snop  }
0x14f: {  	[spmem:s3] =	stream.indirect.scatter.add.f32 [tilespmem:s15], [sflag:$0x5], $0x80, s25, s19, $0xb8;
	[tilespmem:$0x1D000] =	vst v63  }
0x150: {  	_ =	swait.ge [sflag:s16], $0x4000  }
0x151: {  	[sflag:s16] =	ssyncset.done $0x0  }
0x152: {  	[sflag:s16] =	ssyncadd.s32 $0xFFFFC000  }
0x153: {  	_ =	swait.ge [sflag:s22], $0x4000  }
0x154: {  	[sflag:s22] =	ssyncset.done $0x0  }
0x155: {  	[sflag:s22] =	ssyncadd.s32 $0xFFFFC000  }
0x156: {  	[tilespmem:s15], [sflag:$0x3] =	stream.indirect.gather [hbm4b:s5+s19], $0x80, s26, s19, $0xb8;
	[tilespmem:$0x1D000] =	vst v63  }
0x157: {  	_ = 	snop  }
0x158: {  	[spmem:s3] =	stream.indirect.scatter.add.f32 [tilespmem:s21], [sflag:$0x5], $0x80, s28, s19, $0xb8;
	[tilespmem:$0x1D000] =	vst v63  }
0x159: {  	_ =	swait.ge [sflag:s16], $0x4000  }
0x15a: {  	[sflag:s16] =	ssyncset.done $0x0  }
0x15b: {  	[sflag:s16] =	ssyncadd.s32 $0xFFFFC000  }
0x15c: {  	_ =	swait.ge [sflag:s20], $0x4000  }
0x15d: {  	[sflag:s20] =	ssyncset.done $0x0  }
0x15e: {  	[sflag:s20] =	ssyncadd.s32 $0xFFFFC000  }
0x15f: {  	[tilespmem:s21], [sflag:$0x4] =	stream.indirect.gather [hbm4b:s5+s19], $0x80, s29, s19, $0xb8;
	[tilespmem:$0x1D000] =	vst v63  }
0x160: {  	_ = 	snop  }
0x161: {  	[spmem:s3] =	stream.indirect.scatter.add.f32 [tilespmem:s15], [sflag:$0x5], $0x80, s30, s19, $0xb8;
	[tilespmem:$0x1D000] =	vst v63  }
0x162: {  	_ =	swait.ge [sflag:s16], $0x4000  }
0x163: {  	[sflag:s16] =	ssyncset.done $0x0  }
0x164: {  	[sflag:s16] =	ssyncadd.s32 $0xFFFFC000  }
0x165: {  	_ =	swait.ge [sflag:s22], $0x4000  }
0x166: {  	[sflag:s22] =	ssyncset.done $0x0  }
0x167: {  	[sflag:s22] =	ssyncadd.s32 $0xFFFFC000  }
0x168: {  	[tilespmem:s15], [sflag:$0x3] =	stream.indirect.gather [hbm4b:s5+s19], $0x80, s31, s19, $0xb8;
	[tilespmem:$0x1D000] =	vst v63  }
0x169: {  	_ = 	snop  }
0x16a: {  	[spmem:s3] =	stream.indirect.scatter.add.f32 [tilespmem:s21], [sflag:$0x5], $0x80, s1, s19, $0xb8;
	[tilespmem:$0x1D000] =	vst v63  }
0x16b: {  	_ =	swait.ge [sflag:s16], $0x4000  }
0x16c: {  	[sflag:s16] =	ssyncset.done $0x0  }
0x16d: {  	[sflag:s16] =	ssyncadd.s32 $0xFFFFC000  }
0x16e: {  	_ =	swait.ge [sflag:s20], $0x4000  }
0x16f: {  	[sflag:s20] =	ssyncset.done $0x0  }
0x170: {  	[sflag:s20] =	ssyncadd.s32 $0xFFFFC000  }
0x171: {  	[tilespmem:s21], [sflag:$0x4] =	stream.indirect.gather [hbm4b:s5+s19], $0x80, s0, s19, $0xb8;
	[tilespmem:$0x1D000] =	vst v63  }
0x172: {  	_ = 	snop  }
0x173: {  	[spmem:s3] =	stream.indirect.scatter.add.f32 [tilespmem:s15], [sflag:$0x5], $0x80, s7, s19, $0xb8;
	[tilespmem:$0x1D000] =	vst v63  }
0x174: {  	_ =	swait.ge [sflag:s16], $0x4000  }
0x175: {  	[sflag:s16] =	ssyncset.done $0x0  }
0x176: {  	s10 =	sadd.s32 $0x200, s10;
	[sflag:s16] =	ssyncadd.s32 $0xFFFFC000  }
0x177: {  	p0 =	sne.s32 s10, $0xA00;
	_ =	swait.ge [sflag:s22], $0x4000  }
.Ltmp1:
0x178: {  	[sflag:s22] =	ssyncset.done $0x0;
	(pc) =	sbr.rel @p0 .LBB2_4-.Ltmp1, $4  }
0x179: {  	[sflag:s22] =	ssyncadd.s32 $0xFFFFC000  }
0x17a: {  	[spmem:s3] =	stream.indirect.scatter.add.f32 [tilespmem:s21], [sflag:$0x5], $0x80, s8, s19, $0xb8;
	[tilespmem:$0x1D000] =	vst v63  }
0x17b: {  	_ =	swait.ge [sflag:s16], $0x4000  }
0x17c: {  	[sflag:s16] =	ssyncset.done $0x0  }
0x17d: {  	[sflag:s16] =	ssyncadd.s32 $0xFFFFC000;
	s10 =	simm.s32 $0x0  }
0x17e: {  	s12 =	simm.s32 $0x80;
	[bflag:$0x0] =	sbarrier.arrive $0xFFFF;
	s10 =	sand.u32 $0x3F80, s10  }
.LBB2_6:
0x17f: {  	p0 =	sne.s32 s12, $0x1FF80;
	[tilespmem:s10+$0x1070] =	vst v0  }
0x180: {  	[tilespmem:s10+$0x1000] =	vst v0  }
0x181: {  	[tilespmem:s10+$0x1010] =	vst v0  }
.Ltmp2:
0x182: {  	[tilespmem:s10+$0x1020] =	vst v0;
	(pc) =	sbr.rel @p0 .LBB2_6-.Ltmp2, $4  }
0x183: {  	[tilespmem:s10+$0x1030] =	vst v0  }
0x184: {  	[tilespmem:s10+$0x1040] =	vst v0  }
0x185: {  	[tilespmem:s10+$0x1050] =	vst v0  }
0x186: {  	[tilespmem:s10+$0x1060] =	vst v0;
	s10 =	sand.u32 $0x3F80, s12;
	s12 =	sadd.s32 $0x80, s12  }
0x187: {  	[tilespmem:s10+$0x1070] =	vst v0  }
0x188: {  	[tilespmem:s10+$0x1000] =	vst v0  }
0x189: {  	[tilespmem:s10+$0x1010] =	vst v0  }
0x18a: {  	[tilespmem:s10+$0x1020] =	vst v0  }
0x18b: {  	[tilespmem:s10+$0x1030] =	vst v0  }
0x18c: {  	[tilespmem:s10+$0x1040] =	vst v0  }
0x18d: {  	[tilespmem:s10+$0x1050] =	vst v0  }
0x18e: {  	[tilespmem:s10+$0x1060] =	vst v0;
	s13 =	stileid.u32  }
0x18f: {  	s10 =	sshll.u32 s13, $0x6;
	[bflag:$0x0] =	sbarrier.arrive $0xFFFF  }
0x190: {  	s11 =	sshrl.u32 s6, $0x3;
	s10 =	sor.u32 $0x1C05, s10;
	s12 =	rddreg [dreg:$0x1c]  }
0x191: {  	[hbm:s12], [sflag:s10] =	dma.local [spmem:s11], $0x2800  }
0x192: {  	_ =	swait.ge [sflag:s16], $0x2800  }
0x193: {  	s9 =	sadd.s32 $0x1, s9;
	s14 =	rddreg [dreg:$0x1d]  }
0x194: {  	p0 =	sne.s32 s9, s14  }
.Ltmp3:
0x195: {  	_ = 	snop;
	(pc) =	sbr.rel @p0 .LBB2_1-.Ltmp3, $3  }
0x196: {  	_ =	sdelay $0x1  }
0x197: {  	[sflag:s16] =	ssyncset.done $0x0  }
0x198: {  	[sflag:s16] =	ssyncadd.s32 $0xFFFFD800  }
0x199: {  	_ =	sfence.sel $0x180000  }
0x19a: {  	[bflag:$0x0] =	sbarrier.arrive $0xFFFF  }
0x19b: {  	_ =	strace $0x9000004D  }
0x19c: {  	s0 =	stileid.u32;
	[bflag:$0x2] =	sbarrier.arrive $0xFFFF  }
0x19d: {  	p0 =	sne.s32 s0, $0x0;
	s0 =	rddreg [dreg:$0x3]  }
0x19e: {  	s0 =	sadd.s32 @!p0 $0x100000, s0  }
0x19f: {  	[sflag:s0] =	ssyncadd.tile.s32 @!p0 $0x1;
	_ =	shalt  }
.Lfunc_end2:
_tile_overlayer_lowered:
.L_overlay_start_2:
0x1a0: {  	(tag) =	ssettag $0x2  }
0x1a1: {  	s0 =	rddreg [dreg:$0x0];
	s2 =	stileid.u32  }
0x1a2: {  	s1 =	rddreg [dreg:$0x1];
	p0 =	sne.s32 s2, $0x0  }
0x1a3: {  	s3 =	rddreg [dreg:$0x2];
	[bflag:$0x3] =	sbarrier.arrive $0xFFFF;
	s2 =	simm.s32 @!p0 $0x1C05  }
0x1a4: {  	[timem:s3], [sflag:s2] =	dma.local @!p0 [hbm:s0], s1  }
0x1a5: {  	s0 =	simm.s32 @!p0 $0x5  }
0x1a6: {  	_ =	swait.ge @!p0 [sflag:s0], s1  }
0x1a7: {  	s1 =	ssub.s32 @!p0 $0x0, s1;
	[sflag:s0] =	ssyncset.done @!p0 $0x0  }
0x1a8: {  	[sflag:s0] =	ssyncadd.s32 @!p0 s1  }
0x1a9: {  	[bflag:$0x3] =	sbarrier.arrive $0xFFFF  }
0x1aa: {  	_ =	shalt  }

// kernel: kernel.19.cloned.1.call-start
scs
__scs_entry_jumppad:
0x0: {  	(pc) =	sbr.rel $0x88, $3  }
0x1: {  	(tag) =	ssettag $0x0;
	lr =	simm.s32 $0x1  }
0x2: {  	[smem:$0x3F99] =	sst lr;
	_ =	strace $0xD0000000  }
0x3: {  	_ = 	snop  }
0x4: {  	_ = 	snop  }
0x5: {  	_ = 	snop  }
0x6: {  	_ = 	snop  }
0x7: {  	_ = 	snop  }
__scs_overlays_trampoline_lowered:
0x8: {  	[smem:$0x3FA8] =	sst s0  }
0x9: {  	[smem:$0x3FA9] =	sst s1  }
0xa: {  	[smem:$0x3FAA] =	sst s2  }
0xb: {  	[smem:$0x3FAB] =	sst s3  }
0xc: {  	[smem:$0x3FAC] =	sst s4  }
0xd: {  	[smem:$0x3FAD] =	sst s5  }
0xe: {  	[smem:$0x3FAE] =	sst s6  }
0xf: {  	[smem:$0x3FAF] =	sst s7  }
0x10: {  	[smem:$0x3FB0] =	sst s8  }
0x11: {  	[smem:$0x3FB1] =	sst s9;
	s0 =	simm.s32 @!p0 $0x0  }
0x12: {  	s1 =	sld [smem:$0x3F97];
	s0 =	simm.s32 @p0 $0x1  }
0x13: {  	[smem:$0x3FB2] =	sst s0;
	s0 =	simm.s32 @!p1 $0x0  }
0x14: {  	s2 =	sld [smem:$0x3F96];
	s0 =	simm.s32 @p1 $0x1  }
0x15: {  	[smem:$0x3FB3] =	sst s0;
	s0 =	simm.s32 @!p2 $0x0  }
0x16: {  	s3 =	sld [smem:$0x3FDB];
	s0 =	simm.s32 @p2 $0x1  }
0x17: {  	s4 =	simm.s32 $0x1BF5;
	[smem:$0x3FB5] =	sst s0  }
0x18: {  	s0 =	sld [smem:$0x3F98];
	_ =	swait.ge [sflag:s4], $0x0  }
0x19: {  	s7 =	sld [smem:$0x3F99]  }
0x1a: {  	s8 =	sadd.s32 $0xFFFFE003, lr  }
0x1b: {  	s9 =	sadd.s32 $0xFFFFFEF7, lr;
	s5 =	simm.s32 $0xFFFFFFFF;
	p2 =	slt.u32 s8, $0xFFFFF086  }
0x1c: {  	p1 =	slt.u32 s9, $0xF7A;
	s5 =	simm.s32 @!p2 $0x0  }
0x1d: {  	s5 =	simm.s32 @p1 $0x1;
	p0 =	seq.s32 s7, s2  }
0x1e: {  	s7 =	smul.u32 @!p0 $0xF7A, s2;
	p2 =	seq.s32 @!p0 s5, $0x0  }
0x1f: {  	s9 =	smul.u32 $0xF7A, s1;
	s8 =	simm.s32 @!p0 $0x1BF5;
	p2 =	por !p2, p0  }
0x20: {  	[sflag:s8] =	ssyncset.s32 @!p0 $0xFFFFF086;
	s6 =	sadd.s32 @!p0 s3, s7;
	s7 =	simm.s32 @!p0 $0x108  }
0x21: {  	s3 =	sadd.s32 s3, s9;
	s6 =	sadd.s32 @!p0 $0x88, s6;
	s7 =	simm.s32 @p2 $0x1082  }
0x22: {  	[simem:s7], [sflag:s8] =	dma.local @!p0 [hbm:s6], $0xF7A  }
0x23: {  	s9 =	sor.u32 $0xD0000000, s2;
	s6 =	simm.s32 $0x108;
	_ =	swait.ge @!p0 [sflag:s8], $0x0  }
0x24: {  	s3 =	sadd.s32 $0x88, s3;
	s6 =	simm.s32 @!p1 $0x1082;
	[sflag:s4] =	ssyncset.s32 $0xFFFFF086  }
0x25: {  	[simem:s6], [sflag:s4] =	dma.local [hbm:s3], $0xF7A  }
0x26: {  	[smem:$0x3F99] =	sst s1;
	(tag) =	ssettag s2;
	_ =	strace s9  }
0x27: {  	s1 =	sld [smem:$0x3FA9]  }
0x28: {  	s2 =	sld [smem:$0x3FAA]  }
0x29: {  	s4 =	sld [smem:$0x3FAC]  }
0x2a: {  	p0 =	seq.s32 s5, $0x0;
	s5 =	sld [smem:$0x3FAD]  }
0x2b: {  	s6 =	sld [smem:$0x3FAE]  }
0x2c: {  	s7 =	sld [smem:$0x3FAF]  }
0x2d: {  	s3 =	simm.s32 $0x108;
	s8 =	sld [smem:$0x3FB0]  }
0x2e: {  	s3 =	simm.s32 @!p0 $0x1082;
	s9 =	sld [smem:$0x3FB1]  }
0x2f: {  	lr =	sadd.s32 s0, s3;
	s0 =	sld [smem:$0x3FA8]  }
0x30: {  	s3 =	sld [smem:$0x3FAB]  }
0x31: {  	[smem:$0x3FB4] =	sst s10  }
0x32: {  	s10 =	sld [smem:$0x3FB2];
	_ =	sdelay $0x3  }
0x33: {  	p0 =	seq.s32 s10, $0x1;
	s10 =	sld [smem:$0x3FB4];
	_ =	sdelay $0x3  }
0x34: {  	[smem:$0x3FB4] =	sst s10  }
0x35: {  	s10 =	sld [smem:$0x3FB3];
	_ =	sdelay $0x3  }
0x36: {  	p1 =	seq.s32 s10, $0x1;
	s10 =	sld [smem:$0x3FB4];
	_ =	sdelay $0x3  }
0x37: {  	[smem:$0x3FB4] =	sst s10  }
0x38: {  	s10 =	sld [smem:$0x3FB5]  }
0x39: {  	_ = 	snop;
	(pc) =	sbr.ind lr, $3  }
0x3a: {  	_ = 	snop  }
0x3b: {  	_ = 	snop  }
0x3c: {  	p2 =	seq.s32 s10, $0x1;
	s10 =	sld [smem:$0x3FB4]  }
0x3d: {  	_ =	shalt  }
0x3e: {  	_ =	shalt  }
0x3f: {  	_ =	shalt  }
0x40: {  	_ =	shalt  }
0x41: {  	_ =	shalt  }
0x42: {  	_ =	shalt  }
0x43: {  	_ =	shalt  }
0x44: {  	_ =	shalt  }
0x45: {  	_ =	shalt  }
0x46: {  	_ =	shalt  }
0x47: {  	_ =	shalt  }
0x48: {  	_ =	shalt  }
0x49: {  	_ =	shalt  }
0x4a: {  	_ =	shalt  }
0x4b: {  	_ =	shalt  }
0x4c: {  	_ =	shalt  }
0x4d: {  	_ =	shalt  }
0x4e: {  	_ =	shalt  }
0x4f: {  	_ =	shalt  }
0x50: {  	_ =	shalt  }
0x51: {  	_ =	shalt  }
0x52: {  	_ =	shalt  }
0x53: {  	_ =	shalt  }
0x54: {  	_ =	shalt  }
0x55: {  	_ =	shalt  }
0x56: {  	_ =	shalt  }
0x57: {  	_ =	shalt  }
0x58: {  	_ =	shalt  }
0x59: {  	_ =	shalt  }
0x5a: {  	_ =	shalt  }
0x5b: {  	_ =	shalt  }
0x5c: {  	_ =	shalt  }
0x5d: {  	_ =	shalt  }
0x5e: {  	_ =	shalt  }
0x5f: {  	_ =	shalt  }
0x60: {  	_ =	shalt  }
0x61: {  	_ =	shalt  }
0x62: {  	_ =	shalt  }
0x63: {  	_ =	shalt  }
0x64: {  	_ =	shalt  }
0x65: {  	_ =	shalt  }
0x66: {  	_ =	shalt  }
0x67: {  	_ =	shalt  }
0x68: {  	_ =	shalt  }
0x69: {  	_ =	shalt  }
0x6a: {  	_ =	shalt  }
0x6b: {  	_ =	shalt  }
0x6c: {  	_ =	shalt  }
0x6d: {  	_ =	shalt  }
0x6e: {  	_ =	shalt  }
0x6f: {  	_ =	shalt  }
0x70: {  	_ =	shalt  }
0x71: {  	_ =	shalt  }
0x72: {  	_ =	shalt  }
0x73: {  	_ =	shalt  }
0x74: {  	_ =	shalt  }
0x75: {  	_ =	shalt  }
0x76: {  	_ =	shalt  }
0x77: {  	_ =	shalt  }
0x78: {  	_ =	shalt  }
0x79: {  	_ =	shalt  }
0x7a: {  	_ =	shalt  }
0x7b: {  	_ =	shalt  }
0x7c: {  	_ =	shalt  }
0x7d: {  	_ =	shalt  }
0x7e: {  	_ =	shalt  }
0x7f: {  	_ =	shalt  }
0x80: {  	_ =	shalt  }
0x81: {  	_ =	shalt  }
0x82: {  	_ =	shalt  }
0x83: {  	_ =	shalt  }
0x84: {  	_ =	shalt  }
0x85: {  	_ =	shalt  }
0x86: {  	_ =	shalt  }
0x87: {  	_ =	shalt  }
.Lfunc_end0:
.L_simem_size_0:
called_computation.3_lowered:
.L_overlay_start_0:
0x88: {  	s2 =	sld [smem:$0x3FD9]  }
0x89: {  	s3 =	sld [smem:$0x3FFE];
	_ =	sdelay $0x1  }
0x8a: {  	s1 =	srdreg.scid  }
0x8b: {  	s0 =	sand.u32 $0x1, s1  }
0x8c: {  	s17 =	sshll.u32 s0, $0xA;
	s2 =	sadd.s32 s3, s2  }
0x8d: {  	s2 =	sadd.s32 s2, s17  }
0x8e: {  	[smem:$0x3FC0] =	sst s2  }
0x8f: {  	_ = 	snop  }
0x90: {  	s2 =	sld [smem:$0x3FD0];
	(tm) =	ssettm $0x1  }
0x91: {  	s18 =	sld [smem:$0x3FFB];
	_ =	sdelay $0x3  }
0x92: {  	_ =	strace s18  }
0x93: {  	s3 =	sld [smem:$0x3FFC];
	_ =	sdelay $0x3  }
0x94: {  	_ =	strace s3  }
0x95: {  	s3 =	sld [smem:$0x3FFD];
	_ =	sdelay $0x3  }
0x96: {  	_ =	strace s3  }
0x97: {  	_ =	strace $0x8FFFFFFF  }
0x98: {  	s19 =	sld [smem:$0x3FDB];
	_ =	sdelay $0x1  }
0x99: {  	s4 =	simm.s32 $_scs_section_size  }
0x9a: {  	s5 =	simm.s32 $_size__tile_overlayer_lowered;
	s6 =	simm.s32 $_tile_overlayer_lowered  }
0x9b: {  	s22 =	simm.s32 $0x1BFF;
	s21 =	sshll.u32 s6, $0x1;
	s3 =	sadd.s32 s4, s19  }
0x9c: {  	s7 =	simm.s32 $0x0;
	s20 =	sshll.u32 s5, $0x1;
	s5 =	sadd.s32 s21, s3  }
0x9d: {  	[timem:s7], [sflag:s22] =	dma.local [hbm:s5], s20  }
0x9e: {  	_ =	swait.ge [sflag:s22], s20  }
0x9f: {  	s4 =	ssub.s32 $0x0, s20;
	[sflag:s22] =	ssyncset.done $0x0  }
0xa0: {  	[sflag:s22] =	ssyncadd.s32 s4;
	_ =	sdelay $0x1  }
0xa1: {  	s23 =	simm.s32 $0x1B8B  }
0xa2: {  	_ =	swait.ge [sflag:s23], $0x1  }
0xa3: {  	[sflag:s23] =	ssyncset.done $0x0  }
0xa4: {  	s25 =	simm.s32 $0x1B8E;
	s24 =	sld [smem:$0x3FFE];
	[sflag:s23] =	ssyncadd.s32 $0xFFFFFFFF  }
0xa5: {  	s26 =	simm.s32 $execute0_lowered;
	[smem:$0x3FD2] =	sst s25  }
0xa6: {  	s5 =	sshll.u32 s26, $0x1;
	_ =	strace $0x8000004F;
	[dreg:$0x1] =	wrdreg $0xFFFFFFFF  }
0xa7: {  	s28 =	simm.s32 $_size_execute0_lowered;
	s3 =	sadd.s32 s3, s5;
	[dreg:$0x0] =	wrdreg $0x0  }
0xa8: {  	s5 =	sshll.u32 s28, $0x1;
	[dreg:$0x2] =	wrdreg s3  }
0xa9: {  	[dreg:$0x3] =	wrdreg s5  }
0xaa: {  	[dreg:$0x4] =	wrdreg $0xC0  }
0xab: {  	_ =	task [dreg:s7], $0x5FFFF  }
0xac: {  	[dreg:$0x1] =	wrdreg $0xFFFFFFFF  }
0xad: {  	[dreg:$0x0] =	wrdreg $0x60  }
0xae: {  	[dreg:$0x2] =	wrdreg s24  }
0xaf: {  	[dreg:$0x3] =	wrdreg s2  }
0xb0: {  	[dreg:$0x4] =	wrdreg $0x90000  }
0xb1: {  	[dreg:$0x5] =	wrdreg $0x9  }
0xb2: {  	_ =	task.clear_ibuf [dreg:s7], $0x6FFFF;
	_ =	strace $0x9000004F  }
0xb3: {  	s29 =	simm.s32 $0x9;
	_ =	strace $0x80000051  }
0xb4: {  	_ =	swait.ge [sflag:s29], $0x1  }
0xb5: {  	[sflag:s29] =	ssyncadd.s32 $0xFFFFFFFF  }
0xb6: {  	_ =	strace $0x90000051  }
0xb7: {  	_ =	sfence  }
0xb8: {  	s30 =	sld [smem:$0x0];
	_ =	sdelay $0x2  }
0xb9: {  	s31 =	sshll.u32 s1, $0xD;
	s1 =	sshrl.u32 s1, $0x2  }
0xba: {  	s3 =	sand.u32 $0x4000, s31;
	s1 =	sadd.s32 s1, s30  }
0xbb: {  	s0 =	sor.u32 s3, s0;
	s1 =	sshll.u32 s1, $0x11  }
0xbc: {  	s0 =	sor.u32 s1, s0  }
0xbd: {  	s0 =	sadd.s32 $0x8F2B, s0  }
0xbe: {  	[sflag:s0] =	ssyncadd.remote.s32 $0x1  }
0xbf: {  	_ =	sfence.sel $0xFFFF  }
0xc0: {  	[dreg:$0x0] =	wrdreg $0xFFFFFFFF;
	(pc) =	sbr.abs _section_cstart, $3  }
0xc1: {  	[dreg:$0x1] =	wrdreg $0xFFFFFFFF  }
0xc2: {  	_ =	task.clear_ibuf [dreg:s7], $0x2FFFF;
	_ =	strace $0x9FFFFFFF  }
0xc3: {  	(tm) =	ssettm $0x7FFFFFFF  }
tec
execute0_lowered:
.L_overlay_start_1:
0x0: {  	(tag) =	ssettag $0x1  }
0x1: {  	s0 =	rddreg [dreg:$0x0]  }
0x2: {  	s1 =	srdreg.scid;
	s2 =	rddreg [dreg:$0x1]  }
0x3: {  	s11 =	stileid.u32;
	s3 =	rddreg [dreg:$0x2];
	s4 =	simm.s32 $0x0  }
0x4: {  	s19 =	simm.s32 $0x400;
	s21 =	simm.s32 $0x100;
	s23 =	simm.s32 $0x480  }
0x5: {  	s25 =	simm.s32 $0x180;
	s26 =	simm.s32 $0x500;
	s12 =	simm.s32 $0x200  }
0x6: {  	s13 =	simm.s32 $0x580;
	s28 =	simm.s32 $0xD80;
	[smem:$0x7FF] =	sst s4  }
0x7: {  	s29 =	simm.s32 $0xA80;
	_ =	strace $0x80000050;
	[dreg:$0x5] =	wrdreg s19  }
0x8: {  	s30 =	simm.s32 $0xE00;
	s6 =	smul.u32 $0x14000, s11;
	[dreg:$0x6] =	wrdreg s21  }
0x9: {  	s31 =	simm.s32 $0xB00;
	s7 =	smul.u32 $0xA000, s11;
	[dreg:$0x7] =	wrdreg s23  }
0xa: {  	s1 =	sand.u32 $0x1, s1;
	s9 =	smul.u32 $0x50000, s11;
	[dreg:$0x8] =	wrdreg s25  }
0xb: {  	s16 =	sshll.u32 s11, $0x1;
	s5 =	smul.u32 $0x140000, s1;
	[dreg:$0x9] =	wrdreg s26  }
0xc: {  	s8 =	smul.u32 $0x5000, s1;
	s14 =	ssub.s32 $0x2, s1;
	[dreg:$0xa] =	wrdreg s12  }
0xd: {  	s1 =	sor.u32 s1, s16;
	[dreg:$0xb] =	wrdreg s13;
	s19 =	simm.s32 $0x680  }
0xe: {  	s21 =	simm.s32 $0x700;
	s23 =	simm.s32 $0x880;
	[dreg:$0xf] =	wrdreg s19  }
0xf: {  	s25 =	simm.s32 $0x900;
	s26 =	simm.s32 $0xC80;
	[dreg:$0x11] =	wrdreg s21  }
0x10: {  	s15 =	sshrl.u32 s14, $0x1;
	s17 =	sshrl.u32 s9, $0x2;
	[dreg:$0x13] =	wrdreg s23  }
0x11: {  	s1 =	smul.u32 $0x5000, s1;
	s19 =	simm.s32 $0x80;
	[dreg:$0x15] =	wrdreg s25  }
0x12: {  	s21 =	simm.s32 $0x5000;
	s23 =	simm.s32 $0x2;
	[dreg:$0x16] =	wrdreg s26  }
0x13: {  	s25 =	simm.s32 $0xD00;
	s26 =	simm.s32 $0xA00;
	s6 =	sadd.s32 s6, s5  }
0x14: {  	s5 =	sadd.s32 $0x3400, s0;
	s7 =	sadd.s32 s8, s7;
	s8 =	ssub.s32 s14, s15  }
0x15: {  	s14 =	simm.s32 $0x280;
	s15 =	simm.s32 $0x600;
	s6 =	sshrl.u32 s6, $0x3  }
0x16: {  	s10 =	sor.u32 $0x800, s7;
	s1 =	sshrl.u32 s1, $0x3;
	[dreg:$0xc] =	wrdreg s14  }
0x17: {  	s16 =	smax.u32 s8, $0x1;
	[dreg:$0xd] =	wrdreg s15;
	s0 =	sadd.s32 s6, s0  }
0x18: {  	s10 =	sshrl.u32 s10, $0x3;
	s1 =	sadd.s32 s2, s1;
	[dreg:$0x1d] =	wrdreg s16  }
0x19: {  	s6 =	sadd.s32 s17, s3;
	s17 =	simm.s32 $0x300;
	[dreg:$0x1b] =	wrdreg s1  }
0x1a: {  	s9 =	simm.s32 $0x0;
	s18 =	sadd.s32 s10, s2;
	[dreg:$0xe] =	wrdreg s17  }
0x1b: {  	s15 =	simm.s32 $0x1000;
	s20 =	sadd.s32 $0x4000, s6;
	[dreg:$0x4] =	wrdreg s18  }
0x1c: {  	s8 =	simm.s32 $0xF80;
	s22 =	sadd.s32 $0x8000, s6;
	[dreg:$0x17] =	wrdreg s20  }
0x1d: {  	s16 =	simm.s32 $0x5;
	s24 =	sadd.s32 $0xC000, s6;
	[dreg:$0x18] =	wrdreg s22  }
0x1e: {  	s11 =	sadd.s32 $0x10000, s6;
	s0 =	sadd.s32 $0x2B400, s0;
	[dreg:$0x19] =	wrdreg s24  }
0x1f: {  	s17 =	simm.s32 $0x1;
	s1 =	simm.s32 $0xE80;
	[dreg:$0x1a] =	wrdreg s11  }
0x20: {  	[dreg:$0x1c] =	wrdreg s0;
	s18 =	sadd.s32 $0x1000, s7;
	s20 =	simm.s32 $0x380  }
0x21: {  	s22 =	simm.s32 $0x780;
	s24 =	simm.s32 $0xC00;
	[dreg:$0x1e] =	wrdreg s18  }
0x22: {  	s0 =	simm.s32 $0xB80;
	s7 =	simm.s32 $0xF00;
	[dreg:$0x10] =	wrdreg s20  }
0x23: {  	s18 =	simm.s32 $0x800;
	[dreg:$0x12] =	wrdreg s22;
	s20 =	simm.s32 $0x3  }
0x24: {  	v0 =	vimm.f32 $0.0e+00;
	[dreg:$0x14] =	wrdreg s24;
	s22 =	simm.s32 $0x4;
	s24 =	simm.s32 $0x980  }
.LBB2_1:
0x25: {  	s10 =	simm.s32 $0x0;
	s12 =	simm.s32 $0x200  }
.LBB2_2:
0x26: {  	p0 =	sne.s32 s12, $0xFE00;
	[tilespmem:s10+$0x1070] =	vst v0  }
0x27: {  	[tilespmem:s10+$0x1000] =	vst v0  }
0x28: {  	[tilespmem:s10+$0x1010] =	vst v0  }
.Ltmp0:
0x29: {  	[tilespmem:s10+$0x1020] =	vst v0;
	(pc) =	sbr.rel @p0 .LBB2_2-.Ltmp0, $4  }
0x2a: {  	[tilespmem:s10+$0x1030] =	vst v0  }
0x2b: {  	[tilespmem:s10+$0x1040] =	vst v0  }
0x2c: {  	[tilespmem:s10+$0x1050] =	vst v0  }
0x2d: {  	[tilespmem:s10+$0x1060] =	vst v0;
	s10 =	sshra.s32 s12, $0x2;
	s12 =	sadd.s32 $0x200, s12  }
0x2e: {  	[tilespmem:s10+$0x1070] =	vst v0  }
0x2f: {  	[tilespmem:s10+$0x1000] =	vst v0  }
0x30: {  	[tilespmem:s10+$0x1010] =	vst v0  }
0x31: {  	[tilespmem:s10+$0x1020] =	vst v0  }
0x32: {  	[tilespmem:s10+$0x1030] =	vst v0  }
0x33: {  	[tilespmem:s10+$0x1040] =	vst v0  }
0x34: {  	[tilespmem:s10+$0x1050] =	vst v0  }
0x35: {  	[tilespmem:s10+$0x1060] =	vst v0  }
0x36: {  	[spmem:s6] =	stream.linear.scatter [tilespmem:s15], [sflag:$0x5], $0x4000, $0x38;
	[tilespmem:$0x1D000] =	vst v63  }
0x37: {  	_ =	swait.ge [sflag:s16], $0x4000  }
0x38: {  	[sflag:s16] =	ssyncset.done $0x0  }
0x39: {  	s14 =	rddreg [dreg:$0x17];
	[sflag:s16] =	ssyncadd.s32 $0xFFFFC000  }
0x3a: {  	[spmem:s14] =	stream.linear.scatter [tilespmem:s15], [sflag:$0x5], $0x4000, $0x38;
	[tilespmem:$0x1D000] =	vst v63  }
0x3b: {  	_ =	swait.ge [sflag:s16], $0x4000  }
0x3c: {  	[sflag:s16] =	ssyncset.done $0x0  }
0x3d: {  	s11 =	rddreg [dreg:$0x18];
	[sflag:s16] =	ssyncadd.s32 $0xFFFFC000  }
0x3e: {  	[spmem:s11] =	stream.linear.scatter [tilespmem:s15], [sflag:$0x5], $0x4000, $0x38;
	[tilespmem:$0x1D000] =	vst v63  }
0x3f: {  	_ =	swait.ge [sflag:s16], $0x4000  }
0x40: {  	[sflag:s16] =	ssyncset.done $0x0  }
0x41: {  	s12 =	rddreg [dreg:$0x19];
	[sflag:s16] =	ssyncadd.s32 $0xFFFFC000  }
0x42: {  	[spmem:s12] =	stream.linear.scatter [tilespmem:s15], [sflag:$0x5], $0x4000, $0x38;
	[tilespmem:$0x1D000] =	vst v63  }
0x43: {  	_ =	swait.ge [sflag:s16], $0x4000  }
0x44: {  	[sflag:s16] =	ssyncset.done $0x0  }
0x45: {  	s13 =	rddreg [dreg:$0x1a];
	[sflag:s16] =	ssyncadd.s32 $0xFFFFC000  }
0x46: {  	[spmem:s13] =	stream.linear.scatter [tilespmem:s15], [sflag:$0x5], $0x4000, $0x38;
	[tilespmem:$0x1D000] =	vst v63  }
0x47: {  	_ =	swait.ge [sflag:s16], $0x4000  }
0x48: {  	[sflag:s16] =	ssyncset.done $0x0  }
0x49: {  	[sflag:s16] =	ssyncadd.s32 $0xFFFFC000  }
0x4a: {  	[bflag:$0x0] =	sbarrier.arrive $0xFFFF  }
0x4b: {  	s14 =	simm.s32 $0x0;
	s11 =	rddreg [dreg:$0x1b]  }
0x4c: {  	[tilespmem:s14], [sflag:$0x1] =	stream.linear.gather [hbm4b:s11+s14], $0x800, $0x38;
	[tilespmem:$0x1D000] =	vst v63  }
0x4d: {  	_ =	swait.ge [sflag:s17], $0x800  }
0x4e: {  	s11 =	rddreg [dreg:$0x4];
	[sflag:s17] =	ssyncset.done $0x0  }
0x4f: {  	[sflag:s17] =	ssyncadd.s32 $0xFFFFF800;
	s10 =	sadd.s32 $0x0, s11  }
0x50: {  	[tilespmem:s18], [sflag:$0x2] =	stream.linear.gather [hbm4b:s10+s4], $0x800, $0x38;
	[tilespmem:$0x1D000] =	vst v63  }
0x51: {  	_ = 	snop  }
0x52: {  	[tilespmem:s15], [sflag:$0x3] =	stream.indirect.gather [hbm4b:s5+s19], $0x80, s4, s19, $0xb8;
	[tilespmem:$0x1D000] =	vst v63  }
0x53: {  	_ =	swait.ge [sflag:s20], $0x4000  }
0x54: {  	[sflag:s20] =	ssyncset.done $0x0  }
0x55: {  	[sflag:s20] =	ssyncadd.s32 $0xFFFFC000  }
0x56: {  	[tilespmem:s21], [sflag:$0x4] =	stream.indirect.gather [hbm4b:s5+s19], $0x80, s19, s19, $0xb8;
	[tilespmem:$0x1D000] =	vst v63  }
0x57: {  	s12 =	rddreg [dreg:$0x5]  }
0x58: {  	[spmem:s3] =	stream.indirect.scatter.add.f32 [tilespmem:s15], [sflag:$0x5], $0x80, s12, s19, $0xb8;
	[tilespmem:$0x1D000] =	vst v63  }
0x59: {  	_ =	swait.ge [sflag:s16], $0x4000  }
0x5a: {  	[sflag:s16] =	ssyncset.done $0x0  }
0x5b: {  	[sflag:s16] =	ssyncadd.s32 $0xFFFFC000  }
0x5c: {  	_ =	swait.ge [sflag:s22], $0x4000  }
0x5d: {  	[sflag:s22] =	ssyncset.done $0x0  }
0x5e: {  	s13 =	rddreg [dreg:$0x6];
	[sflag:s22] =	ssyncadd.s32 $0xFFFFC000  }
0x5f: {  	[tilespmem:s15], [sflag:$0x3] =	stream.indirect.gather [hbm4b:s5+s19], $0x80, s13, s19, $0xb8;
	[tilespmem:$0x1D000] =	vst v63  }
0x60: {  	s12 =	rddreg [dreg:$0x7]  }
0x61: {  	[spmem:s3] =	stream.indirect.scatter.add.f32 [tilespmem:s21], [sflag:$0x5], $0x80, s12, s19, $0xb8;
	[tilespmem:$0x1D000] =	vst v63  }
0x62: {  	_ =	swait.ge [sflag:s16], $0x4000  }
0x63: {  	[sflag:s16] =	ssyncset.done $0x0  }
0x64: {  	[sflag:s16] =	ssyncadd.s32 $0xFFFFC000  }
0x65: {  	_ =	swait.ge [sflag:s20], $0x4000  }
0x66: {  	[sflag:s20] =	ssyncset.done $0x0  }
0x67: {  	s14 =	rddreg [dreg:$0x8];
	[sflag:s20] =	ssyncadd.s32 $0xFFFFC000  }
0x68: {  	[tilespmem:s21], [sflag:$0x4] =	stream.indirect.gather [hbm4b:s5+s19], $0x80, s14, s19, $0xb8;
	[tilespmem:$0x1D000] =	vst v63  }
0x69: {  	s11 =	rddreg [dreg:$0x9]  }
0x6a: {  	[spmem:s3] =	stream.indirect.scatter.add.f32 [tilespmem:s15], [sflag:$0x5], $0x80, s11, s19, $0xb8;
	[tilespmem:$0x1D000] =	vst v63  }
0x6b: {  	_ =	swait.ge [sflag:s16], $0x4000  }
0x6c: {  	[sflag:s16] =	ssyncset.done $0x0  }
0x6d: {  	[sflag:s16] =	ssyncadd.s32 $0xFFFFC000  }
0x6e: {  	_ =	swait.ge [sflag:s22], $0x4000  }
0x6f: {  	[sflag:s22] =	ssyncset.done $0x0  }
0x70: {  	s12 =	rddreg [dreg:$0xa];
	[sflag:s22] =	ssyncadd.s32 $0xFFFFC000  }
0x71: {  	[tilespmem:s15], [sflag:$0x3] =	stream.indirect.gather [hbm4b:s5+s19], $0x80, s12, s19, $0xb8;
	[tilespmem:$0x1D000] =	vst v63  }
0x72: {  	s13 =	rddreg [dreg:$0xb]  }
0x73: {  	[spmem:s3] =	stream.indirect.scatter.add.f32 [tilespmem:s21], [sflag:$0x5], $0x80, s13, s19, $0xb8;
	[tilespmem:$0x1D000] =	vst v63  }
0x74: {  	_ =	swait.ge [sflag:s16], $0x4000  }
0x75: {  	[sflag:s16] =	ssyncset.done $0x0  }
0x76: {  	[sflag:s16] =	ssyncadd.s32 $0xFFFFC000  }
0x77: {  	_ =	swait.ge [sflag:s20], $0x4000  }
0x78: {  	[sflag:s20] =	ssyncset.done $0x0  }
0x79: {  	s14 =	rddreg [dreg:$0xc];
	[sflag:s20] =	ssyncadd.s32 $0xFFFFC000  }
0x7a: {  	[tilespmem:s21], [sflag:$0x4] =	stream.indirect.gather [hbm4b:s5+s19], $0x80, s14, s19, $0xb8;
	[tilespmem:$0x1D000] =	vst v63  }
0x7b: {  	s11 =	rddreg [dreg:$0xd]  }
0x7c: {  	[spmem:s3] =	stream.indirect.scatter.add.f32 [tilespmem:s15], [sflag:$0x5], $0x80, s11, s19, $0xb8;
	[tilespmem:$0x1D000] =	vst v63  }
0x7d: {  	_ =	swait.ge [sflag:s16], $0x4000  }
0x7e: {  	[sflag:s16] =	ssyncset.done $0x0  }
0x7f: {  	[sflag:s16] =	ssyncadd.s32 $0xFFFFC000  }
0x80: {  	_ =	swait.ge [sflag:s22], $0x4000  }
0x81: {  	[sflag:s22] =	ssyncset.done $0x0  }
0x82: {  	s12 =	rddreg [dreg:$0xe];
	[sflag:s22] =	ssyncadd.s32 $0xFFFFC000  }
0x83: {  	[tilespmem:s15], [sflag:$0x3] =	stream.indirect.gather [hbm4b:s5+s19], $0x80, s12, s19, $0xb8;
	[tilespmem:$0x1D000] =	vst v63  }
0x84: {  	s13 =	rddreg [dreg:$0xf]  }
0x85: {  	[spmem:s3] =	stream.indirect.scatter.add.f32 [tilespmem:s21], [sflag:$0x5], $0x80, s13, s19, $0xb8;
	[tilespmem:$0x1D000] =	vst v63  }
0x86: {  	_ =	swait.ge [sflag:s16], $0x4000  }
0x87: {  	[sflag:s16] =	ssyncset.done $0x0  }
0x88: {  	[sflag:s16] =	ssyncadd.s32 $0xFFFFC000  }
0x89: {  	_ =	swait.ge [sflag:s20], $0x4000  }
0x8a: {  	[sflag:s20] =	ssyncset.done $0x0  }
0x8b: {  	s14 =	rddreg [dreg:$0x10];
	[sflag:s20] =	ssyncadd.s32 $0xFFFFC000  }
0x8c: {  	[tilespmem:s21], [sflag:$0x4] =	stream.indirect.gather [hbm4b:s5+s19], $0x80, s14, s19, $0xb8;
	[tilespmem:$0x1D000] =	vst v63  }
0x8d: {  	s11 =	rddreg [dreg:$0x11]  }
0x8e: {  	[spmem:s3] =	stream.indirect.scatter.add.f32 [tilespmem:s15], [sflag:$0x5], $0x80, s11, s19, $0xb8;
	[tilespmem:$0x1D000] =	vst v63  }
0x8f: {  	_ =	swait.ge [sflag:s16], $0x4000  }
0x90: {  	[sflag:s16] =	ssyncset.done $0x0  }
0x91: {  	[sflag:s16] =	ssyncadd.s32 $0xFFFFC000  }
0x92: {  	_ =	swait.ge [sflag:s22], $0x4000  }
0x93: {  	[sflag:s22] =	ssyncset.done $0x0  }
0x94: {  	s12 =	rddreg [dreg:$0x12];
	[sflag:s22] =	ssyncadd.s32 $0xFFFFC000  }
0x95: {  	[spmem:s3] =	stream.indirect.scatter.add.f32 [tilespmem:s21], [sflag:$0x5], $0x80, s12, s19, $0xb8;
	[tilespmem:$0x1D000] =	vst v63  }
0x96: {  	_ =	swait.ge [sflag:s16], $0x4000  }
0x97: {  	[sflag:s16] =	ssyncset.done $0x0  }
0x98: {  	[sflag:s16] =	ssyncadd.s32 $0xFFFFC000  }
0x99: {  	_ =	swait.ge [sflag:s23], $0x800  }
0x9a: {  	p0 =	por $0x0, $0x0;
	s14 =	rddreg [dreg:$0x1e]  }
0x9b: {  	[sflag:s23] =	ssyncset.done $0x0;
	s10 =	sshrl.u32 @!p0 s14, $0x3  }
0x9c: {  	s12 =	simm.s32 @!p0 $0x0;
	[sflag:s23] =	ssyncadd.s32 $0xFFFFF800;
	s10 =	sadd.s32 @!p0 s2, s10  }
0x9d: {  	[tilespmem:s12], [sflag:$0x1] =	stream.linear.gather @!p0 [hbm4b:s10+s12], $0x800, $0x38;
	[tilespmem:$0x1D000] =	vst v63  }
0x9e: {  	_ = 	snop  }
0x9f: {  	[tilespmem:s15], [sflag:$0x3] =	stream.indirect.gather [hbm4b:s5+s19], $0x80, s18, s19, $0xb8;
	[tilespmem:$0x1D000] =	vst v63  }
0xa0: {  	_ =	swait.ge [sflag:s20], $0x4000  }
0xa1: {  	[sflag:s20] =	ssyncset.done $0x0  }
0xa2: {  	s13 =	rddreg [dreg:$0x13];
	[sflag:s20] =	ssyncadd.s32 $0xFFFFC000  }
0xa3: {  	[tilespmem:s21], [sflag:$0x4] =	stream.indirect.gather [hbm4b:s5+s19], $0x80, s13, s19, $0xb8;
	[tilespmem:$0x1D000] =	vst v63  }
0xa4: {  	s11 =	rddreg [dreg:$0x14]  }
0xa5: {  	[spmem:s3] =	stream.indirect.scatter.add.f32 [tilespmem:s15], [sflag:$0x5], $0x80, s11, s19, $0xb8;
	[tilespmem:$0x1D000] =	vst v63  }
0xa6: {  	_ =	swait.ge [sflag:s16], $0x4000  }
0xa7: {  	[sflag:s16] =	ssyncset.done $0x0  }
0xa8: {  	[sflag:s16] =	ssyncadd.s32 $0xFFFFC000  }
0xa9: {  	_ =	swait.ge [sflag:s22], $0x4000  }
0xaa: {  	[sflag:s22] =	ssyncset.done $0x0  }
0xab: {  	s12 =	rddreg [dreg:$0x15];
	[sflag:s22] =	ssyncadd.s32 $0xFFFFC000  }
0xac: {  	[tilespmem:s15], [sflag:$0x3] =	stream.indirect.gather [hbm4b:s5+s19], $0x80, s12, s19, $0xb8;
	[tilespmem:$0x1D000] =	vst v63  }
0xad: {  	s13 =	rddreg [dreg:$0x16]  }
0xae: {  	[spmem:s3] =	stream.indirect.scatter.add.f32 [tilespmem:s21], [sflag:$0x5], $0x80, s13, s19, $0xb8;
	[tilespmem:$0x1D000] =	vst v63  }
0xaf: {  	_ =	swait.ge [sflag:s16], $0x4000  }
0xb0: {  	[sflag:s16] =	ssyncset.done $0x0  }
0xb1: {  	[sflag:s16] =	ssyncadd.s32 $0xFFFFC000  }
0xb2: {  	_ =	swait.ge [sflag:s20], $0x4000  }
0xb3: {  	[sflag:s20] =	ssyncset.done $0x0  }
0xb4: {  	[sflag:s20] =	ssyncadd.s32 $0xFFFFC000  }
0xb5: {  	[tilespmem:s21], [sflag:$0x4] =	stream.indirect.gather [hbm4b:s5+s19], $0x80, s24, s19, $0xb8;
	[tilespmem:$0x1D000] =	vst v63  }
0xb6: {  	_ = 	snop  }
0xb7: {  	[spmem:s3] =	stream.indirect.scatter.add.f32 [tilespmem:s15], [sflag:$0x5], $0x80, s25, s19, $0xb8;
	[tilespmem:$0x1D000] =	vst v63  }
0xb8: {  	_ =	swait.ge [sflag:s16], $0x4000  }
0xb9: {  	[sflag:s16] =	ssyncset.done $0x0  }
0xba: {  	[sflag:s16] =	ssyncadd.s32 $0xFFFFC000  }
0xbb: {  	_ =	swait.ge [sflag:s22], $0x4000  }
0xbc: {  	[sflag:s22] =	ssyncset.done $0x0  }
0xbd: {  	[sflag:s22] =	ssyncadd.s32 $0xFFFFC000  }
0xbe: {  	[tilespmem:s15], [sflag:$0x3] =	stream.indirect.gather [hbm4b:s5+s19], $0x80, s26, s19, $0xb8;
	[tilespmem:$0x1D000] =	vst v63  }
0xbf: {  	_ = 	snop  }
0xc0: {  	[spmem:s3] =	stream.indirect.scatter.add.f32 [tilespmem:s21], [sflag:$0x5], $0x80, s28, s19, $0xb8;
	[tilespmem:$0x1D000] =	vst v63  }
0xc1: {  	_ =	swait.ge [sflag:s16], $0x4000  }
0xc2: {  	[sflag:s16] =	ssyncset.done $0x0  }
0xc3: {  	[sflag:s16] =	ssyncadd.s32 $0xFFFFC000  }
0xc4: {  	_ =	swait.ge [sflag:s20], $0x4000  }
0xc5: {  	[sflag:s20] =	ssyncset.done $0x0  }
0xc6: {  	[sflag:s20] =	ssyncadd.s32 $0xFFFFC000  }
0xc7: {  	[tilespmem:s21], [sflag:$0x4] =	stream.indirect.gather [hbm4b:s5+s19], $0x80, s29, s19, $0xb8;
	[tilespmem:$0x1D000] =	vst v63  }
0xc8: {  	_ = 	snop  }
0xc9: {  	[spmem:s3] =	stream.indirect.scatter.add.f32 [tilespmem:s15], [sflag:$0x5], $0x80, s30, s19, $0xb8;
	[tilespmem:$0x1D000] =	vst v63  }
0xca: {  	_ =	swait.ge [sflag:s16], $0x4000  }
0xcb: {  	[sflag:s16] =	ssyncset.done $0x0  }
0xcc: {  	[sflag:s16] =	ssyncadd.s32 $0xFFFFC000  }
0xcd: {  	_ =	swait.ge [sflag:s22], $0x4000  }
0xce: {  	[sflag:s22] =	ssyncset.done $0x0  }
0xcf: {  	[sflag:s22] =	ssyncadd.s32 $0xFFFFC000  }
0xd0: {  	[tilespmem:s15], [sflag:$0x3] =	stream.indirect.gather [hbm4b:s5+s19], $0x80, s31, s19, $0xb8;
	[tilespmem:$0x1D000] =	vst v63  }
0xd1: {  	_ = 	snop  }
0xd2: {  	[spmem:s3] =	stream.indirect.scatter.add.f32 [tilespmem:s21], [sflag:$0x5], $0x80, s1, s19, $0xb8;
	[tilespmem:$0x1D000] =	vst v63  }
0xd3: {  	_ =	swait.ge [sflag:s16], $0x4000  }
0xd4: {  	[sflag:s16] =	ssyncset.done $0x0  }
0xd5: {  	[sflag:s16] =	ssyncadd.s32 $0xFFFFC000  }
0xd6: {  	_ =	swait.ge [sflag:s20], $0x4000  }
0xd7: {  	[sflag:s20] =	ssyncset.done $0x0  }
0xd8: {  	[sflag:s20] =	ssyncadd.s32 $0xFFFFC000  }
0xd9: {  	[tilespmem:s21], [sflag:$0x4] =	stream.indirect.gather [hbm4b:s5+s19], $0x80, s0, s19, $0xb8;
	[tilespmem:$0x1D000] =	vst v63  }
0xda: {  	_ = 	snop  }
0xdb: {  	[spmem:s3] =	stream.indirect.scatter.add.f32 [tilespmem:s15], [sflag:$0x5], $0x80, s7, s19, $0xb8;
	[tilespmem:$0x1D000] =	vst v63  }
0xdc: {  	_ =	swait.ge [sflag:s16], $0x4000  }
0xdd: {  	[sflag:s16] =	ssyncset.done $0x0  }
0xde: {  	[sflag:s16] =	ssyncadd.s32 $0xFFFFC000  }
0xdf: {  	_ =	swait.ge [sflag:s22], $0x4000  }
0xe0: {  	[sflag:s22] =	ssyncset.done $0x0  }
0xe1: {  	[sflag:s22] =	ssyncadd.s32 $0xFFFFC000  }
0xe2: {  	[spmem:s3] =	stream.indirect.scatter.add.f32 [tilespmem:s21], [sflag:$0x5], $0x80, s8, s19, $0xb8;
	[tilespmem:$0x1D000] =	vst v63  }
0xe3: {  	_ =	swait.ge [sflag:s16], $0x4000  }
0xe4: {  	s10 =	simm.s32 $0x200;
	[sflag:s16] =	ssyncset.done $0x0  }
.LBB2_4:
0xe5: {  	[sflag:s16] =	ssyncadd.s32 $0xFFFFC000  }
0xe6: {  	_ =	swait.ge [sflag:s17], $0x800  }
0xe7: {  	s12 =	smov.u32 s10;
	s13 =	rddreg [dreg:$0x4];
	[sflag:s17] =	ssyncset.done $0x0  }
0xe8: {  	[sflag:s17] =	ssyncadd.s32 $0xFFFFF800;
	s13 =	sadd.s32 s12, s13  }
0xe9: {  	[tilespmem:s18], [sflag:$0x2] =	stream.linear.gather [hbm4b:s13+s4], $0x800, $0x38;
	[tilespmem:$0x1D000] =	vst v63  }
0xea: {  	_ = 	snop  }
0xeb: {  	[tilespmem:s15], [sflag:$0x3] =	stream.indirect.gather [hbm4b:s5+s19], $0x80, s4, s19, $0xb8;
	[tilespmem:$0x1D000] =	vst v63  }
0xec: {  	_ =	swait.ge [sflag:s20], $0x4000  }
0xed: {  	[sflag:s20] =	ssyncset.done $0x0  }
0xee: {  	[sflag:s20] =	ssyncadd.s32 $0xFFFFC000  }
0xef: {  	[tilespmem:s21], [sflag:$0x4] =	stream.indirect.gather [hbm4b:s5+s19], $0x80, s19, s19, $0xb8;
	[tilespmem:$0x1D000] =	vst v63  }
0xf0: {  	s11 =	rddreg [dreg:$0x5]  }
0xf1: {  	[spmem:s3] =	stream.indirect.scatter.add.f32 [tilespmem:s15], [sflag:$0x5], $0x80, s11, s19, $0xb8;
	[tilespmem:$0x1D000] =	vst v63  }
0xf2: {  	_ =	swait.ge [sflag:s16], $0x4000  }
0xf3: {  	[sflag:s16] =	ssyncset.done $0x0  }
0xf4: {  	[sflag:s16] =	ssyncadd.s32 $0xFFFFC000  }
0xf5: {  	_ =	swait.ge [sflag:s22], $0x4000  }
0xf6: {  	[sflag:s22] =	ssyncset.done $0x0  }
0xf7: {  	s13 =	rddreg [dreg:$0x6];
	[sflag:s22] =	ssyncadd.s32 $0xFFFFC000  }
0xf8: {  	[tilespmem:s15], [sflag:$0x3] =	stream.indirect.gather [hbm4b:s5+s19], $0x80, s13, s19, $0xb8;
	[tilespmem:$0x1D000] =	vst v63  }
0xf9: {  	s11 =	rddreg [dreg:$0x7]  }
0xfa: {  	[spmem:s3] =	stream.indirect.scatter.add.f32 [tilespmem:s21], [sflag:$0x5], $0x80, s11, s19, $0xb8;
	[tilespmem:$0x1D000] =	vst v63  }
0xfb: {  	_ =	swait.ge [sflag:s16], $0x4000  }
0xfc: {  	[sflag:s16] =	ssyncset.done $0x0  }
0xfd: {  	[sflag:s16] =	ssyncadd.s32 $0xFFFFC000  }
0xfe: {  	_ =	swait.ge [sflag:s20], $0x4000  }
0xff: {  	[sflag:s20] =	ssyncset.done $0x0  }
0x100: {  	s11 =	rddreg [dreg:$0x8];
	[sflag:s20] =	ssyncadd.s32 $0xFFFFC000  }
0x101: {  	[tilespmem:s21], [sflag:$0x4] =	stream.indirect.gather [hbm4b:s5+s19], $0x80, s11, s19, $0xb8;
	[tilespmem:$0x1D000] =	vst v63  }
0x102: {  	s13 =	rddreg [dreg:$0x9]  }
0x103: {  	[spmem:s3] =	stream.indirect.scatter.add.f32 [tilespmem:s15], [sflag:$0x5], $0x80, s13, s19, $0xb8;
	[tilespmem:$0x1D000] =	vst v63  }
0x104: {  	_ =	swait.ge [sflag:s16], $0x4000  }
0x105: {  	[sflag:s16] =	ssyncset.done $0x0  }
0x106: {  	[sflag:s16] =	ssyncadd.s32 $0xFFFFC000  }
0x107: {  	_ =	swait.ge [sflag:s22], $0x4000  }
0x108: {  	[sflag:s22] =	ssyncset.done $0x0  }
0x109: {  	s11 =	rddreg [dreg:$0xa];
	[sflag:s22] =	ssyncadd.s32 $0xFFFFC000  }
0x10a: {  	[tilespmem:s15], [sflag:$0x3] =	stream.indirect.gather [hbm4b:s5+s19], $0x80, s11, s19, $0xb8;
	[tilespmem:$0x1D000] =	vst v63  }
0x10b: {  	s13 =	rddreg [dreg:$0xb]  }
0x10c: {  	[spmem:s3] =	stream.indirect.scatter.add.f32 [tilespmem:s21], [sflag:$0x5], $0x80, s13, s19, $0xb8;
	[tilespmem:$0x1D000] =	vst v63  }
0x10d: {  	_ =	swait.ge [sflag:s16], $0x4000  }
0x10e: {  	[sflag:s16] =	ssyncset.done $0x0  }
0x10f: {  	[sflag:s16] =	ssyncadd.s32 $0xFFFFC000  }
0x110: {  	_ =	swait.ge [sflag:s20], $0x4000  }
0x111: {  	[sflag:s20] =	ssyncset.done $0x0  }
0x112: {  	s11 =	rddreg [dreg:$0xc];
	[sflag:s20] =	ssyncadd.s32 $0xFFFFC000  }
0x113: {  	[tilespmem:s21], [sflag:$0x4] =	stream.indirect.gather [hbm4b:s5+s19], $0x80, s11, s19, $0xb8;
	[tilespmem:$0x1D000] =	vst v63  }
0x114: {  	s13 =	rddreg [dreg:$0xd]  }
0x115: {  	[spmem:s3] =	stream.indirect.scatter.add.f32 [tilespmem:s15], [sflag:$0x5], $0x80, s13, s19, $0xb8;
	[tilespmem:$0x1D000] =	vst v63  }
0x116: {  	_ =	swait.ge [sflag:s16], $0x4000  }
0x117: {  	[sflag:s16] =	ssyncset.done $0x0  }
0x118: {  	[sflag:s16] =	ssyncadd.s32 $0xFFFFC000  }
0x119: {  	_ =	swait.ge [sflag:s22], $0x4000  }
0x11a: {  	[sflag:s22] =	ssyncset.done $0x0  }
0x11b: {  	s11 =	rddreg [dreg:$0xe];
	[sflag:s22] =	ssyncadd.s32 $0xFFFFC000  }
0x11c: {  	[tilespmem:s15], [sflag:$0x3] =	stream.indirect.gather [hbm4b:s5+s19], $0x80, s11, s19, $0xb8;
	[tilespmem:$0x1D000] =	vst v63  }
0x11d: {  	s13 =	rddreg [dreg:$0xf]  }
0x11e: {  	[spmem:s3] =	stream.indirect.scatter.add.f32 [tilespmem:s21], [sflag:$0x5], $0x80, s13, s19, $0xb8;
	[tilespmem:$0x1D000] =	vst v63  }
0x11f: {  	_ =	swait.ge [sflag:s16], $0x4000  }
0x120: {  	[sflag:s16] =	ssyncset.done $0x0  }
0x121: {  	[sflag:s16] =	ssyncadd.s32 $0xFFFFC000  }
0x122: {  	_ =	swait.ge [sflag:s20], $0x4000  }
0x123: {  	[sflag:s20] =	ssyncset.done $0x0  }
0x124: {  	s11 =	rddreg [dreg:$0x10];
	[sflag:s20] =	ssyncadd.s32 $0xFFFFC000  }
0x125: {  	[tilespmem:s21], [sflag:$0x4] =	stream.indirect.gather [hbm4b:s5+s19], $0x80, s11, s19, $0xb8;
	[tilespmem:$0x1D000] =	vst v63  }
0x126: {  	s13 =	rddreg [dreg:$0x11]  }
0x127: {  	[spmem:s3] =	stream.indirect.scatter.add.f32 [tilespmem:s15], [sflag:$0x5], $0x80, s13, s19, $0xb8;
	[tilespmem:$0x1D000] =	vst v63  }
0x128: {  	_ =	swait.ge [sflag:s16], $0x4000  }
0x129: {  	[sflag:s16] =	ssyncset.done $0x0  }
0x12a: {  	[sflag:s16] =	ssyncadd.s32 $0xFFFFC000  }
0x12b: {  	_ =	swait.ge [sflag:s22], $0x4000  }
0x12c: {  	[sflag:s22] =	ssyncset.done $0x0  }
0x12d: {  	s13 =	rddreg [dreg:$0x12];
	[sflag:s22] =	ssyncadd.s32 $0xFFFFC000  }
0x12e: {  	[spmem:s3] =	stream.indirect.scatter.add.f32 [tilespmem:s21], [sflag:$0x5], $0x80, s13, s19, $0xb8;
	[tilespmem:$0x1D000] =	vst v63  }
0x12f: {  	_ =	swait.ge [sflag:s16], $0x4000  }
0x130: {  	[sflag:s16] =	ssyncset.done $0x0  }
0x131: {  	[sflag:s16] =	ssyncadd.s32 $0xFFFFC000  }
0x132: {  	s14 =	sadd.s32 $0x1000, s14;
	p1 =	seq.s32 s12, $0x800;
	_ =	swait.ge [sflag:s23], $0x800  }
0x133: {  	s11 =	sshrl.u32 @!p1 s14, $0x3;
	[sflag:s23] =	ssyncset.done $0x0  }
0x134: {  	s12 =	simm.s32 @!p1 $0x0;
	s11 =	sadd.s32 @!p1 s2, s11;
	[sflag:s23] =	ssyncadd.s32 $0xFFFFF800  }
0x135: {  	[tilespmem:s12], [sflag:$0x1] =	stream.linear.gather @!p1 [hbm4b:s11+s12], $0x800, $0x38;
	[tilespmem:$0x1D000] =	vst v63  }
0x136: {  	_ = 	snop  }
0x137: {  	[tilespmem:s15], [sflag:$0x3] =	stream.indirect.gather [hbm4b:s5+s19], $0x80, s18, s19, $0xb8;
	[tilespmem:$0x1D000] =	vst v63  }
0x138: {  	_ =	swait.ge [sflag:s20], $0x4000  }
0x139: {  	[sflag:s20] =	ssyncset.done $0x0  }
0x13a: {  	s12 =	rddreg [dreg:$0x13];
	[sflag:s20] =	ssyncadd.s32 $0xFFFFC000  }
0x13b: {  	[tilespmem:s21], [sflag:$0x4] =	stream.indirect.gather [hbm4b:s5+s19], $0x80, s12, s19, $0xb8;
	[tilespmem:$0x1D000] =	vst v63  }
0x13c: {  	s13 =	rddreg [dreg:$0x14]  }
0x13d: {  	[spmem:s3] =	stream.indirect.scatter.add.f32 [tilespmem:s15], [sflag:$0x5], $0x80, s13, s19, $0xb8;
	[tilespmem:$0x1D000] =	vst v63  }
0x13e: {  	_ =	swait.ge [sflag:s16], $0x4000  }
0x13f: {  	[sflag:s16] =	ssyncset.done $0x0  }
0x140: {  	[sflag:s16] =	ssyncadd.s32 $0xFFFFC000  }
0x141: {  	_ =	swait.ge [sflag:s22], $0x4000  }
0x142: {  	[sflag:s22] =	ssyncset.done $0x0  }
0x143: {  	s12 =	rddreg [dreg:$0x15];
	[sflag:s22] =	ssyncadd.s32 $0xFFFFC000  }
0x144: {  	[tilespmem:s15], [sflag:$0x3] =	stream.indirect.gather [hbm4b:s5+s19], $0x80, s12, s19, $0xb8;
	[tilespmem:$0x1D000] =	vst v63  }
0x145: {  	s13 =	rddreg [dreg:$0x16]  }
0x146: {  	[spmem:s3] =	stream.indirect.scatter.add.f32 [tilespmem:s21], [sflag:$0x5], $0x80, s13, s19, $0xb8;
	[tilespmem:$0x1D000] =	vst v63  }
0x147: {  	_ =	swait.ge [sflag:s16], $0x4000  }
0x148: {  	[sflag:s16] =	ssyncset.done $0x0  }
0x149: {  	[sflag:s16] =	ssyncadd.s32 $0xFFFFC000  }
0x14a: {  	_ =	swait.ge [sflag:s20], $0x4000  }
0x14b: {  	[sflag:s20] =	ssyncset.done $0x0  }
0x14c: {  	[sflag:s20] =	ssyncadd.s32 $0xFFFFC000  }
0x14d: {  	[tilespmem:s21], [sflag:$0x4] =	stream.indirect.gather [hbm4b:s5+s19], $0x80, s24, s19, $0xb8;
	[tilespmem:$0x1D000] =	vst v63  }
0x14e: {  	_ = 	snop  }
0x14f: {  	[spmem:s3] =	stream.indirect.scatter.add.f32 [tilespmem:s15], [sflag:$0x5], $0x80, s25, s19, $0xb8;
	[tilespmem:$0x1D000] =	vst v63  }
0x150: {  	_ =	swait.ge [sflag:s16], $0x4000  }
0x151: {  	[sflag:s16] =	ssyncset.done $0x0  }
0x152: {  	[sflag:s16] =	ssyncadd.s32 $0xFFFFC000  }
0x153: {  	_ =	swait.ge [sflag:s22], $0x4000  }
0x154: {  	[sflag:s22] =	ssyncset.done $0x0  }
0x155: {  	[sflag:s22] =	ssyncadd.s32 $0xFFFFC000  }
0x156: {  	[tilespmem:s15], [sflag:$0x3] =	stream.indirect.gather [hbm4b:s5+s19], $0x80, s26, s19, $0xb8;
	[tilespmem:$0x1D000] =	vst v63  }
0x157: {  	_ = 	snop  }
0x158: {  	[spmem:s3] =	stream.indirect.scatter.add.f32 [tilespmem:s21], [sflag:$0x5], $0x80, s28, s19, $0xb8;
	[tilespmem:$0x1D000] =	vst v63  }
0x159: {  	_ =	swait.ge [sflag:s16], $0x4000  }
0x15a: {  	[sflag:s16] =	ssyncset.done $0x0  }
0x15b: {  	[sflag:s16] =	ssyncadd.s32 $0xFFFFC000  }
0x15c: {  	_ =	swait.ge [sflag:s20], $0x4000  }
0x15d: {  	[sflag:s20] =	ssyncset.done $0x0  }
0x15e: {  	[sflag:s20] =	ssyncadd.s32 $0xFFFFC000  }
0x15f: {  	[tilespmem:s21], [sflag:$0x4] =	stream.indirect.gather [hbm4b:s5+s19], $0x80, s29, s19, $0xb8;
	[tilespmem:$0x1D000] =	vst v63  }
0x160: {  	_ = 	snop  }
0x161: {  	[spmem:s3] =	stream.indirect.scatter.add.f32 [tilespmem:s15], [sflag:$0x5], $0x80, s30, s19, $0xb8;
	[tilespmem:$0x1D000] =	vst v63  }
0x162: {  	_ =	swait.ge [sflag:s16], $0x4000  }
0x163: {  	[sflag:s16] =	ssyncset.done $0x0  }
0x164: {  	[sflag:s16] =	ssyncadd.s32 $0xFFFFC000  }
0x165: {  	_ =	swait.ge [sflag:s22], $0x4000  }
0x166: {  	[sflag:s22] =	ssyncset.done $0x0  }
0x167: {  	[sflag:s22] =	ssyncadd.s32 $0xFFFFC000  }
0x168: {  	[tilespmem:s15], [sflag:$0x3] =	stream.indirect.gather [hbm4b:s5+s19], $0x80, s31, s19, $0xb8;
	[tilespmem:$0x1D000] =	vst v63  }
0x169: {  	_ = 	snop  }
0x16a: {  	[spmem:s3] =	stream.indirect.scatter.add.f32 [tilespmem:s21], [sflag:$0x5], $0x80, s1, s19, $0xb8;
	[tilespmem:$0x1D000] =	vst v63  }
0x16b: {  	_ =	swait.ge [sflag:s16], $0x4000  }
0x16c: {  	[sflag:s16] =	ssyncset.done $0x0  }
0x16d: {  	[sflag:s16] =	ssyncadd.s32 $0xFFFFC000  }
0x16e: {  	_ =	swait.ge [sflag:s20], $0x4000  }
0x16f: {  	[sflag:s20] =	ssyncset.done $0x0  }
0x170: {  	[sflag:s20] =	ssyncadd.s32 $0xFFFFC000  }
0x171: {  	[tilespmem:s21], [sflag:$0x4] =	stream.indirect.gather [hbm4b:s5+s19], $0x80, s0, s19, $0xb8;
	[tilespmem:$0x1D000] =	vst v63  }
0x172: {  	_ = 	snop  }
0x173: {  	[spmem:s3] =	stream.indirect.scatter.add.f32 [tilespmem:s15], [sflag:$0x5], $0x80, s7, s19, $0xb8;
	[tilespmem:$0x1D000] =	vst v63  }
0x174: {  	_ =	swait.ge [sflag:s16], $0x4000  }
0x175: {  	[sflag:s16] =	ssyncset.done $0x0  }
0x176: {  	s10 =	sadd.s32 $0x200, s10;
	[sflag:s16] =	ssyncadd.s32 $0xFFFFC000  }
0x177: {  	p0 =	sne.s32 s10, $0xA00;
	_ =	swait.ge [sflag:s22], $0x4000  }
.Ltmp1:
0x178: {  	[sflag:s22] =	ssyncset.done $0x0;
	(pc) =	sbr.rel @p0 .LBB2_4-.Ltmp1, $4  }
0x179: {  	[sflag:s22] =	ssyncadd.s32 $0xFFFFC000  }
0x17a: {  	[spmem:s3] =	stream.indirect.scatter.add.f32 [tilespmem:s21], [sflag:$0x5], $0x80, s8, s19, $0xb8;
	[tilespmem:$0x1D000] =	vst v63  }
0x17b: {  	_ =	swait.ge [sflag:s16], $0x4000  }
0x17c: {  	[sflag:s16] =	ssyncset.done $0x0  }
0x17d: {  	[sflag:s16] =	ssyncadd.s32 $0xFFFFC000;
	s10 =	simm.s32 $0x0  }
0x17e: {  	s12 =	simm.s32 $0x80;
	[bflag:$0x0] =	sbarrier.arrive $0xFFFF;
	s10 =	sand.u32 $0x3F80, s10  }
.LBB2_6:
0x17f: {  	p0 =	sne.s32 s12, $0x1FF80;
	[tilespmem:s10+$0x1070] =	vst v0  }
0x180: {  	[tilespmem:s10+$0x1000] =	vst v0  }
0x181: {  	[tilespmem:s10+$0x1010] =	vst v0  }
.Ltmp2:
0x182: {  	[tilespmem:s10+$0x1020] =	vst v0;
	(pc) =	sbr.rel @p0 .LBB2_6-.Ltmp2, $4  }
0x183: {  	[tilespmem:s10+$0x1030] =	vst v0  }
0x184: {  	[tilespmem:s10+$0x1040] =	vst v0  }
0x185: {  	[tilespmem:s10+$0x1050] =	vst v0  }
0x186: {  	[tilespmem:s10+$0x1060] =	vst v0;
	s10 =	sand.u32 $0x3F80, s12;
	s12 =	sadd.s32 $0x80, s12  }
0x187: {  	[tilespmem:s10+$0x1070] =	vst v0  }
0x188: {  	[tilespmem:s10+$0x1000] =	vst v0  }
0x189: {  	[tilespmem:s10+$0x1010] =	vst v0  }
0x18a: {  	[tilespmem:s10+$0x1020] =	vst v0  }
0x18b: {  	[tilespmem:s10+$0x1030] =	vst v0  }
0x18c: {  	[tilespmem:s10+$0x1040] =	vst v0  }
0x18d: {  	[tilespmem:s10+$0x1050] =	vst v0  }
0x18e: {  	[tilespmem:s10+$0x1060] =	vst v0;
	s13 =	stileid.u32  }
0x18f: {  	s10 =	sshll.u32 s13, $0x6;
	[bflag:$0x0] =	sbarrier.arrive $0xFFFF  }
0x190: {  	s11 =	sshrl.u32 s6, $0x3;
	s10 =	sor.u32 $0x1C05, s10;
	s12 =	rddreg [dreg:$0x1c]  }
0x191: {  	[hbm:s12], [sflag:s10] =	dma.local [spmem:s11], $0x2800  }
0x192: {  	_ =	swait.ge [sflag:s16], $0x2800  }
0x193: {  	s9 =	sadd.s32 $0x1, s9;
	s14 =	rddreg [dreg:$0x1d]  }
0x194: {  	p0 =	sne.s32 s9, s14  }
.Ltmp3:
0x195: {  	_ = 	snop;
	(pc) =	sbr.rel @p0 .LBB2_1-.Ltmp3, $3  }
0x196: {  	_ =	sdelay $0x1  }
0x197: {  	[sflag:s16] =	ssyncset.done $0x0  }
0x198: {  	[sflag:s16] =	ssyncadd.s32 $0xFFFFD800  }
0x199: {  	_ =	sfence.sel $0x180000  }
0x19a: {  	[bflag:$0x0] =	sbarrier.arrive $0xFFFF  }
0x19b: {  	_ =	strace $0x90000050  }
0x19c: {  	s0 =	stileid.u32;
	[bflag:$0x2] =	sbarrier.arrive $0xFFFF  }
0x19d: {  	p0 =	sne.s32 s0, $0x0;
	s0 =	rddreg [dreg:$0x3]  }
0x19e: {  	s0 =	sadd.s32 @!p0 $0x100000, s0  }
0x19f: {  	[sflag:s0] =	ssyncadd.tile.s32 @!p0 $0x1;
	_ =	shalt  }
.Lfunc_end2:
_tile_overlayer_lowered:
.L_overlay_start_2:
0x1a0: {  	(tag) =	ssettag $0x2  }
0x1a1: {  	s0 =	rddreg [dreg:$0x0];
	s2 =	stileid.u32  }
0x1a2: {  	s1 =	rddreg [dreg:$0x1];
	p0 =	sne.s32 s2, $0x0  }
0x1a3: {  	s3 =	rddreg [dreg:$0x2];
	[bflag:$0x3] =	sbarrier.arrive $0xFFFF;
	s2 =	simm.s32 @!p0 $0x1C05  }
0x1a4: {  	[timem:s3], [sflag:s2] =	dma.local @!p0 [hbm:s0], s1  }
0x1a5: {  	s0 =	simm.s32 @!p0 $0x5  }
0x1a6: {  	_ =	swait.ge @!p0 [sflag:s0], s1  }
0x1a7: {  	s1 =	ssub.s32 @!p0 $0x0, s1;
	[sflag:s0] =	ssyncset.done @!p0 $0x0  }
0x1a8: {  	[sflag:s0] =	ssyncadd.s32 @!p0 s1  }
0x1a9: {  	[bflag:$0x3] =	sbarrier.arrive $0xFFFF  }
0x1aa: {  	_ =	shalt  }

</sc_bundles>
